<compile_context>
chip_gen: v7x
topology: tpu7x:2x2x1
jax: 0.10.2.dev20260603
libtpu: 0.0.44.dev20260713+nightly
codegen_flags: <defaults>
</compile_context>

<pallas_src>
import functools

import jax
import jax.numpy as jnp
from jax import lax
from jax.experimental import pallas as pl
from jax.experimental.pallas import tpu as pltpu
from jax.experimental.pallas import tpu_sc as plsc

N = 10000
E = 320000
D = 128
NC = 2
NS = 16
NW = NC * NS
EPW = E // NW
CHUNK = 80
NPH = 5
PSTEPS = EPW // (CHUNK * NPH)
RPS = 640
RPS_LAST = N - (NS - 1) * RPS


def _sc_body(y_hbm, srcr_hbm, dstr_hbm, part_hbm,
             ibufs, rbuf0, rbuf1, agg, isem0, isem1,
             gsem0, gsem1, ssem0, ssem1):
    cid = lax.axis_index("c")
    sid = lax.axis_index("s")
    wid = cid * NS + sid

    def i_start(ph, b, sem):
        pltpu.async_copy(srcr_hbm.at[wid, ph], ibufs.at[b, 0], sem)
        pltpu.async_copy(dstr_hbm.at[wid, ph], ibufs.at[b, 1], sem)

    def i_wait(b, sem):
        pltpu.make_async_copy(srcr_hbm.at[0, 0], ibufs.at[b, 0], sem).wait()
        pltpu.make_async_copy(dstr_hbm.at[0, 0], ibufs.at[b, 1], sem).wait()

    i_start(0, 0, isem0)

    @pl.loop(0, CHUNK)
    def _(r):
        @pl.loop(0, D, step=16)
        def _(c):
            rbuf0[r, pl.ds(c, 16)] = jnp.zeros((16,), jnp.float32)

    start = sid * RPS

    def fire_drain(src_of, dst_of, nrows, sem):
        @pl.loop(0, nrows, step=CHUNK)
        def _(j):
            pltpu.async_copy(src_of(j), dst_of(j), sem)

        @pl.loop(0, nrows, step=CHUNK)
        def _(j):
            pltpu.make_async_copy(src_of(j), dst_of(j), sem).wait()

    @pl.when(sid < NS - 1)
    def _():
        fire_drain(lambda j: rbuf0, lambda j: agg.at[pl.ds(start + j, CHUNK)],
                   RPS, ssem0)

    @pl.when(sid == NS - 1)
    def _():
        fire_drain(lambda j: rbuf0, lambda j: agg.at[pl.ds(start + j, CHUNK)],
                   RPS_LAST, ssem0)

    plsc.subcore_barrier()

    def g_start(b, step, rbuf, sem):
        pltpu.async_copy(y_hbm.at[ibufs.at[b, 0, step]], rbuf, sem)

    def g_wait(rbuf, sem):
        pltpu.make_async_copy(y_hbm.at[ibufs.at[0, 0, 0]], rbuf, sem).wait()

    def s_start(b, step, rbuf, sem):
        pltpu.async_copy(rbuf, agg.at[ibufs.at[b, 1, step]], sem, add=True)

    def s_wait(rbuf, sem):
        pltpu.make_async_copy(rbuf, agg.at[ibufs.at[0, 1, 0]], sem).wait()

    isems = (isem0, isem1)
    for ph in range(NPH):
        b = ph % 2
        if b == 0:
            A, B, gA, gB, sA, sB = rbuf0, rbuf1, gsem0, gsem1, ssem0, ssem1
        else:
            A, B, gA, gB, sA, sB = rbuf1, rbuf0, gsem1, gsem0, ssem1, ssem0

        if ph == 0:
            i_wait(0, isem0)
            g_start(0, 0, A, gA)

        g_wait(A, gA)
        s_start(b, 0, A, sA)
        if ph > 0:
            s_wait(B, sB)
        g_start(b, 1, B, gB)
        if ph + 1 < NPH:
            i_start(ph + 1, 1 - b, isems[1 - b])

        @pl.loop(1, PSTEPS - 1, step=2)
        def _(i):
            g_wait(B, gB)
            s_start(b, i, B, sB)
            s_wait(A, sA)
            g_start(b, i + 1, A, gA)
            g_wait(A, gA)
            s_start(b, i + 1, A, sA)
            s_wait(B, sB)

            @pl.when(i + 2 < PSTEPS)
            def _():
                g_start(b, i + 2, B, gB)

        if ph + 1 < NPH:
            i_wait(1 - b, isems[1 - b])
            g_start(1 - b, 0, B, gB)
        else:
            s_wait(A, sA)

    plsc.subcore_barrier()

    @pl.when(sid < NS - 1)
    def _():
        fire_drain(lambda j: agg.at[pl.ds(start + j, CHUNK)],
                   lambda j: part_hbm.at[cid, pl.ds(start + j, CHUNK)],
                   RPS, ssem0)

    @pl.when(sid == NS - 1)
    def _():
        fire_drain(lambda j: agg.at[pl.ds(start + j, CHUNK)],
                   lambda j: part_hbm.at[cid, pl.ds(start + j, CHUNK)],
                   RPS_LAST, ssem0)


def _sc_aggregate(y, src_r, dst_r):
    mesh = plsc.VectorSubcoreMesh(core_axis_name="c", subcore_axis_name="s")
    kfn = pl.kernel(
        _sc_body,
        out_type=jax.ShapeDtypeStruct((NC, N, D), jnp.float32),
        mesh=mesh,
        scratch_types=[
            pltpu.VMEM((2, 2, PSTEPS, CHUNK), jnp.int32),
            pltpu.VMEM((CHUNK, D), jnp.float32),
            pltpu.VMEM((CHUNK, D), jnp.float32),
            pltpu.VMEM_SHARED((N, D), jnp.float32),
            pltpu.SemaphoreType.DMA,
            pltpu.SemaphoreType.DMA,
            pltpu.SemaphoreType.DMA,
            pltpu.SemaphoreType.DMA,
            pltpu.SemaphoreType.DMA,
            pltpu.SemaphoreType.DMA,
        ],
    )
    return kfn(y, src_r, dst_r)


def _relu_body(x_ref, o_ref):
    o_ref[...] = jnp.maximum(x_ref[...], 0.0)


def _relu(x):
    return pl.pallas_call(
        _relu_body,
        out_shape=jax.ShapeDtypeStruct(x.shape, x.dtype),
    )(x)


def _dense_body(eps_ref, x_ref, p_ref, W1_ref, b1_ref, g1_ref, be1_ref,
                W2_ref, b2_ref, go_ref, bo_ref, o_ref, *, final):
    scale = 1.0 + eps_ref[0]
    h = x_ref[...] * scale + p_ref[0] + p_ref[1]
    h = jnp.dot(h, W1_ref[...], preferred_element_type=jnp.float32)
    h = h + b1_ref[...]
    m = jnp.mean(h, axis=0, keepdims=True)
    v = jnp.mean(h * h, axis=0, keepdims=True) - m * m
    h = (h - m) * lax.rsqrt(v + 1e-5) * g1_ref[...] + be1_ref[...]
    h = jnp.maximum(h, 0.0)
    h = jnp.dot(h, W2_ref[...], preferred_element_type=jnp.float32)
    h = h + b2_ref[...]
    m = jnp.mean(h, axis=0, keepdims=True)
    v = jnp.mean(h * h, axis=0, keepdims=True) - m * m
    h = (h - m) * lax.rsqrt(v + 1e-5) * go_ref[...] + bo_ref[...]
    if not final:
        h = jnp.maximum(h, 0.0)
    o_ref[...] = h


def _dense(x, parts, eps, W1, b1, g1, be1, W2, b2, go, bo, final):
    vecs = [v.reshape(1, D) for v in (b1, g1, be1, b2, go, bo)]
    return pl.pallas_call(
        functools.partial(_dense_body, final=final),
        out_shape=jax.ShapeDtypeStruct((N, D), jnp.float32),
        in_specs=[pl.BlockSpec(memory_space=pltpu.SMEM)] +
                 [pl.BlockSpec()] * 10,
    )(eps, x, parts, W1, vecs[0], vecs[1], vecs[2], W2, vecs[3],
      vecs[4], vecs[5])


def kernel(x, edge_index, eps0, W1_0, b1_0, g1_0, be1_0, W2_0, b2_0, go_0,
           bo_0, eps1, W1_1, b1_1, g1_1, be1_1, W2_1, b2_1, go_1, bo_1):
    src_r = edge_index[0].reshape(NW, NPH, PSTEPS, CHUNK)
    dst_r = edge_index[1].reshape(NW, NPH, PSTEPS, CHUNK)

    y0 = _relu(x)
    parts0 = _sc_aggregate(y0, src_r, dst_r)
    h1 = _dense(x, parts0, eps0, W1_0, b1_0, g1_0, be1_0, W2_0, b2_0,
                go_0, bo_0, final=False)
    parts1 = _sc_aggregate(h1, src_r, dst_r)
    out = _dense(h1, parts1, eps1, W1_1, b1_1, g1_1, be1_1, W2_1, b2_1,
                 go_1, bo_1, final=True)
    return out

# --- scband reference (transcript-rebuilt; emitter-appended) ---
"""Pipeline reference for scband-gin-20950850470283 (READ-ONLY COPY).

The authoritative reference and input builder live on the scoring server;
editing this copy changes nothing except your own understanding.
"""

import jax, jax.numpy as jnp
import numpy as np

N = 10000
E = 320000
D = 128
H = 128
NUM_LAYER = 2


def setup_inputs(seed: int = 0) -> dict:
    key = jax.random.key(seed)
    ks = jax.random.split(key, 2 + 8 * NUM_LAYER)
    inp = {}
    inp['x'] = jax.random.normal(ks[0], (N, D), dtype=jnp.float32)
    inp['edge_index'] = jax.random.randint(ks[1], (2, E), 0, N, dtype=jnp.int32)
    ki = 2
    for l in range(NUM_LAYER):
        d_in = D if l == 0 else H
        inp[f'eps{l}'] = jnp.zeros((1,), dtype=jnp.float32)
        inp[f'W1_{l}'] = jax.random.normal(ks[ki], (d_in, H), dtype=jnp.float32) * 0.05; ki += 1
        inp[f'b1_{l}'] = jnp.zeros((H,), dtype=jnp.float32)
        inp[f'g1_{l}'] = jnp.ones((H,), dtype=jnp.float32)
        inp[f'be1_{l}'] = jnp.zeros((H,), dtype=jnp.float32)
        inp[f'W2_{l}'] = jax.random.normal(ks[ki], (H, H), dtype=jnp.float32) * 0.05; ki += 1
        inp[f'b2_{l}'] = jnp.zeros((H,), dtype=jnp.float32)
        inp[f'go_{l}'] = jnp.ones((H,), dtype=jnp.float32)
        inp[f'bo_{l}'] = jnp.zeros((H,), dtype=jnp.float32)
    return inp


def _batchnorm(h, gamma, beta):
    mean = jnp.mean(h, axis=0, keepdims=True)
    var = jnp.var(h, axis=0, keepdims=True)
    return gamma * (h - mean) / jnp.sqrt(var + 1e-5) + beta


def _gin_conv(x, edge_index, eps, W1, b1, g1, be1, W2, b2):
    src = edge_index[0]
    dst = edge_index[1]
    msg = jax.nn.relu(x[src])  # gather + relu (message)
    agg = jnp.zeros_like(x).at[dst].add(msg)  # scatter-add aggregation
    h = (1.0 + eps[0]) * x + agg
    h = h @ W1 + b1
    h = _batchnorm(h, g1, be1)
    h = jax.nn.relu(h)
    h = h @ W2 + b2
    return h


def reference(x, edge_index,
              eps0, W1_0, b1_0, g1_0, be1_0, W2_0, b2_0, go_0, bo_0,
              eps1, W1_1, b1_1, g1_1, be1_1, W2_1, b2_1, go_1, bo_1):
    params = [
        (eps0, W1_0, b1_0, g1_0, be1_0, W2_0, b2_0, go_0, bo_0),
        (eps1, W1_1, b1_1, g1_1, be1_1, W2_1, b2_1, go_1, bo_1),
    ]
    h = x
    for l in range(NUM_LAYER):
        eps, W1, b1, g1, be1, W2, b2, go, bo = params[l]
        h = _gin_conv(h, edge_index, eps, W1, b1, g1, be1, W2, b2)
        h = _batchnorm(h, go, bo)
        if l != NUM_LAYER - 1:
            h = jax.nn.relu(h)
        # dropout is identity in eval mode
    return h

if __name__ == "__main__":
    import jax
    _d = setup_inputs()
    print(jax.jit(kernel)(*tuple(_d.values())))

</pallas_src>

<mosaic_0001>
#map = affine_map<(d0, d1) -> (0, 0)>
#map1 = affine_map<(d0, d1) -> (0, 0, 0, 0)>
#map2 = affine_map<(d0, d1) -> (0, 0, 0)>
module attributes {stable_mosaic.version = 14 : i64} {
  func.func @_sc_body(%arg0: i32, %arg1: i32, %arg2: memref<10000x128xf32, #tpu.memory_space<hbm>>, %arg3: memref<32x5x25x80xi32, #tpu.memory_space<hbm>>, %arg4: memref<32x5x25x80xi32, #tpu.memory_space<hbm>>, %arg5: memref<2x10000x128xf32, #tpu.memory_space<hbm>>, %arg6: memref<2x2x25x80xi32, #tpu.memory_space<vmem>>, %arg7: memref<80x128xf32, #tpu.memory_space<vmem>>, %arg8: memref<80x128xf32, #tpu.memory_space<vmem>>, %arg9: memref<10000x128xf32, #tpu.memory_space<vmem_shared>>, %arg10: memref<!tpu.dma_semaphore, #tpu.memory_space<semaphore_mem>>, %arg11: memref<!tpu.dma_semaphore, #tpu.memory_space<semaphore_mem>>, %arg12: memref<!tpu.dma_semaphore, #tpu.memory_space<semaphore_mem>>, %arg13: memref<!tpu.dma_semaphore, #tpu.memory_space<semaphore_mem>>, %arg14: memref<!tpu.dma_semaphore, #tpu.memory_space<semaphore_mem>>, %arg15: memref<!tpu.dma_semaphore, #tpu.memory_space<semaphore_mem>>) attributes {dimension_semantics = [#tpu.dimension_semantics<core_parallel>, #tpu.dimension_semantics<subcore_parallel>], iteration_bounds = array<i64: 2, 16>, scalar_prefetch = 0 : i64, scratch_operands = 10 : i64, tpu.core_type = #tpu.core_type<sc_vector_subcore>, window_params = [{transform_indices = #map}, {transform_indices = #map1}, {transform_indices = #map1}, {transform_indices = #map2}]} {
    %mul3A = arith.constant 16 : i32
    %mul3A_0 = arith.muli %arg0, %mul3A : i32
    %add3A = arith.addi %mul3A_0, %arg1 : i32
    %dma_start3A = arith.constant 0 : i32
    %dma_start3A_1 = arith.constant 0 : i32
    %dma_start3A_2 = arith.constant 0 : i32
    %dma_start3A_3 = arith.constant 0 : i32
    %dma_start3A_4 = arith.constant 0 : i32
    %dma_start3A_5 = tpu.memref_slice %arg6[%dma_start3A_1, %dma_start3A_2, %dma_start3A_3, %dma_start3A_4] : memref<2x2x25x80xi32, #tpu.memory_space<vmem>> -> memref<1x1x25x80xi32, #tpu.memory_space<vmem>>
    %dma_start3A_6 = tpu.memref_squeeze %dma_start3A_5 : memref<1x1x25x80xi32, #tpu.memory_space<vmem>> -> memref<25x80xi32, #tpu.memory_space<vmem>>
    %dma_start3A_7 = arith.constant 0 : i32
    %dma_start3A_8 = arith.constant 0 : i32
    %dma_start3A_9 = tpu.memref_slice %arg3[%add3A, %dma_start3A, %dma_start3A_7, %dma_start3A_8] : memref<32x5x25x80xi32, #tpu.memory_space<hbm>> -> memref<1x1x25x80xi32, #tpu.memory_space<hbm>>
    %dma_start3A_10 = tpu.memref_squeeze %dma_start3A_9 : memref<1x1x25x80xi32, #tpu.memory_space<hbm>> -> memref<25x80xi32, #tpu.memory_space<hbm>>
    %dma_start3A_11 = arith.constant 0 : i32
    %dma_start3A_12 = arith.constant 0 : i32
    %dma_start3A_13 = tpu.memref_slice %arg6[%dma_start3A_1, %dma_start3A_2, %dma_start3A_11, %dma_start3A_12] : memref<2x2x25x80xi32, #tpu.memory_space<vmem>> -> memref<1x1x25x80xi32, #tpu.memory_space<vmem>>
    %dma_start3A_14 = tpu.memref_squeeze %dma_start3A_13 : memref<1x1x25x80xi32, #tpu.memory_space<vmem>> -> memref<25x80xi32, #tpu.memory_space<vmem>>
    %dma_start3A_15 = arith.constant 0 : i32
    %dma_start3A_16 = arith.constant 0 : i32
    %dma_start3A_17 = tpu.memref_slice %arg3[%add3A, %dma_start3A, %dma_start3A_15, %dma_start3A_16] : memref<32x5x25x80xi32, #tpu.memory_space<hbm>> -> memref<1x1x25x80xi32, #tpu.memory_space<hbm>>
    %dma_start3A_18 = tpu.memref_squeeze %dma_start3A_17 : memref<1x1x25x80xi32, #tpu.memory_space<hbm>> -> memref<25x80xi32, #tpu.memory_space<hbm>>
    tpu.enqueue_dma source(%dma_start3A_18 : memref<25x80xi32, #tpu.memory_space<hbm>>) target(%dma_start3A_14 : memref<25x80xi32, #tpu.memory_space<vmem>>) target_semaphore(%arg10 : memref<!tpu.dma_semaphore, #tpu.memory_space<semaphore_mem>>)
    %dma_start3A_19 = arith.constant 0 : i32
    %dma_start3A_20 = arith.constant 0 : i32
    %dma_start3A_21 = arith.constant 1 : i32
    %dma_start3A_22 = arith.constant 0 : i32
    %dma_start3A_23 = arith.constant 0 : i32
    %dma_start3A_24 = tpu.memref_slice %arg6[%dma_start3A_20, %dma_start3A_21, %dma_start3A_22, %dma_start3A_23] : memref<2x2x25x80xi32, #tpu.memory_space<vmem>> -> memref<1x1x25x80xi32, #tpu.memory_space<vmem>>
    %dma_start3A_25 = tpu.memref_squeeze %dma_start3A_24 : memref<1x1x25x80xi32, #tpu.memory_space<vmem>> -> memref<25x80xi32, #tpu.memory_space<vmem>>
    %dma_start3A_26 = arith.constant 0 : i32
    %dma_start3A_27 = arith.constant 0 : i32
    %dma_start3A_28 = tpu.memref_slice %arg4[%add3A, %dma_start3A_19, %dma_start3A_26, %dma_start3A_27] : memref<32x5x25x80xi32, #tpu.memory_space<hbm>> -> memref<1x1x25x80xi32, #tpu.memory_space<hbm>>
    %dma_start3A_29 = tpu.memref_squeeze %dma_start3A_28 : memref<1x1x25x80xi32, #tpu.memory_space<hbm>> -> memref<25x80xi32, #tpu.memory_space<hbm>>
    %dma_start3A_30 = arith.constant 0 : i32
    %dma_start3A_31 = arith.constant 0 : i32
    %dma_start3A_32 = tpu.memref_slice %arg6[%dma_start3A_20, %dma_start3A_21, %dma_start3A_30, %dma_start3A_31] : memref<2x2x25x80xi32, #tpu.memory_space<vmem>> -> memref<1x1x25x80xi32, #tpu.memory_space<vmem>>
    %dma_start3A_33 = tpu.memref_squeeze %dma_start3A_32 : memref<1x1x25x80xi32, #tpu.memory_space<vmem>> -> memref<25x80xi32, #tpu.memory_space<vmem>>
    %dma_start3A_34 = arith.constant 0 : i32
    %dma_start3A_35 = arith.constant 0 : i32
    %dma_start3A_36 = tpu.memref_slice %arg4[%add3A, %dma_start3A_19, %dma_start3A_34, %dma_start3A_35] : memref<32x5x25x80xi32, #tpu.memory_space<hbm>> -> memref<1x1x25x80xi32, #tpu.memory_space<hbm>>
    %dma_start3A_37 = tpu.memref_squeeze %dma_start3A_36 : memref<1x1x25x80xi32, #tpu.memory_space<hbm>> -> memref<25x80xi32, #tpu.memory_space<hbm>>
    tpu.enqueue_dma source(%dma_start3A_37 : memref<25x80xi32, #tpu.memory_space<hbm>>) target(%dma_start3A_33 : memref<25x80xi32, #tpu.memory_space<vmem>>) target_semaphore(%arg10 : memref<!tpu.dma_semaphore, #tpu.memory_space<semaphore_mem>>)
    %scan3A = arith.constant 0 : i32
    %scan3A_38 = arith.constant 80 : i32
    %scan3A_39 = arith.addi %scan3A, %scan3A_38 : i32
    %scan3A_40 = arith.constant 1 : i32
    scf.for %scan3A_662 = %scan3A to %scan3A_39 step %scan3A_40  : i32 {
      %mul3A_663 = arith.constant 1 : i32
      %mul3A_664 = arith.muli %scan3A_662, %mul3A_663 : i32
      %add3A_665 = arith.constant 0 : i32
      %add3A_666 = arith.addi %add3A_665, %mul3A_664 : i32
      %scan3A_667 = arith.constant 0 : i32
      %scan3A_668 = arith.constant 8 : i32
      %scan3A_669 = arith.addi %scan3A_667, %scan3A_668 : i32
      %scan3A_670 = arith.constant 1 : i32
      scf.for %scan3A_672 = %scan3A_667 to %scan3A_669 step %scan3A_670  : i32 {
        %mul3A_673 = arith.constant 16 : i32
        %mul3A_674 = arith.muli %scan3A_672, %mul3A_673 : i32
        %add3A_675 = arith.constant 0 : i32
        %add3A_676 = arith.addi %add3A_675, %mul3A_674 : i32
        %broadcast_in_dim3A = arith.constant 0.000000e+00 : f32
        %broadcast_in_dim3A_677 = vector.broadcast %broadcast_in_dim3A : f32 to vector<16xf32>
        %swap3A = arith.index_cast %add3A_666 : i32 to index
        %swap3A_678 = arith.index_cast %add3A_676 : i32 to index
        %swap3A_679 = tpu.vector_load %arg7[%swap3A, %swap3A_678] {strides = array<i32>} : memref<80x128xf32, #tpu.memory_space<vmem>>, vector<1x16xf32>,
        %swap3A_680 = vector.shape_cast %swap3A_679 : vector<1x16xf32> to vector<16xf32>
        %swap3A_681 = vector.shape_cast %broadcast_in_dim3A_677 : vector<16xf32> to vector<1x16xf32>
        tpu.vector_store %arg7[%swap3A, %swap3A_678], %swap3A_681 {strides = array<i32>} : memref<80x128xf32, #tpu.memory_space<vmem>>, vector<1x16xf32>,
      }
      %scan3A_671 = arith.constant 8 : i32
    }
    %scan3A_41 = arith.constant 80 : i32
    %mul3A_42 = arith.constant 640 : i32
    %mul3A_43 = arith.muli %arg1, %mul3A_42 : i32
    %lt3A = arith.constant 15 : i32
    %lt3A_44 = arith.cmpi slt, %arg1, %lt3A : i32
    %convert_element_type3A = arith.extui %lt3A_44 : i1 to i32
    %cond3A = arith.constant 0 : i32
    %cond3A_45 = arith.cmpi ne, %convert_element_type3A, %cond3A : i32
    scf.if %cond3A_45 {
      %scan3A_662 = arith.constant 0 : i32
      %scan3A_663 = arith.constant 8 : i32
      %scan3A_664 = arith.addi %scan3A_662, %scan3A_663 : i32
      %scan3A_665 = arith.constant 1 : i32
      scf.for %scan3A_672 = %scan3A_662 to %scan3A_664 step %scan3A_665  : i32 {
        %mul3A_673 = arith.constant 80 : i32
        %mul3A_674 = arith.muli %scan3A_672, %mul3A_673 : i32
        %add3A_675 = arith.constant 0 : i32
        %add3A_676 = arith.addi %add3A_675, %mul3A_674 : i32
        %add3A_677 = arith.addi %mul3A_43, %add3A_676 : i32
        %dma_start3A_678 = arith.constant 0 : i32
        %dma_start3A_679 = tpu.memref_slice %arg9[%add3A_677, %dma_start3A_678] : memref<10000x128xf32, #tpu.memory_space<vmem_shared>> -> memref<80x128xf32, #tpu.memory_space<vmem_shared>>
        %dma_start3A_680 = arith.constant 0 : i32
        %dma_start3A_681 = tpu.memref_slice %arg9[%add3A_677, %dma_start3A_680] : memref<10000x128xf32, #tpu.memory_space<vmem_shared>> -> memref<80x128xf32, #tpu.memory_space<vmem_shared>>
        tpu.enqueue_dma source(%arg7 : memref<80x128xf32, #tpu.memory_space<vmem>>) target(%dma_start3A_681 : memref<80x128xf32, #tpu.memory_space<vmem_shared>>) target_semaphore(%arg14 : memref<!tpu.dma_semaphore, #tpu.memory_space<semaphore_mem>>)
      }
      %scan3A_666 = arith.constant 8 : i32
      %scan3A_667 = arith.constant 0 : i32
      %scan3A_668 = arith.constant 8 : i32
      %scan3A_669 = arith.addi %scan3A_667, %scan3A_668 : i32
      %scan3A_670 = arith.constant 1 : i32
      scf.for %scan3A_672 = %scan3A_667 to %scan3A_669 step %scan3A_670  : i32 {
        %mul3A_673 = arith.constant 80 : i32
        %mul3A_674 = arith.muli %scan3A_672, %mul3A_673 : i32
        %add3A_675 = arith.constant 0 : i32
        %add3A_676 = arith.addi %add3A_675, %mul3A_674 : i32
        %add3A_677 = arith.addi %mul3A_43, %add3A_676 : i32
        %dma_wait3A_678 = arith.constant 0 : i32
        %dma_wait3A_679 = tpu.memref_slice %arg9[%add3A_677, %dma_wait3A_678] : memref<10000x128xf32, #tpu.memory_space<vmem_shared>> -> memref<80x128xf32, #tpu.memory_space<vmem_shared>>
        %dma_wait3A_680 = arith.constant 0 : i32
        %dma_wait3A_681 = tpu.memref_slice %arg9[%add3A_677, %dma_wait3A_680] : memref<10000x128xf32, #tpu.memory_space<vmem_shared>> -> memref<80x128xf32, #tpu.memory_space<vmem_shared>>
        tpu.wait_dma2 semaphore(%arg14 : memref<!tpu.dma_semaphore, #tpu.memory_space<semaphore_mem>>) src(%arg7 : memref<80x128xf32, #tpu.memory_space<vmem>>) dst(%dma_wait3A_681 : memref<80x128xf32, #tpu.memory_space<vmem_shared>>)
      }
      %scan3A_671 = arith.constant 8 : i32
    } else {
    }
    %eq3A = arith.constant 15 : i32
    %eq3A_46 = arith.cmpi eq, %arg1, %eq3A : i32
    %convert_element_type3A_47 = arith.extui %eq3A_46 : i1 to i32
    %cond3A_48 = arith.constant 0 : i32
    %cond3A_49 = arith.cmpi ne, %convert_element_type3A_47, %cond3A_48 : i32
    scf.if %cond3A_49 {
      %scan3A_662 = arith.constant 0 : i32
      %scan3A_663 = arith.constant 5 : i32
      %scan3A_664 = arith.addi %scan3A_662, %scan3A_663 : i32
      %scan3A_665 = arith.constant 1 : i32
      scf.for %scan3A_672 = %scan3A_662 to %scan3A_664 step %scan3A_665  : i32 {
        %mul3A_673 = arith.constant 80 : i32
        %mul3A_674 = arith.muli %scan3A_672, %mul3A_673 : i32
        %add3A_675 = arith.constant 0 : i32
        %add3A_676 = arith.addi %add3A_675, %mul3A_674 : i32
        %add3A_677 = arith.addi %mul3A_43, %add3A_676 : i32
        %dma_start3A_678 = arith.constant 0 : i32
        %dma_start3A_679 = tpu.memref_slice %arg9[%add3A_677, %dma_start3A_678] : memref<10000x128xf32, #tpu.memory_space<vmem_shared>> -> memref<80x128xf32, #tpu.memory_space<vmem_shared>>
        %dma_start3A_680 = arith.constant 0 : i32
        %dma_start3A_681 = tpu.memref_slice %arg9[%add3A_677, %dma_start3A_680] : memref<10000x128xf32, #tpu.memory_space<vmem_shared>> -> memref<80x128xf32, #tpu.memory_space<vmem_shared>>
        tpu.enqueue_dma source(%arg7 : memref<80x128xf32, #tpu.memory_space<vmem>>) target(%dma_start3A_681 : memref<80x128xf32, #tpu.memory_space<vmem_shared>>) target_semaphore(%arg14 : memref<!tpu.dma_semaphore, #tpu.memory_space<semaphore_mem>>)
      }
      %scan3A_666 = arith.constant 5 : i32
      %scan3A_667 = arith.constant 0 : i32
      %scan3A_668 = arith.constant 5 : i32
      %scan3A_669 = arith.addi %scan3A_667, %scan3A_668 : i32
      %scan3A_670 = arith.constant 1 : i32
      scf.for %scan3A_672 = %scan3A_667 to %scan3A_669 step %scan3A_670  : i32 {
        %mul3A_673 = arith.constant 80 : i32
        %mul3A_674 = arith.muli %scan3A_672, %mul3A_673 : i32
        %add3A_675 = arith.constant 0 : i32
        %add3A_676 = arith.addi %add3A_675, %mul3A_674 : i32
        %add3A_677 = arith.addi %mul3A_43, %add3A_676 : i32
        %dma_wait3A_678 = arith.constant 0 : i32
        %dma_wait3A_679 = tpu.memref_slice %arg9[%add3A_677, %dma_wait3A_678] : memref<10000x128xf32, #tpu.memory_space<vmem_shared>> -> memref<80x128xf32, #tpu.memory_space<vmem_shared>>
        %dma_wait3A_680 = arith.constant 0 : i32
        %dma_wait3A_681 = tpu.memref_slice %arg9[%add3A_677, %dma_wait3A_680] : memref<10000x128xf32, #tpu.memory_space<vmem_shared>> -> memref<80x128xf32, #tpu.memory_space<vmem_shared>>
        tpu.wait_dma2 semaphore(%arg14 : memref<!tpu.dma_semaphore, #tpu.memory_space<semaphore_mem>>) src(%arg7 : memref<80x128xf32, #tpu.memory_space<vmem>>) dst(%dma_wait3A_681 : memref<80x128xf32, #tpu.memory_space<vmem_shared>>)
      }
      %scan3A_671 = arith.constant 5 : i32
    } else {
    }
    %barrier3A = arith.constant 0 : index
    tpu.barrier barrier_id(%barrier3A)
    %dma_wait3A = arith.constant 0 : i32
    %dma_wait3A_50 = arith.constant 0 : i32
    %dma_wait3A_51 = arith.constant 0 : i32
    %dma_wait3A_52 = arith.constant 0 : i32
    %dma_wait3A_53 = arith.constant 0 : i32
    %dma_wait3A_54 = arith.constant 0 : i32
    %dma_wait3A_55 = tpu.memref_slice %arg6[%dma_wait3A_51, %dma_wait3A_52, %dma_wait3A_53, %dma_wait3A_54] : memref<2x2x25x80xi32, #tpu.memory_space<vmem>> -> memref<1x1x25x80xi32, #tpu.memory_space<vmem>>
    %dma_wait3A_56 = tpu.memref_squeeze %dma_wait3A_55 : memref<1x1x25x80xi32, #tpu.memory_space<vmem>> -> memref<25x80xi32, #tpu.memory_space<vmem>>
    %dma_wait3A_57 = arith.constant 0 : i32
    %dma_wait3A_58 = arith.constant 0 : i32
    %dma_wait3A_59 = tpu.memref_slice %arg3[%dma_wait3A, %dma_wait3A_50, %dma_wait3A_57, %dma_wait3A_58] : memref<32x5x25x80xi32, #tpu.memory_space<hbm>> -> memref<1x1x25x80xi32, #tpu.memory_space<hbm>>
    %dma_wait3A_60 = tpu.memref_squeeze %dma_wait3A_59 : memref<1x1x25x80xi32, #tpu.memory_space<hbm>> -> memref<25x80xi32, #tpu.memory_space<hbm>>
    %dma_wait3A_61 = arith.constant 0 : i32
    %dma_wait3A_62 = arith.constant 0 : i32
    %dma_wait3A_63 = tpu.memref_slice %arg6[%dma_wait3A_51, %dma_wait3A_52, %dma_wait3A_61, %dma_wait3A_62] : memref<2x2x25x80xi32, #tpu.memory_space<vmem>> -> memref<1x1x25x80xi32, #tpu.memory_space<vmem>>
    %dma_wait3A_64 = tpu.memref_squeeze %dma_wait3A_63 : memref<1x1x25x80xi32, #tpu.memory_space<vmem>> -> memref<25x80xi32, #tpu.memory_space<vmem>>
    %dma_wait3A_65 = arith.constant 0 : i32
    %dma_wait3A_66 = arith.constant 0 : i32
    %dma_wait3A_67 = tpu.memref_slice %arg3[%dma_wait3A, %dma_wait3A_50, %dma_wait3A_65, %dma_wait3A_66] : memref<32x5x25x80xi32, #tpu.memory_space<hbm>> -> memref<1x1x25x80xi32, #tpu.memory_space<hbm>>
    %dma_wait3A_68 = tpu.memref_squeeze %dma_wait3A_67 : memref<1x1x25x80xi32, #tpu.memory_space<hbm>> -> memref<25x80xi32, #tpu.memory_space<hbm>>
    tpu.wait_dma2 semaphore(%arg10 : memref<!tpu.dma_semaphore, #tpu.memory_space<semaphore_mem>>) src(%dma_wait3A_68 : memref<25x80xi32, #tpu.memory_space<hbm>>) dst(%dma_wait3A_64 : memref<25x80xi32, #tpu.memory_space<vmem>>)
    %dma_wait3A_69 = arith.constant 0 : i32
    %dma_wait3A_70 = arith.constant 0 : i32
    %dma_wait3A_71 = arith.constant 0 : i32
    %dma_wait3A_72 = arith.constant 1 : i32
    %dma_wait3A_73 = arith.constant 0 : i32
    %dma_wait3A_74 = arith.constant 0 : i32
    %dma_wait3A_75 = tpu.memref_slice %arg6[%dma_wait3A_71, %dma_wait3A_72, %dma_wait3A_73, %dma_wait3A_74] : memref<2x2x25x80xi32, #tpu.memory_space<vmem>> -> memref<1x1x25x80xi32, #tpu.memory_space<vmem>>
    %dma_wait3A_76 = tpu.memref_squeeze %dma_wait3A_75 : memref<1x1x25x80xi32, #tpu.memory_space<vmem>> -> memref<25x80xi32, #tpu.memory_space<vmem>>
    %dma_wait3A_77 = arith.constant 0 : i32
    %dma_wait3A_78 = arith.constant 0 : i32
    %dma_wait3A_79 = tpu.memref_slice %arg4[%dma_wait3A_69, %dma_wait3A_70, %dma_wait3A_77, %dma_wait3A_78] : memref<32x5x25x80xi32, #tpu.memory_space<hbm>> -> memref<1x1x25x80xi32, #tpu.memory_space<hbm>>
    %dma_wait3A_80 = tpu.memref_squeeze %dma_wait3A_79 : memref<1x1x25x80xi32, #tpu.memory_space<hbm>> -> memref<25x80xi32, #tpu.memory_space<hbm>>
    %dma_wait3A_81 = arith.constant 0 : i32
    %dma_wait3A_82 = arith.constant 0 : i32
    %dma_wait3A_83 = tpu.memref_slice %arg6[%dma_wait3A_71, %dma_wait3A_72, %dma_wait3A_81, %dma_wait3A_82] : memref<2x2x25x80xi32, #tpu.memory_space<vmem>> -> memref<1x1x25x80xi32, #tpu.memory_space<vmem>>
    %dma_wait3A_84 = tpu.memref_squeeze %dma_wait3A_83 : memref<1x1x25x80xi32, #tpu.memory_space<vmem>> -> memref<25x80xi32, #tpu.memory_space<vmem>>
    %dma_wait3A_85 = arith.constant 0 : i32
    %dma_wait3A_86 = arith.constant 0 : i32
    %dma_wait3A_87 = tpu.memref_slice %arg4[%dma_wait3A_69, %dma_wait3A_70, %dma_wait3A_85, %dma_wait3A_86] : memref<32x5x25x80xi32, #tpu.memory_space<hbm>> -> memref<1x1x25x80xi32, #tpu.memory_space<hbm>>
    %dma_wait3A_88 = tpu.memref_squeeze %dma_wait3A_87 : memref<1x1x25x80xi32, #tpu.memory_space<hbm>> -> memref<25x80xi32, #tpu.memory_space<hbm>>
    tpu.wait_dma2 semaphore(%arg10 : memref<!tpu.dma_semaphore, #tpu.memory_space<semaphore_mem>>) src(%dma_wait3A_88 : memref<25x80xi32, #tpu.memory_space<hbm>>) dst(%dma_wait3A_84 : memref<25x80xi32, #tpu.memory_space<vmem>>)
    %dma_start3A_89 = arith.constant 0 : i32
    %dma_start3A_90 = arith.constant 0 : i32
    %dma_start3A_91 = arith.constant 0 : i32
    %dma_start3A_92 = arith.constant 0 : i32
    %dma_start3A_93 = tpu.memref_slice %arg6[%dma_start3A_89, %dma_start3A_90, %dma_start3A_91, %dma_start3A_92] : memref<2x2x25x80xi32, #tpu.memory_space<vmem>> -> memref<1x1x1x80xi32, #tpu.memory_space<vmem>>
    %dma_start3A_94 = tpu.memref_squeeze %dma_start3A_93 : memref<1x1x1x80xi32, #tpu.memory_space<vmem>> -> memref<80xi32, #tpu.memory_space<vmem>>
    %dma_start3A_95 = arith.constant 0 : i32
    %dma_start3A_96 = arith.constant 0 : i32
    %dma_start3A_97 = tpu.memref_slice %arg2[%dma_start3A_95, %dma_start3A_96] : memref<10000x128xf32, #tpu.memory_space<hbm>> -> memref<10000x128xf32, #tpu.memory_space<hbm>>
    tpu.enqueue_indirect_dma source(%dma_start3A_97 : memref<10000x128xf32, #tpu.memory_space<hbm>>) target(%arg7 : memref<80x128xf32, #tpu.memory_space<vmem>>) offsets(%dma_start3A_94 : memref<80xi32, #tpu.memory_space<vmem>>) semaphore(%arg12 : memref<!tpu.dma_semaphore, #tpu.memory_space<semaphore_mem>>)
    %dma_wait3A_98 = arith.constant 0 : i32
    %dma_wait3A_99 = arith.constant 0 : i32
    %dma_wait3A_100 = arith.constant 0 : i32
    %dma_wait3A_101 = arith.constant 0 : i32
    %dma_wait3A_102 = tpu.memref_slice %arg6[%dma_wait3A_98, %dma_wait3A_99, %dma_wait3A_100, %dma_wait3A_101] : memref<2x2x25x80xi32, #tpu.memory_space<vmem>> -> memref<1x1x1x80xi32, #tpu.memory_space<vmem>>
    %dma_wait3A_103 = tpu.memref_squeeze %dma_wait3A_102 : memref<1x1x1x80xi32, #tpu.memory_space<vmem>> -> memref<80xi32, #tpu.memory_space<vmem>>
    %dma_wait3A_104 = arith.constant 0 : i32
    %dma_wait3A_105 = arith.constant 0 : i32
    %dma_wait3A_106 = tpu.memref_slice %arg2[%dma_wait3A_104, %dma_wait3A_105] : memref<10000x128xf32, #tpu.memory_space<hbm>> -> memref<10000x128xf32, #tpu.memory_space<hbm>>
    tpu.wait_indirect_dma semaphore(%arg12 : memref<!tpu.dma_semaphore, #tpu.memory_space<semaphore_mem>>) src(%dma_wait3A_106 : memref<10000x128xf32, #tpu.memory_space<hbm>>) dst(%arg7 : memref<80x128xf32, #tpu.memory_space<vmem>>)
    %dma_start3A_107 = arith.constant 0 : i32
    %dma_start3A_108 = arith.constant 1 : i32
    %dma_start3A_109 = arith.constant 0 : i32
    %dma_start3A_110 = arith.constant 0 : i32
    %dma_start3A_111 = tpu.memref_slice %arg6[%dma_start3A_107, %dma_start3A_108, %dma_start3A_109, %dma_start3A_110] : memref<2x2x25x80xi32, #tpu.memory_space<vmem>> -> memref<1x1x1x80xi32, #tpu.memory_space<vmem>>
    %dma_start3A_112 = tpu.memref_squeeze %dma_start3A_111 : memref<1x1x1x80xi32, #tpu.memory_space<vmem>> -> memref<80xi32, #tpu.memory_space<vmem>>
    %dma_start3A_113 = arith.constant 0 : i32
    %dma_start3A_114 = arith.constant 0 : i32
    %dma_start3A_115 = tpu.memref_slice %arg9[%dma_start3A_113, %dma_start3A_114] : memref<10000x128xf32, #tpu.memory_space<vmem_shared>> -> memref<10000x128xf32, #tpu.memory_space<vmem_shared>>
    tpu.enqueue_indirect_dma source(%arg7 : memref<80x128xf32, #tpu.memory_space<vmem>>) target(%dma_start3A_115 : memref<10000x128xf32, #tpu.memory_space<vmem_shared>>) offsets(%dma_start3A_112 : memref<80xi32, #tpu.memory_space<vmem>>) semaphore(%arg14 : memref<!tpu.dma_semaphore, #tpu.memory_space<semaphore_mem>>) {add = true}
    %dma_start3A_116 = arith.constant 0 : i32
    %dma_start3A_117 = arith.constant 0 : i32
    %dma_start3A_118 = arith.constant 1 : i32
    %dma_start3A_119 = arith.constant 0 : i32
    %dma_start3A_120 = tpu.memref_slice %arg6[%dma_start3A_116, %dma_start3A_117, %dma_start3A_118, %dma_start3A_119] : memref<2x2x25x80xi32, #tpu.memory_space<vmem>> -> memref<1x1x1x80xi32, #tpu.memory_space<vmem>>
    %dma_start3A_121 = tpu.memref_squeeze %dma_start3A_120 : memref<1x1x1x80xi32, #tpu.memory_space<vmem>> -> memref<80xi32, #tpu.memory_space<vmem>>
    %dma_start3A_122 = arith.constant 0 : i32
    %dma_start3A_123 = arith.constant 0 : i32
    %dma_start3A_124 = tpu.memref_slice %arg2[%dma_start3A_122, %dma_start3A_123] : memref<10000x128xf32, #tpu.memory_space<hbm>> -> memref<10000x128xf32, #tpu.memory_space<hbm>>
    tpu.enqueue_indirect_dma source(%dma_start3A_124 : memref<10000x128xf32, #tpu.memory_space<hbm>>) target(%arg8 : memref<80x128xf32, #tpu.memory_space<vmem>>) offsets(%dma_start3A_121 : memref<80xi32, #tpu.memory_space<vmem>>) semaphore(%arg13 : memref<!tpu.dma_semaphore, #tpu.memory_space<semaphore_mem>>)
    %dma_start3A_125 = arith.constant 1 : i32
    %dma_start3A_126 = arith.constant 1 : i32
    %dma_start3A_127 = arith.constant 0 : i32
    %dma_start3A_128 = arith.constant 0 : i32
    %dma_start3A_129 = arith.constant 0 : i32
    %dma_start3A_130 = tpu.memref_slice %arg6[%dma_start3A_126, %dma_start3A_127, %dma_start3A_128, %dma_start3A_129] : memref<2x2x25x80xi32, #tpu.memory_space<vmem>> -> memref<1x1x25x80xi32, #tpu.memory_space<vmem>>
    %dma_start3A_131 = tpu.memref_squeeze %dma_start3A_130 : memref<1x1x25x80xi32, #tpu.memory_space<vmem>> -> memref<25x80xi32, #tpu.memory_space<vmem>>
    %dma_start3A_132 = arith.constant 0 : i32
    %dma_start3A_133 = arith.constant 0 : i32
    %dma_start3A_134 = tpu.memref_slice %arg3[%add3A, %dma_start3A_125, %dma_start3A_132, %dma_start3A_133] : memref<32x5x25x80xi32, #tpu.memory_space<hbm>> -> memref<1x1x25x80xi32, #tpu.memory_space<hbm>>
    %dma_start3A_135 = tpu.memref_squeeze %dma_start3A_134 : memref<1x1x25x80xi32, #tpu.memory_space<hbm>> -> memref<25x80xi32, #tpu.memory_space<hbm>>
    %dma_start3A_136 = arith.constant 0 : i32
    %dma_start3A_137 = arith.constant 0 : i32
    %dma_start3A_138 = tpu.memref_slice %arg6[%dma_start3A_126, %dma_start3A_127, %dma_start3A_136, %dma_start3A_137] : memref<2x2x25x80xi32, #tpu.memory_space<vmem>> -> memref<1x1x25x80xi32, #tpu.memory_space<vmem>>
    %dma_start3A_139 = tpu.memref_squeeze %dma_start3A_138 : memref<1x1x25x80xi32, #tpu.memory_space<vmem>> -> memref<25x80xi32, #tpu.memory_space<vmem>>
    %dma_start3A_140 = arith.constant 0 : i32
    %dma_start3A_141 = arith.constant 0 : i32
    %dma_start3A_142 = tpu.memref_slice %arg3[%add3A, %dma_start3A_125, %dma_start3A_140, %dma_start3A_141] : memref<32x5x25x80xi32, #tpu.memory_space<hbm>> -> memref<1x1x25x80xi32, #tpu.memory_space<hbm>>
    %dma_start3A_143 = tpu.memref_squeeze %dma_start3A_142 : memref<1x1x25x80xi32, #tpu.memory_space<hbm>> -> memref<25x80xi32, #tpu.memory_space<hbm>>
    tpu.enqueue_dma source(%dma_start3A_143 : memref<25x80xi32, #tpu.memory_space<hbm>>) target(%dma_start3A_139 : memref<25x80xi32, #tpu.memory_space<vmem>>) target_semaphore(%arg11 : memref<!tpu.dma_semaphore, #tpu.memory_space<semaphore_mem>>)
    %dma_start3A_144 = arith.constant 1 : i32
    %dma_start3A_145 = arith.constant 1 : i32
    %dma_start3A_146 = arith.constant 1 : i32
    %dma_start3A_147 = arith.constant 0 : i32
    %dma_start3A_148 = arith.constant 0 : i32
    %dma_start3A_149 = tpu.memref_slice %arg6[%dma_start3A_145, %dma_start3A_146, %dma_start3A_147, %dma_start3A_148] : memref<2x2x25x80xi32, #tpu.memory_space<vmem>> -> memref<1x1x25x80xi32, #tpu.memory_space<vmem>>
    %dma_start3A_150 = tpu.memref_squeeze %dma_start3A_149 : memref<1x1x25x80xi32, #tpu.memory_space<vmem>> -> memref<25x80xi32, #tpu.memory_space<vmem>>
    %dma_start3A_151 = arith.constant 0 : i32
    %dma_start3A_152 = arith.constant 0 : i32
    %dma_start3A_153 = tpu.memref_slice %arg4[%add3A, %dma_start3A_144, %dma_start3A_151, %dma_start3A_152] : memref<32x5x25x80xi32, #tpu.memory_space<hbm>> -> memref<1x1x25x80xi32, #tpu.memory_space<hbm>>
    %dma_start3A_154 = tpu.memref_squeeze %dma_start3A_153 : memref<1x1x25x80xi32, #tpu.memory_space<hbm>> -> memref<25x80xi32, #tpu.memory_space<hbm>>
    %dma_start3A_155 = arith.constant 0 : i32
    %dma_start3A_156 = arith.constant 0 : i32
    %dma_start3A_157 = tpu.memref_slice %arg6[%dma_start3A_145, %dma_start3A_146, %dma_start3A_155, %dma_start3A_156] : memref<2x2x25x80xi32, #tpu.memory_space<vmem>> -> memref<1x1x25x80xi32, #tpu.memory_space<vmem>>
    %dma_start3A_158 = tpu.memref_squeeze %dma_start3A_157 : memref<1x1x25x80xi32, #tpu.memory_space<vmem>> -> memref<25x80xi32, #tpu.memory_space<vmem>>
    %dma_start3A_159 = arith.constant 0 : i32
    %dma_start3A_160 = arith.constant 0 : i32
    %dma_start3A_161 = tpu.memref_slice %arg4[%add3A, %dma_start3A_144, %dma_start3A_159, %dma_start3A_160] : memref<32x5x25x80xi32, #tpu.memory_space<hbm>> -> memref<1x1x25x80xi32, #tpu.memory_space<hbm>>
    %dma_start3A_162 = tpu.memref_squeeze %dma_start3A_161 : memref<1x1x25x80xi32, #tpu.memory_space<hbm>> -> memref<25x80xi32, #tpu.memory_space<hbm>>
    tpu.enqueue_dma source(%dma_start3A_162 : memref<25x80xi32, #tpu.memory_space<hbm>>) target(%dma_start3A_158 : memref<25x80xi32, #tpu.memory_space<vmem>>) target_semaphore(%arg11 : memref<!tpu.dma_semaphore, #tpu.memory_space<semaphore_mem>>)
    %scan3A_163 = arith.constant 0 : i32
    %scan3A_164 = arith.constant 12 : i32
    %scan3A_165 = arith.addi %scan3A_163, %scan3A_164 : i32
    %scan3A_166 = arith.constant 1 : i32
    scf.for %scan3A_662 = %scan3A_163 to %scan3A_165 step %scan3A_166  : i32 {
      %mul3A_663 = arith.constant 2 : i32
      %mul3A_664 = arith.muli %scan3A_662, %mul3A_663 : i32
      %add3A_665 = arith.constant 1 : i32
      %add3A_666 = arith.addi %add3A_665, %mul3A_664 : i32
      %dma_wait3A_667 = arith.constant 0 : i32
      %dma_wait3A_668 = arith.constant 0 : i32
      %dma_wait3A_669 = arith.constant 0 : i32
      %dma_wait3A_670 = arith.constant 0 : i32
      %dma_wait3A_671 = tpu.memref_slice %arg6[%dma_wait3A_667, %dma_wait3A_668, %dma_wait3A_669, %dma_wait3A_670] : memref<2x2x25x80xi32, #tpu.memory_space<vmem>> -> memref<1x1x1x80xi32, #tpu.memory_space<vmem>>
      %dma_wait3A_672 = tpu.memref_squeeze %dma_wait3A_671 : memref<1x1x1x80xi32, #tpu.memory_space<vmem>> -> memref<80xi32, #tpu.memory_space<vmem>>
      %dma_wait3A_673 = arith.constant 0 : i32
      %dma_wait3A_674 = arith.constant 0 : i32
      %dma_wait3A_675 = tpu.memref_slice %arg2[%dma_wait3A_673, %dma_wait3A_674] : memref<10000x128xf32, #tpu.memory_space<hbm>> -> memref<10000x128xf32, #tpu.memory_space<hbm>>
      tpu.wait_indirect_dma semaphore(%arg13 : memref<!tpu.dma_semaphore, #tpu.memory_space<semaphore_mem>>) src(%dma_wait3A_675 : memref<10000x128xf32, #tpu.memory_space<hbm>>) dst(%arg8 : memref<80x128xf32, #tpu.memory_space<vmem>>)
      %dma_start3A_676 = arith.constant 0 : i32
      %dma_start3A_677 = arith.constant 1 : i32
      %dma_start3A_678 = arith.constant 0 : i32
      %dma_start3A_679 = tpu.memref_slice %arg6[%dma_start3A_676, %dma_start3A_677, %add3A_666, %dma_start3A_678] : memref<2x2x25x80xi32, #tpu.memory_space<vmem>> -> memref<1x1x1x80xi32, #tpu.memory_space<vmem>>
      %dma_start3A_680 = tpu.memref_squeeze %dma_start3A_679 : memref<1x1x1x80xi32, #tpu.memory_space<vmem>> -> memref<80xi32, #tpu.memory_space<vmem>>
      %dma_start3A_681 = arith.constant 0 : i32
      %dma_start3A_682 = arith.constant 0 : i32
      %dma_start3A_683 = tpu.memref_slice %arg9[%dma_start3A_681, %dma_start3A_682] : memref<10000x128xf32, #tpu.memory_space<vmem_shared>> -> memref<10000x128xf32, #tpu.memory_space<vmem_shared>>
      tpu.enqueue_indirect_dma source(%arg8 : memref<80x128xf32, #tpu.memory_space<vmem>>) target(%dma_start3A_683 : memref<10000x128xf32, #tpu.memory_space<vmem_shared>>) offsets(%dma_start3A_680 : memref<80xi32, #tpu.memory_space<vmem>>) semaphore(%arg15 : memref<!tpu.dma_semaphore, #tpu.memory_space<semaphore_mem>>) {add = true}
      %dma_wait3A_684 = arith.constant 0 : i32
      %dma_wait3A_685 = arith.constant 1 : i32
      %dma_wait3A_686 = arith.constant 0 : i32
      %dma_wait3A_687 = arith.constant 0 : i32
      %dma_wait3A_688 = tpu.memref_slice %arg6[%dma_wait3A_684, %dma_wait3A_685, %dma_wait3A_686, %dma_wait3A_687] : memref<2x2x25x80xi32, #tpu.memory_space<vmem>> -> memref<1x1x1x80xi32, #tpu.memory_space<vmem>>
      %dma_wait3A_689 = tpu.memref_squeeze %dma_wait3A_688 : memref<1x1x1x80xi32, #tpu.memory_space<vmem>> -> memref<80xi32, #tpu.memory_space<vmem>>
      %dma_wait3A_690 = arith.constant 0 : i32
      %dma_wait3A_691 = arith.constant 0 : i32
      %dma_wait3A_692 = tpu.memref_slice %arg9[%dma_wait3A_690, %dma_wait3A_691] : memref<10000x128xf32, #tpu.memory_space<vmem_shared>> -> memref<10000x128xf32, #tpu.memory_space<vmem_shared>>
      tpu.wait_indirect_dma semaphore(%arg14 : memref<!tpu.dma_semaphore, #tpu.memory_space<semaphore_mem>>) src(%arg7 : memref<80x128xf32, #tpu.memory_space<vmem>>) dst(%dma_wait3A_692 : memref<10000x128xf32, #tpu.memory_space<vmem_shared>>)
      %add3A_693 = arith.constant 1 : i32
      %add3A_694 = arith.addi %add3A_666, %add3A_693 : i32
      %dma_start3A_695 = arith.constant 0 : i32
      %dma_start3A_696 = arith.constant 0 : i32
      %dma_start3A_697 = arith.constant 0 : i32
      %dma_start3A_698 = tpu.memref_slice %arg6[%dma_start3A_695, %dma_start3A_696, %add3A_694, %dma_start3A_697] : memref<2x2x25x80xi32, #tpu.memory_space<vmem>> -> memref<1x1x1x80xi32, #tpu.memory_space<vmem>>
      %dma_start3A_699 = tpu.memref_squeeze %dma_start3A_698 : memref<1x1x1x80xi32, #tpu.memory_space<vmem>> -> memref<80xi32, #tpu.memory_space<vmem>>
      %dma_start3A_700 = arith.constant 0 : i32
      %dma_start3A_701 = arith.constant 0 : i32
      %dma_start3A_702 = tpu.memref_slice %arg2[%dma_start3A_700, %dma_start3A_701] : memref<10000x128xf32, #tpu.memory_space<hbm>> -> memref<10000x128xf32, #tpu.memory_space<hbm>>
      tpu.enqueue_indirect_dma source(%dma_start3A_702 : memref<10000x128xf32, #tpu.memory_space<hbm>>) target(%arg7 : memref<80x128xf32, #tpu.memory_space<vmem>>) offsets(%dma_start3A_699 : memref<80xi32, #tpu.memory_space<vmem>>) semaphore(%arg12 : memref<!tpu.dma_semaphore, #tpu.memory_space<semaphore_mem>>)
      %dma_wait3A_703 = arith.constant 0 : i32
      %dma_wait3A_704 = arith.constant 0 : i32
      %dma_wait3A_705 = arith.constant 0 : i32
      %dma_wait3A_706 = arith.constant 0 : i32
      %dma_wait3A_707 = tpu.memref_slice %arg6[%dma_wait3A_703, %dma_wait3A_704, %dma_wait3A_705, %dma_wait3A_706] : memref<2x2x25x80xi32, #tpu.memory_space<vmem>> -> memref<1x1x1x80xi32, #tpu.memory_space<vmem>>
      %dma_wait3A_708 = tpu.memref_squeeze %dma_wait3A_707 : memref<1x1x1x80xi32, #tpu.memory_space<vmem>> -> memref<80xi32, #tpu.memory_space<vmem>>
      %dma_wait3A_709 = arith.constant 0 : i32
      %dma_wait3A_710 = arith.constant 0 : i32
      %dma_wait3A_711 = tpu.memref_slice %arg2[%dma_wait3A_709, %dma_wait3A_710] : memref<10000x128xf32, #tpu.memory_space<hbm>> -> memref<10000x128xf32, #tpu.memory_space<hbm>>
      tpu.wait_indirect_dma semaphore(%arg12 : memref<!tpu.dma_semaphore, #tpu.memory_space<semaphore_mem>>) src(%dma_wait3A_711 : memref<10000x128xf32, #tpu.memory_space<hbm>>) dst(%arg7 : memref<80x128xf32, #tpu.memory_space<vmem>>)
      %add3A_712 = arith.constant 1 : i32
      %add3A_713 = arith.addi %add3A_666, %add3A_712 : i32
      %dma_start3A_714 = arith.constant 0 : i32
      %dma_start3A_715 = arith.constant 1 : i32
      %dma_start3A_716 = arith.constant 0 : i32
      %dma_start3A_717 = tpu.memref_slice %arg6[%dma_start3A_714, %dma_start3A_715, %add3A_713, %dma_start3A_716] : memref<2x2x25x80xi32, #tpu.memory_space<vmem>> -> memref<1x1x1x80xi32, #tpu.memory_space<vmem>>
      %dma_start3A_718 = tpu.memref_squeeze %dma_start3A_717 : memref<1x1x1x80xi32, #tpu.memory_space<vmem>> -> memref<80xi32, #tpu.memory_space<vmem>>
      %dma_start3A_719 = arith.constant 0 : i32
      %dma_start3A_720 = arith.constant 0 : i32
      %dma_start3A_721 = tpu.memref_slice %arg9[%dma_start3A_719, %dma_start3A_720] : memref<10000x128xf32, #tpu.memory_space<vmem_shared>> -> memref<10000x128xf32, #tpu.memory_space<vmem_shared>>
      tpu.enqueue_indirect_dma source(%arg7 : memref<80x128xf32, #tpu.memory_space<vmem>>) target(%dma_start3A_721 : memref<10000x128xf32, #tpu.memory_space<vmem_shared>>) offsets(%dma_start3A_718 : memref<80xi32, #tpu.memory_space<vmem>>) semaphore(%arg14 : memref<!tpu.dma_semaphore, #tpu.memory_space<semaphore_mem>>) {add = true}
      %dma_wait3A_722 = arith.constant 0 : i32
      %dma_wait3A_723 = arith.constant 1 : i32
      %dma_wait3A_724 = arith.constant 0 : i32
      %dma_wait3A_725 = arith.constant 0 : i32
      %dma_wait3A_726 = tpu.memref_slice %arg6[%dma_wait3A_722, %dma_wait3A_723, %dma_wait3A_724, %dma_wait3A_725] : memref<2x2x25x80xi32, #tpu.memory_space<vmem>> -> memref<1x1x1x80xi32, #tpu.memory_space<vmem>>
      %dma_wait3A_727 = tpu.memref_squeeze %dma_wait3A_726 : memref<1x1x1x80xi32, #tpu.memory_space<vmem>> -> memref<80xi32, #tpu.memory_space<vmem>>
      %dma_wait3A_728 = arith.constant 0 : i32
      %dma_wait3A_729 = arith.constant 0 : i32
      %dma_wait3A_730 = tpu.memref_slice %arg9[%dma_wait3A_728, %dma_wait3A_729] : memref<10000x128xf32, #tpu.memory_space<vmem_shared>> -> memref<10000x128xf32, #tpu.memory_space<vmem_shared>>
      tpu.wait_indirect_dma semaphore(%arg15 : memref<!tpu.dma_semaphore, #tpu.memory_space<semaphore_mem>>) src(%arg8 : memref<80x128xf32, #tpu.memory_space<vmem>>) dst(%dma_wait3A_730 : memref<10000x128xf32, #tpu.memory_space<vmem_shared>>)
      %add3A_731 = arith.constant 2 : i32
      %add3A_732 = arith.addi %add3A_666, %add3A_731 : i32
      %lt3A_733 = arith.constant 25 : i32
      %lt3A_734 = arith.cmpi slt, %add3A_732, %lt3A_733 : i32
      %convert_element_type3A_735 = arith.extui %lt3A_734 : i1 to i32
      %cond3A_736 = arith.constant 0 : i32
      %cond3A_737 = arith.cmpi ne, %convert_element_type3A_735, %cond3A_736 : i32
      scf.if %cond3A_737 {
        %add3A_738 = arith.constant 2 : i32
        %add3A_739 = arith.addi %add3A_666, %add3A_738 : i32
        %dma_start3A_740 = arith.constant 0 : i32
        %dma_start3A_741 = arith.constant 0 : i32
        %dma_start3A_742 = arith.constant 0 : i32
        %dma_start3A_743 = tpu.memref_slice %arg6[%dma_start3A_740, %dma_start3A_741, %add3A_739, %dma_start3A_742] : memref<2x2x25x80xi32, #tpu.memory_space<vmem>> -> memref<1x1x1x80xi32, #tpu.memory_space<vmem>>
        %dma_start3A_744 = tpu.memref_squeeze %dma_start3A_743 : memref<1x1x1x80xi32, #tpu.memory_space<vmem>> -> memref<80xi32, #tpu.memory_space<vmem>>
        %dma_start3A_745 = arith.constant 0 : i32
        %dma_start3A_746 = arith.constant 0 : i32
        %dma_start3A_747 = tpu.memref_slice %arg2[%dma_start3A_745, %dma_start3A_746] : memref<10000x128xf32, #tpu.memory_space<hbm>> -> memref<10000x128xf32, #tpu.memory_space<hbm>>
        tpu.enqueue_indirect_dma source(%dma_start3A_747 : memref<10000x128xf32, #tpu.memory_space<hbm>>) target(%arg8 : memref<80x128xf32, #tpu.memory_space<vmem>>) offsets(%dma_start3A_744 : memref<80xi32, #tpu.memory_space<vmem>>) semaphore(%arg13 : memref<!tpu.dma_semaphore, #tpu.memory_space<semaphore_mem>>)
      } else {
      }
    }
    %scan3A_167 = arith.constant 12 : i32
    %dma_wait3A_168 = arith.constant 0 : i32
    %dma_wait3A_169 = arith.constant 0 : i32
    %dma_wait3A_170 = arith.constant 1 : i32
    %dma_wait3A_171 = arith.constant 0 : i32
    %dma_wait3A_172 = arith.constant 0 : i32
    %dma_wait3A_173 = arith.constant 0 : i32
    %dma_wait3A_174 = tpu.memref_slice %arg6[%dma_wait3A_170, %dma_wait3A_171, %dma_wait3A_172, %dma_wait3A_173] : memref<2x2x25x80xi32, #tpu.memory_space<vmem>> -> memref<1x1x25x80xi32, #tpu.memory_space<vmem>>
    %dma_wait3A_175 = tpu.memref_squeeze %dma_wait3A_174 : memref<1x1x25x80xi32, #tpu.memory_space<vmem>> -> memref<25x80xi32, #tpu.memory_space<vmem>>
    %dma_wait3A_176 = arith.constant 0 : i32
    %dma_wait3A_177 = arith.constant 0 : i32
    %dma_wait3A_178 = tpu.memref_slice %arg3[%dma_wait3A_168, %dma_wait3A_169, %dma_wait3A_176, %dma_wait3A_177] : memref<32x5x25x80xi32, #tpu.memory_space<hbm>> -> memref<1x1x25x80xi32, #tpu.memory_space<hbm>>
    %dma_wait3A_179 = tpu.memref_squeeze %dma_wait3A_178 : memref<1x1x25x80xi32, #tpu.memory_space<hbm>> -> memref<25x80xi32, #tpu.memory_space<hbm>>
    %dma_wait3A_180 = arith.constant 0 : i32
    %dma_wait3A_181 = arith.constant 0 : i32
    %dma_wait3A_182 = tpu.memref_slice %arg6[%dma_wait3A_170, %dma_wait3A_171, %dma_wait3A_180, %dma_wait3A_181] : memref<2x2x25x80xi32, #tpu.memory_space<vmem>> -> memref<1x1x25x80xi32, #tpu.memory_space<vmem>>
    %dma_wait3A_183 = tpu.memref_squeeze %dma_wait3A_182 : memref<1x1x25x80xi32, #tpu.memory_space<vmem>> -> memref<25x80xi32, #tpu.memory_space<vmem>>
    %dma_wait3A_184 = arith.constant 0 : i32
    %dma_wait3A_185 = arith.constant 0 : i32
    %dma_wait3A_186 = tpu.memref_slice %arg3[%dma_wait3A_168, %dma_wait3A_169, %dma_wait3A_184, %dma_wait3A_185] : memref<32x5x25x80xi32, #tpu.memory_space<hbm>> -> memref<1x1x25x80xi32, #tpu.memory_space<hbm>>
    %dma_wait3A_187 = tpu.memref_squeeze %dma_wait3A_186 : memref<1x1x25x80xi32, #tpu.memory_space<hbm>> -> memref<25x80xi32, #tpu.memory_space<hbm>>
    tpu.wait_dma2 semaphore(%arg11 : memref<!tpu.dma_semaphore, #tpu.memory_space<semaphore_mem>>) src(%dma_wait3A_187 : memref<25x80xi32, #tpu.memory_space<hbm>>) dst(%dma_wait3A_183 : memref<25x80xi32, #tpu.memory_space<vmem>>)
    %dma_wait3A_188 = arith.constant 0 : i32
    %dma_wait3A_189 = arith.constant 0 : i32
    %dma_wait3A_190 = arith.constant 1 : i32
    %dma_wait3A_191 = arith.constant 1 : i32
    %dma_wait3A_192 = arith.constant 0 : i32
    %dma_wait3A_193 = arith.constant 0 : i32
    %dma_wait3A_194 = tpu.memref_slice %arg6[%dma_wait3A_190, %dma_wait3A_191, %dma_wait3A_192, %dma_wait3A_193] : memref<2x2x25x80xi32, #tpu.memory_space<vmem>> -> memref<1x1x25x80xi32, #tpu.memory_space<vmem>>
    %dma_wait3A_195 = tpu.memref_squeeze %dma_wait3A_194 : memref<1x1x25x80xi32, #tpu.memory_space<vmem>> -> memref<25x80xi32, #tpu.memory_space<vmem>>
    %dma_wait3A_196 = arith.constant 0 : i32
    %dma_wait3A_197 = arith.constant 0 : i32
    %dma_wait3A_198 = tpu.memref_slice %arg4[%dma_wait3A_188, %dma_wait3A_189, %dma_wait3A_196, %dma_wait3A_197] : memref<32x5x25x80xi32, #tpu.memory_space<hbm>> -> memref<1x1x25x80xi32, #tpu.memory_space<hbm>>
    %dma_wait3A_199 = tpu.memref_squeeze %dma_wait3A_198 : memref<1x1x25x80xi32, #tpu.memory_space<hbm>> -> memref<25x80xi32, #tpu.memory_space<hbm>>
    %dma_wait3A_200 = arith.constant 0 : i32
    %dma_wait3A_201 = arith.constant 0 : i32
    %dma_wait3A_202 = tpu.memref_slice %arg6[%dma_wait3A_190, %dma_wait3A_191, %dma_wait3A_200, %dma_wait3A_201] : memref<2x2x25x80xi32, #tpu.memory_space<vmem>> -> memref<1x1x25x80xi32, #tpu.memory_space<vmem>>
    %dma_wait3A_203 = tpu.memref_squeeze %dma_wait3A_202 : memref<1x1x25x80xi32, #tpu.memory_space<vmem>> -> memref<25x80xi32, #tpu.memory_space<vmem>>
    %dma_wait3A_204 = arith.constant 0 : i32
    %dma_wait3A_205 = arith.constant 0 : i32
    %dma_wait3A_206 = tpu.memref_slice %arg4[%dma_wait3A_188, %dma_wait3A_189, %dma_wait3A_204, %dma_wait3A_205] : memref<32x5x25x80xi32, #tpu.memory_space<hbm>> -> memref<1x1x25x80xi32, #tpu.memory_space<hbm>>
    %dma_wait3A_207 = tpu.memref_squeeze %dma_wait3A_206 : memref<1x1x25x80xi32, #tpu.memory_space<hbm>> -> memref<25x80xi32, #tpu.memory_space<hbm>>
    tpu.wait_dma2 semaphore(%arg11 : memref<!tpu.dma_semaphore, #tpu.memory_space<semaphore_mem>>) src(%dma_wait3A_207 : memref<25x80xi32, #tpu.memory_space<hbm>>) dst(%dma_wait3A_203 : memref<25x80xi32, #tpu.memory_space<vmem>>)
    %dma_start3A_208 = arith.constant 1 : i32
    %dma_start3A_209 = arith.constant 0 : i32
    %dma_start3A_210 = arith.constant 0 : i32
    %dma_start3A_211 = arith.constant 0 : i32
    %dma_start3A_212 = tpu.memref_slice %arg6[%dma_start3A_208, %dma_start3A_209, %dma_start3A_210, %dma_start3A_211] : memref<2x2x25x80xi32, #tpu.memory_space<vmem>> -> memref<1x1x1x80xi32, #tpu.memory_space<vmem>>
    %dma_start3A_213 = tpu.memref_squeeze %dma_start3A_212 : memref<1x1x1x80xi32, #tpu.memory_space<vmem>> -> memref<80xi32, #tpu.memory_space<vmem>>
    %dma_start3A_214 = arith.constant 0 : i32
    %dma_start3A_215 = arith.constant 0 : i32
    %dma_start3A_216 = tpu.memref_slice %arg2[%dma_start3A_214, %dma_start3A_215] : memref<10000x128xf32, #tpu.memory_space<hbm>> -> memref<10000x128xf32, #tpu.memory_space<hbm>>
    tpu.enqueue_indirect_dma source(%dma_start3A_216 : memref<10000x128xf32, #tpu.memory_space<hbm>>) target(%arg8 : memref<80x128xf32, #tpu.memory_space<vmem>>) offsets(%dma_start3A_213 : memref<80xi32, #tpu.memory_space<vmem>>) semaphore(%arg13 : memref<!tpu.dma_semaphore, #tpu.memory_space<semaphore_mem>>)
    %dma_wait3A_217 = arith.constant 0 : i32
    %dma_wait3A_218 = arith.constant 0 : i32
    %dma_wait3A_219 = arith.constant 0 : i32
    %dma_wait3A_220 = arith.constant 0 : i32
    %dma_wait3A_221 = tpu.memref_slice %arg6[%dma_wait3A_217, %dma_wait3A_218, %dma_wait3A_219, %dma_wait3A_220] : memref<2x2x25x80xi32, #tpu.memory_space<vmem>> -> memref<1x1x1x80xi32, #tpu.memory_space<vmem>>
    %dma_wait3A_222 = tpu.memref_squeeze %dma_wait3A_221 : memref<1x1x1x80xi32, #tpu.memory_space<vmem>> -> memref<80xi32, #tpu.memory_space<vmem>>
    %dma_wait3A_223 = arith.constant 0 : i32
    %dma_wait3A_224 = arith.constant 0 : i32
    %dma_wait3A_225 = tpu.memref_slice %arg2[%dma_wait3A_223, %dma_wait3A_224] : memref<10000x128xf32, #tpu.memory_space<hbm>> -> memref<10000x128xf32, #tpu.memory_space<hbm>>
    tpu.wait_indirect_dma semaphore(%arg13 : memref<!tpu.dma_semaphore, #tpu.memory_space<semaphore_mem>>) src(%dma_wait3A_225 : memref<10000x128xf32, #tpu.memory_space<hbm>>) dst(%arg8 : memref<80x128xf32, #tpu.memory_space<vmem>>)
    %dma_start3A_226 = arith.constant 1 : i32
    %dma_start3A_227 = arith.constant 1 : i32
    %dma_start3A_228 = arith.constant 0 : i32
    %dma_start3A_229 = arith.constant 0 : i32
    %dma_start3A_230 = tpu.memref_slice %arg6[%dma_start3A_226, %dma_start3A_227, %dma_start3A_228, %dma_start3A_229] : memref<2x2x25x80xi32, #tpu.memory_space<vmem>> -> memref<1x1x1x80xi32, #tpu.memory_space<vmem>>
    %dma_start3A_231 = tpu.memref_squeeze %dma_start3A_230 : memref<1x1x1x80xi32, #tpu.memory_space<vmem>> -> memref<80xi32, #tpu.memory_space<vmem>>
    %dma_start3A_232 = arith.constant 0 : i32
    %dma_start3A_233 = arith.constant 0 : i32
    %dma_start3A_234 = tpu.memref_slice %arg9[%dma_start3A_232, %dma_start3A_233] : memref<10000x128xf32, #tpu.memory_space<vmem_shared>> -> memref<10000x128xf32, #tpu.memory_space<vmem_shared>>
    tpu.enqueue_indirect_dma source(%arg8 : memref<80x128xf32, #tpu.memory_space<vmem>>) target(%dma_start3A_234 : memref<10000x128xf32, #tpu.memory_space<vmem_shared>>) offsets(%dma_start3A_231 : memref<80xi32, #tpu.memory_space<vmem>>) semaphore(%arg15 : memref<!tpu.dma_semaphore, #tpu.memory_space<semaphore_mem>>) {add = true}
    %dma_wait3A_235 = arith.constant 0 : i32
    %dma_wait3A_236 = arith.constant 1 : i32
    %dma_wait3A_237 = arith.constant 0 : i32
    %dma_wait3A_238 = arith.constant 0 : i32
    %dma_wait3A_239 = tpu.memref_slice %arg6[%dma_wait3A_235, %dma_wait3A_236, %dma_wait3A_237, %dma_wait3A_238] : memref<2x2x25x80xi32, #tpu.memory_space<vmem>> -> memref<1x1x1x80xi32, #tpu.memory_space<vmem>>
    %dma_wait3A_240 = tpu.memref_squeeze %dma_wait3A_239 : memref<1x1x1x80xi32, #tpu.memory_space<vmem>> -> memref<80xi32, #tpu.memory_space<vmem>>
    %dma_wait3A_241 = arith.constant 0 : i32
    %dma_wait3A_242 = arith.constant 0 : i32
    %dma_wait3A_243 = tpu.memref_slice %arg9[%dma_wait3A_241, %dma_wait3A_242] : memref<10000x128xf32, #tpu.memory_space<vmem_shared>> -> memref<10000x128xf32, #tpu.memory_space<vmem_shared>>
    tpu.wait_indirect_dma semaphore(%arg14 : memref<!tpu.dma_semaphore, #tpu.memory_space<semaphore_mem>>) src(%arg7 : memref<80x128xf32, #tpu.memory_space<vmem>>) dst(%dma_wait3A_243 : memref<10000x128xf32, #tpu.memory_space<vmem_shared>>)
    %dma_start3A_244 = arith.constant 1 : i32
    %dma_start3A_245 = arith.constant 0 : i32
    %dma_start3A_246 = arith.constant 1 : i32
    %dma_start3A_247 = arith.constant 0 : i32
    %dma_start3A_248 = tpu.memref_slice %arg6[%dma_start3A_244, %dma_start3A_245, %dma_start3A_246, %dma_start3A_247] : memref<2x2x25x80xi32, #tpu.memory_space<vmem>> -> memref<1x1x1x80xi32, #tpu.memory_space<vmem>>
    %dma_start3A_249 = tpu.memref_squeeze %dma_start3A_248 : memref<1x1x1x80xi32, #tpu.memory_space<vmem>> -> memref<80xi32, #tpu.memory_space<vmem>>
    %dma_start3A_250 = arith.constant 0 : i32
    %dma_start3A_251 = arith.constant 0 : i32
    %dma_start3A_252 = tpu.memref_slice %arg2[%dma_start3A_250, %dma_start3A_251] : memref<10000x128xf32, #tpu.memory_space<hbm>> -> memref<10000x128xf32, #tpu.memory_space<hbm>>
    tpu.enqueue_indirect_dma source(%dma_start3A_252 : memref<10000x128xf32, #tpu.memory_space<hbm>>) target(%arg7 : memref<80x128xf32, #tpu.memory_space<vmem>>) offsets(%dma_start3A_249 : memref<80xi32, #tpu.memory_space<vmem>>) semaphore(%arg12 : memref<!tpu.dma_semaphore, #tpu.memory_space<semaphore_mem>>)
    %dma_start3A_253 = arith.constant 2 : i32
    %dma_start3A_254 = arith.constant 0 : i32
    %dma_start3A_255 = arith.constant 0 : i32
    %dma_start3A_256 = arith.constant 0 : i32
    %dma_start3A_257 = arith.constant 0 : i32
    %dma_start3A_258 = tpu.memref_slice %arg6[%dma_start3A_254, %dma_start3A_255, %dma_start3A_256, %dma_start3A_257] : memref<2x2x25x80xi32, #tpu.memory_space<vmem>> -> memref<1x1x25x80xi32, #tpu.memory_space<vmem>>
    %dma_start3A_259 = tpu.memref_squeeze %dma_start3A_258 : memref<1x1x25x80xi32, #tpu.memory_space<vmem>> -> memref<25x80xi32, #tpu.memory_space<vmem>>
    %dma_start3A_260 = arith.constant 0 : i32
    %dma_start3A_261 = arith.constant 0 : i32
    %dma_start3A_262 = tpu.memref_slice %arg3[%add3A, %dma_start3A_253, %dma_start3A_260, %dma_start3A_261] : memref<32x5x25x80xi32, #tpu.memory_space<hbm>> -> memref<1x1x25x80xi32, #tpu.memory_space<hbm>>
    %dma_start3A_263 = tpu.memref_squeeze %dma_start3A_262 : memref<1x1x25x80xi32, #tpu.memory_space<hbm>> -> memref<25x80xi32, #tpu.memory_space<hbm>>
    %dma_start3A_264 = arith.constant 0 : i32
    %dma_start3A_265 = arith.constant 0 : i32
    %dma_start3A_266 = tpu.memref_slice %arg6[%dma_start3A_254, %dma_start3A_255, %dma_start3A_264, %dma_start3A_265] : memref<2x2x25x80xi32, #tpu.memory_space<vmem>> -> memref<1x1x25x80xi32, #tpu.memory_space<vmem>>
    %dma_start3A_267 = tpu.memref_squeeze %dma_start3A_266 : memref<1x1x25x80xi32, #tpu.memory_space<vmem>> -> memref<25x80xi32, #tpu.memory_space<vmem>>
    %dma_start3A_268 = arith.constant 0 : i32
    %dma_start3A_269 = arith.constant 0 : i32
    %dma_start3A_270 = tpu.memref_slice %arg3[%add3A, %dma_start3A_253, %dma_start3A_268, %dma_start3A_269] : memref<32x5x25x80xi32, #tpu.memory_space<hbm>> -> memref<1x1x25x80xi32, #tpu.memory_space<hbm>>
    %dma_start3A_271 = tpu.memref_squeeze %dma_start3A_270 : memref<1x1x25x80xi32, #tpu.memory_space<hbm>> -> memref<25x80xi32, #tpu.memory_space<hbm>>
    tpu.enqueue_dma source(%dma_start3A_271 : memref<25x80xi32, #tpu.memory_space<hbm>>) target(%dma_start3A_267 : memref<25x80xi32, #tpu.memory_space<vmem>>) target_semaphore(%arg10 : memref<!tpu.dma_semaphore, #tpu.memory_space<semaphore_mem>>)
    %dma_start3A_272 = arith.constant 2 : i32
    %dma_start3A_273 = arith.constant 0 : i32
    %dma_start3A_274 = arith.constant 1 : i32
    %dma_start3A_275 = arith.constant 0 : i32
    %dma_start3A_276 = arith.constant 0 : i32
    %dma_start3A_277 = tpu.memref_slice %arg6[%dma_start3A_273, %dma_start3A_274, %dma_start3A_275, %dma_start3A_276] : memref<2x2x25x80xi32, #tpu.memory_space<vmem>> -> memref<1x1x25x80xi32, #tpu.memory_space<vmem>>
    %dma_start3A_278 = tpu.memref_squeeze %dma_start3A_277 : memref<1x1x25x80xi32, #tpu.memory_space<vmem>> -> memref<25x80xi32, #tpu.memory_space<vmem>>
    %dma_start3A_279 = arith.constant 0 : i32
    %dma_start3A_280 = arith.constant 0 : i32
    %dma_start3A_281 = tpu.memref_slice %arg4[%add3A, %dma_start3A_272, %dma_start3A_279, %dma_start3A_280] : memref<32x5x25x80xi32, #tpu.memory_space<hbm>> -> memref<1x1x25x80xi32, #tpu.memory_space<hbm>>
    %dma_start3A_282 = tpu.memref_squeeze %dma_start3A_281 : memref<1x1x25x80xi32, #tpu.memory_space<hbm>> -> memref<25x80xi32, #tpu.memory_space<hbm>>
    %dma_start3A_283 = arith.constant 0 : i32
    %dma_start3A_284 = arith.constant 0 : i32
    %dma_start3A_285 = tpu.memref_slice %arg6[%dma_start3A_273, %dma_start3A_274, %dma_start3A_283, %dma_start3A_284] : memref<2x2x25x80xi32, #tpu.memory_space<vmem>> -> memref<1x1x25x80xi32, #tpu.memory_space<vmem>>
    %dma_start3A_286 = tpu.memref_squeeze %dma_start3A_285 : memref<1x1x25x80xi32, #tpu.memory_space<vmem>> -> memref<25x80xi32, #tpu.memory_space<vmem>>
    %dma_start3A_287 = arith.constant 0 : i32
    %dma_start3A_288 = arith.constant 0 : i32
    %dma_start3A_289 = tpu.memref_slice %arg4[%add3A, %dma_start3A_272, %dma_start3A_287, %dma_start3A_288] : memref<32x5x25x80xi32, #tpu.memory_space<hbm>> -> memref<1x1x25x80xi32, #tpu.memory_space<hbm>>
    %dma_start3A_290 = tpu.memref_squeeze %dma_start3A_289 : memref<1x1x25x80xi32, #tpu.memory_space<hbm>> -> memref<25x80xi32, #tpu.memory_space<hbm>>
    tpu.enqueue_dma source(%dma_start3A_290 : memref<25x80xi32, #tpu.memory_space<hbm>>) target(%dma_start3A_286 : memref<25x80xi32, #tpu.memory_space<vmem>>) target_semaphore(%arg10 : memref<!tpu.dma_semaphore, #tpu.memory_space<semaphore_mem>>)
    %scan3A_291 = arith.constant 0 : i32
    %scan3A_292 = arith.constant 12 : i32
    %scan3A_293 = arith.addi %scan3A_291, %scan3A_292 : i32
    %scan3A_294 = arith.constant 1 : i32
    scf.for %scan3A_662 = %scan3A_291 to %scan3A_293 step %scan3A_294  : i32 {
      %mul3A_663 = arith.constant 2 : i32
      %mul3A_664 = arith.muli %scan3A_662, %mul3A_663 : i32
      %add3A_665 = arith.constant 1 : i32
      %add3A_666 = arith.addi %add3A_665, %mul3A_664 : i32
      %dma_wait3A_667 = arith.constant 0 : i32
      %dma_wait3A_668 = arith.constant 0 : i32
      %dma_wait3A_669 = arith.constant 0 : i32
      %dma_wait3A_670 = arith.constant 0 : i32
      %dma_wait3A_671 = tpu.memref_slice %arg6[%dma_wait3A_667, %dma_wait3A_668, %dma_wait3A_669, %dma_wait3A_670] : memref<2x2x25x80xi32, #tpu.memory_space<vmem>> -> memref<1x1x1x80xi32, #tpu.memory_space<vmem>>
      %dma_wait3A_672 = tpu.memref_squeeze %dma_wait3A_671 : memref<1x1x1x80xi32, #tpu.memory_space<vmem>> -> memref<80xi32, #tpu.memory_space<vmem>>
      %dma_wait3A_673 = arith.constant 0 : i32
      %dma_wait3A_674 = arith.constant 0 : i32
      %dma_wait3A_675 = tpu.memref_slice %arg2[%dma_wait3A_673, %dma_wait3A_674] : memref<10000x128xf32, #tpu.memory_space<hbm>> -> memref<10000x128xf32, #tpu.memory_space<hbm>>
      tpu.wait_indirect_dma semaphore(%arg12 : memref<!tpu.dma_semaphore, #tpu.memory_space<semaphore_mem>>) src(%dma_wait3A_675 : memref<10000x128xf32, #tpu.memory_space<hbm>>) dst(%arg7 : memref<80x128xf32, #tpu.memory_space<vmem>>)
      %dma_start3A_676 = arith.constant 1 : i32
      %dma_start3A_677 = arith.constant 1 : i32
      %dma_start3A_678 = arith.constant 0 : i32
      %dma_start3A_679 = tpu.memref_slice %arg6[%dma_start3A_676, %dma_start3A_677, %add3A_666, %dma_start3A_678] : memref<2x2x25x80xi32, #tpu.memory_space<vmem>> -> memref<1x1x1x80xi32, #tpu.memory_space<vmem>>
      %dma_start3A_680 = tpu.memref_squeeze %dma_start3A_679 : memref<1x1x1x80xi32, #tpu.memory_space<vmem>> -> memref<80xi32, #tpu.memory_space<vmem>>
      %dma_start3A_681 = arith.constant 0 : i32
      %dma_start3A_682 = arith.constant 0 : i32
      %dma_start3A_683 = tpu.memref_slice %arg9[%dma_start3A_681, %dma_start3A_682] : memref<10000x128xf32, #tpu.memory_space<vmem_shared>> -> memref<10000x128xf32, #tpu.memory_space<vmem_shared>>
      tpu.enqueue_indirect_dma source(%arg7 : memref<80x128xf32, #tpu.memory_space<vmem>>) target(%dma_start3A_683 : memref<10000x128xf32, #tpu.memory_space<vmem_shared>>) offsets(%dma_start3A_680 : memref<80xi32, #tpu.memory_space<vmem>>) semaphore(%arg14 : memref<!tpu.dma_semaphore, #tpu.memory_space<semaphore_mem>>) {add = true}
      %dma_wait3A_684 = arith.constant 0 : i32
      %dma_wait3A_685 = arith.constant 1 : i32
      %dma_wait3A_686 = arith.constant 0 : i32
      %dma_wait3A_687 = arith.constant 0 : i32
      %dma_wait3A_688 = tpu.memref_slice %arg6[%dma_wait3A_684, %dma_wait3A_685, %dma_wait3A_686, %dma_wait3A_687] : memref<2x2x25x80xi32, #tpu.memory_space<vmem>> -> memref<1x1x1x80xi32, #tpu.memory_space<vmem>>
      %dma_wait3A_689 = tpu.memref_squeeze %dma_wait3A_688 : memref<1x1x1x80xi32, #tpu.memory_space<vmem>> -> memref<80xi32, #tpu.memory_space<vmem>>
      %dma_wait3A_690 = arith.constant 0 : i32
      %dma_wait3A_691 = arith.constant 0 : i32
      %dma_wait3A_692 = tpu.memref_slice %arg9[%dma_wait3A_690, %dma_wait3A_691] : memref<10000x128xf32, #tpu.memory_space<vmem_shared>> -> memref<10000x128xf32, #tpu.memory_space<vmem_shared>>
      tpu.wait_indirect_dma semaphore(%arg15 : memref<!tpu.dma_semaphore, #tpu.memory_space<semaphore_mem>>) src(%arg8 : memref<80x128xf32, #tpu.memory_space<vmem>>) dst(%dma_wait3A_692 : memref<10000x128xf32, #tpu.memory_space<vmem_shared>>)
      %add3A_693 = arith.constant 1 : i32
      %add3A_694 = arith.addi %add3A_666, %add3A_693 : i32
      %dma_start3A_695 = arith.constant 1 : i32
      %dma_start3A_696 = arith.constant 0 : i32
      %dma_start3A_697 = arith.constant 0 : i32
      %dma_start3A_698 = tpu.memref_slice %arg6[%dma_start3A_695, %dma_start3A_696, %add3A_694, %dma_start3A_697] : memref<2x2x25x80xi32, #tpu.memory_space<vmem>> -> memref<1x1x1x80xi32, #tpu.memory_space<vmem>>
      %dma_start3A_699 = tpu.memref_squeeze %dma_start3A_698 : memref<1x1x1x80xi32, #tpu.memory_space<vmem>> -> memref<80xi32, #tpu.memory_space<vmem>>
      %dma_start3A_700 = arith.constant 0 : i32
      %dma_start3A_701 = arith.constant 0 : i32
      %dma_start3A_702 = tpu.memref_slice %arg2[%dma_start3A_700, %dma_start3A_701] : memref<10000x128xf32, #tpu.memory_space<hbm>> -> memref<10000x128xf32, #tpu.memory_space<hbm>>
      tpu.enqueue_indirect_dma source(%dma_start3A_702 : memref<10000x128xf32, #tpu.memory_space<hbm>>) target(%arg8 : memref<80x128xf32, #tpu.memory_space<vmem>>) offsets(%dma_start3A_699 : memref<80xi32, #tpu.memory_space<vmem>>) semaphore(%arg13 : memref<!tpu.dma_semaphore, #tpu.memory_space<semaphore_mem>>)
      %dma_wait3A_703 = arith.constant 0 : i32
      %dma_wait3A_704 = arith.constant 0 : i32
      %dma_wait3A_705 = arith.constant 0 : i32
      %dma_wait3A_706 = arith.constant 0 : i32
      %dma_wait3A_707 = tpu.memref_slice %arg6[%dma_wait3A_703, %dma_wait3A_704, %dma_wait3A_705, %dma_wait3A_706] : memref<2x2x25x80xi32, #tpu.memory_space<vmem>> -> memref<1x1x1x80xi32, #tpu.memory_space<vmem>>
      %dma_wait3A_708 = tpu.memref_squeeze %dma_wait3A_707 : memref<1x1x1x80xi32, #tpu.memory_space<vmem>> -> memref<80xi32, #tpu.memory_space<vmem>>
      %dma_wait3A_709 = arith.constant 0 : i32
      %dma_wait3A_710 = arith.constant 0 : i32
      %dma_wait3A_711 = tpu.memref_slice %arg2[%dma_wait3A_709, %dma_wait3A_710] : memref<10000x128xf32, #tpu.memory_space<hbm>> -> memref<10000x128xf32, #tpu.memory_space<hbm>>
      tpu.wait_indirect_dma semaphore(%arg13 : memref<!tpu.dma_semaphore, #tpu.memory_space<semaphore_mem>>) src(%dma_wait3A_711 : memref<10000x128xf32, #tpu.memory_space<hbm>>) dst(%arg8 : memref<80x128xf32, #tpu.memory_space<vmem>>)
      %add3A_712 = arith.constant 1 : i32
      %add3A_713 = arith.addi %add3A_666, %add3A_712 : i32
      %dma_start3A_714 = arith.constant 1 : i32
      %dma_start3A_715 = arith.constant 1 : i32
      %dma_start3A_716 = arith.constant 0 : i32
      %dma_start3A_717 = tpu.memref_slice %arg6[%dma_start3A_714, %dma_start3A_715, %add3A_713, %dma_start3A_716] : memref<2x2x25x80xi32, #tpu.memory_space<vmem>> -> memref<1x1x1x80xi32, #tpu.memory_space<vmem>>
      %dma_start3A_718 = tpu.memref_squeeze %dma_start3A_717 : memref<1x1x1x80xi32, #tpu.memory_space<vmem>> -> memref<80xi32, #tpu.memory_space<vmem>>
      %dma_start3A_719 = arith.constant 0 : i32
      %dma_start3A_720 = arith.constant 0 : i32
      %dma_start3A_721 = tpu.memref_slice %arg9[%dma_start3A_719, %dma_start3A_720] : memref<10000x128xf32, #tpu.memory_space<vmem_shared>> -> memref<10000x128xf32, #tpu.memory_space<vmem_shared>>
      tpu.enqueue_indirect_dma source(%arg8 : memref<80x128xf32, #tpu.memory_space<vmem>>) target(%dma_start3A_721 : memref<10000x128xf32, #tpu.memory_space<vmem_shared>>) offsets(%dma_start3A_718 : memref<80xi32, #tpu.memory_space<vmem>>) semaphore(%arg15 : memref<!tpu.dma_semaphore, #tpu.memory_space<semaphore_mem>>) {add = true}
      %dma_wait3A_722 = arith.constant 0 : i32
      %dma_wait3A_723 = arith.constant 1 : i32
      %dma_wait3A_724 = arith.constant 0 : i32
      %dma_wait3A_725 = arith.constant 0 : i32
      %dma_wait3A_726 = tpu.memref_slice %arg6[%dma_wait3A_722, %dma_wait3A_723, %dma_wait3A_724, %dma_wait3A_725] : memref<2x2x25x80xi32, #tpu.memory_space<vmem>> -> memref<1x1x1x80xi32, #tpu.memory_space<vmem>>
      %dma_wait3A_727 = tpu.memref_squeeze %dma_wait3A_726 : memref<1x1x1x80xi32, #tpu.memory_space<vmem>> -> memref<80xi32, #tpu.memory_space<vmem>>
      %dma_wait3A_728 = arith.constant 0 : i32
      %dma_wait3A_729 = arith.constant 0 : i32
      %dma_wait3A_730 = tpu.memref_slice %arg9[%dma_wait3A_728, %dma_wait3A_729] : memref<10000x128xf32, #tpu.memory_space<vmem_shared>> -> memref<10000x128xf32, #tpu.memory_space<vmem_shared>>
      tpu.wait_indirect_dma semaphore(%arg14 : memref<!tpu.dma_semaphore, #tpu.memory_space<semaphore_mem>>) src(%arg7 : memref<80x128xf32, #tpu.memory_space<vmem>>) dst(%dma_wait3A_730 : memref<10000x128xf32, #tpu.memory_space<vmem_shared>>)
      %add3A_731 = arith.constant 2 : i32
      %add3A_732 = arith.addi %add3A_666, %add3A_731 : i32
      %lt3A_733 = arith.constant 25 : i32
      %lt3A_734 = arith.cmpi slt, %add3A_732, %lt3A_733 : i32
      %convert_element_type3A_735 = arith.extui %lt3A_734 : i1 to i32
      %cond3A_736 = arith.constant 0 : i32
      %cond3A_737 = arith.cmpi ne, %convert_element_type3A_735, %cond3A_736 : i32
      scf.if %cond3A_737 {
        %add3A_738 = arith.constant 2 : i32
        %add3A_739 = arith.addi %add3A_666, %add3A_738 : i32
        %dma_start3A_740 = arith.constant 1 : i32
        %dma_start3A_741 = arith.constant 0 : i32
        %dma_start3A_742 = arith.constant 0 : i32
        %dma_start3A_743 = tpu.memref_slice %arg6[%dma_start3A_740, %dma_start3A_741, %add3A_739, %dma_start3A_742] : memref<2x2x25x80xi32, #tpu.memory_space<vmem>> -> memref<1x1x1x80xi32, #tpu.memory_space<vmem>>
        %dma_start3A_744 = tpu.memref_squeeze %dma_start3A_743 : memref<1x1x1x80xi32, #tpu.memory_space<vmem>> -> memref<80xi32, #tpu.memory_space<vmem>>
        %dma_start3A_745 = arith.constant 0 : i32
        %dma_start3A_746 = arith.constant 0 : i32
        %dma_start3A_747 = tpu.memref_slice %arg2[%dma_start3A_745, %dma_start3A_746] : memref<10000x128xf32, #tpu.memory_space<hbm>> -> memref<10000x128xf32, #tpu.memory_space<hbm>>
        tpu.enqueue_indirect_dma source(%dma_start3A_747 : memref<10000x128xf32, #tpu.memory_space<hbm>>) target(%arg7 : memref<80x128xf32, #tpu.memory_space<vmem>>) offsets(%dma_start3A_744 : memref<80xi32, #tpu.memory_space<vmem>>) semaphore(%arg12 : memref<!tpu.dma_semaphore, #tpu.memory_space<semaphore_mem>>)
      } else {
      }
    }
    %scan3A_295 = arith.constant 12 : i32
    %dma_wait3A_296 = arith.constant 0 : i32
    %dma_wait3A_297 = arith.constant 0 : i32
    %dma_wait3A_298 = arith.constant 0 : i32
    %dma_wait3A_299 = arith.constant 0 : i32
    %dma_wait3A_300 = arith.constant 0 : i32
    %dma_wait3A_301 = arith.constant 0 : i32
    %dma_wait3A_302 = tpu.memref_slice %arg6[%dma_wait3A_298, %dma_wait3A_299, %dma_wait3A_300, %dma_wait3A_301] : memref<2x2x25x80xi32, #tpu.memory_space<vmem>> -> memref<1x1x25x80xi32, #tpu.memory_space<vmem>>
    %dma_wait3A_303 = tpu.memref_squeeze %dma_wait3A_302 : memref<1x1x25x80xi32, #tpu.memory_space<vmem>> -> memref<25x80xi32, #tpu.memory_space<vmem>>
    %dma_wait3A_304 = arith.constant 0 : i32
    %dma_wait3A_305 = arith.constant 0 : i32
    %dma_wait3A_306 = tpu.memref_slice %arg3[%dma_wait3A_296, %dma_wait3A_297, %dma_wait3A_304, %dma_wait3A_305] : memref<32x5x25x80xi32, #tpu.memory_space<hbm>> -> memref<1x1x25x80xi32, #tpu.memory_space<hbm>>
    %dma_wait3A_307 = tpu.memref_squeeze %dma_wait3A_306 : memref<1x1x25x80xi32, #tpu.memory_space<hbm>> -> memref<25x80xi32, #tpu.memory_space<hbm>>
    %dma_wait3A_308 = arith.constant 0 : i32
    %dma_wait3A_309 = arith.constant 0 : i32
    %dma_wait3A_310 = tpu.memref_slice %arg6[%dma_wait3A_298, %dma_wait3A_299, %dma_wait3A_308, %dma_wait3A_309] : memref<2x2x25x80xi32, #tpu.memory_space<vmem>> -> memref<1x1x25x80xi32, #tpu.memory_space<vmem>>
    %dma_wait3A_311 = tpu.memref_squeeze %dma_wait3A_310 : memref<1x1x25x80xi32, #tpu.memory_space<vmem>> -> memref<25x80xi32, #tpu.memory_space<vmem>>
    %dma_wait3A_312 = arith.constant 0 : i32
    %dma_wait3A_313 = arith.constant 0 : i32
    %dma_wait3A_314 = tpu.memref_slice %arg3[%dma_wait3A_296, %dma_wait3A_297, %dma_wait3A_312, %dma_wait3A_313] : memref<32x5x25x80xi32, #tpu.memory_space<hbm>> -> memref<1x1x25x80xi32, #tpu.memory_space<hbm>>
    %dma_wait3A_315 = tpu.memref_squeeze %dma_wait3A_314 : memref<1x1x25x80xi32, #tpu.memory_space<hbm>> -> memref<25x80xi32, #tpu.memory_space<hbm>>
    tpu.wait_dma2 semaphore(%arg10 : memref<!tpu.dma_semaphore, #tpu.memory_space<semaphore_mem>>) src(%dma_wait3A_315 : memref<25x80xi32, #tpu.memory_space<hbm>>) dst(%dma_wait3A_311 : memref<25x80xi32, #tpu.memory_space<vmem>>)
    %dma_wait3A_316 = arith.constant 0 : i32
    %dma_wait3A_317 = arith.constant 0 : i32
    %dma_wait3A_318 = arith.constant 0 : i32
    %dma_wait3A_319 = arith.constant 1 : i32
    %dma_wait3A_320 = arith.constant 0 : i32
    %dma_wait3A_321 = arith.constant 0 : i32
    %dma_wait3A_322 = tpu.memref_slice %arg6[%dma_wait3A_318, %dma_wait3A_319, %dma_wait3A_320, %dma_wait3A_321] : memref<2x2x25x80xi32, #tpu.memory_space<vmem>> -> memref<1x1x25x80xi32, #tpu.memory_space<vmem>>
    %dma_wait3A_323 = tpu.memref_squeeze %dma_wait3A_322 : memref<1x1x25x80xi32, #tpu.memory_space<vmem>> -> memref<25x80xi32, #tpu.memory_space<vmem>>
    %dma_wait3A_324 = arith.constant 0 : i32
    %dma_wait3A_325 = arith.constant 0 : i32
    %dma_wait3A_326 = tpu.memref_slice %arg4[%dma_wait3A_316, %dma_wait3A_317, %dma_wait3A_324, %dma_wait3A_325] : memref<32x5x25x80xi32, #tpu.memory_space<hbm>> -> memref<1x1x25x80xi32, #tpu.memory_space<hbm>>
    %dma_wait3A_327 = tpu.memref_squeeze %dma_wait3A_326 : memref<1x1x25x80xi32, #tpu.memory_space<hbm>> -> memref<25x80xi32, #tpu.memory_space<hbm>>
    %dma_wait3A_328 = arith.constant 0 : i32
    %dma_wait3A_329 = arith.constant 0 : i32
    %dma_wait3A_330 = tpu.memref_slice %arg6[%dma_wait3A_318, %dma_wait3A_319, %dma_wait3A_328, %dma_wait3A_329] : memref<2x2x25x80xi32, #tpu.memory_space<vmem>> -> memref<1x1x25x80xi32, #tpu.memory_space<vmem>>
    %dma_wait3A_331 = tpu.memref_squeeze %dma_wait3A_330 : memref<1x1x25x80xi32, #tpu.memory_space<vmem>> -> memref<25x80xi32, #tpu.memory_space<vmem>>
    %dma_wait3A_332 = arith.constant 0 : i32
    %dma_wait3A_333 = arith.constant 0 : i32
    %dma_wait3A_334 = tpu.memref_slice %arg4[%dma_wait3A_316, %dma_wait3A_317, %dma_wait3A_332, %dma_wait3A_333] : memref<32x5x25x80xi32, #tpu.memory_space<hbm>> -> memref<1x1x25x80xi32, #tpu.memory_space<hbm>>
    %dma_wait3A_335 = tpu.memref_squeeze %dma_wait3A_334 : memref<1x1x25x80xi32, #tpu.memory_space<hbm>> -> memref<25x80xi32, #tpu.memory_space<hbm>>
    tpu.wait_dma2 semaphore(%arg10 : memref<!tpu.dma_semaphore, #tpu.memory_space<semaphore_mem>>) src(%dma_wait3A_335 : memref<25x80xi32, #tpu.memory_space<hbm>>) dst(%dma_wait3A_331 : memref<25x80xi32, #tpu.memory_space<vmem>>)
    %dma_start3A_336 = arith.constant 0 : i32
    %dma_start3A_337 = arith.constant 0 : i32
    %dma_start3A_338 = arith.constant 0 : i32
    %dma_start3A_339 = arith.constant 0 : i32
    %dma_start3A_340 = tpu.memref_slice %arg6[%dma_start3A_336, %dma_start3A_337, %dma_start3A_338, %dma_start3A_339] : memref<2x2x25x80xi32, #tpu.memory_space<vmem>> -> memref<1x1x1x80xi32, #tpu.memory_space<vmem>>
    %dma_start3A_341 = tpu.memref_squeeze %dma_start3A_340 : memref<1x1x1x80xi32, #tpu.memory_space<vmem>> -> memref<80xi32, #tpu.memory_space<vmem>>
    %dma_start3A_342 = arith.constant 0 : i32
    %dma_start3A_343 = arith.constant 0 : i32
    %dma_start3A_344 = tpu.memref_slice %arg2[%dma_start3A_342, %dma_start3A_343] : memref<10000x128xf32, #tpu.memory_space<hbm>> -> memref<10000x128xf32, #tpu.memory_space<hbm>>
    tpu.enqueue_indirect_dma source(%dma_start3A_344 : memref<10000x128xf32, #tpu.memory_space<hbm>>) target(%arg7 : memref<80x128xf32, #tpu.memory_space<vmem>>) offsets(%dma_start3A_341 : memref<80xi32, #tpu.memory_space<vmem>>) semaphore(%arg12 : memref<!tpu.dma_semaphore, #tpu.memory_space<semaphore_mem>>)
    %dma_wait3A_345 = arith.constant 0 : i32
    %dma_wait3A_346 = arith.constant 0 : i32
    %dma_wait3A_347 = arith.constant 0 : i32
    %dma_wait3A_348 = arith.constant 0 : i32
    %dma_wait3A_349 = tpu.memref_slice %arg6[%dma_wait3A_345, %dma_wait3A_346, %dma_wait3A_347, %dma_wait3A_348] : memref<2x2x25x80xi32, #tpu.memory_space<vmem>> -> memref<1x1x1x80xi32, #tpu.memory_space<vmem>>
    %dma_wait3A_350 = tpu.memref_squeeze %dma_wait3A_349 : memref<1x1x1x80xi32, #tpu.memory_space<vmem>> -> memref<80xi32, #tpu.memory_space<vmem>>
    %dma_wait3A_351 = arith.constant 0 : i32
    %dma_wait3A_352 = arith.constant 0 : i32
    %dma_wait3A_353 = tpu.memref_slice %arg2[%dma_wait3A_351, %dma_wait3A_352] : memref<10000x128xf32, #tpu.memory_space<hbm>> -> memref<10000x128xf32, #tpu.memory_space<hbm>>
    tpu.wait_indirect_dma semaphore(%arg12 : memref<!tpu.dma_semaphore, #tpu.memory_space<semaphore_mem>>) src(%dma_wait3A_353 : memref<10000x128xf32, #tpu.memory_space<hbm>>) dst(%arg7 : memref<80x128xf32, #tpu.memory_space<vmem>>)
    %dma_start3A_354 = arith.constant 0 : i32
    %dma_start3A_355 = arith.constant 1 : i32
    %dma_start3A_356 = arith.constant 0 : i32
    %dma_start3A_357 = arith.constant 0 : i32
    %dma_start3A_358 = tpu.memref_slice %arg6[%dma_start3A_354, %dma_start3A_355, %dma_start3A_356, %dma_start3A_357] : memref<2x2x25x80xi32, #tpu.memory_space<vmem>> -> memref<1x1x1x80xi32, #tpu.memory_space<vmem>>
    %dma_start3A_359 = tpu.memref_squeeze %dma_start3A_358 : memref<1x1x1x80xi32, #tpu.memory_space<vmem>> -> memref<80xi32, #tpu.memory_space<vmem>>
    %dma_start3A_360 = arith.constant 0 : i32
    %dma_start3A_361 = arith.constant 0 : i32
    %dma_start3A_362 = tpu.memref_slice %arg9[%dma_start3A_360, %dma_start3A_361] : memref<10000x128xf32, #tpu.memory_space<vmem_shared>> -> memref<10000x128xf32, #tpu.memory_space<vmem_shared>>
    tpu.enqueue_indirect_dma source(%arg7 : memref<80x128xf32, #tpu.memory_space<vmem>>) target(%dma_start3A_362 : memref<10000x128xf32, #tpu.memory_space<vmem_shared>>) offsets(%dma_start3A_359 : memref<80xi32, #tpu.memory_space<vmem>>) semaphore(%arg14 : memref<!tpu.dma_semaphore, #tpu.memory_space<semaphore_mem>>) {add = true}
    %dma_wait3A_363 = arith.constant 0 : i32
    %dma_wait3A_364 = arith.constant 1 : i32
    %dma_wait3A_365 = arith.constant 0 : i32
    %dma_wait3A_366 = arith.constant 0 : i32
    %dma_wait3A_367 = tpu.memref_slice %arg6[%dma_wait3A_363, %dma_wait3A_364, %dma_wait3A_365, %dma_wait3A_366] : memref<2x2x25x80xi32, #tpu.memory_space<vmem>> -> memref<1x1x1x80xi32, #tpu.memory_space<vmem>>
    %dma_wait3A_368 = tpu.memref_squeeze %dma_wait3A_367 : memref<1x1x1x80xi32, #tpu.memory_space<vmem>> -> memref<80xi32, #tpu.memory_space<vmem>>
    %dma_wait3A_369 = arith.constant 0 : i32
    %dma_wait3A_370 = arith.constant 0 : i32
    %dma_wait3A_371 = tpu.memref_slice %arg9[%dma_wait3A_369, %dma_wait3A_370] : memref<10000x128xf32, #tpu.memory_space<vmem_shared>> -> memref<10000x128xf32, #tpu.memory_space<vmem_shared>>
    tpu.wait_indirect_dma semaphore(%arg15 : memref<!tpu.dma_semaphore, #tpu.memory_space<semaphore_mem>>) src(%arg8 : memref<80x128xf32, #tpu.memory_space<vmem>>) dst(%dma_wait3A_371 : memref<10000x128xf32, #tpu.memory_space<vmem_shared>>)
    %dma_start3A_372 = arith.constant 0 : i32
    %dma_start3A_373 = arith.constant 0 : i32
    %dma_start3A_374 = arith.constant 1 : i32
    %dma_start3A_375 = arith.constant 0 : i32
    %dma_start3A_376 = tpu.memref_slice %arg6[%dma_start3A_372, %dma_start3A_373, %dma_start3A_374, %dma_start3A_375] : memref<2x2x25x80xi32, #tpu.memory_space<vmem>> -> memref<1x1x1x80xi32, #tpu.memory_space<vmem>>
    %dma_start3A_377 = tpu.memref_squeeze %dma_start3A_376 : memref<1x1x1x80xi32, #tpu.memory_space<vmem>> -> memref<80xi32, #tpu.memory_space<vmem>>
    %dma_start3A_378 = arith.constant 0 : i32
    %dma_start3A_379 = arith.constant 0 : i32
    %dma_start3A_380 = tpu.memref_slice %arg2[%dma_start3A_378, %dma_start3A_379] : memref<10000x128xf32, #tpu.memory_space<hbm>> -> memref<10000x128xf32, #tpu.memory_space<hbm>>
    tpu.enqueue_indirect_dma source(%dma_start3A_380 : memref<10000x128xf32, #tpu.memory_space<hbm>>) target(%arg8 : memref<80x128xf32, #tpu.memory_space<vmem>>) offsets(%dma_start3A_377 : memref<80xi32, #tpu.memory_space<vmem>>) semaphore(%arg13 : memref<!tpu.dma_semaphore, #tpu.memory_space<semaphore_mem>>)
    %dma_start3A_381 = arith.constant 3 : i32
    %dma_start3A_382 = arith.constant 1 : i32
    %dma_start3A_383 = arith.constant 0 : i32
    %dma_start3A_384 = arith.constant 0 : i32
    %dma_start3A_385 = arith.constant 0 : i32
    %dma_start3A_386 = tpu.memref_slice %arg6[%dma_start3A_382, %dma_start3A_383, %dma_start3A_384, %dma_start3A_385] : memref<2x2x25x80xi32, #tpu.memory_space<vmem>> -> memref<1x1x25x80xi32, #tpu.memory_space<vmem>>
    %dma_start3A_387 = tpu.memref_squeeze %dma_start3A_386 : memref<1x1x25x80xi32, #tpu.memory_space<vmem>> -> memref<25x80xi32, #tpu.memory_space<vmem>>
    %dma_start3A_388 = arith.constant 0 : i32
    %dma_start3A_389 = arith.constant 0 : i32
    %dma_start3A_390 = tpu.memref_slice %arg3[%add3A, %dma_start3A_381, %dma_start3A_388, %dma_start3A_389] : memref<32x5x25x80xi32, #tpu.memory_space<hbm>> -> memref<1x1x25x80xi32, #tpu.memory_space<hbm>>
    %dma_start3A_391 = tpu.memref_squeeze %dma_start3A_390 : memref<1x1x25x80xi32, #tpu.memory_space<hbm>> -> memref<25x80xi32, #tpu.memory_space<hbm>>
    %dma_start3A_392 = arith.constant 0 : i32
    %dma_start3A_393 = arith.constant 0 : i32
    %dma_start3A_394 = tpu.memref_slice %arg6[%dma_start3A_382, %dma_start3A_383, %dma_start3A_392, %dma_start3A_393] : memref<2x2x25x80xi32, #tpu.memory_space<vmem>> -> memref<1x1x25x80xi32, #tpu.memory_space<vmem>>
    %dma_start3A_395 = tpu.memref_squeeze %dma_start3A_394 : memref<1x1x25x80xi32, #tpu.memory_space<vmem>> -> memref<25x80xi32, #tpu.memory_space<vmem>>
    %dma_start3A_396 = arith.constant 0 : i32
    %dma_start3A_397 = arith.constant 0 : i32
    %dma_start3A_398 = tpu.memref_slice %arg3[%add3A, %dma_start3A_381, %dma_start3A_396, %dma_start3A_397] : memref<32x5x25x80xi32, #tpu.memory_space<hbm>> -> memref<1x1x25x80xi32, #tpu.memory_space<hbm>>
    %dma_start3A_399 = tpu.memref_squeeze %dma_start3A_398 : memref<1x1x25x80xi32, #tpu.memory_space<hbm>> -> memref<25x80xi32, #tpu.memory_space<hbm>>
    tpu.enqueue_dma source(%dma_start3A_399 : memref<25x80xi32, #tpu.memory_space<hbm>>) target(%dma_start3A_395 : memref<25x80xi32, #tpu.memory_space<vmem>>) target_semaphore(%arg11 : memref<!tpu.dma_semaphore, #tpu.memory_space<semaphore_mem>>)
    %dma_start3A_400 = arith.constant 3 : i32
    %dma_start3A_401 = arith.constant 1 : i32
    %dma_start3A_402 = arith.constant 1 : i32
    %dma_start3A_403 = arith.constant 0 : i32
    %dma_start3A_404 = arith.constant 0 : i32
    %dma_start3A_405 = tpu.memref_slice %arg6[%dma_start3A_401, %dma_start3A_402, %dma_start3A_403, %dma_start3A_404] : memref<2x2x25x80xi32, #tpu.memory_space<vmem>> -> memref<1x1x25x80xi32, #tpu.memory_space<vmem>>
    %dma_start3A_406 = tpu.memref_squeeze %dma_start3A_405 : memref<1x1x25x80xi32, #tpu.memory_space<vmem>> -> memref<25x80xi32, #tpu.memory_space<vmem>>
    %dma_start3A_407 = arith.constant 0 : i32
    %dma_start3A_408 = arith.constant 0 : i32
    %dma_start3A_409 = tpu.memref_slice %arg4[%add3A, %dma_start3A_400, %dma_start3A_407, %dma_start3A_408] : memref<32x5x25x80xi32, #tpu.memory_space<hbm>> -> memref<1x1x25x80xi32, #tpu.memory_space<hbm>>
    %dma_start3A_410 = tpu.memref_squeeze %dma_start3A_409 : memref<1x1x25x80xi32, #tpu.memory_space<hbm>> -> memref<25x80xi32, #tpu.memory_space<hbm>>
    %dma_start3A_411 = arith.constant 0 : i32
    %dma_start3A_412 = arith.constant 0 : i32
    %dma_start3A_413 = tpu.memref_slice %arg6[%dma_start3A_401, %dma_start3A_402, %dma_start3A_411, %dma_start3A_412] : memref<2x2x25x80xi32, #tpu.memory_space<vmem>> -> memref<1x1x25x80xi32, #tpu.memory_space<vmem>>
    %dma_start3A_414 = tpu.memref_squeeze %dma_start3A_413 : memref<1x1x25x80xi32, #tpu.memory_space<vmem>> -> memref<25x80xi32, #tpu.memory_space<vmem>>
    %dma_start3A_415 = arith.constant 0 : i32
    %dma_start3A_416 = arith.constant 0 : i32
    %dma_start3A_417 = tpu.memref_slice %arg4[%add3A, %dma_start3A_400, %dma_start3A_415, %dma_start3A_416] : memref<32x5x25x80xi32, #tpu.memory_space<hbm>> -> memref<1x1x25x80xi32, #tpu.memory_space<hbm>>
    %dma_start3A_418 = tpu.memref_squeeze %dma_start3A_417 : memref<1x1x25x80xi32, #tpu.memory_space<hbm>> -> memref<25x80xi32, #tpu.memory_space<hbm>>
    tpu.enqueue_dma source(%dma_start3A_418 : memref<25x80xi32, #tpu.memory_space<hbm>>) target(%dma_start3A_414 : memref<25x80xi32, #tpu.memory_space<vmem>>) target_semaphore(%arg11 : memref<!tpu.dma_semaphore, #tpu.memory_space<semaphore_mem>>)
    %scan3A_419 = arith.constant 0 : i32
    %scan3A_420 = arith.constant 12 : i32
    %scan3A_421 = arith.addi %scan3A_419, %scan3A_420 : i32
    %scan3A_422 = arith.constant 1 : i32
    scf.for %scan3A_662 = %scan3A_419 to %scan3A_421 step %scan3A_422  : i32 {
      %mul3A_663 = arith.constant 2 : i32
      %mul3A_664 = arith.muli %scan3A_662, %mul3A_663 : i32
      %add3A_665 = arith.constant 1 : i32
      %add3A_666 = arith.addi %add3A_665, %mul3A_664 : i32
      %dma_wait3A_667 = arith.constant 0 : i32
      %dma_wait3A_668 = arith.constant 0 : i32
      %dma_wait3A_669 = arith.constant 0 : i32
      %dma_wait3A_670 = arith.constant 0 : i32
      %dma_wait3A_671 = tpu.memref_slice %arg6[%dma_wait3A_667, %dma_wait3A_668, %dma_wait3A_669, %dma_wait3A_670] : memref<2x2x25x80xi32, #tpu.memory_space<vmem>> -> memref<1x1x1x80xi32, #tpu.memory_space<vmem>>
      %dma_wait3A_672 = tpu.memref_squeeze %dma_wait3A_671 : memref<1x1x1x80xi32, #tpu.memory_space<vmem>> -> memref<80xi32, #tpu.memory_space<vmem>>
      %dma_wait3A_673 = arith.constant 0 : i32
      %dma_wait3A_674 = arith.constant 0 : i32
      %dma_wait3A_675 = tpu.memref_slice %arg2[%dma_wait3A_673, %dma_wait3A_674] : memref<10000x128xf32, #tpu.memory_space<hbm>> -> memref<10000x128xf32, #tpu.memory_space<hbm>>
      tpu.wait_indirect_dma semaphore(%arg13 : memref<!tpu.dma_semaphore, #tpu.memory_space<semaphore_mem>>) src(%dma_wait3A_675 : memref<10000x128xf32, #tpu.memory_space<hbm>>) dst(%arg8 : memref<80x128xf32, #tpu.memory_space<vmem>>)
      %dma_start3A_676 = arith.constant 0 : i32
      %dma_start3A_677 = arith.constant 1 : i32
      %dma_start3A_678 = arith.constant 0 : i32
      %dma_start3A_679 = tpu.memref_slice %arg6[%dma_start3A_676, %dma_start3A_677, %add3A_666, %dma_start3A_678] : memref<2x2x25x80xi32, #tpu.memory_space<vmem>> -> memref<1x1x1x80xi32, #tpu.memory_space<vmem>>
      %dma_start3A_680 = tpu.memref_squeeze %dma_start3A_679 : memref<1x1x1x80xi32, #tpu.memory_space<vmem>> -> memref<80xi32, #tpu.memory_space<vmem>>
      %dma_start3A_681 = arith.constant 0 : i32
      %dma_start3A_682 = arith.constant 0 : i32
      %dma_start3A_683 = tpu.memref_slice %arg9[%dma_start3A_681, %dma_start3A_682] : memref<10000x128xf32, #tpu.memory_space<vmem_shared>> -> memref<10000x128xf32, #tpu.memory_space<vmem_shared>>
      tpu.enqueue_indirect_dma source(%arg8 : memref<80x128xf32, #tpu.memory_space<vmem>>) target(%dma_start3A_683 : memref<10000x128xf32, #tpu.memory_space<vmem_shared>>) offsets(%dma_start3A_680 : memref<80xi32, #tpu.memory_space<vmem>>) semaphore(%arg15 : memref<!tpu.dma_semaphore, #tpu.memory_space<semaphore_mem>>) {add = true}
      %dma_wait3A_684 = arith.constant 0 : i32
      %dma_wait3A_685 = arith.constant 1 : i32
      %dma_wait3A_686 = arith.constant 0 : i32
      %dma_wait3A_687 = arith.constant 0 : i32
      %dma_wait3A_688 = tpu.memref_slice %arg6[%dma_wait3A_684, %dma_wait3A_685, %dma_wait3A_686, %dma_wait3A_687] : memref<2x2x25x80xi32, #tpu.memory_space<vmem>> -> memref<1x1x1x80xi32, #tpu.memory_space<vmem>>
      %dma_wait3A_689 = tpu.memref_squeeze %dma_wait3A_688 : memref<1x1x1x80xi32, #tpu.memory_space<vmem>> -> memref<80xi32, #tpu.memory_space<vmem>>
      %dma_wait3A_690 = arith.constant 0 : i32
      %dma_wait3A_691 = arith.constant 0 : i32
      %dma_wait3A_692 = tpu.memref_slice %arg9[%dma_wait3A_690, %dma_wait3A_691] : memref<10000x128xf32, #tpu.memory_space<vmem_shared>> -> memref<10000x128xf32, #tpu.memory_space<vmem_shared>>
      tpu.wait_indirect_dma semaphore(%arg14 : memref<!tpu.dma_semaphore, #tpu.memory_space<semaphore_mem>>) src(%arg7 : memref<80x128xf32, #tpu.memory_space<vmem>>) dst(%dma_wait3A_692 : memref<10000x128xf32, #tpu.memory_space<vmem_shared>>)
      %add3A_693 = arith.constant 1 : i32
      %add3A_694 = arith.addi %add3A_666, %add3A_693 : i32
      %dma_start3A_695 = arith.constant 0 : i32
      %dma_start3A_696 = arith.constant 0 : i32
      %dma_start3A_697 = arith.constant 0 : i32
      %dma_start3A_698 = tpu.memref_slice %arg6[%dma_start3A_695, %dma_start3A_696, %add3A_694, %dma_start3A_697] : memref<2x2x25x80xi32, #tpu.memory_space<vmem>> -> memref<1x1x1x80xi32, #tpu.memory_space<vmem>>
      %dma_start3A_699 = tpu.memref_squeeze %dma_start3A_698 : memref<1x1x1x80xi32, #tpu.memory_space<vmem>> -> memref<80xi32, #tpu.memory_space<vmem>>
      %dma_start3A_700 = arith.constant 0 : i32
      %dma_start3A_701 = arith.constant 0 : i32
      %dma_start3A_702 = tpu.memref_slice %arg2[%dma_start3A_700, %dma_start3A_701] : memref<10000x128xf32, #tpu.memory_space<hbm>> -> memref<10000x128xf32, #tpu.memory_space<hbm>>
      tpu.enqueue_indirect_dma source(%dma_start3A_702 : memref<10000x128xf32, #tpu.memory_space<hbm>>) target(%arg7 : memref<80x128xf32, #tpu.memory_space<vmem>>) offsets(%dma_start3A_699 : memref<80xi32, #tpu.memory_space<vmem>>) semaphore(%arg12 : memref<!tpu.dma_semaphore, #tpu.memory_space<semaphore_mem>>)
      %dma_wait3A_703 = arith.constant 0 : i32
      %dma_wait3A_704 = arith.constant 0 : i32
      %dma_wait3A_705 = arith.constant 0 : i32
      %dma_wait3A_706 = arith.constant 0 : i32
      %dma_wait3A_707 = tpu.memref_slice %arg6[%dma_wait3A_703, %dma_wait3A_704, %dma_wait3A_705, %dma_wait3A_706] : memref<2x2x25x80xi32, #tpu.memory_space<vmem>> -> memref<1x1x1x80xi32, #tpu.memory_space<vmem>>
      %dma_wait3A_708 = tpu.memref_squeeze %dma_wait3A_707 : memref<1x1x1x80xi32, #tpu.memory_space<vmem>> -> memref<80xi32, #tpu.memory_space<vmem>>
      %dma_wait3A_709 = arith.constant 0 : i32
      %dma_wait3A_710 = arith.constant 0 : i32
      %dma_wait3A_711 = tpu.memref_slice %arg2[%dma_wait3A_709, %dma_wait3A_710] : memref<10000x128xf32, #tpu.memory_space<hbm>> -> memref<10000x128xf32, #tpu.memory_space<hbm>>
      tpu.wait_indirect_dma semaphore(%arg12 : memref<!tpu.dma_semaphore, #tpu.memory_space<semaphore_mem>>) src(%dma_wait3A_711 : memref<10000x128xf32, #tpu.memory_space<hbm>>) dst(%arg7 : memref<80x128xf32, #tpu.memory_space<vmem>>)
      %add3A_712 = arith.constant 1 : i32
      %add3A_713 = arith.addi %add3A_666, %add3A_712 : i32
      %dma_start3A_714 = arith.constant 0 : i32
      %dma_start3A_715 = arith.constant 1 : i32
      %dma_start3A_716 = arith.constant 0 : i32
      %dma_start3A_717 = tpu.memref_slice %arg6[%dma_start3A_714, %dma_start3A_715, %add3A_713, %dma_start3A_716] : memref<2x2x25x80xi32, #tpu.memory_space<vmem>> -> memref<1x1x1x80xi32, #tpu.memory_space<vmem>>
      %dma_start3A_718 = tpu.memref_squeeze %dma_start3A_717 : memref<1x1x1x80xi32, #tpu.memory_space<vmem>> -> memref<80xi32, #tpu.memory_space<vmem>>
      %dma_start3A_719 = arith.constant 0 : i32
      %dma_start3A_720 = arith.constant 0 : i32
      %dma_start3A_721 = tpu.memref_slice %arg9[%dma_start3A_719, %dma_start3A_720] : memref<10000x128xf32, #tpu.memory_space<vmem_shared>> -> memref<10000x128xf32, #tpu.memory_space<vmem_shared>>
      tpu.enqueue_indirect_dma source(%arg7 : memref<80x128xf32, #tpu.memory_space<vmem>>) target(%dma_start3A_721 : memref<10000x128xf32, #tpu.memory_space<vmem_shared>>) offsets(%dma_start3A_718 : memref<80xi32, #tpu.memory_space<vmem>>) semaphore(%arg14 : memref<!tpu.dma_semaphore, #tpu.memory_space<semaphore_mem>>) {add = true}
      %dma_wait3A_722 = arith.constant 0 : i32
      %dma_wait3A_723 = arith.constant 1 : i32
      %dma_wait3A_724 = arith.constant 0 : i32
      %dma_wait3A_725 = arith.constant 0 : i32
      %dma_wait3A_726 = tpu.memref_slice %arg6[%dma_wait3A_722, %dma_wait3A_723, %dma_wait3A_724, %dma_wait3A_725] : memref<2x2x25x80xi32, #tpu.memory_space<vmem>> -> memref<1x1x1x80xi32, #tpu.memory_space<vmem>>
      %dma_wait3A_727 = tpu.memref_squeeze %dma_wait3A_726 : memref<1x1x1x80xi32, #tpu.memory_space<vmem>> -> memref<80xi32, #tpu.memory_space<vmem>>
      %dma_wait3A_728 = arith.constant 0 : i32
      %dma_wait3A_729 = arith.constant 0 : i32
      %dma_wait3A_730 = tpu.memref_slice %arg9[%dma_wait3A_728, %dma_wait3A_729] : memref<10000x128xf32, #tpu.memory_space<vmem_shared>> -> memref<10000x128xf32, #tpu.memory_space<vmem_shared>>
      tpu.wait_indirect_dma semaphore(%arg15 : memref<!tpu.dma_semaphore, #tpu.memory_space<semaphore_mem>>) src(%arg8 : memref<80x128xf32, #tpu.memory_space<vmem>>) dst(%dma_wait3A_730 : memref<10000x128xf32, #tpu.memory_space<vmem_shared>>)
      %add3A_731 = arith.constant 2 : i32
      %add3A_732 = arith.addi %add3A_666, %add3A_731 : i32
      %lt3A_733 = arith.constant 25 : i32
      %lt3A_734 = arith.cmpi slt, %add3A_732, %lt3A_733 : i32
      %convert_element_type3A_735 = arith.extui %lt3A_734 : i1 to i32
      %cond3A_736 = arith.constant 0 : i32
      %cond3A_737 = arith.cmpi ne, %convert_element_type3A_735, %cond3A_736 : i32
      scf.if %cond3A_737 {
        %add3A_738 = arith.constant 2 : i32
        %add3A_739 = arith.addi %add3A_666, %add3A_738 : i32
        %dma_start3A_740 = arith.constant 0 : i32
        %dma_start3A_741 = arith.constant 0 : i32
        %dma_start3A_742 = arith.constant 0 : i32
        %dma_start3A_743 = tpu.memref_slice %arg6[%dma_start3A_740, %dma_start3A_741, %add3A_739, %dma_start3A_742] : memref<2x2x25x80xi32, #tpu.memory_space<vmem>> -> memref<1x1x1x80xi32, #tpu.memory_space<vmem>>
        %dma_start3A_744 = tpu.memref_squeeze %dma_start3A_743 : memref<1x1x1x80xi32, #tpu.memory_space<vmem>> -> memref<80xi32, #tpu.memory_space<vmem>>
        %dma_start3A_745 = arith.constant 0 : i32
        %dma_start3A_746 = arith.constant 0 : i32
        %dma_start3A_747 = tpu.memref_slice %arg2[%dma_start3A_745, %dma_start3A_746] : memref<10000x128xf32, #tpu.memory_space<hbm>> -> memref<10000x128xf32, #tpu.memory_space<hbm>>
        tpu.enqueue_indirect_dma source(%dma_start3A_747 : memref<10000x128xf32, #tpu.memory_space<hbm>>) target(%arg8 : memref<80x128xf32, #tpu.memory_space<vmem>>) offsets(%dma_start3A_744 : memref<80xi32, #tpu.memory_space<vmem>>) semaphore(%arg13 : memref<!tpu.dma_semaphore, #tpu.memory_space<semaphore_mem>>)
      } else {
      }
    }
    %scan3A_423 = arith.constant 12 : i32
    %dma_wait3A_424 = arith.constant 0 : i32
    %dma_wait3A_425 = arith.constant 0 : i32
    %dma_wait3A_426 = arith.constant 1 : i32
    %dma_wait3A_427 = arith.constant 0 : i32
    %dma_wait3A_428 = arith.constant 0 : i32
    %dma_wait3A_429 = arith.constant 0 : i32
    %dma_wait3A_430 = tpu.memref_slice %arg6[%dma_wait3A_426, %dma_wait3A_427, %dma_wait3A_428, %dma_wait3A_429] : memref<2x2x25x80xi32, #tpu.memory_space<vmem>> -> memref<1x1x25x80xi32, #tpu.memory_space<vmem>>
    %dma_wait3A_431 = tpu.memref_squeeze %dma_wait3A_430 : memref<1x1x25x80xi32, #tpu.memory_space<vmem>> -> memref<25x80xi32, #tpu.memory_space<vmem>>
    %dma_wait3A_432 = arith.constant 0 : i32
    %dma_wait3A_433 = arith.constant 0 : i32
    %dma_wait3A_434 = tpu.memref_slice %arg3[%dma_wait3A_424, %dma_wait3A_425, %dma_wait3A_432, %dma_wait3A_433] : memref<32x5x25x80xi32, #tpu.memory_space<hbm>> -> memref<1x1x25x80xi32, #tpu.memory_space<hbm>>
    %dma_wait3A_435 = tpu.memref_squeeze %dma_wait3A_434 : memref<1x1x25x80xi32, #tpu.memory_space<hbm>> -> memref<25x80xi32, #tpu.memory_space<hbm>>
    %dma_wait3A_436 = arith.constant 0 : i32
    %dma_wait3A_437 = arith.constant 0 : i32
    %dma_wait3A_438 = tpu.memref_slice %arg6[%dma_wait3A_426, %dma_wait3A_427, %dma_wait3A_436, %dma_wait3A_437] : memref<2x2x25x80xi32, #tpu.memory_space<vmem>> -> memref<1x1x25x80xi32, #tpu.memory_space<vmem>>
    %dma_wait3A_439 = tpu.memref_squeeze %dma_wait3A_438 : memref<1x1x25x80xi32, #tpu.memory_space<vmem>> -> memref<25x80xi32, #tpu.memory_space<vmem>>
    %dma_wait3A_440 = arith.constant 0 : i32
    %dma_wait3A_441 = arith.constant 0 : i32
    %dma_wait3A_442 = tpu.memref_slice %arg3[%dma_wait3A_424, %dma_wait3A_425, %dma_wait3A_440, %dma_wait3A_441] : memref<32x5x25x80xi32, #tpu.memory_space<hbm>> -> memref<1x1x25x80xi32, #tpu.memory_space<hbm>>
    %dma_wait3A_443 = tpu.memref_squeeze %dma_wait3A_442 : memref<1x1x25x80xi32, #tpu.memory_space<hbm>> -> memref<25x80xi32, #tpu.memory_space<hbm>>
    tpu.wait_dma2 semaphore(%arg11 : memref<!tpu.dma_semaphore, #tpu.memory_space<semaphore_mem>>) src(%dma_wait3A_443 : memref<25x80xi32, #tpu.memory_space<hbm>>) dst(%dma_wait3A_439 : memref<25x80xi32, #tpu.memory_space<vmem>>)
    %dma_wait3A_444 = arith.constant 0 : i32
    %dma_wait3A_445 = arith.constant 0 : i32
    %dma_wait3A_446 = arith.constant 1 : i32
    %dma_wait3A_447 = arith.constant 1 : i32
    %dma_wait3A_448 = arith.constant 0 : i32
    %dma_wait3A_449 = arith.constant 0 : i32
    %dma_wait3A_450 = tpu.memref_slice %arg6[%dma_wait3A_446, %dma_wait3A_447, %dma_wait3A_448, %dma_wait3A_449] : memref<2x2x25x80xi32, #tpu.memory_space<vmem>> -> memref<1x1x25x80xi32, #tpu.memory_space<vmem>>
    %dma_wait3A_451 = tpu.memref_squeeze %dma_wait3A_450 : memref<1x1x25x80xi32, #tpu.memory_space<vmem>> -> memref<25x80xi32, #tpu.memory_space<vmem>>
    %dma_wait3A_452 = arith.constant 0 : i32
    %dma_wait3A_453 = arith.constant 0 : i32
    %dma_wait3A_454 = tpu.memref_slice %arg4[%dma_wait3A_444, %dma_wait3A_445, %dma_wait3A_452, %dma_wait3A_453] : memref<32x5x25x80xi32, #tpu.memory_space<hbm>> -> memref<1x1x25x80xi32, #tpu.memory_space<hbm>>
    %dma_wait3A_455 = tpu.memref_squeeze %dma_wait3A_454 : memref<1x1x25x80xi32, #tpu.memory_space<hbm>> -> memref<25x80xi32, #tpu.memory_space<hbm>>
    %dma_wait3A_456 = arith.constant 0 : i32
    %dma_wait3A_457 = arith.constant 0 : i32
    %dma_wait3A_458 = tpu.memref_slice %arg6[%dma_wait3A_446, %dma_wait3A_447, %dma_wait3A_456, %dma_wait3A_457] : memref<2x2x25x80xi32, #tpu.memory_space<vmem>> -> memref<1x1x25x80xi32, #tpu.memory_space<vmem>>
    %dma_wait3A_459 = tpu.memref_squeeze %dma_wait3A_458 : memref<1x1x25x80xi32, #tpu.memory_space<vmem>> -> memref<25x80xi32, #tpu.memory_space<vmem>>
    %dma_wait3A_460 = arith.constant 0 : i32
    %dma_wait3A_461 = arith.constant 0 : i32
    %dma_wait3A_462 = tpu.memref_slice %arg4[%dma_wait3A_444, %dma_wait3A_445, %dma_wait3A_460, %dma_wait3A_461] : memref<32x5x25x80xi32, #tpu.memory_space<hbm>> -> memref<1x1x25x80xi32, #tpu.memory_space<hbm>>
    %dma_wait3A_463 = tpu.memref_squeeze %dma_wait3A_462 : memref<1x1x25x80xi32, #tpu.memory_space<hbm>> -> memref<25x80xi32, #tpu.memory_space<hbm>>
    tpu.wait_dma2 semaphore(%arg11 : memref<!tpu.dma_semaphore, #tpu.memory_space<semaphore_mem>>) src(%dma_wait3A_463 : memref<25x80xi32, #tpu.memory_space<hbm>>) dst(%dma_wait3A_459 : memref<25x80xi32, #tpu.memory_space<vmem>>)
    %dma_start3A_464 = arith.constant 1 : i32
    %dma_start3A_465 = arith.constant 0 : i32
    %dma_start3A_466 = arith.constant 0 : i32
    %dma_start3A_467 = arith.constant 0 : i32
    %dma_start3A_468 = tpu.memref_slice %arg6[%dma_start3A_464, %dma_start3A_465, %dma_start3A_466, %dma_start3A_467] : memref<2x2x25x80xi32, #tpu.memory_space<vmem>> -> memref<1x1x1x80xi32, #tpu.memory_space<vmem>>
    %dma_start3A_469 = tpu.memref_squeeze %dma_start3A_468 : memref<1x1x1x80xi32, #tpu.memory_space<vmem>> -> memref<80xi32, #tpu.memory_space<vmem>>
    %dma_start3A_470 = arith.constant 0 : i32
    %dma_start3A_471 = arith.constant 0 : i32
    %dma_start3A_472 = tpu.memref_slice %arg2[%dma_start3A_470, %dma_start3A_471] : memref<10000x128xf32, #tpu.memory_space<hbm>> -> memref<10000x128xf32, #tpu.memory_space<hbm>>
    tpu.enqueue_indirect_dma source(%dma_start3A_472 : memref<10000x128xf32, #tpu.memory_space<hbm>>) target(%arg8 : memref<80x128xf32, #tpu.memory_space<vmem>>) offsets(%dma_start3A_469 : memref<80xi32, #tpu.memory_space<vmem>>) semaphore(%arg13 : memref<!tpu.dma_semaphore, #tpu.memory_space<semaphore_mem>>)
    %dma_wait3A_473 = arith.constant 0 : i32
    %dma_wait3A_474 = arith.constant 0 : i32
    %dma_wait3A_475 = arith.constant 0 : i32
    %dma_wait3A_476 = arith.constant 0 : i32
    %dma_wait3A_477 = tpu.memref_slice %arg6[%dma_wait3A_473, %dma_wait3A_474, %dma_wait3A_475, %dma_wait3A_476] : memref<2x2x25x80xi32, #tpu.memory_space<vmem>> -> memref<1x1x1x80xi32, #tpu.memory_space<vmem>>
    %dma_wait3A_478 = tpu.memref_squeeze %dma_wait3A_477 : memref<1x1x1x80xi32, #tpu.memory_space<vmem>> -> memref<80xi32, #tpu.memory_space<vmem>>
    %dma_wait3A_479 = arith.constant 0 : i32
    %dma_wait3A_480 = arith.constant 0 : i32
    %dma_wait3A_481 = tpu.memref_slice %arg2[%dma_wait3A_479, %dma_wait3A_480] : memref<10000x128xf32, #tpu.memory_space<hbm>> -> memref<10000x128xf32, #tpu.memory_space<hbm>>
    tpu.wait_indirect_dma semaphore(%arg13 : memref<!tpu.dma_semaphore, #tpu.memory_space<semaphore_mem>>) src(%dma_wait3A_481 : memref<10000x128xf32, #tpu.memory_space<hbm>>) dst(%arg8 : memref<80x128xf32, #tpu.memory_space<vmem>>)
    %dma_start3A_482 = arith.constant 1 : i32
    %dma_start3A_483 = arith.constant 1 : i32
    %dma_start3A_484 = arith.constant 0 : i32
    %dma_start3A_485 = arith.constant 0 : i32
    %dma_start3A_486 = tpu.memref_slice %arg6[%dma_start3A_482, %dma_start3A_483, %dma_start3A_484, %dma_start3A_485] : memref<2x2x25x80xi32, #tpu.memory_space<vmem>> -> memref<1x1x1x80xi32, #tpu.memory_space<vmem>>
    %dma_start3A_487 = tpu.memref_squeeze %dma_start3A_486 : memref<1x1x1x80xi32, #tpu.memory_space<vmem>> -> memref<80xi32, #tpu.memory_space<vmem>>
    %dma_start3A_488 = arith.constant 0 : i32
    %dma_start3A_489 = arith.constant 0 : i32
    %dma_start3A_490 = tpu.memref_slice %arg9[%dma_start3A_488, %dma_start3A_489] : memref<10000x128xf32, #tpu.memory_space<vmem_shared>> -> memref<10000x128xf32, #tpu.memory_space<vmem_shared>>
    tpu.enqueue_indirect_dma source(%arg8 : memref<80x128xf32, #tpu.memory_space<vmem>>) target(%dma_start3A_490 : memref<10000x128xf32, #tpu.memory_space<vmem_shared>>) offsets(%dma_start3A_487 : memref<80xi32, #tpu.memory_space<vmem>>) semaphore(%arg15 : memref<!tpu.dma_semaphore, #tpu.memory_space<semaphore_mem>>) {add = true}
    %dma_wait3A_491 = arith.constant 0 : i32
    %dma_wait3A_492 = arith.constant 1 : i32
    %dma_wait3A_493 = arith.constant 0 : i32
    %dma_wait3A_494 = arith.constant 0 : i32
    %dma_wait3A_495 = tpu.memref_slice %arg6[%dma_wait3A_491, %dma_wait3A_492, %dma_wait3A_493, %dma_wait3A_494] : memref<2x2x25x80xi32, #tpu.memory_space<vmem>> -> memref<1x1x1x80xi32, #tpu.memory_space<vmem>>
    %dma_wait3A_496 = tpu.memref_squeeze %dma_wait3A_495 : memref<1x1x1x80xi32, #tpu.memory_space<vmem>> -> memref<80xi32, #tpu.memory_space<vmem>>
    %dma_wait3A_497 = arith.constant 0 : i32
    %dma_wait3A_498 = arith.constant 0 : i32
    %dma_wait3A_499 = tpu.memref_slice %arg9[%dma_wait3A_497, %dma_wait3A_498] : memref<10000x128xf32, #tpu.memory_space<vmem_shared>> -> memref<10000x128xf32, #tpu.memory_space<vmem_shared>>
    tpu.wait_indirect_dma semaphore(%arg14 : memref<!tpu.dma_semaphore, #tpu.memory_space<semaphore_mem>>) src(%arg7 : memref<80x128xf32, #tpu.memory_space<vmem>>) dst(%dma_wait3A_499 : memref<10000x128xf32, #tpu.memory_space<vmem_shared>>)
    %dma_start3A_500 = arith.constant 1 : i32
    %dma_start3A_501 = arith.constant 0 : i32
    %dma_start3A_502 = arith.constant 1 : i32
    %dma_start3A_503 = arith.constant 0 : i32
    %dma_start3A_504 = tpu.memref_slice %arg6[%dma_start3A_500, %dma_start3A_501, %dma_start3A_502, %dma_start3A_503] : memref<2x2x25x80xi32, #tpu.memory_space<vmem>> -> memref<1x1x1x80xi32, #tpu.memory_space<vmem>>
    %dma_start3A_505 = tpu.memref_squeeze %dma_start3A_504 : memref<1x1x1x80xi32, #tpu.memory_space<vmem>> -> memref<80xi32, #tpu.memory_space<vmem>>
    %dma_start3A_506 = arith.constant 0 : i32
    %dma_start3A_507 = arith.constant 0 : i32
    %dma_start3A_508 = tpu.memref_slice %arg2[%dma_start3A_506, %dma_start3A_507] : memref<10000x128xf32, #tpu.memory_space<hbm>> -> memref<10000x128xf32, #tpu.memory_space<hbm>>
    tpu.enqueue_indirect_dma source(%dma_start3A_508 : memref<10000x128xf32, #tpu.memory_space<hbm>>) target(%arg7 : memref<80x128xf32, #tpu.memory_space<vmem>>) offsets(%dma_start3A_505 : memref<80xi32, #tpu.memory_space<vmem>>) semaphore(%arg12 : memref<!tpu.dma_semaphore, #tpu.memory_space<semaphore_mem>>)
    %dma_start3A_509 = arith.constant 4 : i32
    %dma_start3A_510 = arith.constant 0 : i32
    %dma_start3A_511 = arith.constant 0 : i32
    %dma_start3A_512 = arith.constant 0 : i32
    %dma_start3A_513 = arith.constant 0 : i32
    %dma_start3A_514 = tpu.memref_slice %arg6[%dma_start3A_510, %dma_start3A_511, %dma_start3A_512, %dma_start3A_513] : memref<2x2x25x80xi32, #tpu.memory_space<vmem>> -> memref<1x1x25x80xi32, #tpu.memory_space<vmem>>
    %dma_start3A_515 = tpu.memref_squeeze %dma_start3A_514 : memref<1x1x25x80xi32, #tpu.memory_space<vmem>> -> memref<25x80xi32, #tpu.memory_space<vmem>>
    %dma_start3A_516 = arith.constant 0 : i32
    %dma_start3A_517 = arith.constant 0 : i32
    %dma_start3A_518 = tpu.memref_slice %arg3[%add3A, %dma_start3A_509, %dma_start3A_516, %dma_start3A_517] : memref<32x5x25x80xi32, #tpu.memory_space<hbm>> -> memref<1x1x25x80xi32, #tpu.memory_space<hbm>>
    %dma_start3A_519 = tpu.memref_squeeze %dma_start3A_518 : memref<1x1x25x80xi32, #tpu.memory_space<hbm>> -> memref<25x80xi32, #tpu.memory_space<hbm>>
    %dma_start3A_520 = arith.constant 0 : i32
    %dma_start3A_521 = arith.constant 0 : i32
    %dma_start3A_522 = tpu.memref_slice %arg6[%dma_start3A_510, %dma_start3A_511, %dma_start3A_520, %dma_start3A_521] : memref<2x2x25x80xi32, #tpu.memory_space<vmem>> -> memref<1x1x25x80xi32, #tpu.memory_space<vmem>>
    %dma_start3A_523 = tpu.memref_squeeze %dma_start3A_522 : memref<1x1x25x80xi32, #tpu.memory_space<vmem>> -> memref<25x80xi32, #tpu.memory_space<vmem>>
    %dma_start3A_524 = arith.constant 0 : i32
    %dma_start3A_525 = arith.constant 0 : i32
    %dma_start3A_526 = tpu.memref_slice %arg3[%add3A, %dma_start3A_509, %dma_start3A_524, %dma_start3A_525] : memref<32x5x25x80xi32, #tpu.memory_space<hbm>> -> memref<1x1x25x80xi32, #tpu.memory_space<hbm>>
    %dma_start3A_527 = tpu.memref_squeeze %dma_start3A_526 : memref<1x1x25x80xi32, #tpu.memory_space<hbm>> -> memref<25x80xi32, #tpu.memory_space<hbm>>
    tpu.enqueue_dma source(%dma_start3A_527 : memref<25x80xi32, #tpu.memory_space<hbm>>) target(%dma_start3A_523 : memref<25x80xi32, #tpu.memory_space<vmem>>) target_semaphore(%arg10 : memref<!tpu.dma_semaphore, #tpu.memory_space<semaphore_mem>>)
    %dma_start3A_528 = arith.constant 4 : i32
    %dma_start3A_529 = arith.constant 0 : i32
    %dma_start3A_530 = arith.constant 1 : i32
    %dma_start3A_531 = arith.constant 0 : i32
    %dma_start3A_532 = arith.constant 0 : i32
    %dma_start3A_533 = tpu.memref_slice %arg6[%dma_start3A_529, %dma_start3A_530, %dma_start3A_531, %dma_start3A_532] : memref<2x2x25x80xi32, #tpu.memory_space<vmem>> -> memref<1x1x25x80xi32, #tpu.memory_space<vmem>>
    %dma_start3A_534 = tpu.memref_squeeze %dma_start3A_533 : memref<1x1x25x80xi32, #tpu.memory_space<vmem>> -> memref<25x80xi32, #tpu.memory_space<vmem>>
    %dma_start3A_535 = arith.constant 0 : i32
    %dma_start3A_536 = arith.constant 0 : i32
    %dma_start3A_537 = tpu.memref_slice %arg4[%add3A, %dma_start3A_528, %dma_start3A_535, %dma_start3A_536] : memref<32x5x25x80xi32, #tpu.memory_space<hbm>> -> memref<1x1x25x80xi32, #tpu.memory_space<hbm>>
    %dma_start3A_538 = tpu.memref_squeeze %dma_start3A_537 : memref<1x1x25x80xi32, #tpu.memory_space<hbm>> -> memref<25x80xi32, #tpu.memory_space<hbm>>
    %dma_start3A_539 = arith.constant 0 : i32
    %dma_start3A_540 = arith.constant 0 : i32
    %dma_start3A_541 = tpu.memref_slice %arg6[%dma_start3A_529, %dma_start3A_530, %dma_start3A_539, %dma_start3A_540] : memref<2x2x25x80xi32, #tpu.memory_space<vmem>> -> memref<1x1x25x80xi32, #tpu.memory_space<vmem>>
    %dma_start3A_542 = tpu.memref_squeeze %dma_start3A_541 : memref<1x1x25x80xi32, #tpu.memory_space<vmem>> -> memref<25x80xi32, #tpu.memory_space<vmem>>
    %dma_start3A_543 = arith.constant 0 : i32
    %dma_start3A_544 = arith.constant 0 : i32
    %dma_start3A_545 = tpu.memref_slice %arg4[%add3A, %dma_start3A_528, %dma_start3A_543, %dma_start3A_544] : memref<32x5x25x80xi32, #tpu.memory_space<hbm>> -> memref<1x1x25x80xi32, #tpu.memory_space<hbm>>
    %dma_start3A_546 = tpu.memref_squeeze %dma_start3A_545 : memref<1x1x25x80xi32, #tpu.memory_space<hbm>> -> memref<25x80xi32, #tpu.memory_space<hbm>>
    tpu.enqueue_dma source(%dma_start3A_546 : memref<25x80xi32, #tpu.memory_space<hbm>>) target(%dma_start3A_542 : memref<25x80xi32, #tpu.memory_space<vmem>>) target_semaphore(%arg10 : memref<!tpu.dma_semaphore, #tpu.memory_space<semaphore_mem>>)
    %scan3A_547 = arith.constant 0 : i32
    %scan3A_548 = arith.constant 12 : i32
    %scan3A_549 = arith.addi %scan3A_547, %scan3A_548 : i32
    %scan3A_550 = arith.constant 1 : i32
    scf.for %scan3A_662 = %scan3A_547 to %scan3A_549 step %scan3A_550  : i32 {
      %mul3A_663 = arith.constant 2 : i32
      %mul3A_664 = arith.muli %scan3A_662, %mul3A_663 : i32
      %add3A_665 = arith.constant 1 : i32
      %add3A_666 = arith.addi %add3A_665, %mul3A_664 : i32
      %dma_wait3A_667 = arith.constant 0 : i32
      %dma_wait3A_668 = arith.constant 0 : i32
      %dma_wait3A_669 = arith.constant 0 : i32
      %dma_wait3A_670 = arith.constant 0 : i32
      %dma_wait3A_671 = tpu.memref_slice %arg6[%dma_wait3A_667, %dma_wait3A_668, %dma_wait3A_669, %dma_wait3A_670] : memref<2x2x25x80xi32, #tpu.memory_space<vmem>> -> memref<1x1x1x80xi32, #tpu.memory_space<vmem>>
      %dma_wait3A_672 = tpu.memref_squeeze %dma_wait3A_671 : memref<1x1x1x80xi32, #tpu.memory_space<vmem>> -> memref<80xi32, #tpu.memory_space<vmem>>
      %dma_wait3A_673 = arith.constant 0 : i32
      %dma_wait3A_674 = arith.constant 0 : i32
      %dma_wait3A_675 = tpu.memref_slice %arg2[%dma_wait3A_673, %dma_wait3A_674] : memref<10000x128xf32, #tpu.memory_space<hbm>> -> memref<10000x128xf32, #tpu.memory_space<hbm>>
      tpu.wait_indirect_dma semaphore(%arg12 : memref<!tpu.dma_semaphore, #tpu.memory_space<semaphore_mem>>) src(%dma_wait3A_675 : memref<10000x128xf32, #tpu.memory_space<hbm>>) dst(%arg7 : memref<80x128xf32, #tpu.memory_space<vmem>>)
      %dma_start3A_676 = arith.constant 1 : i32
      %dma_start3A_677 = arith.constant 1 : i32
      %dma_start3A_678 = arith.constant 0 : i32
      %dma_start3A_679 = tpu.memref_slice %arg6[%dma_start3A_676, %dma_start3A_677, %add3A_666, %dma_start3A_678] : memref<2x2x25x80xi32, #tpu.memory_space<vmem>> -> memref<1x1x1x80xi32, #tpu.memory_space<vmem>>
      %dma_start3A_680 = tpu.memref_squeeze %dma_start3A_679 : memref<1x1x1x80xi32, #tpu.memory_space<vmem>> -> memref<80xi32, #tpu.memory_space<vmem>>
      %dma_start3A_681 = arith.constant 0 : i32
      %dma_start3A_682 = arith.constant 0 : i32
      %dma_start3A_683 = tpu.memref_slice %arg9[%dma_start3A_681, %dma_start3A_682] : memref<10000x128xf32, #tpu.memory_space<vmem_shared>> -> memref<10000x128xf32, #tpu.memory_space<vmem_shared>>
      tpu.enqueue_indirect_dma source(%arg7 : memref<80x128xf32, #tpu.memory_space<vmem>>) target(%dma_start3A_683 : memref<10000x128xf32, #tpu.memory_space<vmem_shared>>) offsets(%dma_start3A_680 : memref<80xi32, #tpu.memory_space<vmem>>) semaphore(%arg14 : memref<!tpu.dma_semaphore, #tpu.memory_space<semaphore_mem>>) {add = true}
      %dma_wait3A_684 = arith.constant 0 : i32
      %dma_wait3A_685 = arith.constant 1 : i32
      %dma_wait3A_686 = arith.constant 0 : i32
      %dma_wait3A_687 = arith.constant 0 : i32
      %dma_wait3A_688 = tpu.memref_slice %arg6[%dma_wait3A_684, %dma_wait3A_685, %dma_wait3A_686, %dma_wait3A_687] : memref<2x2x25x80xi32, #tpu.memory_space<vmem>> -> memref<1x1x1x80xi32, #tpu.memory_space<vmem>>
      %dma_wait3A_689 = tpu.memref_squeeze %dma_wait3A_688 : memref<1x1x1x80xi32, #tpu.memory_space<vmem>> -> memref<80xi32, #tpu.memory_space<vmem>>
      %dma_wait3A_690 = arith.constant 0 : i32
      %dma_wait3A_691 = arith.constant 0 : i32
      %dma_wait3A_692 = tpu.memref_slice %arg9[%dma_wait3A_690, %dma_wait3A_691] : memref<10000x128xf32, #tpu.memory_space<vmem_shared>> -> memref<10000x128xf32, #tpu.memory_space<vmem_shared>>
      tpu.wait_indirect_dma semaphore(%arg15 : memref<!tpu.dma_semaphore, #tpu.memory_space<semaphore_mem>>) src(%arg8 : memref<80x128xf32, #tpu.memory_space<vmem>>) dst(%dma_wait3A_692 : memref<10000x128xf32, #tpu.memory_space<vmem_shared>>)
      %add3A_693 = arith.constant 1 : i32
      %add3A_694 = arith.addi %add3A_666, %add3A_693 : i32
      %dma_start3A_695 = arith.constant 1 : i32
      %dma_start3A_696 = arith.constant 0 : i32
      %dma_start3A_697 = arith.constant 0 : i32
      %dma_start3A_698 = tpu.memref_slice %arg6[%dma_start3A_695, %dma_start3A_696, %add3A_694, %dma_start3A_697] : memref<2x2x25x80xi32, #tpu.memory_space<vmem>> -> memref<1x1x1x80xi32, #tpu.memory_space<vmem>>
      %dma_start3A_699 = tpu.memref_squeeze %dma_start3A_698 : memref<1x1x1x80xi32, #tpu.memory_space<vmem>> -> memref<80xi32, #tpu.memory_space<vmem>>
      %dma_start3A_700 = arith.constant 0 : i32
      %dma_start3A_701 = arith.constant 0 : i32
      %dma_start3A_702 = tpu.memref_slice %arg2[%dma_start3A_700, %dma_start3A_701] : memref<10000x128xf32, #tpu.memory_space<hbm>> -> memref<10000x128xf32, #tpu.memory_space<hbm>>
      tpu.enqueue_indirect_dma source(%dma_start3A_702 : memref<10000x128xf32, #tpu.memory_space<hbm>>) target(%arg8 : memref<80x128xf32, #tpu.memory_space<vmem>>) offsets(%dma_start3A_699 : memref<80xi32, #tpu.memory_space<vmem>>) semaphore(%arg13 : memref<!tpu.dma_semaphore, #tpu.memory_space<semaphore_mem>>)
      %dma_wait3A_703 = arith.constant 0 : i32
      %dma_wait3A_704 = arith.constant 0 : i32
      %dma_wait3A_705 = arith.constant 0 : i32
      %dma_wait3A_706 = arith.constant 0 : i32
      %dma_wait3A_707 = tpu.memref_slice %arg6[%dma_wait3A_703, %dma_wait3A_704, %dma_wait3A_705, %dma_wait3A_706] : memref<2x2x25x80xi32, #tpu.memory_space<vmem>> -> memref<1x1x1x80xi32, #tpu.memory_space<vmem>>
      %dma_wait3A_708 = tpu.memref_squeeze %dma_wait3A_707 : memref<1x1x1x80xi32, #tpu.memory_space<vmem>> -> memref<80xi32, #tpu.memory_space<vmem>>
      %dma_wait3A_709 = arith.constant 0 : i32
      %dma_wait3A_710 = arith.constant 0 : i32
      %dma_wait3A_711 = tpu.memref_slice %arg2[%dma_wait3A_709, %dma_wait3A_710] : memref<10000x128xf32, #tpu.memory_space<hbm>> -> memref<10000x128xf32, #tpu.memory_space<hbm>>
      tpu.wait_indirect_dma semaphore(%arg13 : memref<!tpu.dma_semaphore, #tpu.memory_space<semaphore_mem>>) src(%dma_wait3A_711 : memref<10000x128xf32, #tpu.memory_space<hbm>>) dst(%arg8 : memref<80x128xf32, #tpu.memory_space<vmem>>)
      %add3A_712 = arith.constant 1 : i32
      %add3A_713 = arith.addi %add3A_666, %add3A_712 : i32
      %dma_start3A_714 = arith.constant 1 : i32
      %dma_start3A_715 = arith.constant 1 : i32
      %dma_start3A_716 = arith.constant 0 : i32
      %dma_start3A_717 = tpu.memref_slice %arg6[%dma_start3A_714, %dma_start3A_715, %add3A_713, %dma_start3A_716] : memref<2x2x25x80xi32, #tpu.memory_space<vmem>> -> memref<1x1x1x80xi32, #tpu.memory_space<vmem>>
      %dma_start3A_718 = tpu.memref_squeeze %dma_start3A_717 : memref<1x1x1x80xi32, #tpu.memory_space<vmem>> -> memref<80xi32, #tpu.memory_space<vmem>>
      %dma_start3A_719 = arith.constant 0 : i32
      %dma_start3A_720 = arith.constant 0 : i32
      %dma_start3A_721 = tpu.memref_slice %arg9[%dma_start3A_719, %dma_start3A_720] : memref<10000x128xf32, #tpu.memory_space<vmem_shared>> -> memref<10000x128xf32, #tpu.memory_space<vmem_shared>>
      tpu.enqueue_indirect_dma source(%arg8 : memref<80x128xf32, #tpu.memory_space<vmem>>) target(%dma_start3A_721 : memref<10000x128xf32, #tpu.memory_space<vmem_shared>>) offsets(%dma_start3A_718 : memref<80xi32, #tpu.memory_space<vmem>>) semaphore(%arg15 : memref<!tpu.dma_semaphore, #tpu.memory_space<semaphore_mem>>) {add = true}
      %dma_wait3A_722 = arith.constant 0 : i32
      %dma_wait3A_723 = arith.constant 1 : i32
      %dma_wait3A_724 = arith.constant 0 : i32
      %dma_wait3A_725 = arith.constant 0 : i32
      %dma_wait3A_726 = tpu.memref_slice %arg6[%dma_wait3A_722, %dma_wait3A_723, %dma_wait3A_724, %dma_wait3A_725] : memref<2x2x25x80xi32, #tpu.memory_space<vmem>> -> memref<1x1x1x80xi32, #tpu.memory_space<vmem>>
      %dma_wait3A_727 = tpu.memref_squeeze %dma_wait3A_726 : memref<1x1x1x80xi32, #tpu.memory_space<vmem>> -> memref<80xi32, #tpu.memory_space<vmem>>
      %dma_wait3A_728 = arith.constant 0 : i32
      %dma_wait3A_729 = arith.constant 0 : i32
      %dma_wait3A_730 = tpu.memref_slice %arg9[%dma_wait3A_728, %dma_wait3A_729] : memref<10000x128xf32, #tpu.memory_space<vmem_shared>> -> memref<10000x128xf32, #tpu.memory_space<vmem_shared>>
      tpu.wait_indirect_dma semaphore(%arg14 : memref<!tpu.dma_semaphore, #tpu.memory_space<semaphore_mem>>) src(%arg7 : memref<80x128xf32, #tpu.memory_space<vmem>>) dst(%dma_wait3A_730 : memref<10000x128xf32, #tpu.memory_space<vmem_shared>>)
      %add3A_731 = arith.constant 2 : i32
      %add3A_732 = arith.addi %add3A_666, %add3A_731 : i32
      %lt3A_733 = arith.constant 25 : i32
      %lt3A_734 = arith.cmpi slt, %add3A_732, %lt3A_733 : i32
      %convert_element_type3A_735 = arith.extui %lt3A_734 : i1 to i32
      %cond3A_736 = arith.constant 0 : i32
      %cond3A_737 = arith.cmpi ne, %convert_element_type3A_735, %cond3A_736 : i32
      scf.if %cond3A_737 {
        %add3A_738 = arith.constant 2 : i32
        %add3A_739 = arith.addi %add3A_666, %add3A_738 : i32
        %dma_start3A_740 = arith.constant 1 : i32
        %dma_start3A_741 = arith.constant 0 : i32
        %dma_start3A_742 = arith.constant 0 : i32
        %dma_start3A_743 = tpu.memref_slice %arg6[%dma_start3A_740, %dma_start3A_741, %add3A_739, %dma_start3A_742] : memref<2x2x25x80xi32, #tpu.memory_space<vmem>> -> memref<1x1x1x80xi32, #tpu.memory_space<vmem>>
        %dma_start3A_744 = tpu.memref_squeeze %dma_start3A_743 : memref<1x1x1x80xi32, #tpu.memory_space<vmem>> -> memref<80xi32, #tpu.memory_space<vmem>>
        %dma_start3A_745 = arith.constant 0 : i32
        %dma_start3A_746 = arith.constant 0 : i32
        %dma_start3A_747 = tpu.memref_slice %arg2[%dma_start3A_745, %dma_start3A_746] : memref<10000x128xf32, #tpu.memory_space<hbm>> -> memref<10000x128xf32, #tpu.memory_space<hbm>>
        tpu.enqueue_indirect_dma source(%dma_start3A_747 : memref<10000x128xf32, #tpu.memory_space<hbm>>) target(%arg7 : memref<80x128xf32, #tpu.memory_space<vmem>>) offsets(%dma_start3A_744 : memref<80xi32, #tpu.memory_space<vmem>>) semaphore(%arg12 : memref<!tpu.dma_semaphore, #tpu.memory_space<semaphore_mem>>)
      } else {
      }
    }
    %scan3A_551 = arith.constant 12 : i32
    %dma_wait3A_552 = arith.constant 0 : i32
    %dma_wait3A_553 = arith.constant 0 : i32
    %dma_wait3A_554 = arith.constant 0 : i32
    %dma_wait3A_555 = arith.constant 0 : i32
    %dma_wait3A_556 = arith.constant 0 : i32
    %dma_wait3A_557 = arith.constant 0 : i32
    %dma_wait3A_558 = tpu.memref_slice %arg6[%dma_wait3A_554, %dma_wait3A_555, %dma_wait3A_556, %dma_wait3A_557] : memref<2x2x25x80xi32, #tpu.memory_space<vmem>> -> memref<1x1x25x80xi32, #tpu.memory_space<vmem>>
    %dma_wait3A_559 = tpu.memref_squeeze %dma_wait3A_558 : memref<1x1x25x80xi32, #tpu.memory_space<vmem>> -> memref<25x80xi32, #tpu.memory_space<vmem>>
    %dma_wait3A_560 = arith.constant 0 : i32
    %dma_wait3A_561 = arith.constant 0 : i32
    %dma_wait3A_562 = tpu.memref_slice %arg3[%dma_wait3A_552, %dma_wait3A_553, %dma_wait3A_560, %dma_wait3A_561] : memref<32x5x25x80xi32, #tpu.memory_space<hbm>> -> memref<1x1x25x80xi32, #tpu.memory_space<hbm>>
    %dma_wait3A_563 = tpu.memref_squeeze %dma_wait3A_562 : memref<1x1x25x80xi32, #tpu.memory_space<hbm>> -> memref<25x80xi32, #tpu.memory_space<hbm>>
    %dma_wait3A_564 = arith.constant 0 : i32
    %dma_wait3A_565 = arith.constant 0 : i32
    %dma_wait3A_566 = tpu.memref_slice %arg6[%dma_wait3A_554, %dma_wait3A_555, %dma_wait3A_564, %dma_wait3A_565] : memref<2x2x25x80xi32, #tpu.memory_space<vmem>> -> memref<1x1x25x80xi32, #tpu.memory_space<vmem>>
    %dma_wait3A_567 = tpu.memref_squeeze %dma_wait3A_566 : memref<1x1x25x80xi32, #tpu.memory_space<vmem>> -> memref<25x80xi32, #tpu.memory_space<vmem>>
    %dma_wait3A_568 = arith.constant 0 : i32
    %dma_wait3A_569 = arith.constant 0 : i32
    %dma_wait3A_570 = tpu.memref_slice %arg3[%dma_wait3A_552, %dma_wait3A_553, %dma_wait3A_568, %dma_wait3A_569] : memref<32x5x25x80xi32, #tpu.memory_space<hbm>> -> memref<1x1x25x80xi32, #tpu.memory_space<hbm>>
    %dma_wait3A_571 = tpu.memref_squeeze %dma_wait3A_570 : memref<1x1x25x80xi32, #tpu.memory_space<hbm>> -> memref<25x80xi32, #tpu.memory_space<hbm>>
    tpu.wait_dma2 semaphore(%arg10 : memref<!tpu.dma_semaphore, #tpu.memory_space<semaphore_mem>>) src(%dma_wait3A_571 : memref<25x80xi32, #tpu.memory_space<hbm>>) dst(%dma_wait3A_567 : memref<25x80xi32, #tpu.memory_space<vmem>>)
    %dma_wait3A_572 = arith.constant 0 : i32
    %dma_wait3A_573 = arith.constant 0 : i32
    %dma_wait3A_574 = arith.constant 0 : i32
    %dma_wait3A_575 = arith.constant 1 : i32
    %dma_wait3A_576 = arith.constant 0 : i32
    %dma_wait3A_577 = arith.constant 0 : i32
    %dma_wait3A_578 = tpu.memref_slice %arg6[%dma_wait3A_574, %dma_wait3A_575, %dma_wait3A_576, %dma_wait3A_577] : memref<2x2x25x80xi32, #tpu.memory_space<vmem>> -> memref<1x1x25x80xi32, #tpu.memory_space<vmem>>
    %dma_wait3A_579 = tpu.memref_squeeze %dma_wait3A_578 : memref<1x1x25x80xi32, #tpu.memory_space<vmem>> -> memref<25x80xi32, #tpu.memory_space<vmem>>
    %dma_wait3A_580 = arith.constant 0 : i32
    %dma_wait3A_581 = arith.constant 0 : i32
    %dma_wait3A_582 = tpu.memref_slice %arg4[%dma_wait3A_572, %dma_wait3A_573, %dma_wait3A_580, %dma_wait3A_581] : memref<32x5x25x80xi32, #tpu.memory_space<hbm>> -> memref<1x1x25x80xi32, #tpu.memory_space<hbm>>
    %dma_wait3A_583 = tpu.memref_squeeze %dma_wait3A_582 : memref<1x1x25x80xi32, #tpu.memory_space<hbm>> -> memref<25x80xi32, #tpu.memory_space<hbm>>
    %dma_wait3A_584 = arith.constant 0 : i32
    %dma_wait3A_585 = arith.constant 0 : i32
    %dma_wait3A_586 = tpu.memref_slice %arg6[%dma_wait3A_574, %dma_wait3A_575, %dma_wait3A_584, %dma_wait3A_585] : memref<2x2x25x80xi32, #tpu.memory_space<vmem>> -> memref<1x1x25x80xi32, #tpu.memory_space<vmem>>
    %dma_wait3A_587 = tpu.memref_squeeze %dma_wait3A_586 : memref<1x1x25x80xi32, #tpu.memory_space<vmem>> -> memref<25x80xi32, #tpu.memory_space<vmem>>
    %dma_wait3A_588 = arith.constant 0 : i32
    %dma_wait3A_589 = arith.constant 0 : i32
    %dma_wait3A_590 = tpu.memref_slice %arg4[%dma_wait3A_572, %dma_wait3A_573, %dma_wait3A_588, %dma_wait3A_589] : memref<32x5x25x80xi32, #tpu.memory_space<hbm>> -> memref<1x1x25x80xi32, #tpu.memory_space<hbm>>
    %dma_wait3A_591 = tpu.memref_squeeze %dma_wait3A_590 : memref<1x1x25x80xi32, #tpu.memory_space<hbm>> -> memref<25x80xi32, #tpu.memory_space<hbm>>
    tpu.wait_dma2 semaphore(%arg10 : memref<!tpu.dma_semaphore, #tpu.memory_space<semaphore_mem>>) src(%dma_wait3A_591 : memref<25x80xi32, #tpu.memory_space<hbm>>) dst(%dma_wait3A_587 : memref<25x80xi32, #tpu.memory_space<vmem>>)
    %dma_start3A_592 = arith.constant 0 : i32
    %dma_start3A_593 = arith.constant 0 : i32
    %dma_start3A_594 = arith.constant 0 : i32
    %dma_start3A_595 = arith.constant 0 : i32
    %dma_start3A_596 = tpu.memref_slice %arg6[%dma_start3A_592, %dma_start3A_593, %dma_start3A_594, %dma_start3A_595] : memref<2x2x25x80xi32, #tpu.memory_space<vmem>> -> memref<1x1x1x80xi32, #tpu.memory_space<vmem>>
    %dma_start3A_597 = tpu.memref_squeeze %dma_start3A_596 : memref<1x1x1x80xi32, #tpu.memory_space<vmem>> -> memref<80xi32, #tpu.memory_space<vmem>>
    %dma_start3A_598 = arith.constant 0 : i32
    %dma_start3A_599 = arith.constant 0 : i32
    %dma_start3A_600 = tpu.memref_slice %arg2[%dma_start3A_598, %dma_start3A_599] : memref<10000x128xf32, #tpu.memory_space<hbm>> -> memref<10000x128xf32, #tpu.memory_space<hbm>>
    tpu.enqueue_indirect_dma source(%dma_start3A_600 : memref<10000x128xf32, #tpu.memory_space<hbm>>) target(%arg7 : memref<80x128xf32, #tpu.memory_space<vmem>>) offsets(%dma_start3A_597 : memref<80xi32, #tpu.memory_space<vmem>>) semaphore(%arg12 : memref<!tpu.dma_semaphore, #tpu.memory_space<semaphore_mem>>)
    %dma_wait3A_601 = arith.constant 0 : i32
    %dma_wait3A_602 = arith.constant 0 : i32
    %dma_wait3A_603 = arith.constant 0 : i32
    %dma_wait3A_604 = arith.constant 0 : i32
    %dma_wait3A_605 = tpu.memref_slice %arg6[%dma_wait3A_601, %dma_wait3A_602, %dma_wait3A_603, %dma_wait3A_604] : memref<2x2x25x80xi32, #tpu.memory_space<vmem>> -> memref<1x1x1x80xi32, #tpu.memory_space<vmem>>
    %dma_wait3A_606 = tpu.memref_squeeze %dma_wait3A_605 : memref<1x1x1x80xi32, #tpu.memory_space<vmem>> -> memref<80xi32, #tpu.memory_space<vmem>>
    %dma_wait3A_607 = arith.constant 0 : i32
    %dma_wait3A_608 = arith.constant 0 : i32
    %dma_wait3A_609 = tpu.memref_slice %arg2[%dma_wait3A_607, %dma_wait3A_608] : memref<10000x128xf32, #tpu.memory_space<hbm>> -> memref<10000x128xf32, #tpu.memory_space<hbm>>
    tpu.wait_indirect_dma semaphore(%arg12 : memref<!tpu.dma_semaphore, #tpu.memory_space<semaphore_mem>>) src(%dma_wait3A_609 : memref<10000x128xf32, #tpu.memory_space<hbm>>) dst(%arg7 : memref<80x128xf32, #tpu.memory_space<vmem>>)
    %dma_start3A_610 = arith.constant 0 : i32
    %dma_start3A_611 = arith.constant 1 : i32
    %dma_start3A_612 = arith.constant 0 : i32
    %dma_start3A_613 = arith.constant 0 : i32
    %dma_start3A_614 = tpu.memref_slice %arg6[%dma_start3A_610, %dma_start3A_611, %dma_start3A_612, %dma_start3A_613] : memref<2x2x25x80xi32, #tpu.memory_space<vmem>> -> memref<1x1x1x80xi32, #tpu.memory_space<vmem>>
    %dma_start3A_615 = tpu.memref_squeeze %dma_start3A_614 : memref<1x1x1x80xi32, #tpu.memory_space<vmem>> -> memref<80xi32, #tpu.memory_space<vmem>>
    %dma_start3A_616 = arith.constant 0 : i32
    %dma_start3A_617 = arith.constant 0 : i32
    %dma_start3A_618 = tpu.memref_slice %arg9[%dma_start3A_616, %dma_start3A_617] : memref<10000x128xf32, #tpu.memory_space<vmem_shared>> -> memref<10000x128xf32, #tpu.memory_space<vmem_shared>>
    tpu.enqueue_indirect_dma source(%arg7 : memref<80x128xf32, #tpu.memory_space<vmem>>) target(%dma_start3A_618 : memref<10000x128xf32, #tpu.memory_space<vmem_shared>>) offsets(%dma_start3A_615 : memref<80xi32, #tpu.memory_space<vmem>>) semaphore(%arg14 : memref<!tpu.dma_semaphore, #tpu.memory_space<semaphore_mem>>) {add = true}
    %dma_wait3A_619 = arith.constant 0 : i32
    %dma_wait3A_620 = arith.constant 1 : i32
    %dma_wait3A_621 = arith.constant 0 : i32
    %dma_wait3A_622 = arith.constant 0 : i32
    %dma_wait3A_623 = tpu.memref_slice %arg6[%dma_wait3A_619, %dma_wait3A_620, %dma_wait3A_621, %dma_wait3A_622] : memref<2x2x25x80xi32, #tpu.memory_space<vmem>> -> memref<1x1x1x80xi32, #tpu.memory_space<vmem>>
    %dma_wait3A_624 = tpu.memref_squeeze %dma_wait3A_623 : memref<1x1x1x80xi32, #tpu.memory_space<vmem>> -> memref<80xi32, #tpu.memory_space<vmem>>
    %dma_wait3A_625 = arith.constant 0 : i32
    %dma_wait3A_626 = arith.constant 0 : i32
    %dma_wait3A_627 = tpu.memref_slice %arg9[%dma_wait3A_625, %dma_wait3A_626] : memref<10000x128xf32, #tpu.memory_space<vmem_shared>> -> memref<10000x128xf32, #tpu.memory_space<vmem_shared>>
    tpu.wait_indirect_dma semaphore(%arg15 : memref<!tpu.dma_semaphore, #tpu.memory_space<semaphore_mem>>) src(%arg8 : memref<80x128xf32, #tpu.memory_space<vmem>>) dst(%dma_wait3A_627 : memref<10000x128xf32, #tpu.memory_space<vmem_shared>>)
    %dma_start3A_628 = arith.constant 0 : i32
    %dma_start3A_629 = arith.constant 0 : i32
    %dma_start3A_630 = arith.constant 1 : i32
    %dma_start3A_631 = arith.constant 0 : i32
    %dma_start3A_632 = tpu.memref_slice %arg6[%dma_start3A_628, %dma_start3A_629, %dma_start3A_630, %dma_start3A_631] : memref<2x2x25x80xi32, #tpu.memory_space<vmem>> -> memref<1x1x1x80xi32, #tpu.memory_space<vmem>>
    %dma_start3A_633 = tpu.memref_squeeze %dma_start3A_632 : memref<1x1x1x80xi32, #tpu.memory_space<vmem>> -> memref<80xi32, #tpu.memory_space<vmem>>
    %dma_start3A_634 = arith.constant 0 : i32
    %dma_start3A_635 = arith.constant 0 : i32
    %dma_start3A_636 = tpu.memref_slice %arg2[%dma_start3A_634, %dma_start3A_635] : memref<10000x128xf32, #tpu.memory_space<hbm>> -> memref<10000x128xf32, #tpu.memory_space<hbm>>
    tpu.enqueue_indirect_dma source(%dma_start3A_636 : memref<10000x128xf32, #tpu.memory_space<hbm>>) target(%arg8 : memref<80x128xf32, #tpu.memory_space<vmem>>) offsets(%dma_start3A_633 : memref<80xi32, #tpu.memory_space<vmem>>) semaphore(%arg13 : memref<!tpu.dma_semaphore, #tpu.memory_space<semaphore_mem>>)
    %scan3A_637 = arith.constant 0 : i32
    %scan3A_638 = arith.constant 12 : i32
    %scan3A_639 = arith.addi %scan3A_637, %scan3A_638 : i32
    %scan3A_640 = arith.constant 1 : i32
    scf.for %scan3A_662 = %scan3A_637 to %scan3A_639 step %scan3A_640  : i32 {
      %mul3A_663 = arith.constant 2 : i32
      %mul3A_664 = arith.muli %scan3A_662, %mul3A_663 : i32
      %add3A_665 = arith.constant 1 : i32
      %add3A_666 = arith.addi %add3A_665, %mul3A_664 : i32
      %dma_wait3A_667 = arith.constant 0 : i32
      %dma_wait3A_668 = arith.constant 0 : i32
      %dma_wait3A_669 = arith.constant 0 : i32
      %dma_wait3A_670 = arith.constant 0 : i32
      %dma_wait3A_671 = tpu.memref_slice %arg6[%dma_wait3A_667, %dma_wait3A_668, %dma_wait3A_669, %dma_wait3A_670] : memref<2x2x25x80xi32, #tpu.memory_space<vmem>> -> memref<1x1x1x80xi32, #tpu.memory_space<vmem>>
      %dma_wait3A_672 = tpu.memref_squeeze %dma_wait3A_671 : memref<1x1x1x80xi32, #tpu.memory_space<vmem>> -> memref<80xi32, #tpu.memory_space<vmem>>
      %dma_wait3A_673 = arith.constant 0 : i32
      %dma_wait3A_674 = arith.constant 0 : i32
      %dma_wait3A_675 = tpu.memref_slice %arg2[%dma_wait3A_673, %dma_wait3A_674] : memref<10000x128xf32, #tpu.memory_space<hbm>> -> memref<10000x128xf32, #tpu.memory_space<hbm>>
      tpu.wait_indirect_dma semaphore(%arg13 : memref<!tpu.dma_semaphore, #tpu.memory_space<semaphore_mem>>) src(%dma_wait3A_675 : memref<10000x128xf32, #tpu.memory_space<hbm>>) dst(%arg8 : memref<80x128xf32, #tpu.memory_space<vmem>>)
      %dma_start3A_676 = arith.constant 0 : i32
      %dma_start3A_677 = arith.constant 1 : i32
      %dma_start3A_678 = arith.constant 0 : i32
      %dma_start3A_679 = tpu.memref_slice %arg6[%dma_start3A_676, %dma_start3A_677, %add3A_666, %dma_start3A_678] : memref<2x2x25x80xi32, #tpu.memory_space<vmem>> -> memref<1x1x1x80xi32, #tpu.memory_space<vmem>>
      %dma_start3A_680 = tpu.memref_squeeze %dma_start3A_679 : memref<1x1x1x80xi32, #tpu.memory_space<vmem>> -> memref<80xi32, #tpu.memory_space<vmem>>
      %dma_start3A_681 = arith.constant 0 : i32
      %dma_start3A_682 = arith.constant 0 : i32
      %dma_start3A_683 = tpu.memref_slice %arg9[%dma_start3A_681, %dma_start3A_682] : memref<10000x128xf32, #tpu.memory_space<vmem_shared>> -> memref<10000x128xf32, #tpu.memory_space<vmem_shared>>
      tpu.enqueue_indirect_dma source(%arg8 : memref<80x128xf32, #tpu.memory_space<vmem>>) target(%dma_start3A_683 : memref<10000x128xf32, #tpu.memory_space<vmem_shared>>) offsets(%dma_start3A_680 : memref<80xi32, #tpu.memory_space<vmem>>) semaphore(%arg15 : memref<!tpu.dma_semaphore, #tpu.memory_space<semaphore_mem>>) {add = true}
      %dma_wait3A_684 = arith.constant 0 : i32
      %dma_wait3A_685 = arith.constant 1 : i32
      %dma_wait3A_686 = arith.constant 0 : i32
      %dma_wait3A_687 = arith.constant 0 : i32
      %dma_wait3A_688 = tpu.memref_slice %arg6[%dma_wait3A_684, %dma_wait3A_685, %dma_wait3A_686, %dma_wait3A_687] : memref<2x2x25x80xi32, #tpu.memory_space<vmem>> -> memref<1x1x1x80xi32, #tpu.memory_space<vmem>>
      %dma_wait3A_689 = tpu.memref_squeeze %dma_wait3A_688 : memref<1x1x1x80xi32, #tpu.memory_space<vmem>> -> memref<80xi32, #tpu.memory_space<vmem>>
      %dma_wait3A_690 = arith.constant 0 : i32
      %dma_wait3A_691 = arith.constant 0 : i32
      %dma_wait3A_692 = tpu.memref_slice %arg9[%dma_wait3A_690, %dma_wait3A_691] : memref<10000x128xf32, #tpu.memory_space<vmem_shared>> -> memref<10000x128xf32, #tpu.memory_space<vmem_shared>>
      tpu.wait_indirect_dma semaphore(%arg14 : memref<!tpu.dma_semaphore, #tpu.memory_space<semaphore_mem>>) src(%arg7 : memref<80x128xf32, #tpu.memory_space<vmem>>) dst(%dma_wait3A_692 : memref<10000x128xf32, #tpu.memory_space<vmem_shared>>)
      %add3A_693 = arith.constant 1 : i32
      %add3A_694 = arith.addi %add3A_666, %add3A_693 : i32
      %dma_start3A_695 = arith.constant 0 : i32
      %dma_start3A_696 = arith.constant 0 : i32
      %dma_start3A_697 = arith.constant 0 : i32
      %dma_start3A_698 = tpu.memref_slice %arg6[%dma_start3A_695, %dma_start3A_696, %add3A_694, %dma_start3A_697] : memref<2x2x25x80xi32, #tpu.memory_space<vmem>> -> memref<1x1x1x80xi32, #tpu.memory_space<vmem>>
      %dma_start3A_699 = tpu.memref_squeeze %dma_start3A_698 : memref<1x1x1x80xi32, #tpu.memory_space<vmem>> -> memref<80xi32, #tpu.memory_space<vmem>>
      %dma_start3A_700 = arith.constant 0 : i32
      %dma_start3A_701 = arith.constant 0 : i32
      %dma_start3A_702 = tpu.memref_slice %arg2[%dma_start3A_700, %dma_start3A_701] : memref<10000x128xf32, #tpu.memory_space<hbm>> -> memref<10000x128xf32, #tpu.memory_space<hbm>>
      tpu.enqueue_indirect_dma source(%dma_start3A_702 : memref<10000x128xf32, #tpu.memory_space<hbm>>) target(%arg7 : memref<80x128xf32, #tpu.memory_space<vmem>>) offsets(%dma_start3A_699 : memref<80xi32, #tpu.memory_space<vmem>>) semaphore(%arg12 : memref<!tpu.dma_semaphore, #tpu.memory_space<semaphore_mem>>)
      %dma_wait3A_703 = arith.constant 0 : i32
      %dma_wait3A_704 = arith.constant 0 : i32
      %dma_wait3A_705 = arith.constant 0 : i32
      %dma_wait3A_706 = arith.constant 0 : i32
      %dma_wait3A_707 = tpu.memref_slice %arg6[%dma_wait3A_703, %dma_wait3A_704, %dma_wait3A_705, %dma_wait3A_706] : memref<2x2x25x80xi32, #tpu.memory_space<vmem>> -> memref<1x1x1x80xi32, #tpu.memory_space<vmem>>
      %dma_wait3A_708 = tpu.memref_squeeze %dma_wait3A_707 : memref<1x1x1x80xi32, #tpu.memory_space<vmem>> -> memref<80xi32, #tpu.memory_space<vmem>>
      %dma_wait3A_709 = arith.constant 0 : i32
      %dma_wait3A_710 = arith.constant 0 : i32
      %dma_wait3A_711 = tpu.memref_slice %arg2[%dma_wait3A_709, %dma_wait3A_710] : memref<10000x128xf32, #tpu.memory_space<hbm>> -> memref<10000x128xf32, #tpu.memory_space<hbm>>
      tpu.wait_indirect_dma semaphore(%arg12 : memref<!tpu.dma_semaphore, #tpu.memory_space<semaphore_mem>>) src(%dma_wait3A_711 : memref<10000x128xf32, #tpu.memory_space<hbm>>) dst(%arg7 : memref<80x128xf32, #tpu.memory_space<vmem>>)
      %add3A_712 = arith.constant 1 : i32
      %add3A_713 = arith.addi %add3A_666, %add3A_712 : i32
      %dma_start3A_714 = arith.constant 0 : i32
      %dma_start3A_715 = arith.constant 1 : i32
      %dma_start3A_716 = arith.constant 0 : i32
      %dma_start3A_717 = tpu.memref_slice %arg6[%dma_start3A_714, %dma_start3A_715, %add3A_713, %dma_start3A_716] : memref<2x2x25x80xi32, #tpu.memory_space<vmem>> -> memref<1x1x1x80xi32, #tpu.memory_space<vmem>>
      %dma_start3A_718 = tpu.memref_squeeze %dma_start3A_717 : memref<1x1x1x80xi32, #tpu.memory_space<vmem>> -> memref<80xi32, #tpu.memory_space<vmem>>
      %dma_start3A_719 = arith.constant 0 : i32
      %dma_start3A_720 = arith.constant 0 : i32
      %dma_start3A_721 = tpu.memref_slice %arg9[%dma_start3A_719, %dma_start3A_720] : memref<10000x128xf32, #tpu.memory_space<vmem_shared>> -> memref<10000x128xf32, #tpu.memory_space<vmem_shared>>
      tpu.enqueue_indirect_dma source(%arg7 : memref<80x128xf32, #tpu.memory_space<vmem>>) target(%dma_start3A_721 : memref<10000x128xf32, #tpu.memory_space<vmem_shared>>) offsets(%dma_start3A_718 : memref<80xi32, #tpu.memory_space<vmem>>) semaphore(%arg14 : memref<!tpu.dma_semaphore, #tpu.memory_space<semaphore_mem>>) {add = true}
      %dma_wait3A_722 = arith.constant 0 : i32
      %dma_wait3A_723 = arith.constant 1 : i32
      %dma_wait3A_724 = arith.constant 0 : i32
      %dma_wait3A_725 = arith.constant 0 : i32
      %dma_wait3A_726 = tpu.memref_slice %arg6[%dma_wait3A_722, %dma_wait3A_723, %dma_wait3A_724, %dma_wait3A_725] : memref<2x2x25x80xi32, #tpu.memory_space<vmem>> -> memref<1x1x1x80xi32, #tpu.memory_space<vmem>>
      %dma_wait3A_727 = tpu.memref_squeeze %dma_wait3A_726 : memref<1x1x1x80xi32, #tpu.memory_space<vmem>> -> memref<80xi32, #tpu.memory_space<vmem>>
      %dma_wait3A_728 = arith.constant 0 : i32
      %dma_wait3A_729 = arith.constant 0 : i32
      %dma_wait3A_730 = tpu.memref_slice %arg9[%dma_wait3A_728, %dma_wait3A_729] : memref<10000x128xf32, #tpu.memory_space<vmem_shared>> -> memref<10000x128xf32, #tpu.memory_space<vmem_shared>>
      tpu.wait_indirect_dma semaphore(%arg15 : memref<!tpu.dma_semaphore, #tpu.memory_space<semaphore_mem>>) src(%arg8 : memref<80x128xf32, #tpu.memory_space<vmem>>) dst(%dma_wait3A_730 : memref<10000x128xf32, #tpu.memory_space<vmem_shared>>)
      %add3A_731 = arith.constant 2 : i32
      %add3A_732 = arith.addi %add3A_666, %add3A_731 : i32
      %lt3A_733 = arith.constant 25 : i32
      %lt3A_734 = arith.cmpi slt, %add3A_732, %lt3A_733 : i32
      %convert_element_type3A_735 = arith.extui %lt3A_734 : i1 to i32
      %cond3A_736 = arith.constant 0 : i32
      %cond3A_737 = arith.cmpi ne, %convert_element_type3A_735, %cond3A_736 : i32
      scf.if %cond3A_737 {
        %add3A_738 = arith.constant 2 : i32
        %add3A_739 = arith.addi %add3A_666, %add3A_738 : i32
        %dma_start3A_740 = arith.constant 0 : i32
        %dma_start3A_741 = arith.constant 0 : i32
        %dma_start3A_742 = arith.constant 0 : i32
        %dma_start3A_743 = tpu.memref_slice %arg6[%dma_start3A_740, %dma_start3A_741, %add3A_739, %dma_start3A_742] : memref<2x2x25x80xi32, #tpu.memory_space<vmem>> -> memref<1x1x1x80xi32, #tpu.memory_space<vmem>>
        %dma_start3A_744 = tpu.memref_squeeze %dma_start3A_743 : memref<1x1x1x80xi32, #tpu.memory_space<vmem>> -> memref<80xi32, #tpu.memory_space<vmem>>
        %dma_start3A_745 = arith.constant 0 : i32
        %dma_start3A_746 = arith.constant 0 : i32
        %dma_start3A_747 = tpu.memref_slice %arg2[%dma_start3A_745, %dma_start3A_746] : memref<10000x128xf32, #tpu.memory_space<hbm>> -> memref<10000x128xf32, #tpu.memory_space<hbm>>
        tpu.enqueue_indirect_dma source(%dma_start3A_747 : memref<10000x128xf32, #tpu.memory_space<hbm>>) target(%arg8 : memref<80x128xf32, #tpu.memory_space<vmem>>) offsets(%dma_start3A_744 : memref<80xi32, #tpu.memory_space<vmem>>) semaphore(%arg13 : memref<!tpu.dma_semaphore, #tpu.memory_space<semaphore_mem>>)
      } else {
      }
    }
    %scan3A_641 = arith.constant 12 : i32
    %dma_wait3A_642 = arith.constant 0 : i32
    %dma_wait3A_643 = arith.constant 1 : i32
    %dma_wait3A_644 = arith.constant 0 : i32
    %dma_wait3A_645 = arith.constant 0 : i32
    %dma_wait3A_646 = tpu.memref_slice %arg6[%dma_wait3A_642, %dma_wait3A_643, %dma_wait3A_644, %dma_wait3A_645] : memref<2x2x25x80xi32, #tpu.memory_space<vmem>> -> memref<1x1x1x80xi32, #tpu.memory_space<vmem>>
    %dma_wait3A_647 = tpu.memref_squeeze %dma_wait3A_646 : memref<1x1x1x80xi32, #tpu.memory_space<vmem>> -> memref<80xi32, #tpu.memory_space<vmem>>
    %dma_wait3A_648 = arith.constant 0 : i32
    %dma_wait3A_649 = arith.constant 0 : i32
    %dma_wait3A_650 = tpu.memref_slice %arg9[%dma_wait3A_648, %dma_wait3A_649] : memref<10000x128xf32, #tpu.memory_space<vmem_shared>> -> memref<10000x128xf32, #tpu.memory_space<vmem_shared>>
    tpu.wait_indirect_dma semaphore(%arg14 : memref<!tpu.dma_semaphore, #tpu.memory_space<semaphore_mem>>) src(%arg7 : memref<80x128xf32, #tpu.memory_space<vmem>>) dst(%dma_wait3A_650 : memref<10000x128xf32, #tpu.memory_space<vmem_shared>>)
    %barrier3A_651 = arith.constant 0 : index
    tpu.barrier barrier_id(%barrier3A_651)
    %lt3A_652 = arith.constant 15 : i32
    %lt3A_653 = arith.cmpi slt, %arg1, %lt3A_652 : i32
    %convert_element_type3A_654 = arith.extui %lt3A_653 : i1 to i32
    %cond3A_655 = arith.constant 0 : i32
    %cond3A_656 = arith.cmpi ne, %convert_element_type3A_654, %cond3A_655 : i32
    scf.if %cond3A_656 {
      %scan3A_662 = arith.constant 0 : i32
      %scan3A_663 = arith.constant 8 : i32
      %scan3A_664 = arith.addi %scan3A_662, %scan3A_663 : i32
      %scan3A_665 = arith.constant 1 : i32
      scf.for %scan3A_672 = %scan3A_662 to %scan3A_664 step %scan3A_665  : i32 {
        %mul3A_673 = arith.constant 80 : i32
        %mul3A_674 = arith.muli %scan3A_672, %mul3A_673 : i32
        %add3A_675 = arith.constant 0 : i32
        %add3A_676 = arith.addi %add3A_675, %mul3A_674 : i32
        %add3A_677 = arith.addi %mul3A_43, %add3A_676 : i32
        %add3A_678 = arith.addi %mul3A_43, %add3A_676 : i32
        %dma_start3A_679 = arith.constant 0 : i32
        %dma_start3A_680 = tpu.memref_slice %arg5[%arg0, %add3A_678, %dma_start3A_679] : memref<2x10000x128xf32, #tpu.memory_space<hbm>> -> memref<1x80x128xf32, #tpu.memory_space<hbm>>
        %dma_start3A_681 = tpu.memref_squeeze %dma_start3A_680 : memref<1x80x128xf32, #tpu.memory_space<hbm>> -> memref<80x128xf32, #tpu.memory_space<hbm>>
        %dma_start3A_682 = arith.constant 0 : i32
        %dma_start3A_683 = tpu.memref_slice %arg9[%add3A_677, %dma_start3A_682] : memref<10000x128xf32, #tpu.memory_space<vmem_shared>> -> memref<80x128xf32, #tpu.memory_space<vmem_shared>>
        tpu.enqueue_dma source(%dma_start3A_683 : memref<80x128xf32, #tpu.memory_space<vmem_shared>>) target(%dma_start3A_681 : memref<80x128xf32, #tpu.memory_space<hbm>>) target_semaphore(%arg14 : memref<!tpu.dma_semaphore, #tpu.memory_space<semaphore_mem>>)
      }
      %scan3A_666 = arith.constant 8 : i32
      %scan3A_667 = arith.constant 0 : i32
      %scan3A_668 = arith.constant 8 : i32
      %scan3A_669 = arith.addi %scan3A_667, %scan3A_668 : i32
      %scan3A_670 = arith.constant 1 : i32
      scf.for %scan3A_672 = %scan3A_667 to %scan3A_669 step %scan3A_670  : i32 {
        %mul3A_673 = arith.constant 80 : i32
        %mul3A_674 = arith.muli %scan3A_672, %mul3A_673 : i32
        %add3A_675 = arith.constant 0 : i32
        %add3A_676 = arith.addi %add3A_675, %mul3A_674 : i32
        %add3A_677 = arith.addi %mul3A_43, %add3A_676 : i32
        %add3A_678 = arith.addi %mul3A_43, %add3A_676 : i32
        %dma_wait3A_679 = arith.constant 0 : i32
        %dma_wait3A_680 = tpu.memref_slice %arg5[%arg0, %add3A_678, %dma_wait3A_679] : memref<2x10000x128xf32, #tpu.memory_space<hbm>> -> memref<1x80x128xf32, #tpu.memory_space<hbm>>
        %dma_wait3A_681 = tpu.memref_squeeze %dma_wait3A_680 : memref<1x80x128xf32, #tpu.memory_space<hbm>> -> memref<80x128xf32, #tpu.memory_space<hbm>>
        %dma_wait3A_682 = arith.constant 0 : i32
        %dma_wait3A_683 = tpu.memref_slice %arg9[%add3A_677, %dma_wait3A_682] : memref<10000x128xf32, #tpu.memory_space<vmem_shared>> -> memref<80x128xf32, #tpu.memory_space<vmem_shared>>
        tpu.wait_dma2 semaphore(%arg14 : memref<!tpu.dma_semaphore, #tpu.memory_space<semaphore_mem>>) src(%dma_wait3A_683 : memref<80x128xf32, #tpu.memory_space<vmem_shared>>) dst(%dma_wait3A_681 : memref<80x128xf32, #tpu.memory_space<hbm>>)
      }
      %scan3A_671 = arith.constant 8 : i32
    } else {
    }
    %eq3A_657 = arith.constant 15 : i32
    %eq3A_658 = arith.cmpi eq, %arg1, %eq3A_657 : i32
    %convert_element_type3A_659 = arith.extui %eq3A_658 : i1 to i32
    %cond3A_660 = arith.constant 0 : i32
    %cond3A_661 = arith.cmpi ne, %convert_element_type3A_659, %cond3A_660 : i32
    scf.if %cond3A_661 {
      %scan3A_662 = arith.constant 0 : i32
      %scan3A_663 = arith.constant 5 : i32
      %scan3A_664 = arith.addi %scan3A_662, %scan3A_663 : i32
      %scan3A_665 = arith.constant 1 : i32
      scf.for %scan3A_672 = %scan3A_662 to %scan3A_664 step %scan3A_665  : i32 {
        %mul3A_673 = arith.constant 80 : i32
        %mul3A_674 = arith.muli %scan3A_672, %mul3A_673 : i32
        %add3A_675 = arith.constant 0 : i32
        %add3A_676 = arith.addi %add3A_675, %mul3A_674 : i32
        %add3A_677 = arith.addi %mul3A_43, %add3A_676 : i32
        %add3A_678 = arith.addi %mul3A_43, %add3A_676 : i32
        %dma_start3A_679 = arith.constant 0 : i32
        %dma_start3A_680 = tpu.memref_slice %arg5[%arg0, %add3A_678, %dma_start3A_679] : memref<2x10000x128xf32, #tpu.memory_space<hbm>> -> memref<1x80x128xf32, #tpu.memory_space<hbm>>
        %dma_start3A_681 = tpu.memref_squeeze %dma_start3A_680 : memref<1x80x128xf32, #tpu.memory_space<hbm>> -> memref<80x128xf32, #tpu.memory_space<hbm>>
        %dma_start3A_682 = arith.constant 0 : i32
        %dma_start3A_683 = tpu.memref_slice %arg9[%add3A_677, %dma_start3A_682] : memref<10000x128xf32, #tpu.memory_space<vmem_shared>> -> memref<80x128xf32, #tpu.memory_space<vmem_shared>>
        tpu.enqueue_dma source(%dma_start3A_683 : memref<80x128xf32, #tpu.memory_space<vmem_shared>>) target(%dma_start3A_681 : memref<80x128xf32, #tpu.memory_space<hbm>>) target_semaphore(%arg14 : memref<!tpu.dma_semaphore, #tpu.memory_space<semaphore_mem>>)
      }
      %scan3A_666 = arith.constant 5 : i32
      %scan3A_667 = arith.constant 0 : i32
      %scan3A_668 = arith.constant 5 : i32
      %scan3A_669 = arith.addi %scan3A_667, %scan3A_668 : i32
      %scan3A_670 = arith.constant 1 : i32
      scf.for %scan3A_672 = %scan3A_667 to %scan3A_669 step %scan3A_670  : i32 {
        %mul3A_673 = arith.constant 80 : i32
        %mul3A_674 = arith.muli %scan3A_672, %mul3A_673 : i32
        %add3A_675 = arith.constant 0 : i32
        %add3A_676 = arith.addi %add3A_675, %mul3A_674 : i32
        %add3A_677 = arith.addi %mul3A_43, %add3A_676 : i32
        %add3A_678 = arith.addi %mul3A_43, %add3A_676 : i32
        %dma_wait3A_679 = arith.constant 0 : i32
        %dma_wait3A_680 = tpu.memref_slice %arg5[%arg0, %add3A_678, %dma_wait3A_679] : memref<2x10000x128xf32, #tpu.memory_space<hbm>> -> memref<1x80x128xf32, #tpu.memory_space<hbm>>
        %dma_wait3A_681 = tpu.memref_squeeze %dma_wait3A_680 : memref<1x80x128xf32, #tpu.memory_space<hbm>> -> memref<80x128xf32, #tpu.memory_space<hbm>>
        %dma_wait3A_682 = arith.constant 0 : i32
        %dma_wait3A_683 = tpu.memref_slice %arg9[%add3A_677, %dma_wait3A_682] : memref<10000x128xf32, #tpu.memory_space<vmem_shared>> -> memref<80x128xf32, #tpu.memory_space<vmem_shared>>
        tpu.wait_dma2 semaphore(%arg14 : memref<!tpu.dma_semaphore, #tpu.memory_space<semaphore_mem>>) src(%dma_wait3A_683 : memref<80x128xf32, #tpu.memory_space<vmem_shared>>) dst(%dma_wait3A_681 : memref<80x128xf32, #tpu.memory_space<hbm>>)
      }
      %scan3A_671 = arith.constant 5 : i32
    } else {
    }
    return
  }
}

#map = affine_map<(d0, d1) -> (0, 0)>
#map1 = affine_map<(d0, d1) -> (0, 0, 0, 0)>
#map2 = affine_map<(d0, d1) -> (0, 0, 0)>
module attributes {stable_mosaic.version = 14 : i64} {
  func.func @_sc_body(%arg0: i32, %arg1: i32, %arg2: memref<10000x128xf32, #tpu.memory_space<hbm>>, %arg3: memref<32x5x25x80xi32, #tpu.memory_space<hbm>>, %arg4: memref<32x5x25x80xi32, #tpu.memory_space<hbm>>, %arg5: memref<2x10000x128xf32, #tpu.memory_space<hbm>>, %arg6: memref<2x2x25x80xi32, #tpu.memory_space<vmem>>, %arg7: memref<80x128xf32, #tpu.memory_space<vmem>>, %arg8: memref<80x128xf32, #tpu.memory_space<vmem>>, %arg9: memref<10000x128xf32, #tpu.memory_space<vmem_shared>>, %arg10: memref<!tpu.dma_semaphore, #tpu.memory_space<semaphore_mem>>, %arg11: memref<!tpu.dma_semaphore, #tpu.memory_space<semaphore_mem>>, %arg12: memref<!tpu.dma_semaphore, #tpu.memory_space<semaphore_mem>>, %arg13: memref<!tpu.dma_semaphore, #tpu.memory_space<semaphore_mem>>, %arg14: memref<!tpu.dma_semaphore, #tpu.memory_space<semaphore_mem>>, %arg15: memref<!tpu.dma_semaphore, #tpu.memory_space<semaphore_mem>>) attributes {dimension_semantics = [#tpu.dimension_semantics<core_parallel>, #tpu.dimension_semantics<subcore_parallel>], iteration_bounds = array<i64: 2, 16>, scalar_prefetch = 0 : i64, scratch_operands = 10 : i64, tpu.core_type = #tpu.core_type<sc_vector_subcore>, window_params = [{transform_indices = #map}, {transform_indices = #map1}, {transform_indices = #map1}, {transform_indices = #map2}]} {
    %mul3A = arith.constant 16 : i32
    %mul3A_0 = arith.muli %arg0, %mul3A : i32
    %add3A = arith.addi %mul3A_0, %arg1 : i32
    %dma_start3A = arith.constant 0 : i32
    %dma_start3A_1 = arith.constant 0 : i32
    %dma_start3A_2 = arith.constant 0 : i32
    %dma_start3A_3 = arith.constant 0 : i32
    %dma_start3A_4 = arith.constant 0 : i32
    %dma_start3A_5 = tpu.memref_slice %arg6[%dma_start3A_1, %dma_start3A_2, %dma_start3A_3, %dma_start3A_4] : memref<2x2x25x80xi32, #tpu.memory_space<vmem>> -> memref<1x1x25x80xi32, #tpu.memory_space<vmem>>
    %dma_start3A_6 = tpu.memref_squeeze %dma_start3A_5 : memref<1x1x25x80xi32, #tpu.memory_space<vmem>> -> memref<25x80xi32, #tpu.memory_space<vmem>>
    %dma_start3A_7 = arith.constant 0 : i32
    %dma_start3A_8 = arith.constant 0 : i32
    %dma_start3A_9 = tpu.memref_slice %arg3[%add3A, %dma_start3A, %dma_start3A_7, %dma_start3A_8] : memref<32x5x25x80xi32, #tpu.memory_space<hbm>> -> memref<1x1x25x80xi32, #tpu.memory_space<hbm>>
    %dma_start3A_10 = tpu.memref_squeeze %dma_start3A_9 : memref<1x1x25x80xi32, #tpu.memory_space<hbm>> -> memref<25x80xi32, #tpu.memory_space<hbm>>
    %dma_start3A_11 = arith.constant 0 : i32
    %dma_start3A_12 = arith.constant 0 : i32
    %dma_start3A_13 = tpu.memref_slice %arg6[%dma_start3A_1, %dma_start3A_2, %dma_start3A_11, %dma_start3A_12] : memref<2x2x25x80xi32, #tpu.memory_space<vmem>> -> memref<1x1x25x80xi32, #tpu.memory_space<vmem>>
    %dma_start3A_14 = tpu.memref_squeeze %dma_start3A_13 : memref<1x1x25x80xi32, #tpu.memory_space<vmem>> -> memref<25x80xi32, #tpu.memory_space<vmem>>
    %dma_start3A_15 = arith.constant 0 : i32
    %dma_start3A_16 = arith.constant 0 : i32
    %dma_start3A_17 = tpu.memref_slice %arg3[%add3A, %dma_start3A, %dma_start3A_15, %dma_start3A_16] : memref<32x5x25x80xi32, #tpu.memory_space<hbm>> -> memref<1x1x25x80xi32, #tpu.memory_space<hbm>>
    %dma_start3A_18 = tpu.memref_squeeze %dma_start3A_17 : memref<1x1x25x80xi32, #tpu.memory_space<hbm>> -> memref<25x80xi32, #tpu.memory_space<hbm>>
    tpu.enqueue_dma source(%dma_start3A_18 : memref<25x80xi32, #tpu.memory_space<hbm>>) target(%dma_start3A_14 : memref<25x80xi32, #tpu.memory_space<vmem>>) target_semaphore(%arg10 : memref<!tpu.dma_semaphore, #tpu.memory_space<semaphore_mem>>)
    %dma_start3A_19 = arith.constant 0 : i32
    %dma_start3A_20 = arith.constant 0 : i32
    %dma_start3A_21 = arith.constant 1 : i32
    %dma_start3A_22 = arith.constant 0 : i32
    %dma_start3A_23 = arith.constant 0 : i32
    %dma_start3A_24 = tpu.memref_slice %arg6[%dma_start3A_20, %dma_start3A_21, %dma_start3A_22, %dma_start3A_23] : memref<2x2x25x80xi32, #tpu.memory_space<vmem>> -> memref<1x1x25x80xi32, #tpu.memory_space<vmem>>
    %dma_start3A_25 = tpu.memref_squeeze %dma_start3A_24 : memref<1x1x25x80xi32, #tpu.memory_space<vmem>> -> memref<25x80xi32, #tpu.memory_space<vmem>>
    %dma_start3A_26 = arith.constant 0 : i32
    %dma_start3A_27 = arith.constant 0 : i32
    %dma_start3A_28 = tpu.memref_slice %arg4[%add3A, %dma_start3A_19, %dma_start3A_26, %dma_start3A_27] : memref<32x5x25x80xi32, #tpu.memory_space<hbm>> -> memref<1x1x25x80xi32, #tpu.memory_space<hbm>>
    %dma_start3A_29 = tpu.memref_squeeze %dma_start3A_28 : memref<1x1x25x80xi32, #tpu.memory_space<hbm>> -> memref<25x80xi32, #tpu.memory_space<hbm>>
    %dma_start3A_30 = arith.constant 0 : i32
    %dma_start3A_31 = arith.constant 0 : i32
    %dma_start3A_32 = tpu.memref_slice %arg6[%dma_start3A_20, %dma_start3A_21, %dma_start3A_30, %dma_start3A_31] : memref<2x2x25x80xi32, #tpu.memory_space<vmem>> -> memref<1x1x25x80xi32, #tpu.memory_space<vmem>>
    %dma_start3A_33 = tpu.memref_squeeze %dma_start3A_32 : memref<1x1x25x80xi32, #tpu.memory_space<vmem>> -> memref<25x80xi32, #tpu.memory_space<vmem>>
    %dma_start3A_34 = arith.constant 0 : i32
    %dma_start3A_35 = arith.constant 0 : i32
    %dma_start3A_36 = tpu.memref_slice %arg4[%add3A, %dma_start3A_19, %dma_start3A_34, %dma_start3A_35] : memref<32x5x25x80xi32, #tpu.memory_space<hbm>> -> memref<1x1x25x80xi32, #tpu.memory_space<hbm>>
    %dma_start3A_37 = tpu.memref_squeeze %dma_start3A_36 : memref<1x1x25x80xi32, #tpu.memory_space<hbm>> -> memref<25x80xi32, #tpu.memory_space<hbm>>
    tpu.enqueue_dma source(%dma_start3A_37 : memref<25x80xi32, #tpu.memory_space<hbm>>) target(%dma_start3A_33 : memref<25x80xi32, #tpu.memory_space<vmem>>) target_semaphore(%arg10 : memref<!tpu.dma_semaphore, #tpu.memory_space<semaphore_mem>>)
    %scan3A = arith.constant 0 : i32
    %scan3A_38 = arith.constant 80 : i32
    %scan3A_39 = arith.addi %scan3A, %scan3A_38 : i32
    %scan3A_40 = arith.constant 1 : i32
    scf.for %scan3A_662 = %scan3A to %scan3A_39 step %scan3A_40  : i32 {
      %mul3A_663 = arith.constant 1 : i32
      %mul3A_664 = arith.muli %scan3A_662, %mul3A_663 : i32
      %add3A_665 = arith.constant 0 : i32
      %add3A_666 = arith.addi %add3A_665, %mul3A_664 : i32
      %scan3A_667 = arith.constant 0 : i32
      %scan3A_668 = arith.constant 8 : i32
      %scan3A_669 = arith.addi %scan3A_667, %scan3A_668 : i32
      %scan3A_670 = arith.constant 1 : i32
      scf.for %scan3A_672 = %scan3A_667 to %scan3A_669 step %scan3A_670  : i32 {
        %mul3A_673 = arith.constant 16 : i32
        %mul3A_674 = arith.muli %scan3A_672, %mul3A_673 : i32
        %add3A_675 = arith.constant 0 : i32
        %add3A_676 = arith.addi %add3A_675, %mul3A_674 : i32
        %broadcast_in_dim3A = arith.constant 0.000000e+00 : f32
        %broadcast_in_dim3A_677 = vector.broadcast %broadcast_in_dim3A : f32 to vector<16xf32>
        %swap3A = arith.index_cast %add3A_666 : i32 to index
        %swap3A_678 = arith.index_cast %add3A_676 : i32 to index
        %swap3A_679 = tpu.vector_load %arg7[%swap3A, %swap3A_678] {strides = array<i32>} : memref<80x128xf32, #tpu.memory_space<vmem>>, vector<1x16xf32>,
        %swap3A_680 = vector.shape_cast %swap3A_679 : vector<1x16xf32> to vector<16xf32>
        %swap3A_681 = vector.shape_cast %broadcast_in_dim3A_677 : vector<16xf32> to vector<1x16xf32>
        tpu.vector_store %arg7[%swap3A, %swap3A_678], %swap3A_681 {strides = array<i32>} : memref<80x128xf32, #tpu.memory_space<vmem>>, vector<1x16xf32>,
      }
      %scan3A_671 = arith.constant 8 : i32
    }
    %scan3A_41 = arith.constant 80 : i32
    %mul3A_42 = arith.constant 640 : i32
    %mul3A_43 = arith.muli %arg1, %mul3A_42 : i32
    %lt3A = arith.constant 15 : i32
    %lt3A_44 = arith.cmpi slt, %arg1, %lt3A : i32
    %convert_element_type3A = arith.extui %lt3A_44 : i1 to i32
    %cond3A = arith.constant 0 : i32
    %cond3A_45 = arith.cmpi ne, %convert_element_type3A, %cond3A : i32
    scf.if %cond3A_45 {
      %scan3A_662 = arith.constant 0 : i32
      %scan3A_663 = arith.constant 8 : i32
      %scan3A_664 = arith.addi %scan3A_662, %scan3A_663 : i32
      %scan3A_665 = arith.constant 1 : i32
      scf.for %scan3A_672 = %scan3A_662 to %scan3A_664 step %scan3A_665  : i32 {
        %mul3A_673 = arith.constant 80 : i32
        %mul3A_674 = arith.muli %scan3A_672, %mul3A_673 : i32
        %add3A_675 = arith.constant 0 : i32
        %add3A_676 = arith.addi %add3A_675, %mul3A_674 : i32
        %add3A_677 = arith.addi %mul3A_43, %add3A_676 : i32
        %dma_start3A_678 = arith.constant 0 : i32
        %dma_start3A_679 = tpu.memref_slice %arg9[%add3A_677, %dma_start3A_678] : memref<10000x128xf32, #tpu.memory_space<vmem_shared>> -> memref<80x128xf32, #tpu.memory_space<vmem_shared>>
        %dma_start3A_680 = arith.constant 0 : i32
        %dma_start3A_681 = tpu.memref_slice %arg9[%add3A_677, %dma_start3A_680] : memref<10000x128xf32, #tpu.memory_space<vmem_shared>> -> memref<80x128xf32, #tpu.memory_space<vmem_shared>>
        tpu.enqueue_dma source(%arg7 : memref<80x128xf32, #tpu.memory_space<vmem>>) target(%dma_start3A_681 : memref<80x128xf32, #tpu.memory_space<vmem_shared>>) target_semaphore(%arg14 : memref<!tpu.dma_semaphore, #tpu.memory_space<semaphore_mem>>)
      }
      %scan3A_666 = arith.constant 8 : i32
      %scan3A_667 = arith.constant 0 : i32
      %scan3A_668 = arith.constant 8 : i32
      %scan3A_669 = arith.addi %scan3A_667, %scan3A_668 : i32
      %scan3A_670 = arith.constant 1 : i32
      scf.for %scan3A_672 = %scan3A_667 to %scan3A_669 step %scan3A_670  : i32 {
        %mul3A_673 = arith.constant 80 : i32
        %mul3A_674 = arith.muli %scan3A_672, %mul3A_673 : i32
        %add3A_675 = arith.constant 0 : i32
        %add3A_676 = arith.addi %add3A_675, %mul3A_674 : i32
        %add3A_677 = arith.addi %mul3A_43, %add3A_676 : i32
        %dma_wait3A_678 = arith.constant 0 : i32
        %dma_wait3A_679 = tpu.memref_slice %arg9[%add3A_677, %dma_wait3A_678] : memref<10000x128xf32, #tpu.memory_space<vmem_shared>> -> memref<80x128xf32, #tpu.memory_space<vmem_shared>>
        %dma_wait3A_680 = arith.constant 0 : i32
        %dma_wait3A_681 = tpu.memref_slice %arg9[%add3A_677, %dma_wait3A_680] : memref<10000x128xf32, #tpu.memory_space<vmem_shared>> -> memref<80x128xf32, #tpu.memory_space<vmem_shared>>
        tpu.wait_dma2 semaphore(%arg14 : memref<!tpu.dma_semaphore, #tpu.memory_space<semaphore_mem>>) src(%arg7 : memref<80x128xf32, #tpu.memory_space<vmem>>) dst(%dma_wait3A_681 : memref<80x128xf32, #tpu.memory_space<vmem_shared>>)
      }
      %scan3A_671 = arith.constant 8 : i32
    } else {
    }
    %eq3A = arith.constant 15 : i32
    %eq3A_46 = arith.cmpi eq, %arg1, %eq3A : i32
    %convert_element_type3A_47 = arith.extui %eq3A_46 : i1 to i32
    %cond3A_48 = arith.constant 0 : i32
    %cond3A_49 = arith.cmpi ne, %convert_element_type3A_47, %cond3A_48 : i32
    scf.if %cond3A_49 {
      %scan3A_662 = arith.constant 0 : i32
      %scan3A_663 = arith.constant 5 : i32
      %scan3A_664 = arith.addi %scan3A_662, %scan3A_663 : i32
      %scan3A_665 = arith.constant 1 : i32
      scf.for %scan3A_672 = %scan3A_662 to %scan3A_664 step %scan3A_665  : i32 {
        %mul3A_673 = arith.constant 80 : i32
        %mul3A_674 = arith.muli %scan3A_672, %mul3A_673 : i32
        %add3A_675 = arith.constant 0 : i32
        %add3A_676 = arith.addi %add3A_675, %mul3A_674 : i32
        %add3A_677 = arith.addi %mul3A_43, %add3A_676 : i32
        %dma_start3A_678 = arith.constant 0 : i32
        %dma_start3A_679 = tpu.memref_slice %arg9[%add3A_677, %dma_start3A_678] : memref<10000x128xf32, #tpu.memory_space<vmem_shared>> -> memref<80x128xf32, #tpu.memory_space<vmem_shared>>
        %dma_start3A_680 = arith.constant 0 : i32
        %dma_start3A_681 = tpu.memref_slice %arg9[%add3A_677, %dma_start3A_680] : memref<10000x128xf32, #tpu.memory_space<vmem_shared>> -> memref<80x128xf32, #tpu.memory_space<vmem_shared>>
        tpu.enqueue_dma source(%arg7 : memref<80x128xf32, #tpu.memory_space<vmem>>) target(%dma_start3A_681 : memref<80x128xf32, #tpu.memory_space<vmem_shared>>) target_semaphore(%arg14 : memref<!tpu.dma_semaphore, #tpu.memory_space<semaphore_mem>>)
      }
      %scan3A_666 = arith.constant 5 : i32
      %scan3A_667 = arith.constant 0 : i32
      %scan3A_668 = arith.constant 5 : i32
      %scan3A_669 = arith.addi %scan3A_667, %scan3A_668 : i32
      %scan3A_670 = arith.constant 1 : i32
      scf.for %scan3A_672 = %scan3A_667 to %scan3A_669 step %scan3A_670  : i32 {
        %mul3A_673 = arith.constant 80 : i32
        %mul3A_674 = arith.muli %scan3A_672, %mul3A_673 : i32
        %add3A_675 = arith.constant 0 : i32
        %add3A_676 = arith.addi %add3A_675, %mul3A_674 : i32
        %add3A_677 = arith.addi %mul3A_43, %add3A_676 : i32
        %dma_wait3A_678 = arith.constant 0 : i32
        %dma_wait3A_679 = tpu.memref_slice %arg9[%add3A_677, %dma_wait3A_678] : memref<10000x128xf32, #tpu.memory_space<vmem_shared>> -> memref<80x128xf32, #tpu.memory_space<vmem_shared>>
        %dma_wait3A_680 = arith.constant 0 : i32
        %dma_wait3A_681 = tpu.memref_slice %arg9[%add3A_677, %dma_wait3A_680] : memref<10000x128xf32, #tpu.memory_space<vmem_shared>> -> memref<80x128xf32, #tpu.memory_space<vmem_shared>>
        tpu.wait_dma2 semaphore(%arg14 : memref<!tpu.dma_semaphore, #tpu.memory_space<semaphore_mem>>) src(%arg7 : memref<80x128xf32, #tpu.memory_space<vmem>>) dst(%dma_wait3A_681 : memref<80x128xf32, #tpu.memory_space<vmem_shared>>)
      }
      %scan3A_671 = arith.constant 5 : i32
    } else {
    }
    %barrier3A = arith.constant 0 : index
    tpu.barrier barrier_id(%barrier3A)
    %dma_wait3A = arith.constant 0 : i32
    %dma_wait3A_50 = arith.constant 0 : i32
    %dma_wait3A_51 = arith.constant 0 : i32
    %dma_wait3A_52 = arith.constant 0 : i32
    %dma_wait3A_53 = arith.constant 0 : i32
    %dma_wait3A_54 = arith.constant 0 : i32
    %dma_wait3A_55 = tpu.memref_slice %arg6[%dma_wait3A_51, %dma_wait3A_52, %dma_wait3A_53, %dma_wait3A_54] : memref<2x2x25x80xi32, #tpu.memory_space<vmem>> -> memref<1x1x25x80xi32, #tpu.memory_space<vmem>>
    %dma_wait3A_56 = tpu.memref_squeeze %dma_wait3A_55 : memref<1x1x25x80xi32, #tpu.memory_space<vmem>> -> memref<25x80xi32, #tpu.memory_space<vmem>>
    %dma_wait3A_57 = arith.constant 0 : i32
    %dma_wait3A_58 = arith.constant 0 : i32
    %dma_wait3A_59 = tpu.memref_slice %arg3[%dma_wait3A, %dma_wait3A_50, %dma_wait3A_57, %dma_wait3A_58] : memref<32x5x25x80xi32, #tpu.memory_space<hbm>> -> memref<1x1x25x80xi32, #tpu.memory_space<hbm>>
    %dma_wait3A_60 = tpu.memref_squeeze %dma_wait3A_59 : memref<1x1x25x80xi32, #tpu.memory_space<hbm>> -> memref<25x80xi32, #tpu.memory_space<hbm>>
    %dma_wait3A_61 = arith.constant 0 : i32
    %dma_wait3A_62 = arith.constant 0 : i32
    %dma_wait3A_63 = tpu.memref_slice %arg6[%dma_wait3A_51, %dma_wait3A_52, %dma_wait3A_61, %dma_wait3A_62] : memref<2x2x25x80xi32, #tpu.memory_space<vmem>> -> memref<1x1x25x80xi32, #tpu.memory_space<vmem>>
    %dma_wait3A_64 = tpu.memref_squeeze %dma_wait3A_63 : memref<1x1x25x80xi32, #tpu.memory_space<vmem>> -> memref<25x80xi32, #tpu.memory_space<vmem>>
    %dma_wait3A_65 = arith.constant 0 : i32
    %dma_wait3A_66 = arith.constant 0 : i32
    %dma_wait3A_67 = tpu.memref_slice %arg3[%dma_wait3A, %dma_wait3A_50, %dma_wait3A_65, %dma_wait3A_66] : memref<32x5x25x80xi32, #tpu.memory_space<hbm>> -> memref<1x1x25x80xi32, #tpu.memory_space<hbm>>
    %dma_wait3A_68 = tpu.memref_squeeze %dma_wait3A_67 : memref<1x1x25x80xi32, #tpu.memory_space<hbm>> -> memref<25x80xi32, #tpu.memory_space<hbm>>
    tpu.wait_dma2 semaphore(%arg10 : memref<!tpu.dma_semaphore, #tpu.memory_space<semaphore_mem>>) src(%dma_wait3A_68 : memref<25x80xi32, #tpu.memory_space<hbm>>) dst(%dma_wait3A_64 : memref<25x80xi32, #tpu.memory_space<vmem>>)
    %dma_wait3A_69 = arith.constant 0 : i32
    %dma_wait3A_70 = arith.constant 0 : i32
    %dma_wait3A_71 = arith.constant 0 : i32
    %dma_wait3A_72 = arith.constant 1 : i32
    %dma_wait3A_73 = arith.constant 0 : i32
    %dma_wait3A_74 = arith.constant 0 : i32
    %dma_wait3A_75 = tpu.memref_slice %arg6[%dma_wait3A_71, %dma_wait3A_72, %dma_wait3A_73, %dma_wait3A_74] : memref<2x2x25x80xi32, #tpu.memory_space<vmem>> -> memref<1x1x25x80xi32, #tpu.memory_space<vmem>>
    %dma_wait3A_76 = tpu.memref_squeeze %dma_wait3A_75 : memref<1x1x25x80xi32, #tpu.memory_space<vmem>> -> memref<25x80xi32, #tpu.memory_space<vmem>>
    %dma_wait3A_77 = arith.constant 0 : i32
    %dma_wait3A_78 = arith.constant 0 : i32
    %dma_wait3A_79 = tpu.memref_slice %arg4[%dma_wait3A_69, %dma_wait3A_70, %dma_wait3A_77, %dma_wait3A_78] : memref<32x5x25x80xi32, #tpu.memory_space<hbm>> -> memref<1x1x25x80xi32, #tpu.memory_space<hbm>>
    %dma_wait3A_80 = tpu.memref_squeeze %dma_wait3A_79 : memref<1x1x25x80xi32, #tpu.memory_space<hbm>> -> memref<25x80xi32, #tpu.memory_space<hbm>>
    %dma_wait3A_81 = arith.constant 0 : i32
    %dma_wait3A_82 = arith.constant 0 : i32
    %dma_wait3A_83 = tpu.memref_slice %arg6[%dma_wait3A_71, %dma_wait3A_72, %dma_wait3A_81, %dma_wait3A_82] : memref<2x2x25x80xi32, #tpu.memory_space<vmem>> -> memref<1x1x25x80xi32, #tpu.memory_space<vmem>>
    %dma_wait3A_84 = tpu.memref_squeeze %dma_wait3A_83 : memref<1x1x25x80xi32, #tpu.memory_space<vmem>> -> memref<25x80xi32, #tpu.memory_space<vmem>>
    %dma_wait3A_85 = arith.constant 0 : i32
    %dma_wait3A_86 = arith.constant 0 : i32
    %dma_wait3A_87 = tpu.memref_slice %arg4[%dma_wait3A_69, %dma_wait3A_70, %dma_wait3A_85, %dma_wait3A_86] : memref<32x5x25x80xi32, #tpu.memory_space<hbm>> -> memref<1x1x25x80xi32, #tpu.memory_space<hbm>>
    %dma_wait3A_88 = tpu.memref_squeeze %dma_wait3A_87 : memref<1x1x25x80xi32, #tpu.memory_space<hbm>> -> memref<25x80xi32, #tpu.memory_space<hbm>>
    tpu.wait_dma2 semaphore(%arg10 : memref<!tpu.dma_semaphore, #tpu.memory_space<semaphore_mem>>) src(%dma_wait3A_88 : memref<25x80xi32, #tpu.memory_space<hbm>>) dst(%dma_wait3A_84 : memref<25x80xi32, #tpu.memory_space<vmem>>)
    %dma_start3A_89 = arith.constant 0 : i32
    %dma_start3A_90 = arith.constant 0 : i32
    %dma_start3A_91 = arith.constant 0 : i32
    %dma_start3A_92 = arith.constant 0 : i32
    %dma_start3A_93 = tpu.memref_slice %arg6[%dma_start3A_89, %dma_start3A_90, %dma_start3A_91, %dma_start3A_92] : memref<2x2x25x80xi32, #tpu.memory_space<vmem>> -> memref<1x1x1x80xi32, #tpu.memory_space<vmem>>
    %dma_start3A_94 = tpu.memref_squeeze %dma_start3A_93 : memref<1x1x1x80xi32, #tpu.memory_space<vmem>> -> memref<80xi32, #tpu.memory_space<vmem>>
    %dma_start3A_95 = arith.constant 0 : i32
    %dma_start3A_96 = arith.constant 0 : i32
    %dma_start3A_97 = tpu.memref_slice %arg2[%dma_start3A_95, %dma_start3A_96] : memref<10000x128xf32, #tpu.memory_space<hbm>> -> memref<10000x128xf32, #tpu.memory_space<hbm>>
    tpu.enqueue_indirect_dma source(%dma_start3A_97 : memref<10000x128xf32, #tpu.memory_space<hbm>>) target(%arg7 : memref<80x128xf32, #tpu.memory_space<vmem>>) offsets(%dma_start3A_94 : memref<80xi32, #tpu.memory_space<vmem>>) semaphore(%arg12 : memref<!tpu.dma_semaphore, #tpu.memory_space<semaphore_mem>>)
    %dma_wait3A_98 = arith.constant 0 : i32
    %dma_wait3A_99 = arith.constant 0 : i32
    %dma_wait3A_100 = arith.constant 0 : i32
    %dma_wait3A_101 = arith.constant 0 : i32
    %dma_wait3A_102 = tpu.memref_slice %arg6[%dma_wait3A_98, %dma_wait3A_99, %dma_wait3A_100, %dma_wait3A_101] : memref<2x2x25x80xi32, #tpu.memory_space<vmem>> -> memref<1x1x1x80xi32, #tpu.memory_space<vmem>>
    %dma_wait3A_103 = tpu.memref_squeeze %dma_wait3A_102 : memref<1x1x1x80xi32, #tpu.memory_space<vmem>> -> memref<80xi32, #tpu.memory_space<vmem>>
    %dma_wait3A_104 = arith.constant 0 : i32
    %dma_wait3A_105 = arith.constant 0 : i32
    %dma_wait3A_106 = tpu.memref_slice %arg2[%dma_wait3A_104, %dma_wait3A_105] : memref<10000x128xf32, #tpu.memory_space<hbm>> -> memref<10000x128xf32, #tpu.memory_space<hbm>>
    tpu.wait_indirect_dma semaphore(%arg12 : memref<!tpu.dma_semaphore, #tpu.memory_space<semaphore_mem>>) src(%dma_wait3A_106 : memref<10000x128xf32, #tpu.memory_space<hbm>>) dst(%arg7 : memref<80x128xf32, #tpu.memory_space<vmem>>)
    %dma_start3A_107 = arith.constant 0 : i32
    %dma_start3A_108 = arith.constant 1 : i32
    %dma_start3A_109 = arith.constant 0 : i32
    %dma_start3A_110 = arith.constant 0 : i32
    %dma_start3A_111 = tpu.memref_slice %arg6[%dma_start3A_107, %dma_start3A_108, %dma_start3A_109, %dma_start3A_110] : memref<2x2x25x80xi32, #tpu.memory_space<vmem>> -> memref<1x1x1x80xi32, #tpu.memory_space<vmem>>
    %dma_start3A_112 = tpu.memref_squeeze %dma_start3A_111 : memref<1x1x1x80xi32, #tpu.memory_space<vmem>> -> memref<80xi32, #tpu.memory_space<vmem>>
    %dma_start3A_113 = arith.constant 0 : i32
    %dma_start3A_114 = arith.constant 0 : i32
    %dma_start3A_115 = tpu.memref_slice %arg9[%dma_start3A_113, %dma_start3A_114] : memref<10000x128xf32, #tpu.memory_space<vmem_shared>> -> memref<10000x128xf32, #tpu.memory_space<vmem_shared>>
    tpu.enqueue_indirect_dma source(%arg7 : memref<80x128xf32, #tpu.memory_space<vmem>>) target(%dma_start3A_115 : memref<10000x128xf32, #tpu.memory_space<vmem_shared>>) offsets(%dma_start3A_112 : memref<80xi32, #tpu.memory_space<vmem>>) semaphore(%arg14 : memref<!tpu.dma_semaphore, #tpu.memory_space<semaphore_mem>>) {add = true}
    %dma_start3A_116 = arith.constant 0 : i32
    %dma_start3A_117 = arith.constant 0 : i32
    %dma_start3A_118 = arith.constant 1 : i32
    %dma_start3A_119 = arith.constant 0 : i32
    %dma_start3A_120 = tpu.memref_slice %arg6[%dma_start3A_116, %dma_start3A_117, %dma_start3A_118, %dma_start3A_119] : memref<2x2x25x80xi32, #tpu.memory_space<vmem>> -> memref<1x1x1x80xi32, #tpu.memory_space<vmem>>
    %dma_start3A_121 = tpu.memref_squeeze %dma_start3A_120 : memref<1x1x1x80xi32, #tpu.memory_space<vmem>> -> memref<80xi32, #tpu.memory_space<vmem>>
    %dma_start3A_122 = arith.constant 0 : i32
    %dma_start3A_123 = arith.constant 0 : i32
    %dma_start3A_124 = tpu.memref_slice %arg2[%dma_start3A_122, %dma_start3A_123] : memref<10000x128xf32, #tpu.memory_space<hbm>> -> memref<10000x128xf32, #tpu.memory_space<hbm>>
    tpu.enqueue_indirect_dma source(%dma_start3A_124 : memref<10000x128xf32, #tpu.memory_space<hbm>>) target(%arg8 : memref<80x128xf32, #tpu.memory_space<vmem>>) offsets(%dma_start3A_121 : memref<80xi32, #tpu.memory_space<vmem>>) semaphore(%arg13 : memref<!tpu.dma_semaphore, #tpu.memory_space<semaphore_mem>>)
    %dma_start3A_125 = arith.constant 1 : i32
    %dma_start3A_126 = arith.constant 1 : i32
    %dma_start3A_127 = arith.constant 0 : i32
    %dma_start3A_128 = arith.constant 0 : i32
    %dma_start3A_129 = arith.constant 0 : i32
    %dma_start3A_130 = tpu.memref_slice %arg6[%dma_start3A_126, %dma_start3A_127, %dma_start3A_128, %dma_start3A_129] : memref<2x2x25x80xi32, #tpu.memory_space<vmem>> -> memref<1x1x25x80xi32, #tpu.memory_space<vmem>>
    %dma_start3A_131 = tpu.memref_squeeze %dma_start3A_130 : memref<1x1x25x80xi32, #tpu.memory_space<vmem>> -> memref<25x80xi32, #tpu.memory_space<vmem>>
    %dma_start3A_132 = arith.constant 0 : i32
    %dma_start3A_133 = arith.constant 0 : i32
    %dma_start3A_134 = tpu.memref_slice %arg3[%add3A, %dma_start3A_125, %dma_start3A_132, %dma_start3A_133] : memref<32x5x25x80xi32, #tpu.memory_space<hbm>> -> memref<1x1x25x80xi32, #tpu.memory_space<hbm>>
    %dma_start3A_135 = tpu.memref_squeeze %dma_start3A_134 : memref<1x1x25x80xi32, #tpu.memory_space<hbm>> -> memref<25x80xi32, #tpu.memory_space<hbm>>
    %dma_start3A_136 = arith.constant 0 : i32
    %dma_start3A_137 = arith.constant 0 : i32
    %dma_start3A_138 = tpu.memref_slice %arg6[%dma_start3A_126, %dma_start3A_127, %dma_start3A_136, %dma_start3A_137] : memref<2x2x25x80xi32, #tpu.memory_space<vmem>> -> memref<1x1x25x80xi32, #tpu.memory_space<vmem>>
    %dma_start3A_139 = tpu.memref_squeeze %dma_start3A_138 : memref<1x1x25x80xi32, #tpu.memory_space<vmem>> -> memref<25x80xi32, #tpu.memory_space<vmem>>
    %dma_start3A_140 = arith.constant 0 : i32
    %dma_start3A_141 = arith.constant 0 : i32
    %dma_start3A_142 = tpu.memref_slice %arg3[%add3A, %dma_start3A_125, %dma_start3A_140, %dma_start3A_141] : memref<32x5x25x80xi32, #tpu.memory_space<hbm>> -> memref<1x1x25x80xi32, #tpu.memory_space<hbm>>
    %dma_start3A_143 = tpu.memref_squeeze %dma_start3A_142 : memref<1x1x25x80xi32, #tpu.memory_space<hbm>> -> memref<25x80xi32, #tpu.memory_space<hbm>>
    tpu.enqueue_dma source(%dma_start3A_143 : memref<25x80xi32, #tpu.memory_space<hbm>>) target(%dma_start3A_139 : memref<25x80xi32, #tpu.memory_space<vmem>>) target_semaphore(%arg11 : memref<!tpu.dma_semaphore, #tpu.memory_space<semaphore_mem>>)
    %dma_start3A_144 = arith.constant 1 : i32
    %dma_start3A_145 = arith.constant 1 : i32
    %dma_start3A_146 = arith.constant 1 : i32
    %dma_start3A_147 = arith.constant 0 : i32
    %dma_start3A_148 = arith.constant 0 : i32
    %dma_start3A_149 = tpu.memref_slice %arg6[%dma_start3A_145, %dma_start3A_146, %dma_start3A_147, %dma_start3A_148] : memref<2x2x25x80xi32, #tpu.memory_space<vmem>> -> memref<1x1x25x80xi32, #tpu.memory_space<vmem>>
    %dma_start3A_150 = tpu.memref_squeeze %dma_start3A_149 : memref<1x1x25x80xi32, #tpu.memory_space<vmem>> -> memref<25x80xi32, #tpu.memory_space<vmem>>
    %dma_start3A_151 = arith.constant 0 : i32
    %dma_start3A_152 = arith.constant 0 : i32
    %dma_start3A_153 = tpu.memref_slice %arg4[%add3A, %dma_start3A_144, %dma_start3A_151, %dma_start3A_152] : memref<32x5x25x80xi32, #tpu.memory_space<hbm>> -> memref<1x1x25x80xi32, #tpu.memory_space<hbm>>
    %dma_start3A_154 = tpu.memref_squeeze %dma_start3A_153 : memref<1x1x25x80xi32, #tpu.memory_space<hbm>> -> memref<25x80xi32, #tpu.memory_space<hbm>>
    %dma_start3A_155 = arith.constant 0 : i32
    %dma_start3A_156 = arith.constant 0 : i32
    %dma_start3A_157 = tpu.memref_slice %arg6[%dma_start3A_145, %dma_start3A_146, %dma_start3A_155, %dma_start3A_156] : memref<2x2x25x80xi32, #tpu.memory_space<vmem>> -> memref<1x1x25x80xi32, #tpu.memory_space<vmem>>
    %dma_start3A_158 = tpu.memref_squeeze %dma_start3A_157 : memref<1x1x25x80xi32, #tpu.memory_space<vmem>> -> memref<25x80xi32, #tpu.memory_space<vmem>>
    %dma_start3A_159 = arith.constant 0 : i32
    %dma_start3A_160 = arith.constant 0 : i32
    %dma_start3A_161 = tpu.memref_slice %arg4[%add3A, %dma_start3A_144, %dma_start3A_159, %dma_start3A_160] : memref<32x5x25x80xi32, #tpu.memory_space<hbm>> -> memref<1x1x25x80xi32, #tpu.memory_space<hbm>>
    %dma_start3A_162 = tpu.memref_squeeze %dma_start3A_161 : memref<1x1x25x80xi32, #tpu.memory_space<hbm>> -> memref<25x80xi32, #tpu.memory_space<hbm>>
    tpu.enqueue_dma source(%dma_start3A_162 : memref<25x80xi32, #tpu.memory_space<hbm>>) target(%dma_start3A_158 : memref<25x80xi32, #tpu.memory_space<vmem>>) target_semaphore(%arg11 : memref<!tpu.dma_semaphore, #tpu.memory_space<semaphore_mem>>)
    %scan3A_163 = arith.constant 0 : i32
    %scan3A_164 = arith.constant 12 : i32
    %scan3A_165 = arith.addi %scan3A_163, %scan3A_164 : i32
    %scan3A_166 = arith.constant 1 : i32
    scf.for %scan3A_662 = %scan3A_163 to %scan3A_165 step %scan3A_166  : i32 {
      %mul3A_663 = arith.constant 2 : i32
      %mul3A_664 = arith.muli %scan3A_662, %mul3A_663 : i32
      %add3A_665 = arith.constant 1 : i32
      %add3A_666 = arith.addi %add3A_665, %mul3A_664 : i32
      %dma_wait3A_667 = arith.constant 0 : i32
      %dma_wait3A_668 = arith.constant 0 : i32
      %dma_wait3A_669 = arith.constant 0 : i32
      %dma_wait3A_670 = arith.constant 0 : i32
      %dma_wait3A_671 = tpu.memref_slice %arg6[%dma_wait3A_667, %dma_wait3A_668, %dma_wait3A_669, %dma_wait3A_670] : memref<2x2x25x80xi32, #tpu.memory_space<vmem>> -> memref<1x1x1x80xi32, #tpu.memory_space<vmem>>
      %dma_wait3A_672 = tpu.memref_squeeze %dma_wait3A_671 : memref<1x1x1x80xi32, #tpu.memory_space<vmem>> -> memref<80xi32, #tpu.memory_space<vmem>>
      %dma_wait3A_673 = arith.constant 0 : i32
      %dma_wait3A_674 = arith.constant 0 : i32
      %dma_wait3A_675 = tpu.memref_slice %arg2[%dma_wait3A_673, %dma_wait3A_674] : memref<10000x128xf32, #tpu.memory_space<hbm>> -> memref<10000x128xf32, #tpu.memory_space<hbm>>
      tpu.wait_indirect_dma semaphore(%arg13 : memref<!tpu.dma_semaphore, #tpu.memory_space<semaphore_mem>>) src(%dma_wait3A_675 : memref<10000x128xf32, #tpu.memory_space<hbm>>) dst(%arg8 : memref<80x128xf32, #tpu.memory_space<vmem>>)
      %dma_start3A_676 = arith.constant 0 : i32
      %dma_start3A_677 = arith.constant 1 : i32
      %dma_start3A_678 = arith.constant 0 : i32
      %dma_start3A_679 = tpu.memref_slice %arg6[%dma_start3A_676, %dma_start3A_677, %add3A_666, %dma_start3A_678] : memref<2x2x25x80xi32, #tpu.memory_space<vmem>> -> memref<1x1x1x80xi32, #tpu.memory_space<vmem>>
      %dma_start3A_680 = tpu.memref_squeeze %dma_start3A_679 : memref<1x1x1x80xi32, #tpu.memory_space<vmem>> -> memref<80xi32, #tpu.memory_space<vmem>>
      %dma_start3A_681 = arith.constant 0 : i32
      %dma_start3A_682 = arith.constant 0 : i32
      %dma_start3A_683 = tpu.memref_slice %arg9[%dma_start3A_681, %dma_start3A_682] : memref<10000x128xf32, #tpu.memory_space<vmem_shared>> -> memref<10000x128xf32, #tpu.memory_space<vmem_shared>>
      tpu.enqueue_indirect_dma source(%arg8 : memref<80x128xf32, #tpu.memory_space<vmem>>) target(%dma_start3A_683 : memref<10000x128xf32, #tpu.memory_space<vmem_shared>>) offsets(%dma_start3A_680 : memref<80xi32, #tpu.memory_space<vmem>>) semaphore(%arg15 : memref<!tpu.dma_semaphore, #tpu.memory_space<semaphore_mem>>) {add = true}
      %dma_wait3A_684 = arith.constant 0 : i32
      %dma_wait3A_685 = arith.constant 1 : i32
      %dma_wait3A_686 = arith.constant 0 : i32
      %dma_wait3A_687 = arith.constant 0 : i32
      %dma_wait3A_688 = tpu.memref_slice %arg6[%dma_wait3A_684, %dma_wait3A_685, %dma_wait3A_686, %dma_wait3A_687] : memref<2x2x25x80xi32, #tpu.memory_space<vmem>> -> memref<1x1x1x80xi32, #tpu.memory_space<vmem>>
      %dma_wait3A_689 = tpu.memref_squeeze %dma_wait3A_688 : memref<1x1x1x80xi32, #tpu.memory_space<vmem>> -> memref<80xi32, #tpu.memory_space<vmem>>
      %dma_wait3A_690 = arith.constant 0 : i32
      %dma_wait3A_691 = arith.constant 0 : i32
      %dma_wait3A_692 = tpu.memref_slice %arg9[%dma_wait3A_690, %dma_wait3A_691] : memref<10000x128xf32, #tpu.memory_space<vmem_shared>> -> memref<10000x128xf32, #tpu.memory_space<vmem_shared>>
      tpu.wait_indirect_dma semaphore(%arg14 : memref<!tpu.dma_semaphore, #tpu.memory_space<semaphore_mem>>) src(%arg7 : memref<80x128xf32, #tpu.memory_space<vmem>>) dst(%dma_wait3A_692 : memref<10000x128xf32, #tpu.memory_space<vmem_shared>>)
      %add3A_693 = arith.constant 1 : i32
      %add3A_694 = arith.addi %add3A_666, %add3A_693 : i32
      %dma_start3A_695 = arith.constant 0 : i32
      %dma_start3A_696 = arith.constant 0 : i32
      %dma_start3A_697 = arith.constant 0 : i32
      %dma_start3A_698 = tpu.memref_slice %arg6[%dma_start3A_695, %dma_start3A_696, %add3A_694, %dma_start3A_697] : memref<2x2x25x80xi32, #tpu.memory_space<vmem>> -> memref<1x1x1x80xi32, #tpu.memory_space<vmem>>
      %dma_start3A_699 = tpu.memref_squeeze %dma_start3A_698 : memref<1x1x1x80xi32, #tpu.memory_space<vmem>> -> memref<80xi32, #tpu.memory_space<vmem>>
      %dma_start3A_700 = arith.constant 0 : i32
      %dma_start3A_701 = arith.constant 0 : i32
      %dma_start3A_702 = tpu.memref_slice %arg2[%dma_start3A_700, %dma_start3A_701] : memref<10000x128xf32, #tpu.memory_space<hbm>> -> memref<10000x128xf32, #tpu.memory_space<hbm>>
      tpu.enqueue_indirect_dma source(%dma_start3A_702 : memref<10000x128xf32, #tpu.memory_space<hbm>>) target(%arg7 : memref<80x128xf32, #tpu.memory_space<vmem>>) offsets(%dma_start3A_699 : memref<80xi32, #tpu.memory_space<vmem>>) semaphore(%arg12 : memref<!tpu.dma_semaphore, #tpu.memory_space<semaphore_mem>>)
      %dma_wait3A_703 = arith.constant 0 : i32
      %dma_wait3A_704 = arith.constant 0 : i32
      %dma_wait3A_705 = arith.constant 0 : i32
      %dma_wait3A_706 = arith.constant 0 : i32
      %dma_wait3A_707 = tpu.memref_slice %arg6[%dma_wait3A_703, %dma_wait3A_704, %dma_wait3A_705, %dma_wait3A_706] : memref<2x2x25x80xi32, #tpu.memory_space<vmem>> -> memref<1x1x1x80xi32, #tpu.memory_space<vmem>>
      %dma_wait3A_708 = tpu.memref_squeeze %dma_wait3A_707 : memref<1x1x1x80xi32, #tpu.memory_space<vmem>> -> memref<80xi32, #tpu.memory_space<vmem>>
      %dma_wait3A_709 = arith.constant 0 : i32
      %dma_wait3A_710 = arith.constant 0 : i32
      %dma_wait3A_711 = tpu.memref_slice %arg2[%dma_wait3A_709, %dma_wait3A_710] : memref<10000x128xf32, #tpu.memory_space<hbm>> -> memref<10000x128xf32, #tpu.memory_space<hbm>>
      tpu.wait_indirect_dma semaphore(%arg12 : memref<!tpu.dma_semaphore, #tpu.memory_space<semaphore_mem>>) src(%dma_wait3A_711 : memref<10000x128xf32, #tpu.memory_space<hbm>>) dst(%arg7 : memref<80x128xf32, #tpu.memory_space<vmem>>)
      %add3A_712 = arith.constant 1 : i32
      %add3A_713 = arith.addi %add3A_666, %add3A_712 : i32
      %dma_start3A_714 = arith.constant 0 : i32
      %dma_start3A_715 = arith.constant 1 : i32
      %dma_start3A_716 = arith.constant 0 : i32
      %dma_start3A_717 = tpu.memref_slice %arg6[%dma_start3A_714, %dma_start3A_715, %add3A_713, %dma_start3A_716] : memref<2x2x25x80xi32, #tpu.memory_space<vmem>> -> memref<1x1x1x80xi32, #tpu.memory_space<vmem>>
      %dma_start3A_718 = tpu.memref_squeeze %dma_start3A_717 : memref<1x1x1x80xi32, #tpu.memory_space<vmem>> -> memref<80xi32, #tpu.memory_space<vmem>>
      %dma_start3A_719 = arith.constant 0 : i32
      %dma_start3A_720 = arith.constant 0 : i32
      %dma_start3A_721 = tpu.memref_slice %arg9[%dma_start3A_719, %dma_start3A_720] : memref<10000x128xf32, #tpu.memory_space<vmem_shared>> -> memref<10000x128xf32, #tpu.memory_space<vmem_shared>>
      tpu.enqueue_indirect_dma source(%arg7 : memref<80x128xf32, #tpu.memory_space<vmem>>) target(%dma_start3A_721 : memref<10000x128xf32, #tpu.memory_space<vmem_shared>>) offsets(%dma_start3A_718 : memref<80xi32, #tpu.memory_space<vmem>>) semaphore(%arg14 : memref<!tpu.dma_semaphore, #tpu.memory_space<semaphore_mem>>) {add = true}
      %dma_wait3A_722 = arith.constant 0 : i32
      %dma_wait3A_723 = arith.constant 1 : i32
      %dma_wait3A_724 = arith.constant 0 : i32
      %dma_wait3A_725 = arith.constant 0 : i32
      %dma_wait3A_726 = tpu.memref_slice %arg6[%dma_wait3A_722, %dma_wait3A_723, %dma_wait3A_724, %dma_wait3A_725] : memref<2x2x25x80xi32, #tpu.memory_space<vmem>> -> memref<1x1x1x80xi32, #tpu.memory_space<vmem>>
      %dma_wait3A_727 = tpu.memref_squeeze %dma_wait3A_726 : memref<1x1x1x80xi32, #tpu.memory_space<vmem>> -> memref<80xi32, #tpu.memory_space<vmem>>
      %dma_wait3A_728 = arith.constant 0 : i32
      %dma_wait3A_729 = arith.constant 0 : i32
      %dma_wait3A_730 = tpu.memref_slice %arg9[%dma_wait3A_728, %dma_wait3A_729] : memref<10000x128xf32, #tpu.memory_space<vmem_shared>> -> memref<10000x128xf32, #tpu.memory_space<vmem_shared>>
      tpu.wait_indirect_dma semaphore(%arg15 : memref<!tpu.dma_semaphore, #tpu.memory_space<semaphore_mem>>) src(%arg8 : memref<80x128xf32, #tpu.memory_space<vmem>>) dst(%dma_wait3A_730 : memref<10000x128xf32, #tpu.memory_space<vmem_shared>>)
      %add3A_731 = arith.constant 2 : i32
      %add3A_732 = arith.addi %add3A_666, %add3A_731 : i32
      %lt3A_733 = arith.constant 25 : i32
      %lt3A_734 = arith.cmpi slt, %add3A_732, %lt3A_733 : i32
      %convert_element_type3A_735 = arith.extui %lt3A_734 : i1 to i32
      %cond3A_736 = arith.constant 0 : i32
      %cond3A_737 = arith.cmpi ne, %convert_element_type3A_735, %cond3A_736 : i32
      scf.if %cond3A_737 {
        %add3A_738 = arith.constant 2 : i32
        %add3A_739 = arith.addi %add3A_666, %add3A_738 : i32
        %dma_start3A_740 = arith.constant 0 : i32
        %dma_start3A_741 = arith.constant 0 : i32
        %dma_start3A_742 = arith.constant 0 : i32
        %dma_start3A_743 = tpu.memref_slice %arg6[%dma_start3A_740, %dma_start3A_741, %add3A_739, %dma_start3A_742] : memref<2x2x25x80xi32, #tpu.memory_space<vmem>> -> memref<1x1x1x80xi32, #tpu.memory_space<vmem>>
        %dma_start3A_744 = tpu.memref_squeeze %dma_start3A_743 : memref<1x1x1x80xi32, #tpu.memory_space<vmem>> -> memref<80xi32, #tpu.memory_space<vmem>>
        %dma_start3A_745 = arith.constant 0 : i32
        %dma_start3A_746 = arith.constant 0 : i32
        %dma_start3A_747 = tpu.memref_slice %arg2[%dma_start3A_745, %dma_start3A_746] : memref<10000x128xf32, #tpu.memory_space<hbm>> -> memref<10000x128xf32, #tpu.memory_space<hbm>>
        tpu.enqueue_indirect_dma source(%dma_start3A_747 : memref<10000x128xf32, #tpu.memory_space<hbm>>) target(%arg8 : memref<80x128xf32, #tpu.memory_space<vmem>>) offsets(%dma_start3A_744 : memref<80xi32, #tpu.memory_space<vmem>>) semaphore(%arg13 : memref<!tpu.dma_semaphore, #tpu.memory_space<semaphore_mem>>)
      } else {
      }
    }
    %scan3A_167 = arith.constant 12 : i32
    %dma_wait3A_168 = arith.constant 0 : i32
    %dma_wait3A_169 = arith.constant 0 : i32
    %dma_wait3A_170 = arith.constant 1 : i32
    %dma_wait3A_171 = arith.constant 0 : i32
    %dma_wait3A_172 = arith.constant 0 : i32
    %dma_wait3A_173 = arith.constant 0 : i32
    %dma_wait3A_174 = tpu.memref_slice %arg6[%dma_wait3A_170, %dma_wait3A_171, %dma_wait3A_172, %dma_wait3A_173] : memref<2x2x25x80xi32, #tpu.memory_space<vmem>> -> memref<1x1x25x80xi32, #tpu.memory_space<vmem>>
    %dma_wait3A_175 = tpu.memref_squeeze %dma_wait3A_174 : memref<1x1x25x80xi32, #tpu.memory_space<vmem>> -> memref<25x80xi32, #tpu.memory_space<vmem>>
    %dma_wait3A_176 = arith.constant 0 : i32
    %dma_wait3A_177 = arith.constant 0 : i32
    %dma_wait3A_178 = tpu.memref_slice %arg3[%dma_wait3A_168, %dma_wait3A_169, %dma_wait3A_176, %dma_wait3A_177] : memref<32x5x25x80xi32, #tpu.memory_space<hbm>> -> memref<1x1x25x80xi32, #tpu.memory_space<hbm>>
    %dma_wait3A_179 = tpu.memref_squeeze %dma_wait3A_178 : memref<1x1x25x80xi32, #tpu.memory_space<hbm>> -> memref<25x80xi32, #tpu.memory_space<hbm>>
    %dma_wait3A_180 = arith.constant 0 : i32
    %dma_wait3A_181 = arith.constant 0 : i32
    %dma_wait3A_182 = tpu.memref_slice %arg6[%dma_wait3A_170, %dma_wait3A_171, %dma_wait3A_180, %dma_wait3A_181] : memref<2x2x25x80xi32, #tpu.memory_space<vmem>> -> memref<1x1x25x80xi32, #tpu.memory_space<vmem>>
    %dma_wait3A_183 = tpu.memref_squeeze %dma_wait3A_182 : memref<1x1x25x80xi32, #tpu.memory_space<vmem>> -> memref<25x80xi32, #tpu.memory_space<vmem>>
    %dma_wait3A_184 = arith.constant 0 : i32
    %dma_wait3A_185 = arith.constant 0 : i32
    %dma_wait3A_186 = tpu.memref_slice %arg3[%dma_wait3A_168, %dma_wait3A_169, %dma_wait3A_184, %dma_wait3A_185] : memref<32x5x25x80xi32, #tpu.memory_space<hbm>> -> memref<1x1x25x80xi32, #tpu.memory_space<hbm>>
    %dma_wait3A_187 = tpu.memref_squeeze %dma_wait3A_186 : memref<1x1x25x80xi32, #tpu.memory_space<hbm>> -> memref<25x80xi32, #tpu.memory_space<hbm>>
    tpu.wait_dma2 semaphore(%arg11 : memref<!tpu.dma_semaphore, #tpu.memory_space<semaphore_mem>>) src(%dma_wait3A_187 : memref<25x80xi32, #tpu.memory_space<hbm>>) dst(%dma_wait3A_183 : memref<25x80xi32, #tpu.memory_space<vmem>>)
    %dma_wait3A_188 = arith.constant 0 : i32
    %dma_wait3A_189 = arith.constant 0 : i32
    %dma_wait3A_190 = arith.constant 1 : i32
    %dma_wait3A_191 = arith.constant 1 : i32
    %dma_wait3A_192 = arith.constant 0 : i32
    %dma_wait3A_193 = arith.constant 0 : i32
    %dma_wait3A_194 = tpu.memref_slice %arg6[%dma_wait3A_190, %dma_wait3A_191, %dma_wait3A_192, %dma_wait3A_193] : memref<2x2x25x80xi32, #tpu.memory_space<vmem>> -> memref<1x1x25x80xi32, #tpu.memory_space<vmem>>
    %dma_wait3A_195 = tpu.memref_squeeze %dma_wait3A_194 : memref<1x1x25x80xi32, #tpu.memory_space<vmem>> -> memref<25x80xi32, #tpu.memory_space<vmem>>
    %dma_wait3A_196 = arith.constant 0 : i32
    %dma_wait3A_197 = arith.constant 0 : i32
    %dma_wait3A_198 = tpu.memref_slice %arg4[%dma_wait3A_188, %dma_wait3A_189, %dma_wait3A_196, %dma_wait3A_197] : memref<32x5x25x80xi32, #tpu.memory_space<hbm>> -> memref<1x1x25x80xi32, #tpu.memory_space<hbm>>
    %dma_wait3A_199 = tpu.memref_squeeze %dma_wait3A_198 : memref<1x1x25x80xi32, #tpu.memory_space<hbm>> -> memref<25x80xi32, #tpu.memory_space<hbm>>
    %dma_wait3A_200 = arith.constant 0 : i32
    %dma_wait3A_201 = arith.constant 0 : i32
    %dma_wait3A_202 = tpu.memref_slice %arg6[%dma_wait3A_190, %dma_wait3A_191, %dma_wait3A_200, %dma_wait3A_201] : memref<2x2x25x80xi32, #tpu.memory_space<vmem>> -> memref<1x1x25x80xi32, #tpu.memory_space<vmem>>
    %dma_wait3A_203 = tpu.memref_squeeze %dma_wait3A_202 : memref<1x1x25x80xi32, #tpu.memory_space<vmem>> -> memref<25x80xi32, #tpu.memory_space<vmem>>
    %dma_wait3A_204 = arith.constant 0 : i32
    %dma_wait3A_205 = arith.constant 0 : i32
    %dma_wait3A_206 = tpu.memref_slice %arg4[%dma_wait3A_188, %dma_wait3A_189, %dma_wait3A_204, %dma_wait3A_205] : memref<32x5x25x80xi32, #tpu.memory_space<hbm>> -> memref<1x1x25x80xi32, #tpu.memory_space<hbm>>
    %dma_wait3A_207 = tpu.memref_squeeze %dma_wait3A_206 : memref<1x1x25x80xi32, #tpu.memory_space<hbm>> -> memref<25x80xi32, #tpu.memory_space<hbm>>
    tpu.wait_dma2 semaphore(%arg11 : memref<!tpu.dma_semaphore, #tpu.memory_space<semaphore_mem>>) src(%dma_wait3A_207 : memref<25x80xi32, #tpu.memory_space<hbm>>) dst(%dma_wait3A_203 : memref<25x80xi32, #tpu.memory_space<vmem>>)
    %dma_start3A_208 = arith.constant 1 : i32
    %dma_start3A_209 = arith.constant 0 : i32
    %dma_start3A_210 = arith.constant 0 : i32
    %dma_start3A_211 = arith.constant 0 : i32
    %dma_start3A_212 = tpu.memref_slice %arg6[%dma_start3A_208, %dma_start3A_209, %dma_start3A_210, %dma_start3A_211] : memref<2x2x25x80xi32, #tpu.memory_space<vmem>> -> memref<1x1x1x80xi32, #tpu.memory_space<vmem>>
    %dma_start3A_213 = tpu.memref_squeeze %dma_start3A_212 : memref<1x1x1x80xi32, #tpu.memory_space<vmem>> -> memref<80xi32, #tpu.memory_space<vmem>>
    %dma_start3A_214 = arith.constant 0 : i32
    %dma_start3A_215 = arith.constant 0 : i32
    %dma_start3A_216 = tpu.memref_slice %arg2[%dma_start3A_214, %dma_start3A_215] : memref<10000x128xf32, #tpu.memory_space<hbm>> -> memref<10000x128xf32, #tpu.memory_space<hbm>>
    tpu.enqueue_indirect_dma source(%dma_start3A_216 : memref<10000x128xf32, #tpu.memory_space<hbm>>) target(%arg8 : memref<80x128xf32, #tpu.memory_space<vmem>>) offsets(%dma_start3A_213 : memref<80xi32, #tpu.memory_space<vmem>>) semaphore(%arg13 : memref<!tpu.dma_semaphore, #tpu.memory_space<semaphore_mem>>)
    %dma_wait3A_217 = arith.constant 0 : i32
    %dma_wait3A_218 = arith.constant 0 : i32
    %dma_wait3A_219 = arith.constant 0 : i32
    %dma_wait3A_220 = arith.constant 0 : i32
    %dma_wait3A_221 = tpu.memref_slice %arg6[%dma_wait3A_217, %dma_wait3A_218, %dma_wait3A_219, %dma_wait3A_220] : memref<2x2x25x80xi32, #tpu.memory_space<vmem>> -> memref<1x1x1x80xi32, #tpu.memory_space<vmem>>
    %dma_wait3A_222 = tpu.memref_squeeze %dma_wait3A_221 : memref<1x1x1x80xi32, #tpu.memory_space<vmem>> -> memref<80xi32, #tpu.memory_space<vmem>>
    %dma_wait3A_223 = arith.constant 0 : i32
    %dma_wait3A_224 = arith.constant 0 : i32
    %dma_wait3A_225 = tpu.memref_slice %arg2[%dma_wait3A_223, %dma_wait3A_224] : memref<10000x128xf32, #tpu.memory_space<hbm>> -> memref<10000x128xf32, #tpu.memory_space<hbm>>
    tpu.wait_indirect_dma semaphore(%arg13 : memref<!tpu.dma_semaphore, #tpu.memory_space<semaphore_mem>>) src(%dma_wait3A_225 : memref<10000x128xf32, #tpu.memory_space<hbm>>) dst(%arg8 : memref<80x128xf32, #tpu.memory_space<vmem>>)
    %dma_start3A_226 = arith.constant 1 : i32
    %dma_start3A_227 = arith.constant 1 : i32
    %dma_start3A_228 = arith.constant 0 : i32
    %dma_start3A_229 = arith.constant 0 : i32
    %dma_start3A_230 = tpu.memref_slice %arg6[%dma_start3A_226, %dma_start3A_227, %dma_start3A_228, %dma_start3A_229] : memref<2x2x25x80xi32, #tpu.memory_space<vmem>> -> memref<1x1x1x80xi32, #tpu.memory_space<vmem>>
    %dma_start3A_231 = tpu.memref_squeeze %dma_start3A_230 : memref<1x1x1x80xi32, #tpu.memory_space<vmem>> -> memref<80xi32, #tpu.memory_space<vmem>>
    %dma_start3A_232 = arith.constant 0 : i32
    %dma_start3A_233 = arith.constant 0 : i32
    %dma_start3A_234 = tpu.memref_slice %arg9[%dma_start3A_232, %dma_start3A_233] : memref<10000x128xf32, #tpu.memory_space<vmem_shared>> -> memref<10000x128xf32, #tpu.memory_space<vmem_shared>>
    tpu.enqueue_indirect_dma source(%arg8 : memref<80x128xf32, #tpu.memory_space<vmem>>) target(%dma_start3A_234 : memref<10000x128xf32, #tpu.memory_space<vmem_shared>>) offsets(%dma_start3A_231 : memref<80xi32, #tpu.memory_space<vmem>>) semaphore(%arg15 : memref<!tpu.dma_semaphore, #tpu.memory_space<semaphore_mem>>) {add = true}
    %dma_wait3A_235 = arith.constant 0 : i32
    %dma_wait3A_236 = arith.constant 1 : i32
    %dma_wait3A_237 = arith.constant 0 : i32
    %dma_wait3A_238 = arith.constant 0 : i32
    %dma_wait3A_239 = tpu.memref_slice %arg6[%dma_wait3A_235, %dma_wait3A_236, %dma_wait3A_237, %dma_wait3A_238] : memref<2x2x25x80xi32, #tpu.memory_space<vmem>> -> memref<1x1x1x80xi32, #tpu.memory_space<vmem>>
    %dma_wait3A_240 = tpu.memref_squeeze %dma_wait3A_239 : memref<1x1x1x80xi32, #tpu.memory_space<vmem>> -> memref<80xi32, #tpu.memory_space<vmem>>
    %dma_wait3A_241 = arith.constant 0 : i32
    %dma_wait3A_242 = arith.constant 0 : i32
    %dma_wait3A_243 = tpu.memref_slice %arg9[%dma_wait3A_241, %dma_wait3A_242] : memref<10000x128xf32, #tpu.memory_space<vmem_shared>> -> memref<10000x128xf32, #tpu.memory_space<vmem_shared>>
    tpu.wait_indirect_dma semaphore(%arg14 : memref<!tpu.dma_semaphore, #tpu.memory_space<semaphore_mem>>) src(%arg7 : memref<80x128xf32, #tpu.memory_space<vmem>>) dst(%dma_wait3A_243 : memref<10000x128xf32, #tpu.memory_space<vmem_shared>>)
    %dma_start3A_244 = arith.constant 1 : i32
    %dma_start3A_245 = arith.constant 0 : i32
    %dma_start3A_246 = arith.constant 1 : i32
    %dma_start3A_247 = arith.constant 0 : i32
    %dma_start3A_248 = tpu.memref_slice %arg6[%dma_start3A_244, %dma_start3A_245, %dma_start3A_246, %dma_start3A_247] : memref<2x2x25x80xi32, #tpu.memory_space<vmem>> -> memref<1x1x1x80xi32, #tpu.memory_space<vmem>>
    %dma_start3A_249 = tpu.memref_squeeze %dma_start3A_248 : memref<1x1x1x80xi32, #tpu.memory_space<vmem>> -> memref<80xi32, #tpu.memory_space<vmem>>
    %dma_start3A_250 = arith.constant 0 : i32
    %dma_start3A_251 = arith.constant 0 : i32
    %dma_start3A_252 = tpu.memref_slice %arg2[%dma_start3A_250, %dma_start3A_251] : memref<10000x128xf32, #tpu.memory_space<hbm>> -> memref<10000x128xf32, #tpu.memory_space<hbm>>
    tpu.enqueue_indirect_dma source(%dma_start3A_252 : memref<10000x128xf32, #tpu.memory_space<hbm>>) target(%arg7 : memref<80x128xf32, #tpu.memory_space<vmem>>) offsets(%dma_start3A_249 : memref<80xi32, #tpu.memory_space<vmem>>) semaphore(%arg12 : memref<!tpu.dma_semaphore, #tpu.memory_space<semaphore_mem>>)
    %dma_start3A_253 = arith.constant 2 : i32
    %dma_start3A_254 = arith.constant 0 : i32
    %dma_start3A_255 = arith.constant 0 : i32
    %dma_start3A_256 = arith.constant 0 : i32
    %dma_start3A_257 = arith.constant 0 : i32
    %dma_start3A_258 = tpu.memref_slice %arg6[%dma_start3A_254, %dma_start3A_255, %dma_start3A_256, %dma_start3A_257] : memref<2x2x25x80xi32, #tpu.memory_space<vmem>> -> memref<1x1x25x80xi32, #tpu.memory_space<vmem>>
    %dma_start3A_259 = tpu.memref_squeeze %dma_start3A_258 : memref<1x1x25x80xi32, #tpu.memory_space<vmem>> -> memref<25x80xi32, #tpu.memory_space<vmem>>
    %dma_start3A_260 = arith.constant 0 : i32
    %dma_start3A_261 = arith.constant 0 : i32
    %dma_start3A_262 = tpu.memref_slice %arg3[%add3A, %dma_start3A_253, %dma_start3A_260, %dma_start3A_261] : memref<32x5x25x80xi32, #tpu.memory_space<hbm>> -> memref<1x1x25x80xi32, #tpu.memory_space<hbm>>
    %dma_start3A_263 = tpu.memref_squeeze %dma_start3A_262 : memref<1x1x25x80xi32, #tpu.memory_space<hbm>> -> memref<25x80xi32, #tpu.memory_space<hbm>>
    %dma_start3A_264 = arith.constant 0 : i32
    %dma_start3A_265 = arith.constant 0 : i32
    %dma_start3A_266 = tpu.memref_slice %arg6[%dma_start3A_254, %dma_start3A_255, %dma_start3A_264, %dma_start3A_265] : memref<2x2x25x80xi32, #tpu.memory_space<vmem>> -> memref<1x1x25x80xi32, #tpu.memory_space<vmem>>
    %dma_start3A_267 = tpu.memref_squeeze %dma_start3A_266 : memref<1x1x25x80xi32, #tpu.memory_space<vmem>> -> memref<25x80xi32, #tpu.memory_space<vmem>>
    %dma_start3A_268 = arith.constant 0 : i32
    %dma_start3A_269 = arith.constant 0 : i32
    %dma_start3A_270 = tpu.memref_slice %arg3[%add3A, %dma_start3A_253, %dma_start3A_268, %dma_start3A_269] : memref<32x5x25x80xi32, #tpu.memory_space<hbm>> -> memref<1x1x25x80xi32, #tpu.memory_space<hbm>>
    %dma_start3A_271 = tpu.memref_squeeze %dma_start3A_270 : memref<1x1x25x80xi32, #tpu.memory_space<hbm>> -> memref<25x80xi32, #tpu.memory_space<hbm>>
    tpu.enqueue_dma source(%dma_start3A_271 : memref<25x80xi32, #tpu.memory_space<hbm>>) target(%dma_start3A_267 : memref<25x80xi32, #tpu.memory_space<vmem>>) target_semaphore(%arg10 : memref<!tpu.dma_semaphore, #tpu.memory_space<semaphore_mem>>)
    %dma_start3A_272 = arith.constant 2 : i32
    %dma_start3A_273 = arith.constant 0 : i32
    %dma_start3A_274 = arith.constant 1 : i32
    %dma_start3A_275 = arith.constant 0 : i32
    %dma_start3A_276 = arith.constant 0 : i32
    %dma_start3A_277 = tpu.memref_slice %arg6[%dma_start3A_273, %dma_start3A_274, %dma_start3A_275, %dma_start3A_276] : memref<2x2x25x80xi32, #tpu.memory_space<vmem>> -> memref<1x1x25x80xi32, #tpu.memory_space<vmem>>
    %dma_start3A_278 = tpu.memref_squeeze %dma_start3A_277 : memref<1x1x25x80xi32, #tpu.memory_space<vmem>> -> memref<25x80xi32, #tpu.memory_space<vmem>>
    %dma_start3A_279 = arith.constant 0 : i32
    %dma_start3A_280 = arith.constant 0 : i32
    %dma_start3A_281 = tpu.memref_slice %arg4[%add3A, %dma_start3A_272, %dma_start3A_279, %dma_start3A_280] : memref<32x5x25x80xi32, #tpu.memory_space<hbm>> -> memref<1x1x25x80xi32, #tpu.memory_space<hbm>>
    %dma_start3A_282 = tpu.memref_squeeze %dma_start3A_281 : memref<1x1x25x80xi32, #tpu.memory_space<hbm>> -> memref<25x80xi32, #tpu.memory_space<hbm>>
    %dma_start3A_283 = arith.constant 0 : i32
    %dma_start3A_284 = arith.constant 0 : i32
    %dma_start3A_285 = tpu.memref_slice %arg6[%dma_start3A_273, %dma_start3A_274, %dma_start3A_283, %dma_start3A_284] : memref<2x2x25x80xi32, #tpu.memory_space<vmem>> -> memref<1x1x25x80xi32, #tpu.memory_space<vmem>>
    %dma_start3A_286 = tpu.memref_squeeze %dma_start3A_285 : memref<1x1x25x80xi32, #tpu.memory_space<vmem>> -> memref<25x80xi32, #tpu.memory_space<vmem>>
    %dma_start3A_287 = arith.constant 0 : i32
    %dma_start3A_288 = arith.constant 0 : i32
    %dma_start3A_289 = tpu.memref_slice %arg4[%add3A, %dma_start3A_272, %dma_start3A_287, %dma_start3A_288] : memref<32x5x25x80xi32, #tpu.memory_space<hbm>> -> memref<1x1x25x80xi32, #tpu.memory_space<hbm>>
    %dma_start3A_290 = tpu.memref_squeeze %dma_start3A_289 : memref<1x1x25x80xi32, #tpu.memory_space<hbm>> -> memref<25x80xi32, #tpu.memory_space<hbm>>
    tpu.enqueue_dma source(%dma_start3A_290 : memref<25x80xi32, #tpu.memory_space<hbm>>) target(%dma_start3A_286 : memref<25x80xi32, #tpu.memory_space<vmem>>) target_semaphore(%arg10 : memref<!tpu.dma_semaphore, #tpu.memory_space<semaphore_mem>>)
    %scan3A_291 = arith.constant 0 : i32
    %scan3A_292 = arith.constant 12 : i32
    %scan3A_293 = arith.addi %scan3A_291, %scan3A_292 : i32
    %scan3A_294 = arith.constant 1 : i32
    scf.for %scan3A_662 = %scan3A_291 to %scan3A_293 step %scan3A_294  : i32 {
      %mul3A_663 = arith.constant 2 : i32
      %mul3A_664 = arith.muli %scan3A_662, %mul3A_663 : i32
      %add3A_665 = arith.constant 1 : i32
      %add3A_666 = arith.addi %add3A_665, %mul3A_664 : i32
      %dma_wait3A_667 = arith.constant 0 : i32
      %dma_wait3A_668 = arith.constant 0 : i32
      %dma_wait3A_669 = arith.constant 0 : i32
      %dma_wait3A_670 = arith.constant 0 : i32
      %dma_wait3A_671 = tpu.memref_slice %arg6[%dma_wait3A_667, %dma_wait3A_668, %dma_wait3A_669, %dma_wait3A_670] : memref<2x2x25x80xi32, #tpu.memory_space<vmem>> -> memref<1x1x1x80xi32, #tpu.memory_space<vmem>>
      %dma_wait3A_672 = tpu.memref_squeeze %dma_wait3A_671 : memref<1x1x1x80xi32, #tpu.memory_space<vmem>> -> memref<80xi32, #tpu.memory_space<vmem>>
      %dma_wait3A_673 = arith.constant 0 : i32
      %dma_wait3A_674 = arith.constant 0 : i32
      %dma_wait3A_675 = tpu.memref_slice %arg2[%dma_wait3A_673, %dma_wait3A_674] : memref<10000x128xf32, #tpu.memory_space<hbm>> -> memref<10000x128xf32, #tpu.memory_space<hbm>>
      tpu.wait_indirect_dma semaphore(%arg12 : memref<!tpu.dma_semaphore, #tpu.memory_space<semaphore_mem>>) src(%dma_wait3A_675 : memref<10000x128xf32, #tpu.memory_space<hbm>>) dst(%arg7 : memref<80x128xf32, #tpu.memory_space<vmem>>)
      %dma_start3A_676 = arith.constant 1 : i32
      %dma_start3A_677 = arith.constant 1 : i32
      %dma_start3A_678 = arith.constant 0 : i32
      %dma_start3A_679 = tpu.memref_slice %arg6[%dma_start3A_676, %dma_start3A_677, %add3A_666, %dma_start3A_678] : memref<2x2x25x80xi32, #tpu.memory_space<vmem>> -> memref<1x1x1x80xi32, #tpu.memory_space<vmem>>
      %dma_start3A_680 = tpu.memref_squeeze %dma_start3A_679 : memref<1x1x1x80xi32, #tpu.memory_space<vmem>> -> memref<80xi32, #tpu.memory_space<vmem>>
      %dma_start3A_681 = arith.constant 0 : i32
      %dma_start3A_682 = arith.constant 0 : i32
      %dma_start3A_683 = tpu.memref_slice %arg9[%dma_start3A_681, %dma_start3A_682] : memref<10000x128xf32, #tpu.memory_space<vmem_shared>> -> memref<10000x128xf32, #tpu.memory_space<vmem_shared>>
      tpu.enqueue_indirect_dma source(%arg7 : memref<80x128xf32, #tpu.memory_space<vmem>>) target(%dma_start3A_683 : memref<10000x128xf32, #tpu.memory_space<vmem_shared>>) offsets(%dma_start3A_680 : memref<80xi32, #tpu.memory_space<vmem>>) semaphore(%arg14 : memref<!tpu.dma_semaphore, #tpu.memory_space<semaphore_mem>>) {add = true}
      %dma_wait3A_684 = arith.constant 0 : i32
      %dma_wait3A_685 = arith.constant 1 : i32
      %dma_wait3A_686 = arith.constant 0 : i32
      %dma_wait3A_687 = arith.constant 0 : i32
      %dma_wait3A_688 = tpu.memref_slice %arg6[%dma_wait3A_684, %dma_wait3A_685, %dma_wait3A_686, %dma_wait3A_687] : memref<2x2x25x80xi32, #tpu.memory_space<vmem>> -> memref<1x1x1x80xi32, #tpu.memory_space<vmem>>
      %dma_wait3A_689 = tpu.memref_squeeze %dma_wait3A_688 : memref<1x1x1x80xi32, #tpu.memory_space<vmem>> -> memref<80xi32, #tpu.memory_space<vmem>>
      %dma_wait3A_690 = arith.constant 0 : i32
      %dma_wait3A_691 = arith.constant 0 : i32
      %dma_wait3A_692 = tpu.memref_slice %arg9[%dma_wait3A_690, %dma_wait3A_691] : memref<10000x128xf32, #tpu.memory_space<vmem_shared>> -> memref<10000x128xf32, #tpu.memory_space<vmem_shared>>
      tpu.wait_indirect_dma semaphore(%arg15 : memref<!tpu.dma_semaphore, #tpu.memory_space<semaphore_mem>>) src(%arg8 : memref<80x128xf32, #tpu.memory_space<vmem>>) dst(%dma_wait3A_692 : memref<10000x128xf32, #tpu.memory_space<vmem_shared>>)
      %add3A_693 = arith.constant 1 : i32
      %add3A_694 = arith.addi %add3A_666, %add3A_693 : i32
      %dma_start3A_695 = arith.constant 1 : i32
      %dma_start3A_696 = arith.constant 0 : i32
      %dma_start3A_697 = arith.constant 0 : i32
      %dma_start3A_698 = tpu.memref_slice %arg6[%dma_start3A_695, %dma_start3A_696, %add3A_694, %dma_start3A_697] : memref<2x2x25x80xi32, #tpu.memory_space<vmem>> -> memref<1x1x1x80xi32, #tpu.memory_space<vmem>>
      %dma_start3A_699 = tpu.memref_squeeze %dma_start3A_698 : memref<1x1x1x80xi32, #tpu.memory_space<vmem>> -> memref<80xi32, #tpu.memory_space<vmem>>
      %dma_start3A_700 = arith.constant 0 : i32
      %dma_start3A_701 = arith.constant 0 : i32
      %dma_start3A_702 = tpu.memref_slice %arg2[%dma_start3A_700, %dma_start3A_701] : memref<10000x128xf32, #tpu.memory_space<hbm>> -> memref<10000x128xf32, #tpu.memory_space<hbm>>
      tpu.enqueue_indirect_dma source(%dma_start3A_702 : memref<10000x128xf32, #tpu.memory_space<hbm>>) target(%arg8 : memref<80x128xf32, #tpu.memory_space<vmem>>) offsets(%dma_start3A_699 : memref<80xi32, #tpu.memory_space<vmem>>) semaphore(%arg13 : memref<!tpu.dma_semaphore, #tpu.memory_space<semaphore_mem>>)
      %dma_wait3A_703 = arith.constant 0 : i32
      %dma_wait3A_704 = arith.constant 0 : i32
      %dma_wait3A_705 = arith.constant 0 : i32
      %dma_wait3A_706 = arith.constant 0 : i32
      %dma_wait3A_707 = tpu.memref_slice %arg6[%dma_wait3A_703, %dma_wait3A_704, %dma_wait3A_705, %dma_wait3A_706] : memref<2x2x25x80xi32, #tpu.memory_space<vmem>> -> memref<1x1x1x80xi32, #tpu.memory_space<vmem>>
      %dma_wait3A_708 = tpu.memref_squeeze %dma_wait3A_707 : memref<1x1x1x80xi32, #tpu.memory_space<vmem>> -> memref<80xi32, #tpu.memory_space<vmem>>
      %dma_wait3A_709 = arith.constant 0 : i32
      %dma_wait3A_710 = arith.constant 0 : i32
      %dma_wait3A_711 = tpu.memref_slice %arg2[%dma_wait3A_709, %dma_wait3A_710] : memref<10000x128xf32, #tpu.memory_space<hbm>> -> memref<10000x128xf32, #tpu.memory_space<hbm>>
      tpu.wait_indirect_dma semaphore(%arg13 : memref<!tpu.dma_semaphore, #tpu.memory_space<semaphore_mem>>) src(%dma_wait3A_711 : memref<10000x128xf32, #tpu.memory_space<hbm>>) dst(%arg8 : memref<80x128xf32, #tpu.memory_space<vmem>>)
      %add3A_712 = arith.constant 1 : i32
      %add3A_713 = arith.addi %add3A_666, %add3A_712 : i32
      %dma_start3A_714 = arith.constant 1 : i32
      %dma_start3A_715 = arith.constant 1 : i32
      %dma_start3A_716 = arith.constant 0 : i32
      %dma_start3A_717 = tpu.memref_slice %arg6[%dma_start3A_714, %dma_start3A_715, %add3A_713, %dma_start3A_716] : memref<2x2x25x80xi32, #tpu.memory_space<vmem>> -> memref<1x1x1x80xi32, #tpu.memory_space<vmem>>
      %dma_start3A_718 = tpu.memref_squeeze %dma_start3A_717 : memref<1x1x1x80xi32, #tpu.memory_space<vmem>> -> memref<80xi32, #tpu.memory_space<vmem>>
      %dma_start3A_719 = arith.constant 0 : i32
      %dma_start3A_720 = arith.constant 0 : i32
      %dma_start3A_721 = tpu.memref_slice %arg9[%dma_start3A_719, %dma_start3A_720] : memref<10000x128xf32, #tpu.memory_space<vmem_shared>> -> memref<10000x128xf32, #tpu.memory_space<vmem_shared>>
      tpu.enqueue_indirect_dma source(%arg8 : memref<80x128xf32, #tpu.memory_space<vmem>>) target(%dma_start3A_721 : memref<10000x128xf32, #tpu.memory_space<vmem_shared>>) offsets(%dma_start3A_718 : memref<80xi32, #tpu.memory_space<vmem>>) semaphore(%arg15 : memref<!tpu.dma_semaphore, #tpu.memory_space<semaphore_mem>>) {add = true}
      %dma_wait3A_722 = arith.constant 0 : i32
      %dma_wait3A_723 = arith.constant 1 : i32
      %dma_wait3A_724 = arith.constant 0 : i32
      %dma_wait3A_725 = arith.constant 0 : i32
      %dma_wait3A_726 = tpu.memref_slice %arg6[%dma_wait3A_722, %dma_wait3A_723, %dma_wait3A_724, %dma_wait3A_725] : memref<2x2x25x80xi32, #tpu.memory_space<vmem>> -> memref<1x1x1x80xi32, #tpu.memory_space<vmem>>
      %dma_wait3A_727 = tpu.memref_squeeze %dma_wait3A_726 : memref<1x1x1x80xi32, #tpu.memory_space<vmem>> -> memref<80xi32, #tpu.memory_space<vmem>>
      %dma_wait3A_728 = arith.constant 0 : i32
      %dma_wait3A_729 = arith.constant 0 : i32
      %dma_wait3A_730 = tpu.memref_slice %arg9[%dma_wait3A_728, %dma_wait3A_729] : memref<10000x128xf32, #tpu.memory_space<vmem_shared>> -> memref<10000x128xf32, #tpu.memory_space<vmem_shared>>
      tpu.wait_indirect_dma semaphore(%arg14 : memref<!tpu.dma_semaphore, #tpu.memory_space<semaphore_mem>>) src(%arg7 : memref<80x128xf32, #tpu.memory_space<vmem>>) dst(%dma_wait3A_730 : memref<10000x128xf32, #tpu.memory_space<vmem_shared>>)
      %add3A_731 = arith.constant 2 : i32
      %add3A_732 = arith.addi %add3A_666, %add3A_731 : i32
      %lt3A_733 = arith.constant 25 : i32
      %lt3A_734 = arith.cmpi slt, %add3A_732, %lt3A_733 : i32
      %convert_element_type3A_735 = arith.extui %lt3A_734 : i1 to i32
      %cond3A_736 = arith.constant 0 : i32
      %cond3A_737 = arith.cmpi ne, %convert_element_type3A_735, %cond3A_736 : i32
      scf.if %cond3A_737 {
        %add3A_738 = arith.constant 2 : i32
        %add3A_739 = arith.addi %add3A_666, %add3A_738 : i32
        %dma_start3A_740 = arith.constant 1 : i32
        %dma_start3A_741 = arith.constant 0 : i32
        %dma_start3A_742 = arith.constant 0 : i32
        %dma_start3A_743 = tpu.memref_slice %arg6[%dma_start3A_740, %dma_start3A_741, %add3A_739, %dma_start3A_742] : memref<2x2x25x80xi32, #tpu.memory_space<vmem>> -> memref<1x1x1x80xi32, #tpu.memory_space<vmem>>
        %dma_start3A_744 = tpu.memref_squeeze %dma_start3A_743 : memref<1x1x1x80xi32, #tpu.memory_space<vmem>> -> memref<80xi32, #tpu.memory_space<vmem>>
        %dma_start3A_745 = arith.constant 0 : i32
        %dma_start3A_746 = arith.constant 0 : i32
        %dma_start3A_747 = tpu.memref_slice %arg2[%dma_start3A_745, %dma_start3A_746] : memref<10000x128xf32, #tpu.memory_space<hbm>> -> memref<10000x128xf32, #tpu.memory_space<hbm>>
        tpu.enqueue_indirect_dma source(%dma_start3A_747 : memref<10000x128xf32, #tpu.memory_space<hbm>>) target(%arg7 : memref<80x128xf32, #tpu.memory_space<vmem>>) offsets(%dma_start3A_744 : memref<80xi32, #tpu.memory_space<vmem>>) semaphore(%arg12 : memref<!tpu.dma_semaphore, #tpu.memory_space<semaphore_mem>>)
      } else {
      }
    }
    %scan3A_295 = arith.constant 12 : i32
    %dma_wait3A_296 = arith.constant 0 : i32
    %dma_wait3A_297 = arith.constant 0 : i32
    %dma_wait3A_298 = arith.constant 0 : i32
    %dma_wait3A_299 = arith.constant 0 : i32
    %dma_wait3A_300 = arith.constant 0 : i32
    %dma_wait3A_301 = arith.constant 0 : i32
    %dma_wait3A_302 = tpu.memref_slice %arg6[%dma_wait3A_298, %dma_wait3A_299, %dma_wait3A_300, %dma_wait3A_301] : memref<2x2x25x80xi32, #tpu.memory_space<vmem>> -> memref<1x1x25x80xi32, #tpu.memory_space<vmem>>
    %dma_wait3A_303 = tpu.memref_squeeze %dma_wait3A_302 : memref<1x1x25x80xi32, #tpu.memory_space<vmem>> -> memref<25x80xi32, #tpu.memory_space<vmem>>
    %dma_wait3A_304 = arith.constant 0 : i32
    %dma_wait3A_305 = arith.constant 0 : i32
    %dma_wait3A_306 = tpu.memref_slice %arg3[%dma_wait3A_296, %dma_wait3A_297, %dma_wait3A_304, %dma_wait3A_305] : memref<32x5x25x80xi32, #tpu.memory_space<hbm>> -> memref<1x1x25x80xi32, #tpu.memory_space<hbm>>
    %dma_wait3A_307 = tpu.memref_squeeze %dma_wait3A_306 : memref<1x1x25x80xi32, #tpu.memory_space<hbm>> -> memref<25x80xi32, #tpu.memory_space<hbm>>
    %dma_wait3A_308 = arith.constant 0 : i32
    %dma_wait3A_309 = arith.constant 0 : i32
    %dma_wait3A_310 = tpu.memref_slice %arg6[%dma_wait3A_298, %dma_wait3A_299, %dma_wait3A_308, %dma_wait3A_309] : memref<2x2x25x80xi32, #tpu.memory_space<vmem>> -> memref<1x1x25x80xi32, #tpu.memory_space<vmem>>
    %dma_wait3A_311 = tpu.memref_squeeze %dma_wait3A_310 : memref<1x1x25x80xi32, #tpu.memory_space<vmem>> -> memref<25x80xi32, #tpu.memory_space<vmem>>
    %dma_wait3A_312 = arith.constant 0 : i32
    %dma_wait3A_313 = arith.constant 0 : i32
    %dma_wait3A_314 = tpu.memref_slice %arg3[%dma_wait3A_296, %dma_wait3A_297, %dma_wait3A_312, %dma_wait3A_313] : memref<32x5x25x80xi32, #tpu.memory_space<hbm>> -> memref<1x1x25x80xi32, #tpu.memory_space<hbm>>
    %dma_wait3A_315 = tpu.memref_squeeze %dma_wait3A_314 : memref<1x1x25x80xi32, #tpu.memory_space<hbm>> -> memref<25x80xi32, #tpu.memory_space<hbm>>
    tpu.wait_dma2 semaphore(%arg10 : memref<!tpu.dma_semaphore, #tpu.memory_space<semaphore_mem>>) src(%dma_wait3A_315 : memref<25x80xi32, #tpu.memory_space<hbm>>) dst(%dma_wait3A_311 : memref<25x80xi32, #tpu.memory_space<vmem>>)
    %dma_wait3A_316 = arith.constant 0 : i32
    %dma_wait3A_317 = arith.constant 0 : i32
    %dma_wait3A_318 = arith.constant 0 : i32
    %dma_wait3A_319 = arith.constant 1 : i32
    %dma_wait3A_320 = arith.constant 0 : i32
    %dma_wait3A_321 = arith.constant 0 : i32
    %dma_wait3A_322 = tpu.memref_slice %arg6[%dma_wait3A_318, %dma_wait3A_319, %dma_wait3A_320, %dma_wait3A_321] : memref<2x2x25x80xi32, #tpu.memory_space<vmem>> -> memref<1x1x25x80xi32, #tpu.memory_space<vmem>>
    %dma_wait3A_323 = tpu.memref_squeeze %dma_wait3A_322 : memref<1x1x25x80xi32, #tpu.memory_space<vmem>> -> memref<25x80xi32, #tpu.memory_space<vmem>>
    %dma_wait3A_324 = arith.constant 0 : i32
    %dma_wait3A_325 = arith.constant 0 : i32
    %dma_wait3A_326 = tpu.memref_slice %arg4[%dma_wait3A_316, %dma_wait3A_317, %dma_wait3A_324, %dma_wait3A_325] : memref<32x5x25x80xi32, #tpu.memory_space<hbm>> -> memref<1x1x25x80xi32, #tpu.memory_space<hbm>>
    %dma_wait3A_327 = tpu.memref_squeeze %dma_wait3A_326 : memref<1x1x25x80xi32, #tpu.memory_space<hbm>> -> memref<25x80xi32, #tpu.memory_space<hbm>>
    %dma_wait3A_328 = arith.constant 0 : i32
    %dma_wait3A_329 = arith.constant 0 : i32
    %dma_wait3A_330 = tpu.memref_slice %arg6[%dma_wait3A_318, %dma_wait3A_319, %dma_wait3A_328, %dma_wait3A_329] : memref<2x2x25x80xi32, #tpu.memory_space<vmem>> -> memref<1x1x25x80xi32, #tpu.memory_space<vmem>>
    %dma_wait3A_331 = tpu.memref_squeeze %dma_wait3A_330 : memref<1x1x25x80xi32, #tpu.memory_space<vmem>> -> memref<25x80xi32, #tpu.memory_space<vmem>>
    %dma_wait3A_332 = arith.constant 0 : i32
    %dma_wait3A_333 = arith.constant 0 : i32
    %dma_wait3A_334 = tpu.memref_slice %arg4[%dma_wait3A_316, %dma_wait3A_317, %dma_wait3A_332, %dma_wait3A_333] : memref<32x5x25x80xi32, #tpu.memory_space<hbm>> -> memref<1x1x25x80xi32, #tpu.memory_space<hbm>>
    %dma_wait3A_335 = tpu.memref_squeeze %dma_wait3A_334 : memref<1x1x25x80xi32, #tpu.memory_space<hbm>> -> memref<25x80xi32, #tpu.memory_space<hbm>>
    tpu.wait_dma2 semaphore(%arg10 : memref<!tpu.dma_semaphore, #tpu.memory_space<semaphore_mem>>) src(%dma_wait3A_335 : memref<25x80xi32, #tpu.memory_space<hbm>>) dst(%dma_wait3A_331 : memref<25x80xi32, #tpu.memory_space<vmem>>)
    %dma_start3A_336 = arith.constant 0 : i32
    %dma_start3A_337 = arith.constant 0 : i32
    %dma_start3A_338 = arith.constant 0 : i32
    %dma_start3A_339 = arith.constant 0 : i32
    %dma_start3A_340 = tpu.memref_slice %arg6[%dma_start3A_336, %dma_start3A_337, %dma_start3A_338, %dma_start3A_339] : memref<2x2x25x80xi32, #tpu.memory_space<vmem>> -> memref<1x1x1x80xi32, #tpu.memory_space<vmem>>
    %dma_start3A_341 = tpu.memref_squeeze %dma_start3A_340 : memref<1x1x1x80xi32, #tpu.memory_space<vmem>> -> memref<80xi32, #tpu.memory_space<vmem>>
    %dma_start3A_342 = arith.constant 0 : i32
    %dma_start3A_343 = arith.constant 0 : i32
    %dma_start3A_344 = tpu.memref_slice %arg2[%dma_start3A_342, %dma_start3A_343] : memref<10000x128xf32, #tpu.memory_space<hbm>> -> memref<10000x128xf32, #tpu.memory_space<hbm>>
    tpu.enqueue_indirect_dma source(%dma_start3A_344 : memref<10000x128xf32, #tpu.memory_space<hbm>>) target(%arg7 : memref<80x128xf32, #tpu.memory_space<vmem>>) offsets(%dma_start3A_341 : memref<80xi32, #tpu.memory_space<vmem>>) semaphore(%arg12 : memref<!tpu.dma_semaphore, #tpu.memory_space<semaphore_mem>>)
    %dma_wait3A_345 = arith.constant 0 : i32
    %dma_wait3A_346 = arith.constant 0 : i32
    %dma_wait3A_347 = arith.constant 0 : i32
    %dma_wait3A_348 = arith.constant 0 : i32
    %dma_wait3A_349 = tpu.memref_slice %arg6[%dma_wait3A_345, %dma_wait3A_346, %dma_wait3A_347, %dma_wait3A_348] : memref<2x2x25x80xi32, #tpu.memory_space<vmem>> -> memref<1x1x1x80xi32, #tpu.memory_space<vmem>>
    %dma_wait3A_350 = tpu.memref_squeeze %dma_wait3A_349 : memref<1x1x1x80xi32, #tpu.memory_space<vmem>> -> memref<80xi32, #tpu.memory_space<vmem>>
    %dma_wait3A_351 = arith.constant 0 : i32
    %dma_wait3A_352 = arith.constant 0 : i32
    %dma_wait3A_353 = tpu.memref_slice %arg2[%dma_wait3A_351, %dma_wait3A_352] : memref<10000x128xf32, #tpu.memory_space<hbm>> -> memref<10000x128xf32, #tpu.memory_space<hbm>>
    tpu.wait_indirect_dma semaphore(%arg12 : memref<!tpu.dma_semaphore, #tpu.memory_space<semaphore_mem>>) src(%dma_wait3A_353 : memref<10000x128xf32, #tpu.memory_space<hbm>>) dst(%arg7 : memref<80x128xf32, #tpu.memory_space<vmem>>)
    %dma_start3A_354 = arith.constant 0 : i32
    %dma_start3A_355 = arith.constant 1 : i32
    %dma_start3A_356 = arith.constant 0 : i32
    %dma_start3A_357 = arith.constant 0 : i32
    %dma_start3A_358 = tpu.memref_slice %arg6[%dma_start3A_354, %dma_start3A_355, %dma_start3A_356, %dma_start3A_357] : memref<2x2x25x80xi32, #tpu.memory_space<vmem>> -> memref<1x1x1x80xi32, #tpu.memory_space<vmem>>
    %dma_start3A_359 = tpu.memref_squeeze %dma_start3A_358 : memref<1x1x1x80xi32, #tpu.memory_space<vmem>> -> memref<80xi32, #tpu.memory_space<vmem>>
    %dma_start3A_360 = arith.constant 0 : i32
    %dma_start3A_361 = arith.constant 0 : i32
    %dma_start3A_362 = tpu.memref_slice %arg9[%dma_start3A_360, %dma_start3A_361] : memref<10000x128xf32, #tpu.memory_space<vmem_shared>> -> memref<10000x128xf32, #tpu.memory_space<vmem_shared>>
    tpu.enqueue_indirect_dma source(%arg7 : memref<80x128xf32, #tpu.memory_space<vmem>>) target(%dma_start3A_362 : memref<10000x128xf32, #tpu.memory_space<vmem_shared>>) offsets(%dma_start3A_359 : memref<80xi32, #tpu.memory_space<vmem>>) semaphore(%arg14 : memref<!tpu.dma_semaphore, #tpu.memory_space<semaphore_mem>>) {add = true}
    %dma_wait3A_363 = arith.constant 0 : i32
    %dma_wait3A_364 = arith.constant 1 : i32
    %dma_wait3A_365 = arith.constant 0 : i32
    %dma_wait3A_366 = arith.constant 0 : i32
    %dma_wait3A_367 = tpu.memref_slice %arg6[%dma_wait3A_363, %dma_wait3A_364, %dma_wait3A_365, %dma_wait3A_366] : memref<2x2x25x80xi32, #tpu.memory_space<vmem>> -> memref<1x1x1x80xi32, #tpu.memory_space<vmem>>
    %dma_wait3A_368 = tpu.memref_squeeze %dma_wait3A_367 : memref<1x1x1x80xi32, #tpu.memory_space<vmem>> -> memref<80xi32, #tpu.memory_space<vmem>>
    %dma_wait3A_369 = arith.constant 0 : i32
    %dma_wait3A_370 = arith.constant 0 : i32
    %dma_wait3A_371 = tpu.memref_slice %arg9[%dma_wait3A_369, %dma_wait3A_370] : memref<10000x128xf32, #tpu.memory_space<vmem_shared>> -> memref<10000x128xf32, #tpu.memory_space<vmem_shared>>
    tpu.wait_indirect_dma semaphore(%arg15 : memref<!tpu.dma_semaphore, #tpu.memory_space<semaphore_mem>>) src(%arg8 : memref<80x128xf32, #tpu.memory_space<vmem>>) dst(%dma_wait3A_371 : memref<10000x128xf32, #tpu.memory_space<vmem_shared>>)
    %dma_start3A_372 = arith.constant 0 : i32
    %dma_start3A_373 = arith.constant 0 : i32
    %dma_start3A_374 = arith.constant 1 : i32
    %dma_start3A_375 = arith.constant 0 : i32
    %dma_start3A_376 = tpu.memref_slice %arg6[%dma_start3A_372, %dma_start3A_373, %dma_start3A_374, %dma_start3A_375] : memref<2x2x25x80xi32, #tpu.memory_space<vmem>> -> memref<1x1x1x80xi32, #tpu.memory_space<vmem>>
    %dma_start3A_377 = tpu.memref_squeeze %dma_start3A_376 : memref<1x1x1x80xi32, #tpu.memory_space<vmem>> -> memref<80xi32, #tpu.memory_space<vmem>>
    %dma_start3A_378 = arith.constant 0 : i32
    %dma_start3A_379 = arith.constant 0 : i32
    %dma_start3A_380 = tpu.memref_slice %arg2[%dma_start3A_378, %dma_start3A_379] : memref<10000x128xf32, #tpu.memory_space<hbm>> -> memref<10000x128xf32, #tpu.memory_space<hbm>>
    tpu.enqueue_indirect_dma source(%dma_start3A_380 : memref<10000x128xf32, #tpu.memory_space<hbm>>) target(%arg8 : memref<80x128xf32, #tpu.memory_space<vmem>>) offsets(%dma_start3A_377 : memref<80xi32, #tpu.memory_space<vmem>>) semaphore(%arg13 : memref<!tpu.dma_semaphore, #tpu.memory_space<semaphore_mem>>)
    %dma_start3A_381 = arith.constant 3 : i32
    %dma_start3A_382 = arith.constant 1 : i32
    %dma_start3A_383 = arith.constant 0 : i32
    %dma_start3A_384 = arith.constant 0 : i32
    %dma_start3A_385 = arith.constant 0 : i32
    %dma_start3A_386 = tpu.memref_slice %arg6[%dma_start3A_382, %dma_start3A_383, %dma_start3A_384, %dma_start3A_385] : memref<2x2x25x80xi32, #tpu.memory_space<vmem>> -> memref<1x1x25x80xi32, #tpu.memory_space<vmem>>
    %dma_start3A_387 = tpu.memref_squeeze %dma_start3A_386 : memref<1x1x25x80xi32, #tpu.memory_space<vmem>> -> memref<25x80xi32, #tpu.memory_space<vmem>>
    %dma_start3A_388 = arith.constant 0 : i32
    %dma_start3A_389 = arith.constant 0 : i32
    %dma_start3A_390 = tpu.memref_slice %arg3[%add3A, %dma_start3A_381, %dma_start3A_388, %dma_start3A_389] : memref<32x5x25x80xi32, #tpu.memory_space<hbm>> -> memref<1x1x25x80xi32, #tpu.memory_space<hbm>>
    %dma_start3A_391 = tpu.memref_squeeze %dma_start3A_390 : memref<1x1x25x80xi32, #tpu.memory_space<hbm>> -> memref<25x80xi32, #tpu.memory_space<hbm>>
    %dma_start3A_392 = arith.constant 0 : i32
    %dma_start3A_393 = arith.constant 0 : i32
    %dma_start3A_394 = tpu.memref_slice %arg6[%dma_start3A_382, %dma_start3A_383, %dma_start3A_392, %dma_start3A_393] : memref<2x2x25x80xi32, #tpu.memory_space<vmem>> -> memref<1x1x25x80xi32, #tpu.memory_space<vmem>>
    %dma_start3A_395 = tpu.memref_squeeze %dma_start3A_394 : memref<1x1x25x80xi32, #tpu.memory_space<vmem>> -> memref<25x80xi32, #tpu.memory_space<vmem>>
    %dma_start3A_396 = arith.constant 0 : i32
    %dma_start3A_397 = arith.constant 0 : i32
    %dma_start3A_398 = tpu.memref_slice %arg3[%add3A, %dma_start3A_381, %dma_start3A_396, %dma_start3A_397] : memref<32x5x25x80xi32, #tpu.memory_space<hbm>> -> memref<1x1x25x80xi32, #tpu.memory_space<hbm>>
    %dma_start3A_399 = tpu.memref_squeeze %dma_start3A_398 : memref<1x1x25x80xi32, #tpu.memory_space<hbm>> -> memref<25x80xi32, #tpu.memory_space<hbm>>
    tpu.enqueue_dma source(%dma_start3A_399 : memref<25x80xi32, #tpu.memory_space<hbm>>) target(%dma_start3A_395 : memref<25x80xi32, #tpu.memory_space<vmem>>) target_semaphore(%arg11 : memref<!tpu.dma_semaphore, #tpu.memory_space<semaphore_mem>>)
    %dma_start3A_400 = arith.constant 3 : i32
    %dma_start3A_401 = arith.constant 1 : i32
    %dma_start3A_402 = arith.constant 1 : i32
    %dma_start3A_403 = arith.constant 0 : i32
    %dma_start3A_404 = arith.constant 0 : i32
    %dma_start3A_405 = tpu.memref_slice %arg6[%dma_start3A_401, %dma_start3A_402, %dma_start3A_403, %dma_start3A_404] : memref<2x2x25x80xi32, #tpu.memory_space<vmem>> -> memref<1x1x25x80xi32, #tpu.memory_space<vmem>>
    %dma_start3A_406 = tpu.memref_squeeze %dma_start3A_405 : memref<1x1x25x80xi32, #tpu.memory_space<vmem>> -> memref<25x80xi32, #tpu.memory_space<vmem>>
    %dma_start3A_407 = arith.constant 0 : i32
    %dma_start3A_408 = arith.constant 0 : i32
    %dma_start3A_409 = tpu.memref_slice %arg4[%add3A, %dma_start3A_400, %dma_start3A_407, %dma_start3A_408] : memref<32x5x25x80xi32, #tpu.memory_space<hbm>> -> memref<1x1x25x80xi32, #tpu.memory_space<hbm>>
    %dma_start3A_410 = tpu.memref_squeeze %dma_start3A_409 : memref<1x1x25x80xi32, #tpu.memory_space<hbm>> -> memref<25x80xi32, #tpu.memory_space<hbm>>
    %dma_start3A_411 = arith.constant 0 : i32
    %dma_start3A_412 = arith.constant 0 : i32
    %dma_start3A_413 = tpu.memref_slice %arg6[%dma_start3A_401, %dma_start3A_402, %dma_start3A_411, %dma_start3A_412] : memref<2x2x25x80xi32, #tpu.memory_space<vmem>> -> memref<1x1x25x80xi32, #tpu.memory_space<vmem>>
    %dma_start3A_414 = tpu.memref_squeeze %dma_start3A_413 : memref<1x1x25x80xi32, #tpu.memory_space<vmem>> -> memref<25x80xi32, #tpu.memory_space<vmem>>
    %dma_start3A_415 = arith.constant 0 : i32
    %dma_start3A_416 = arith.constant 0 : i32
    %dma_start3A_417 = tpu.memref_slice %arg4[%add3A, %dma_start3A_400, %dma_start3A_415, %dma_start3A_416] : memref<32x5x25x80xi32, #tpu.memory_space<hbm>> -> memref<1x1x25x80xi32, #tpu.memory_space<hbm>>
    %dma_start3A_418 = tpu.memref_squeeze %dma_start3A_417 : memref<1x1x25x80xi32, #tpu.memory_space<hbm>> -> memref<25x80xi32, #tpu.memory_space<hbm>>
    tpu.enqueue_dma source(%dma_start3A_418 : memref<25x80xi32, #tpu.memory_space<hbm>>) target(%dma_start3A_414 : memref<25x80xi32, #tpu.memory_space<vmem>>) target_semaphore(%arg11 : memref<!tpu.dma_semaphore, #tpu.memory_space<semaphore_mem>>)
    %scan3A_419 = arith.constant 0 : i32
    %scan3A_420 = arith.constant 12 : i32
    %scan3A_421 = arith.addi %scan3A_419, %scan3A_420 : i32
    %scan3A_422 = arith.constant 1 : i32
    scf.for %scan3A_662 = %scan3A_419 to %scan3A_421 step %scan3A_422  : i32 {
      %mul3A_663 = arith.constant 2 : i32
      %mul3A_664 = arith.muli %scan3A_662, %mul3A_663 : i32
      %add3A_665 = arith.constant 1 : i32
      %add3A_666 = arith.addi %add3A_665, %mul3A_664 : i32
      %dma_wait3A_667 = arith.constant 0 : i32
      %dma_wait3A_668 = arith.constant 0 : i32
      %dma_wait3A_669 = arith.constant 0 : i32
      %dma_wait3A_670 = arith.constant 0 : i32
      %dma_wait3A_671 = tpu.memref_slice %arg6[%dma_wait3A_667, %dma_wait3A_668, %dma_wait3A_669, %dma_wait3A_670] : memref<2x2x25x80xi32, #tpu.memory_space<vmem>> -> memref<1x1x1x80xi32, #tpu.memory_space<vmem>>
      %dma_wait3A_672 = tpu.memref_squeeze %dma_wait3A_671 : memref<1x1x1x80xi32, #tpu.memory_space<vmem>> -> memref<80xi32, #tpu.memory_space<vmem>>
      %dma_wait3A_673 = arith.constant 0 : i32
      %dma_wait3A_674 = arith.constant 0 : i32
      %dma_wait3A_675 = tpu.memref_slice %arg2[%dma_wait3A_673, %dma_wait3A_674] : memref<10000x128xf32, #tpu.memory_space<hbm>> -> memref<10000x128xf32, #tpu.memory_space<hbm>>
      tpu.wait_indirect_dma semaphore(%arg13 : memref<!tpu.dma_semaphore, #tpu.memory_space<semaphore_mem>>) src(%dma_wait3A_675 : memref<10000x128xf32, #tpu.memory_space<hbm>>) dst(%arg8 : memref<80x128xf32, #tpu.memory_space<vmem>>)
      %dma_start3A_676 = arith.constant 0 : i32
      %dma_start3A_677 = arith.constant 1 : i32
      %dma_start3A_678 = arith.constant 0 : i32
      %dma_start3A_679 = tpu.memref_slice %arg6[%dma_start3A_676, %dma_start3A_677, %add3A_666, %dma_start3A_678] : memref<2x2x25x80xi32, #tpu.memory_space<vmem>> -> memref<1x1x1x80xi32, #tpu.memory_space<vmem>>
      %dma_start3A_680 = tpu.memref_squeeze %dma_start3A_679 : memref<1x1x1x80xi32, #tpu.memory_space<vmem>> -> memref<80xi32, #tpu.memory_space<vmem>>
      %dma_start3A_681 = arith.constant 0 : i32
      %dma_start3A_682 = arith.constant 0 : i32
      %dma_start3A_683 = tpu.memref_slice %arg9[%dma_start3A_681, %dma_start3A_682] : memref<10000x128xf32, #tpu.memory_space<vmem_shared>> -> memref<10000x128xf32, #tpu.memory_space<vmem_shared>>
      tpu.enqueue_indirect_dma source(%arg8 : memref<80x128xf32, #tpu.memory_space<vmem>>) target(%dma_start3A_683 : memref<10000x128xf32, #tpu.memory_space<vmem_shared>>) offsets(%dma_start3A_680 : memref<80xi32, #tpu.memory_space<vmem>>) semaphore(%arg15 : memref<!tpu.dma_semaphore, #tpu.memory_space<semaphore_mem>>) {add = true}
      %dma_wait3A_684 = arith.constant 0 : i32
      %dma_wait3A_685 = arith.constant 1 : i32
      %dma_wait3A_686 = arith.constant 0 : i32
      %dma_wait3A_687 = arith.constant 0 : i32
      %dma_wait3A_688 = tpu.memref_slice %arg6[%dma_wait3A_684, %dma_wait3A_685, %dma_wait3A_686, %dma_wait3A_687] : memref<2x2x25x80xi32, #tpu.memory_space<vmem>> -> memref<1x1x1x80xi32, #tpu.memory_space<vmem>>
      %dma_wait3A_689 = tpu.memref_squeeze %dma_wait3A_688 : memref<1x1x1x80xi32, #tpu.memory_space<vmem>> -> memref<80xi32, #tpu.memory_space<vmem>>
      %dma_wait3A_690 = arith.constant 0 : i32
      %dma_wait3A_691 = arith.constant 0 : i32
      %dma_wait3A_692 = tpu.memref_slice %arg9[%dma_wait3A_690, %dma_wait3A_691] : memref<10000x128xf32, #tpu.memory_space<vmem_shared>> -> memref<10000x128xf32, #tpu.memory_space<vmem_shared>>
      tpu.wait_indirect_dma semaphore(%arg14 : memref<!tpu.dma_semaphore, #tpu.memory_space<semaphore_mem>>) src(%arg7 : memref<80x128xf32, #tpu.memory_space<vmem>>) dst(%dma_wait3A_692 : memref<10000x128xf32, #tpu.memory_space<vmem_shared>>)
      %add3A_693 = arith.constant 1 : i32
      %add3A_694 = arith.addi %add3A_666, %add3A_693 : i32
      %dma_start3A_695 = arith.constant 0 : i32
      %dma_start3A_696 = arith.constant 0 : i32
      %dma_start3A_697 = arith.constant 0 : i32
      %dma_start3A_698 = tpu.memref_slice %arg6[%dma_start3A_695, %dma_start3A_696, %add3A_694, %dma_start3A_697] : memref<2x2x25x80xi32, #tpu.memory_space<vmem>> -> memref<1x1x1x80xi32, #tpu.memory_space<vmem>>
      %dma_start3A_699 = tpu.memref_squeeze %dma_start3A_698 : memref<1x1x1x80xi32, #tpu.memory_space<vmem>> -> memref<80xi32, #tpu.memory_space<vmem>>
      %dma_start3A_700 = arith.constant 0 : i32
      %dma_start3A_701 = arith.constant 0 : i32
      %dma_start3A_702 = tpu.memref_slice %arg2[%dma_start3A_700, %dma_start3A_701] : memref<10000x128xf32, #tpu.memory_space<hbm>> -> memref<10000x128xf32, #tpu.memory_space<hbm>>
      tpu.enqueue_indirect_dma source(%dma_start3A_702 : memref<10000x128xf32, #tpu.memory_space<hbm>>) target(%arg7 : memref<80x128xf32, #tpu.memory_space<vmem>>) offsets(%dma_start3A_699 : memref<80xi32, #tpu.memory_space<vmem>>) semaphore(%arg12 : memref<!tpu.dma_semaphore, #tpu.memory_space<semaphore_mem>>)
      %dma_wait3A_703 = arith.constant 0 : i32
      %dma_wait3A_704 = arith.constant 0 : i32
      %dma_wait3A_705 = arith.constant 0 : i32
      %dma_wait3A_706 = arith.constant 0 : i32
      %dma_wait3A_707 = tpu.memref_slice %arg6[%dma_wait3A_703, %dma_wait3A_704, %dma_wait3A_705, %dma_wait3A_706] : memref<2x2x25x80xi32, #tpu.memory_space<vmem>> -> memref<1x1x1x80xi32, #tpu.memory_space<vmem>>
      %dma_wait3A_708 = tpu.memref_squeeze %dma_wait3A_707 : memref<1x1x1x80xi32, #tpu.memory_space<vmem>> -> memref<80xi32, #tpu.memory_space<vmem>>
      %dma_wait3A_709 = arith.constant 0 : i32
      %dma_wait3A_710 = arith.constant 0 : i32
      %dma_wait3A_711 = tpu.memref_slice %arg2[%dma_wait3A_709, %dma_wait3A_710] : memref<10000x128xf32, #tpu.memory_space<hbm>> -> memref<10000x128xf32, #tpu.memory_space<hbm>>
      tpu.wait_indirect_dma semaphore(%arg12 : memref<!tpu.dma_semaphore, #tpu.memory_space<semaphore_mem>>) src(%dma_wait3A_711 : memref<10000x128xf32, #tpu.memory_space<hbm>>) dst(%arg7 : memref<80x128xf32, #tpu.memory_space<vmem>>)
      %add3A_712 = arith.constant 1 : i32
      %add3A_713 = arith.addi %add3A_666, %add3A_712 : i32
      %dma_start3A_714 = arith.constant 0 : i32
      %dma_start3A_715 = arith.constant 1 : i32
      %dma_start3A_716 = arith.constant 0 : i32
      %dma_start3A_717 = tpu.memref_slice %arg6[%dma_start3A_714, %dma_start3A_715, %add3A_713, %dma_start3A_716] : memref<2x2x25x80xi32, #tpu.memory_space<vmem>> -> memref<1x1x1x80xi32, #tpu.memory_space<vmem>>
      %dma_start3A_718 = tpu.memref_squeeze %dma_start3A_717 : memref<1x1x1x80xi32, #tpu.memory_space<vmem>> -> memref<80xi32, #tpu.memory_space<vmem>>
      %dma_start3A_719 = arith.constant 0 : i32
      %dma_start3A_720 = arith.constant 0 : i32
      %dma_start3A_721 = tpu.memref_slice %arg9[%dma_start3A_719, %dma_start3A_720] : memref<10000x128xf32, #tpu.memory_space<vmem_shared>> -> memref<10000x128xf32, #tpu.memory_space<vmem_shared>>
      tpu.enqueue_indirect_dma source(%arg7 : memref<80x128xf32, #tpu.memory_space<vmem>>) target(%dma_start3A_721 : memref<10000x128xf32, #tpu.memory_space<vmem_shared>>) offsets(%dma_start3A_718 : memref<80xi32, #tpu.memory_space<vmem>>) semaphore(%arg14 : memref<!tpu.dma_semaphore, #tpu.memory_space<semaphore_mem>>) {add = true}
      %dma_wait3A_722 = arith.constant 0 : i32
      %dma_wait3A_723 = arith.constant 1 : i32
      %dma_wait3A_724 = arith.constant 0 : i32
      %dma_wait3A_725 = arith.constant 0 : i32
      %dma_wait3A_726 = tpu.memref_slice %arg6[%dma_wait3A_722, %dma_wait3A_723, %dma_wait3A_724, %dma_wait3A_725] : memref<2x2x25x80xi32, #tpu.memory_space<vmem>> -> memref<1x1x1x80xi32, #tpu.memory_space<vmem>>
      %dma_wait3A_727 = tpu.memref_squeeze %dma_wait3A_726 : memref<1x1x1x80xi32, #tpu.memory_space<vmem>> -> memref<80xi32, #tpu.memory_space<vmem>>
      %dma_wait3A_728 = arith.constant 0 : i32
      %dma_wait3A_729 = arith.constant 0 : i32
      %dma_wait3A_730 = tpu.memref_slice %arg9[%dma_wait3A_728, %dma_wait3A_729] : memref<10000x128xf32, #tpu.memory_space<vmem_shared>> -> memref<10000x128xf32, #tpu.memory_space<vmem_shared>>
      tpu.wait_indirect_dma semaphore(%arg15 : memref<!tpu.dma_semaphore, #tpu.memory_space<semaphore_mem>>) src(%arg8 : memref<80x128xf32, #tpu.memory_space<vmem>>) dst(%dma_wait3A_730 : memref<10000x128xf32, #tpu.memory_space<vmem_shared>>)
      %add3A_731 = arith.constant 2 : i32
      %add3A_732 = arith.addi %add3A_666, %add3A_731 : i32
      %lt3A_733 = arith.constant 25 : i32
      %lt3A_734 = arith.cmpi slt, %add3A_732, %lt3A_733 : i32
      %convert_element_type3A_735 = arith.extui %lt3A_734 : i1 to i32
      %cond3A_736 = arith.constant 0 : i32
      %cond3A_737 = arith.cmpi ne, %convert_element_type3A_735, %cond3A_736 : i32
      scf.if %cond3A_737 {
        %add3A_738 = arith.constant 2 : i32
        %add3A_739 = arith.addi %add3A_666, %add3A_738 : i32
        %dma_start3A_740 = arith.constant 0 : i32
        %dma_start3A_741 = arith.constant 0 : i32
        %dma_start3A_742 = arith.constant 0 : i32
        %dma_start3A_743 = tpu.memref_slice %arg6[%dma_start3A_740, %dma_start3A_741, %add3A_739, %dma_start3A_742] : memref<2x2x25x80xi32, #tpu.memory_space<vmem>> -> memref<1x1x1x80xi32, #tpu.memory_space<vmem>>
        %dma_start3A_744 = tpu.memref_squeeze %dma_start3A_743 : memref<1x1x1x80xi32, #tpu.memory_space<vmem>> -> memref<80xi32, #tpu.memory_space<vmem>>
        %dma_start3A_745 = arith.constant 0 : i32
        %dma_start3A_746 = arith.constant 0 : i32
        %dma_start3A_747 = tpu.memref_slice %arg2[%dma_start3A_745, %dma_start3A_746] : memref<10000x128xf32, #tpu.memory_space<hbm>> -> memref<10000x128xf32, #tpu.memory_space<hbm>>
        tpu.enqueue_indirect_dma source(%dma_start3A_747 : memref<10000x128xf32, #tpu.memory_space<hbm>>) target(%arg8 : memref<80x128xf32, #tpu.memory_space<vmem>>) offsets(%dma_start3A_744 : memref<80xi32, #tpu.memory_space<vmem>>) semaphore(%arg13 : memref<!tpu.dma_semaphore, #tpu.memory_space<semaphore_mem>>)
      } else {
      }
    }
    %scan3A_423 = arith.constant 12 : i32
    %dma_wait3A_424 = arith.constant 0 : i32
    %dma_wait3A_425 = arith.constant 0 : i32
    %dma_wait3A_426 = arith.constant 1 : i32
    %dma_wait3A_427 = arith.constant 0 : i32
    %dma_wait3A_428 = arith.constant 0 : i32
    %dma_wait3A_429 = arith.constant 0 : i32
    %dma_wait3A_430 = tpu.memref_slice %arg6[%dma_wait3A_426, %dma_wait3A_427, %dma_wait3A_428, %dma_wait3A_429] : memref<2x2x25x80xi32, #tpu.memory_space<vmem>> -> memref<1x1x25x80xi32, #tpu.memory_space<vmem>>
    %dma_wait3A_431 = tpu.memref_squeeze %dma_wait3A_430 : memref<1x1x25x80xi32, #tpu.memory_space<vmem>> -> memref<25x80xi32, #tpu.memory_space<vmem>>
    %dma_wait3A_432 = arith.constant 0 : i32
    %dma_wait3A_433 = arith.constant 0 : i32
    %dma_wait3A_434 = tpu.memref_slice %arg3[%dma_wait3A_424, %dma_wait3A_425, %dma_wait3A_432, %dma_wait3A_433] : memref<32x5x25x80xi32, #tpu.memory_space<hbm>> -> memref<1x1x25x80xi32, #tpu.memory_space<hbm>>
    %dma_wait3A_435 = tpu.memref_squeeze %dma_wait3A_434 : memref<1x1x25x80xi32, #tpu.memory_space<hbm>> -> memref<25x80xi32, #tpu.memory_space<hbm>>
    %dma_wait3A_436 = arith.constant 0 : i32
    %dma_wait3A_437 = arith.constant 0 : i32
    %dma_wait3A_438 = tpu.memref_slice %arg6[%dma_wait3A_426, %dma_wait3A_427, %dma_wait3A_436, %dma_wait3A_437] : memref<2x2x25x80xi32, #tpu.memory_space<vmem>> -> memref<1x1x25x80xi32, #tpu.memory_space<vmem>>
    %dma_wait3A_439 = tpu.memref_squeeze %dma_wait3A_438 : memref<1x1x25x80xi32, #tpu.memory_space<vmem>> -> memref<25x80xi32, #tpu.memory_space<vmem>>
    %dma_wait3A_440 = arith.constant 0 : i32
    %dma_wait3A_441 = arith.constant 0 : i32
    %dma_wait3A_442 = tpu.memref_slice %arg3[%dma_wait3A_424, %dma_wait3A_425, %dma_wait3A_440, %dma_wait3A_441] : memref<32x5x25x80xi32, #tpu.memory_space<hbm>> -> memref<1x1x25x80xi32, #tpu.memory_space<hbm>>
    %dma_wait3A_443 = tpu.memref_squeeze %dma_wait3A_442 : memref<1x1x25x80xi32, #tpu.memory_space<hbm>> -> memref<25x80xi32, #tpu.memory_space<hbm>>
    tpu.wait_dma2 semaphore(%arg11 : memref<!tpu.dma_semaphore, #tpu.memory_space<semaphore_mem>>) src(%dma_wait3A_443 : memref<25x80xi32, #tpu.memory_space<hbm>>) dst(%dma_wait3A_439 : memref<25x80xi32, #tpu.memory_space<vmem>>)
    %dma_wait3A_444 = arith.constant 0 : i32
    %dma_wait3A_445 = arith.constant 0 : i32
    %dma_wait3A_446 = arith.constant 1 : i32
    %dma_wait3A_447 = arith.constant 1 : i32
    %dma_wait3A_448 = arith.constant 0 : i32
    %dma_wait3A_449 = arith.constant 0 : i32
    %dma_wait3A_450 = tpu.memref_slice %arg6[%dma_wait3A_446, %dma_wait3A_447, %dma_wait3A_448, %dma_wait3A_449] : memref<2x2x25x80xi32, #tpu.memory_space<vmem>> -> memref<1x1x25x80xi32, #tpu.memory_space<vmem>>
    %dma_wait3A_451 = tpu.memref_squeeze %dma_wait3A_450 : memref<1x1x25x80xi32, #tpu.memory_space<vmem>> -> memref<25x80xi32, #tpu.memory_space<vmem>>
    %dma_wait3A_452 = arith.constant 0 : i32
    %dma_wait3A_453 = arith.constant 0 : i32
    %dma_wait3A_454 = tpu.memref_slice %arg4[%dma_wait3A_444, %dma_wait3A_445, %dma_wait3A_452, %dma_wait3A_453] : memref<32x5x25x80xi32, #tpu.memory_space<hbm>> -> memref<1x1x25x80xi32, #tpu.memory_space<hbm>>
    %dma_wait3A_455 = tpu.memref_squeeze %dma_wait3A_454 : memref<1x1x25x80xi32, #tpu.memory_space<hbm>> -> memref<25x80xi32, #tpu.memory_space<hbm>>
    %dma_wait3A_456 = arith.constant 0 : i32
    %dma_wait3A_457 = arith.constant 0 : i32
    %dma_wait3A_458 = tpu.memref_slice %arg6[%dma_wait3A_446, %dma_wait3A_447, %dma_wait3A_456, %dma_wait3A_457] : memref<2x2x25x80xi32, #tpu.memory_space<vmem>> -> memref<1x1x25x80xi32, #tpu.memory_space<vmem>>
    %dma_wait3A_459 = tpu.memref_squeeze %dma_wait3A_458 : memref<1x1x25x80xi32, #tpu.memory_space<vmem>> -> memref<25x80xi32, #tpu.memory_space<vmem>>
    %dma_wait3A_460 = arith.constant 0 : i32
    %dma_wait3A_461 = arith.constant 0 : i32
    %dma_wait3A_462 = tpu.memref_slice %arg4[%dma_wait3A_444, %dma_wait3A_445, %dma_wait3A_460, %dma_wait3A_461] : memref<32x5x25x80xi32, #tpu.memory_space<hbm>> -> memref<1x1x25x80xi32, #tpu.memory_space<hbm>>
    %dma_wait3A_463 = tpu.memref_squeeze %dma_wait3A_462 : memref<1x1x25x80xi32, #tpu.memory_space<hbm>> -> memref<25x80xi32, #tpu.memory_space<hbm>>
    tpu.wait_dma2 semaphore(%arg11 : memref<!tpu.dma_semaphore, #tpu.memory_space<semaphore_mem>>) src(%dma_wait3A_463 : memref<25x80xi32, #tpu.memory_space<hbm>>) dst(%dma_wait3A_459 : memref<25x80xi32, #tpu.memory_space<vmem>>)
    %dma_start3A_464 = arith.constant 1 : i32
    %dma_start3A_465 = arith.constant 0 : i32
    %dma_start3A_466 = arith.constant 0 : i32
    %dma_start3A_467 = arith.constant 0 : i32
    %dma_start3A_468 = tpu.memref_slice %arg6[%dma_start3A_464, %dma_start3A_465, %dma_start3A_466, %dma_start3A_467] : memref<2x2x25x80xi32, #tpu.memory_space<vmem>> -> memref<1x1x1x80xi32, #tpu.memory_space<vmem>>
    %dma_start3A_469 = tpu.memref_squeeze %dma_start3A_468 : memref<1x1x1x80xi32, #tpu.memory_space<vmem>> -> memref<80xi32, #tpu.memory_space<vmem>>
    %dma_start3A_470 = arith.constant 0 : i32
    %dma_start3A_471 = arith.constant 0 : i32
    %dma_start3A_472 = tpu.memref_slice %arg2[%dma_start3A_470, %dma_start3A_471] : memref<10000x128xf32, #tpu.memory_space<hbm>> -> memref<10000x128xf32, #tpu.memory_space<hbm>>
    tpu.enqueue_indirect_dma source(%dma_start3A_472 : memref<10000x128xf32, #tpu.memory_space<hbm>>) target(%arg8 : memref<80x128xf32, #tpu.memory_space<vmem>>) offsets(%dma_start3A_469 : memref<80xi32, #tpu.memory_space<vmem>>) semaphore(%arg13 : memref<!tpu.dma_semaphore, #tpu.memory_space<semaphore_mem>>)
    %dma_wait3A_473 = arith.constant 0 : i32
    %dma_wait3A_474 = arith.constant 0 : i32
    %dma_wait3A_475 = arith.constant 0 : i32
    %dma_wait3A_476 = arith.constant 0 : i32
    %dma_wait3A_477 = tpu.memref_slice %arg6[%dma_wait3A_473, %dma_wait3A_474, %dma_wait3A_475, %dma_wait3A_476] : memref<2x2x25x80xi32, #tpu.memory_space<vmem>> -> memref<1x1x1x80xi32, #tpu.memory_space<vmem>>
    %dma_wait3A_478 = tpu.memref_squeeze %dma_wait3A_477 : memref<1x1x1x80xi32, #tpu.memory_space<vmem>> -> memref<80xi32, #tpu.memory_space<vmem>>
    %dma_wait3A_479 = arith.constant 0 : i32
    %dma_wait3A_480 = arith.constant 0 : i32
    %dma_wait3A_481 = tpu.memref_slice %arg2[%dma_wait3A_479, %dma_wait3A_480] : memref<10000x128xf32, #tpu.memory_space<hbm>> -> memref<10000x128xf32, #tpu.memory_space<hbm>>
    tpu.wait_indirect_dma semaphore(%arg13 : memref<!tpu.dma_semaphore, #tpu.memory_space<semaphore_mem>>) src(%dma_wait3A_481 : memref<10000x128xf32, #tpu.memory_space<hbm>>) dst(%arg8 : memref<80x128xf32, #tpu.memory_space<vmem>>)
    %dma_start3A_482 = arith.constant 1 : i32
    %dma_start3A_483 = arith.constant 1 : i32
    %dma_start3A_484 = arith.constant 0 : i32
    %dma_start3A_485 = arith.constant 0 : i32
    %dma_start3A_486 = tpu.memref_slice %arg6[%dma_start3A_482, %dma_start3A_483, %dma_start3A_484, %dma_start3A_485] : memref<2x2x25x80xi32, #tpu.memory_space<vmem>> -> memref<1x1x1x80xi32, #tpu.memory_space<vmem>>
    %dma_start3A_487 = tpu.memref_squeeze %dma_start3A_486 : memref<1x1x1x80xi32, #tpu.memory_space<vmem>> -> memref<80xi32, #tpu.memory_space<vmem>>
    %dma_start3A_488 = arith.constant 0 : i32
    %dma_start3A_489 = arith.constant 0 : i32
    %dma_start3A_490 = tpu.memref_slice %arg9[%dma_start3A_488, %dma_start3A_489] : memref<10000x128xf32, #tpu.memory_space<vmem_shared>> -> memref<10000x128xf32, #tpu.memory_space<vmem_shared>>
    tpu.enqueue_indirect_dma source(%arg8 : memref<80x128xf32, #tpu.memory_space<vmem>>) target(%dma_start3A_490 : memref<10000x128xf32, #tpu.memory_space<vmem_shared>>) offsets(%dma_start3A_487 : memref<80xi32, #tpu.memory_space<vmem>>) semaphore(%arg15 : memref<!tpu.dma_semaphore, #tpu.memory_space<semaphore_mem>>) {add = true}
    %dma_wait3A_491 = arith.constant 0 : i32
    %dma_wait3A_492 = arith.constant 1 : i32
    %dma_wait3A_493 = arith.constant 0 : i32
    %dma_wait3A_494 = arith.constant 0 : i32
    %dma_wait3A_495 = tpu.memref_slice %arg6[%dma_wait3A_491, %dma_wait3A_492, %dma_wait3A_493, %dma_wait3A_494] : memref<2x2x25x80xi32, #tpu.memory_space<vmem>> -> memref<1x1x1x80xi32, #tpu.memory_space<vmem>>
    %dma_wait3A_496 = tpu.memref_squeeze %dma_wait3A_495 : memref<1x1x1x80xi32, #tpu.memory_space<vmem>> -> memref<80xi32, #tpu.memory_space<vmem>>
    %dma_wait3A_497 = arith.constant 0 : i32
    %dma_wait3A_498 = arith.constant 0 : i32
    %dma_wait3A_499 = tpu.memref_slice %arg9[%dma_wait3A_497, %dma_wait3A_498] : memref<10000x128xf32, #tpu.memory_space<vmem_shared>> -> memref<10000x128xf32, #tpu.memory_space<vmem_shared>>
    tpu.wait_indirect_dma semaphore(%arg14 : memref<!tpu.dma_semaphore, #tpu.memory_space<semaphore_mem>>) src(%arg7 : memref<80x128xf32, #tpu.memory_space<vmem>>) dst(%dma_wait3A_499 : memref<10000x128xf32, #tpu.memory_space<vmem_shared>>)
    %dma_start3A_500 = arith.constant 1 : i32
    %dma_start3A_501 = arith.constant 0 : i32
    %dma_start3A_502 = arith.constant 1 : i32
    %dma_start3A_503 = arith.constant 0 : i32
    %dma_start3A_504 = tpu.memref_slice %arg6[%dma_start3A_500, %dma_start3A_501, %dma_start3A_502, %dma_start3A_503] : memref<2x2x25x80xi32, #tpu.memory_space<vmem>> -> memref<1x1x1x80xi32, #tpu.memory_space<vmem>>
    %dma_start3A_505 = tpu.memref_squeeze %dma_start3A_504 : memref<1x1x1x80xi32, #tpu.memory_space<vmem>> -> memref<80xi32, #tpu.memory_space<vmem>>
    %dma_start3A_506 = arith.constant 0 : i32
    %dma_start3A_507 = arith.constant 0 : i32
    %dma_start3A_508 = tpu.memref_slice %arg2[%dma_start3A_506, %dma_start3A_507] : memref<10000x128xf32, #tpu.memory_space<hbm>> -> memref<10000x128xf32, #tpu.memory_space<hbm>>
    tpu.enqueue_indirect_dma source(%dma_start3A_508 : memref<10000x128xf32, #tpu.memory_space<hbm>>) target(%arg7 : memref<80x128xf32, #tpu.memory_space<vmem>>) offsets(%dma_start3A_505 : memref<80xi32, #tpu.memory_space<vmem>>) semaphore(%arg12 : memref<!tpu.dma_semaphore, #tpu.memory_space<semaphore_mem>>)
    %dma_start3A_509 = arith.constant 4 : i32
    %dma_start3A_510 = arith.constant 0 : i32
    %dma_start3A_511 = arith.constant 0 : i32
    %dma_start3A_512 = arith.constant 0 : i32
    %dma_start3A_513 = arith.constant 0 : i32
    %dma_start3A_514 = tpu.memref_slice %arg6[%dma_start3A_510, %dma_start3A_511, %dma_start3A_512, %dma_start3A_513] : memref<2x2x25x80xi32, #tpu.memory_space<vmem>> -> memref<1x1x25x80xi32, #tpu.memory_space<vmem>>
    %dma_start3A_515 = tpu.memref_squeeze %dma_start3A_514 : memref<1x1x25x80xi32, #tpu.memory_space<vmem>> -> memref<25x80xi32, #tpu.memory_space<vmem>>
    %dma_start3A_516 = arith.constant 0 : i32
    %dma_start3A_517 = arith.constant 0 : i32
    %dma_start3A_518 = tpu.memref_slice %arg3[%add3A, %dma_start3A_509, %dma_start3A_516, %dma_start3A_517] : memref<32x5x25x80xi32, #tpu.memory_space<hbm>> -> memref<1x1x25x80xi32, #tpu.memory_space<hbm>>
    %dma_start3A_519 = tpu.memref_squeeze %dma_start3A_518 : memref<1x1x25x80xi32, #tpu.memory_space<hbm>> -> memref<25x80xi32, #tpu.memory_space<hbm>>
    %dma_start3A_520 = arith.constant 0 : i32
    %dma_start3A_521 = arith.constant 0 : i32
    %dma_start3A_522 = tpu.memref_slice %arg6[%dma_start3A_510, %dma_start3A_511, %dma_start3A_520, %dma_start3A_521] : memref<2x2x25x80xi32, #tpu.memory_space<vmem>> -> memref<1x1x25x80xi32, #tpu.memory_space<vmem>>
    %dma_start3A_523 = tpu.memref_squeeze %dma_start3A_522 : memref<1x1x25x80xi32, #tpu.memory_space<vmem>> -> memref<25x80xi32, #tpu.memory_space<vmem>>
    %dma_start3A_524 = arith.constant 0 : i32
    %dma_start3A_525 = arith.constant 0 : i32
    %dma_start3A_526 = tpu.memref_slice %arg3[%add3A, %dma_start3A_509, %dma_start3A_524, %dma_start3A_525] : memref<32x5x25x80xi32, #tpu.memory_space<hbm>> -> memref<1x1x25x80xi32, #tpu.memory_space<hbm>>
    %dma_start3A_527 = tpu.memref_squeeze %dma_start3A_526 : memref<1x1x25x80xi32, #tpu.memory_space<hbm>> -> memref<25x80xi32, #tpu.memory_space<hbm>>
    tpu.enqueue_dma source(%dma_start3A_527 : memref<25x80xi32, #tpu.memory_space<hbm>>) target(%dma_start3A_523 : memref<25x80xi32, #tpu.memory_space<vmem>>) target_semaphore(%arg10 : memref<!tpu.dma_semaphore, #tpu.memory_space<semaphore_mem>>)
    %dma_start3A_528 = arith.constant 4 : i32
    %dma_start3A_529 = arith.constant 0 : i32
    %dma_start3A_530 = arith.constant 1 : i32
    %dma_start3A_531 = arith.constant 0 : i32
    %dma_start3A_532 = arith.constant 0 : i32
    %dma_start3A_533 = tpu.memref_slice %arg6[%dma_start3A_529, %dma_start3A_530, %dma_start3A_531, %dma_start3A_532] : memref<2x2x25x80xi32, #tpu.memory_space<vmem>> -> memref<1x1x25x80xi32, #tpu.memory_space<vmem>>
    %dma_start3A_534 = tpu.memref_squeeze %dma_start3A_533 : memref<1x1x25x80xi32, #tpu.memory_space<vmem>> -> memref<25x80xi32, #tpu.memory_space<vmem>>
    %dma_start3A_535 = arith.constant 0 : i32
    %dma_start3A_536 = arith.constant 0 : i32
    %dma_start3A_537 = tpu.memref_slice %arg4[%add3A, %dma_start3A_528, %dma_start3A_535, %dma_start3A_536] : memref<32x5x25x80xi32, #tpu.memory_space<hbm>> -> memref<1x1x25x80xi32, #tpu.memory_space<hbm>>
    %dma_start3A_538 = tpu.memref_squeeze %dma_start3A_537 : memref<1x1x25x80xi32, #tpu.memory_space<hbm>> -> memref<25x80xi32, #tpu.memory_space<hbm>>
    %dma_start3A_539 = arith.constant 0 : i32
    %dma_start3A_540 = arith.constant 0 : i32
    %dma_start3A_541 = tpu.memref_slice %arg6[%dma_start3A_529, %dma_start3A_530, %dma_start3A_539, %dma_start3A_540] : memref<2x2x25x80xi32, #tpu.memory_space<vmem>> -> memref<1x1x25x80xi32, #tpu.memory_space<vmem>>
    %dma_start3A_542 = tpu.memref_squeeze %dma_start3A_541 : memref<1x1x25x80xi32, #tpu.memory_space<vmem>> -> memref<25x80xi32, #tpu.memory_space<vmem>>
    %dma_start3A_543 = arith.constant 0 : i32
    %dma_start3A_544 = arith.constant 0 : i32
    %dma_start3A_545 = tpu.memref_slice %arg4[%add3A, %dma_start3A_528, %dma_start3A_543, %dma_start3A_544] : memref<32x5x25x80xi32, #tpu.memory_space<hbm>> -> memref<1x1x25x80xi32, #tpu.memory_space<hbm>>
    %dma_start3A_546 = tpu.memref_squeeze %dma_start3A_545 : memref<1x1x25x80xi32, #tpu.memory_space<hbm>> -> memref<25x80xi32, #tpu.memory_space<hbm>>
    tpu.enqueue_dma source(%dma_start3A_546 : memref<25x80xi32, #tpu.memory_space<hbm>>) target(%dma_start3A_542 : memref<25x80xi32, #tpu.memory_space<vmem>>) target_semaphore(%arg10 : memref<!tpu.dma_semaphore, #tpu.memory_space<semaphore_mem>>)
    %scan3A_547 = arith.constant 0 : i32
    %scan3A_548 = arith.constant 12 : i32
    %scan3A_549 = arith.addi %scan3A_547, %scan3A_548 : i32
    %scan3A_550 = arith.constant 1 : i32
    scf.for %scan3A_662 = %scan3A_547 to %scan3A_549 step %scan3A_550  : i32 {
      %mul3A_663 = arith.constant 2 : i32
      %mul3A_664 = arith.muli %scan3A_662, %mul3A_663 : i32
      %add3A_665 = arith.constant 1 : i32
      %add3A_666 = arith.addi %add3A_665, %mul3A_664 : i32
      %dma_wait3A_667 = arith.constant 0 : i32
      %dma_wait3A_668 = arith.constant 0 : i32
      %dma_wait3A_669 = arith.constant 0 : i32
      %dma_wait3A_670 = arith.constant 0 : i32
      %dma_wait3A_671 = tpu.memref_slice %arg6[%dma_wait3A_667, %dma_wait3A_668, %dma_wait3A_669, %dma_wait3A_670] : memref<2x2x25x80xi32, #tpu.memory_space<vmem>> -> memref<1x1x1x80xi32, #tpu.memory_space<vmem>>
      %dma_wait3A_672 = tpu.memref_squeeze %dma_wait3A_671 : memref<1x1x1x80xi32, #tpu.memory_space<vmem>> -> memref<80xi32, #tpu.memory_space<vmem>>
      %dma_wait3A_673 = arith.constant 0 : i32
      %dma_wait3A_674 = arith.constant 0 : i32
      %dma_wait3A_675 = tpu.memref_slice %arg2[%dma_wait3A_673, %dma_wait3A_674] : memref<10000x128xf32, #tpu.memory_space<hbm>> -> memref<10000x128xf32, #tpu.memory_space<hbm>>
      tpu.wait_indirect_dma semaphore(%arg12 : memref<!tpu.dma_semaphore, #tpu.memory_space<semaphore_mem>>) src(%dma_wait3A_675 : memref<10000x128xf32, #tpu.memory_space<hbm>>) dst(%arg7 : memref<80x128xf32, #tpu.memory_space<vmem>>)
      %dma_start3A_676 = arith.constant 1 : i32
      %dma_start3A_677 = arith.constant 1 : i32
      %dma_start3A_678 = arith.constant 0 : i32
      %dma_start3A_679 = tpu.memref_slice %arg6[%dma_start3A_676, %dma_start3A_677, %add3A_666, %dma_start3A_678] : memref<2x2x25x80xi32, #tpu.memory_space<vmem>> -> memref<1x1x1x80xi32, #tpu.memory_space<vmem>>
      %dma_start3A_680 = tpu.memref_squeeze %dma_start3A_679 : memref<1x1x1x80xi32, #tpu.memory_space<vmem>> -> memref<80xi32, #tpu.memory_space<vmem>>
      %dma_start3A_681 = arith.constant 0 : i32
      %dma_start3A_682 = arith.constant 0 : i32
      %dma_start3A_683 = tpu.memref_slice %arg9[%dma_start3A_681, %dma_start3A_682] : memref<10000x128xf32, #tpu.memory_space<vmem_shared>> -> memref<10000x128xf32, #tpu.memory_space<vmem_shared>>
      tpu.enqueue_indirect_dma source(%arg7 : memref<80x128xf32, #tpu.memory_space<vmem>>) target(%dma_start3A_683 : memref<10000x128xf32, #tpu.memory_space<vmem_shared>>) offsets(%dma_start3A_680 : memref<80xi32, #tpu.memory_space<vmem>>) semaphore(%arg14 : memref<!tpu.dma_semaphore, #tpu.memory_space<semaphore_mem>>) {add = true}
      %dma_wait3A_684 = arith.constant 0 : i32
      %dma_wait3A_685 = arith.constant 1 : i32
      %dma_wait3A_686 = arith.constant 0 : i32
      %dma_wait3A_687 = arith.constant 0 : i32
      %dma_wait3A_688 = tpu.memref_slice %arg6[%dma_wait3A_684, %dma_wait3A_685, %dma_wait3A_686, %dma_wait3A_687] : memref<2x2x25x80xi32, #tpu.memory_space<vmem>> -> memref<1x1x1x80xi32, #tpu.memory_space<vmem>>
      %dma_wait3A_689 = tpu.memref_squeeze %dma_wait3A_688 : memref<1x1x1x80xi32, #tpu.memory_space<vmem>> -> memref<80xi32, #tpu.memory_space<vmem>>
      %dma_wait3A_690 = arith.constant 0 : i32
      %dma_wait3A_691 = arith.constant 0 : i32
      %dma_wait3A_692 = tpu.memref_slice %arg9[%dma_wait3A_690, %dma_wait3A_691] : memref<10000x128xf32, #tpu.memory_space<vmem_shared>> -> memref<10000x128xf32, #tpu.memory_space<vmem_shared>>
      tpu.wait_indirect_dma semaphore(%arg15 : memref<!tpu.dma_semaphore, #tpu.memory_space<semaphore_mem>>) src(%arg8 : memref<80x128xf32, #tpu.memory_space<vmem>>) dst(%dma_wait3A_692 : memref<10000x128xf32, #tpu.memory_space<vmem_shared>>)
      %add3A_693 = arith.constant 1 : i32
      %add3A_694 = arith.addi %add3A_666, %add3A_693 : i32
      %dma_start3A_695 = arith.constant 1 : i32
      %dma_start3A_696 = arith.constant 0 : i32
      %dma_start3A_697 = arith.constant 0 : i32
      %dma_start3A_698 = tpu.memref_slice %arg6[%dma_start3A_695, %dma_start3A_696, %add3A_694, %dma_start3A_697] : memref<2x2x25x80xi32, #tpu.memory_space<vmem>> -> memref<1x1x1x80xi32, #tpu.memory_space<vmem>>
      %dma_start3A_699 = tpu.memref_squeeze %dma_start3A_698 : memref<1x1x1x80xi32, #tpu.memory_space<vmem>> -> memref<80xi32, #tpu.memory_space<vmem>>
      %dma_start3A_700 = arith.constant 0 : i32
      %dma_start3A_701 = arith.constant 0 : i32
      %dma_start3A_702 = tpu.memref_slice %arg2[%dma_start3A_700, %dma_start3A_701] : memref<10000x128xf32, #tpu.memory_space<hbm>> -> memref<10000x128xf32, #tpu.memory_space<hbm>>
      tpu.enqueue_indirect_dma source(%dma_start3A_702 : memref<10000x128xf32, #tpu.memory_space<hbm>>) target(%arg8 : memref<80x128xf32, #tpu.memory_space<vmem>>) offsets(%dma_start3A_699 : memref<80xi32, #tpu.memory_space<vmem>>) semaphore(%arg13 : memref<!tpu.dma_semaphore, #tpu.memory_space<semaphore_mem>>)
      %dma_wait3A_703 = arith.constant 0 : i32
      %dma_wait3A_704 = arith.constant 0 : i32
      %dma_wait3A_705 = arith.constant 0 : i32
      %dma_wait3A_706 = arith.constant 0 : i32
      %dma_wait3A_707 = tpu.memref_slice %arg6[%dma_wait3A_703, %dma_wait3A_704, %dma_wait3A_705, %dma_wait3A_706] : memref<2x2x25x80xi32, #tpu.memory_space<vmem>> -> memref<1x1x1x80xi32, #tpu.memory_space<vmem>>
      %dma_wait3A_708 = tpu.memref_squeeze %dma_wait3A_707 : memref<1x1x1x80xi32, #tpu.memory_space<vmem>> -> memref<80xi32, #tpu.memory_space<vmem>>
      %dma_wait3A_709 = arith.constant 0 : i32
      %dma_wait3A_710 = arith.constant 0 : i32
      %dma_wait3A_711 = tpu.memref_slice %arg2[%dma_wait3A_709, %dma_wait3A_710] : memref<10000x128xf32, #tpu.memory_space<hbm>> -> memref<10000x128xf32, #tpu.memory_space<hbm>>
      tpu.wait_indirect_dma semaphore(%arg13 : memref<!tpu.dma_semaphore, #tpu.memory_space<semaphore_mem>>) src(%dma_wait3A_711 : memref<10000x128xf32, #tpu.memory_space<hbm>>) dst(%arg8 : memref<80x128xf32, #tpu.memory_space<vmem>>)
      %add3A_712 = arith.constant 1 : i32
      %add3A_713 = arith.addi %add3A_666, %add3A_712 : i32
      %dma_start3A_714 = arith.constant 1 : i32
      %dma_start3A_715 = arith.constant 1 : i32
      %dma_start3A_716 = arith.constant 0 : i32
      %dma_start3A_717 = tpu.memref_slice %arg6[%dma_start3A_714, %dma_start3A_715, %add3A_713, %dma_start3A_716] : memref<2x2x25x80xi32, #tpu.memory_space<vmem>> -> memref<1x1x1x80xi32, #tpu.memory_space<vmem>>
      %dma_start3A_718 = tpu.memref_squeeze %dma_start3A_717 : memref<1x1x1x80xi32, #tpu.memory_space<vmem>> -> memref<80xi32, #tpu.memory_space<vmem>>
      %dma_start3A_719 = arith.constant 0 : i32
      %dma_start3A_720 = arith.constant 0 : i32
      %dma_start3A_721 = tpu.memref_slice %arg9[%dma_start3A_719, %dma_start3A_720] : memref<10000x128xf32, #tpu.memory_space<vmem_shared>> -> memref<10000x128xf32, #tpu.memory_space<vmem_shared>>
      tpu.enqueue_indirect_dma source(%arg8 : memref<80x128xf32, #tpu.memory_space<vmem>>) target(%dma_start3A_721 : memref<10000x128xf32, #tpu.memory_space<vmem_shared>>) offsets(%dma_start3A_718 : memref<80xi32, #tpu.memory_space<vmem>>) semaphore(%arg15 : memref<!tpu.dma_semaphore, #tpu.memory_space<semaphore_mem>>) {add = true}
      %dma_wait3A_722 = arith.constant 0 : i32
      %dma_wait3A_723 = arith.constant 1 : i32
      %dma_wait3A_724 = arith.constant 0 : i32
      %dma_wait3A_725 = arith.constant 0 : i32
      %dma_wait3A_726 = tpu.memref_slice %arg6[%dma_wait3A_722, %dma_wait3A_723, %dma_wait3A_724, %dma_wait3A_725] : memref<2x2x25x80xi32, #tpu.memory_space<vmem>> -> memref<1x1x1x80xi32, #tpu.memory_space<vmem>>
      %dma_wait3A_727 = tpu.memref_squeeze %dma_wait3A_726 : memref<1x1x1x80xi32, #tpu.memory_space<vmem>> -> memref<80xi32, #tpu.memory_space<vmem>>
      %dma_wait3A_728 = arith.constant 0 : i32
      %dma_wait3A_729 = arith.constant 0 : i32
      %dma_wait3A_730 = tpu.memref_slice %arg9[%dma_wait3A_728, %dma_wait3A_729] : memref<10000x128xf32, #tpu.memory_space<vmem_shared>> -> memref<10000x128xf32, #tpu.memory_space<vmem_shared>>
      tpu.wait_indirect_dma semaphore(%arg14 : memref<!tpu.dma_semaphore, #tpu.memory_space<semaphore_mem>>) src(%arg7 : memref<80x128xf32, #tpu.memory_space<vmem>>) dst(%dma_wait3A_730 : memref<10000x128xf32, #tpu.memory_space<vmem_shared>>)
      %add3A_731 = arith.constant 2 : i32
      %add3A_732 = arith.addi %add3A_666, %add3A_731 : i32
      %lt3A_733 = arith.constant 25 : i32
      %lt3A_734 = arith.cmpi slt, %add3A_732, %lt3A_733 : i32
      %convert_element_type3A_735 = arith.extui %lt3A_734 : i1 to i32
      %cond3A_736 = arith.constant 0 : i32
      %cond3A_737 = arith.cmpi ne, %convert_element_type3A_735, %cond3A_736 : i32
      scf.if %cond3A_737 {
        %add3A_738 = arith.constant 2 : i32
        %add3A_739 = arith.addi %add3A_666, %add3A_738 : i32
        %dma_start3A_740 = arith.constant 1 : i32
        %dma_start3A_741 = arith.constant 0 : i32
        %dma_start3A_742 = arith.constant 0 : i32
        %dma_start3A_743 = tpu.memref_slice %arg6[%dma_start3A_740, %dma_start3A_741, %add3A_739, %dma_start3A_742] : memref<2x2x25x80xi32, #tpu.memory_space<vmem>> -> memref<1x1x1x80xi32, #tpu.memory_space<vmem>>
        %dma_start3A_744 = tpu.memref_squeeze %dma_start3A_743 : memref<1x1x1x80xi32, #tpu.memory_space<vmem>> -> memref<80xi32, #tpu.memory_space<vmem>>
        %dma_start3A_745 = arith.constant 0 : i32
        %dma_start3A_746 = arith.constant 0 : i32
        %dma_start3A_747 = tpu.memref_slice %arg2[%dma_start3A_745, %dma_start3A_746] : memref<10000x128xf32, #tpu.memory_space<hbm>> -> memref<10000x128xf32, #tpu.memory_space<hbm>>
        tpu.enqueue_indirect_dma source(%dma_start3A_747 : memref<10000x128xf32, #tpu.memory_space<hbm>>) target(%arg7 : memref<80x128xf32, #tpu.memory_space<vmem>>) offsets(%dma_start3A_744 : memref<80xi32, #tpu.memory_space<vmem>>) semaphore(%arg12 : memref<!tpu.dma_semaphore, #tpu.memory_space<semaphore_mem>>)
      } else {
      }
    }
    %scan3A_551 = arith.constant 12 : i32
    %dma_wait3A_552 = arith.constant 0 : i32
    %dma_wait3A_553 = arith.constant 0 : i32
    %dma_wait3A_554 = arith.constant 0 : i32
    %dma_wait3A_555 = arith.constant 0 : i32
    %dma_wait3A_556 = arith.constant 0 : i32
    %dma_wait3A_557 = arith.constant 0 : i32
    %dma_wait3A_558 = tpu.memref_slice %arg6[%dma_wait3A_554, %dma_wait3A_555, %dma_wait3A_556, %dma_wait3A_557] : memref<2x2x25x80xi32, #tpu.memory_space<vmem>> -> memref<1x1x25x80xi32, #tpu.memory_space<vmem>>
    %dma_wait3A_559 = tpu.memref_squeeze %dma_wait3A_558 : memref<1x1x25x80xi32, #tpu.memory_space<vmem>> -> memref<25x80xi32, #tpu.memory_space<vmem>>
    %dma_wait3A_560 = arith.constant 0 : i32
    %dma_wait3A_561 = arith.constant 0 : i32
    %dma_wait3A_562 = tpu.memref_slice %arg3[%dma_wait3A_552, %dma_wait3A_553, %dma_wait3A_560, %dma_wait3A_561] : memref<32x5x25x80xi32, #tpu.memory_space<hbm>> -> memref<1x1x25x80xi32, #tpu.memory_space<hbm>>
    %dma_wait3A_563 = tpu.memref_squeeze %dma_wait3A_562 : memref<1x1x25x80xi32, #tpu.memory_space<hbm>> -> memref<25x80xi32, #tpu.memory_space<hbm>>
    %dma_wait3A_564 = arith.constant 0 : i32
    %dma_wait3A_565 = arith.constant 0 : i32
    %dma_wait3A_566 = tpu.memref_slice %arg6[%dma_wait3A_554, %dma_wait3A_555, %dma_wait3A_564, %dma_wait3A_565] : memref<2x2x25x80xi32, #tpu.memory_space<vmem>> -> memref<1x1x25x80xi32, #tpu.memory_space<vmem>>
    %dma_wait3A_567 = tpu.memref_squeeze %dma_wait3A_566 : memref<1x1x25x80xi32, #tpu.memory_space<vmem>> -> memref<25x80xi32, #tpu.memory_space<vmem>>
    %dma_wait3A_568 = arith.constant 0 : i32
    %dma_wait3A_569 = arith.constant 0 : i32
    %dma_wait3A_570 = tpu.memref_slice %arg3[%dma_wait3A_552, %dma_wait3A_553, %dma_wait3A_568, %dma_wait3A_569] : memref<32x5x25x80xi32, #tpu.memory_space<hbm>> -> memref<1x1x25x80xi32, #tpu.memory_space<hbm>>
    %dma_wait3A_571 = tpu.memref_squeeze %dma_wait3A_570 : memref<1x1x25x80xi32, #tpu.memory_space<hbm>> -> memref<25x80xi32, #tpu.memory_space<hbm>>
    tpu.wait_dma2 semaphore(%arg10 : memref<!tpu.dma_semaphore, #tpu.memory_space<semaphore_mem>>) src(%dma_wait3A_571 : memref<25x80xi32, #tpu.memory_space<hbm>>) dst(%dma_wait3A_567 : memref<25x80xi32, #tpu.memory_space<vmem>>)
    %dma_wait3A_572 = arith.constant 0 : i32
    %dma_wait3A_573 = arith.constant 0 : i32
    %dma_wait3A_574 = arith.constant 0 : i32
    %dma_wait3A_575 = arith.constant 1 : i32
    %dma_wait3A_576 = arith.constant 0 : i32
    %dma_wait3A_577 = arith.constant 0 : i32
    %dma_wait3A_578 = tpu.memref_slice %arg6[%dma_wait3A_574, %dma_wait3A_575, %dma_wait3A_576, %dma_wait3A_577] : memref<2x2x25x80xi32, #tpu.memory_space<vmem>> -> memref<1x1x25x80xi32, #tpu.memory_space<vmem>>
    %dma_wait3A_579 = tpu.memref_squeeze %dma_wait3A_578 : memref<1x1x25x80xi32, #tpu.memory_space<vmem>> -> memref<25x80xi32, #tpu.memory_space<vmem>>
    %dma_wait3A_580 = arith.constant 0 : i32
    %dma_wait3A_581 = arith.constant 0 : i32
    %dma_wait3A_582 = tpu.memref_slice %arg4[%dma_wait3A_572, %dma_wait3A_573, %dma_wait3A_580, %dma_wait3A_581] : memref<32x5x25x80xi32, #tpu.memory_space<hbm>> -> memref<1x1x25x80xi32, #tpu.memory_space<hbm>>
    %dma_wait3A_583 = tpu.memref_squeeze %dma_wait3A_582 : memref<1x1x25x80xi32, #tpu.memory_space<hbm>> -> memref<25x80xi32, #tpu.memory_space<hbm>>
    %dma_wait3A_584 = arith.constant 0 : i32
    %dma_wait3A_585 = arith.constant 0 : i32
    %dma_wait3A_586 = tpu.memref_slice %arg6[%dma_wait3A_574, %dma_wait3A_575, %dma_wait3A_584, %dma_wait3A_585] : memref<2x2x25x80xi32, #tpu.memory_space<vmem>> -> memref<1x1x25x80xi32, #tpu.memory_space<vmem>>
    %dma_wait3A_587 = tpu.memref_squeeze %dma_wait3A_586 : memref<1x1x25x80xi32, #tpu.memory_space<vmem>> -> memref<25x80xi32, #tpu.memory_space<vmem>>
    %dma_wait3A_588 = arith.constant 0 : i32
    %dma_wait3A_589 = arith.constant 0 : i32
    %dma_wait3A_590 = tpu.memref_slice %arg4[%dma_wait3A_572, %dma_wait3A_573, %dma_wait3A_588, %dma_wait3A_589] : memref<32x5x25x80xi32, #tpu.memory_space<hbm>> -> memref<1x1x25x80xi32, #tpu.memory_space<hbm>>
    %dma_wait3A_591 = tpu.memref_squeeze %dma_wait3A_590 : memref<1x1x25x80xi32, #tpu.memory_space<hbm>> -> memref<25x80xi32, #tpu.memory_space<hbm>>
    tpu.wait_dma2 semaphore(%arg10 : memref<!tpu.dma_semaphore, #tpu.memory_space<semaphore_mem>>) src(%dma_wait3A_591 : memref<25x80xi32, #tpu.memory_space<hbm>>) dst(%dma_wait3A_587 : memref<25x80xi32, #tpu.memory_space<vmem>>)
    %dma_start3A_592 = arith.constant 0 : i32
    %dma_start3A_593 = arith.constant 0 : i32
    %dma_start3A_594 = arith.constant 0 : i32
    %dma_start3A_595 = arith.constant 0 : i32
    %dma_start3A_596 = tpu.memref_slice %arg6[%dma_start3A_592, %dma_start3A_593, %dma_start3A_594, %dma_start3A_595] : memref<2x2x25x80xi32, #tpu.memory_space<vmem>> -> memref<1x1x1x80xi32, #tpu.memory_space<vmem>>
    %dma_start3A_597 = tpu.memref_squeeze %dma_start3A_596 : memref<1x1x1x80xi32, #tpu.memory_space<vmem>> -> memref<80xi32, #tpu.memory_space<vmem>>
    %dma_start3A_598 = arith.constant 0 : i32
    %dma_start3A_599 = arith.constant 0 : i32
    %dma_start3A_600 = tpu.memref_slice %arg2[%dma_start3A_598, %dma_start3A_599] : memref<10000x128xf32, #tpu.memory_space<hbm>> -> memref<10000x128xf32, #tpu.memory_space<hbm>>
    tpu.enqueue_indirect_dma source(%dma_start3A_600 : memref<10000x128xf32, #tpu.memory_space<hbm>>) target(%arg7 : memref<80x128xf32, #tpu.memory_space<vmem>>) offsets(%dma_start3A_597 : memref<80xi32, #tpu.memory_space<vmem>>) semaphore(%arg12 : memref<!tpu.dma_semaphore, #tpu.memory_space<semaphore_mem>>)
    %dma_wait3A_601 = arith.constant 0 : i32
    %dma_wait3A_602 = arith.constant 0 : i32
    %dma_wait3A_603 = arith.constant 0 : i32
    %dma_wait3A_604 = arith.constant 0 : i32
    %dma_wait3A_605 = tpu.memref_slice %arg6[%dma_wait3A_601, %dma_wait3A_602, %dma_wait3A_603, %dma_wait3A_604] : memref<2x2x25x80xi32, #tpu.memory_space<vmem>> -> memref<1x1x1x80xi32, #tpu.memory_space<vmem>>
    %dma_wait3A_606 = tpu.memref_squeeze %dma_wait3A_605 : memref<1x1x1x80xi32, #tpu.memory_space<vmem>> -> memref<80xi32, #tpu.memory_space<vmem>>
    %dma_wait3A_607 = arith.constant 0 : i32
    %dma_wait3A_608 = arith.constant 0 : i32
    %dma_wait3A_609 = tpu.memref_slice %arg2[%dma_wait3A_607, %dma_wait3A_608] : memref<10000x128xf32, #tpu.memory_space<hbm>> -> memref<10000x128xf32, #tpu.memory_space<hbm>>
    tpu.wait_indirect_dma semaphore(%arg12 : memref<!tpu.dma_semaphore, #tpu.memory_space<semaphore_mem>>) src(%dma_wait3A_609 : memref<10000x128xf32, #tpu.memory_space<hbm>>) dst(%arg7 : memref<80x128xf32, #tpu.memory_space<vmem>>)
    %dma_start3A_610 = arith.constant 0 : i32
    %dma_start3A_611 = arith.constant 1 : i32
    %dma_start3A_612 = arith.constant 0 : i32
    %dma_start3A_613 = arith.constant 0 : i32
    %dma_start3A_614 = tpu.memref_slice %arg6[%dma_start3A_610, %dma_start3A_611, %dma_start3A_612, %dma_start3A_613] : memref<2x2x25x80xi32, #tpu.memory_space<vmem>> -> memref<1x1x1x80xi32, #tpu.memory_space<vmem>>
    %dma_start3A_615 = tpu.memref_squeeze %dma_start3A_614 : memref<1x1x1x80xi32, #tpu.memory_space<vmem>> -> memref<80xi32, #tpu.memory_space<vmem>>
    %dma_start3A_616 = arith.constant 0 : i32
    %dma_start3A_617 = arith.constant 0 : i32
    %dma_start3A_618 = tpu.memref_slice %arg9[%dma_start3A_616, %dma_start3A_617] : memref<10000x128xf32, #tpu.memory_space<vmem_shared>> -> memref<10000x128xf32, #tpu.memory_space<vmem_shared>>
    tpu.enqueue_indirect_dma source(%arg7 : memref<80x128xf32, #tpu.memory_space<vmem>>) target(%dma_start3A_618 : memref<10000x128xf32, #tpu.memory_space<vmem_shared>>) offsets(%dma_start3A_615 : memref<80xi32, #tpu.memory_space<vmem>>) semaphore(%arg14 : memref<!tpu.dma_semaphore, #tpu.memory_space<semaphore_mem>>) {add = true}
    %dma_wait3A_619 = arith.constant 0 : i32
    %dma_wait3A_620 = arith.constant 1 : i32
    %dma_wait3A_621 = arith.constant 0 : i32
    %dma_wait3A_622 = arith.constant 0 : i32
    %dma_wait3A_623 = tpu.memref_slice %arg6[%dma_wait3A_619, %dma_wait3A_620, %dma_wait3A_621, %dma_wait3A_622] : memref<2x2x25x80xi32, #tpu.memory_space<vmem>> -> memref<1x1x1x80xi32, #tpu.memory_space<vmem>>
    %dma_wait3A_624 = tpu.memref_squeeze %dma_wait3A_623 : memref<1x1x1x80xi32, #tpu.memory_space<vmem>> -> memref<80xi32, #tpu.memory_space<vmem>>
    %dma_wait3A_625 = arith.constant 0 : i32
    %dma_wait3A_626 = arith.constant 0 : i32
    %dma_wait3A_627 = tpu.memref_slice %arg9[%dma_wait3A_625, %dma_wait3A_626] : memref<10000x128xf32, #tpu.memory_space<vmem_shared>> -> memref<10000x128xf32, #tpu.memory_space<vmem_shared>>
    tpu.wait_indirect_dma semaphore(%arg15 : memref<!tpu.dma_semaphore, #tpu.memory_space<semaphore_mem>>) src(%arg8 : memref<80x128xf32, #tpu.memory_space<vmem>>) dst(%dma_wait3A_627 : memref<10000x128xf32, #tpu.memory_space<vmem_shared>>)
    %dma_start3A_628 = arith.constant 0 : i32
    %dma_start3A_629 = arith.constant 0 : i32
    %dma_start3A_630 = arith.constant 1 : i32
    %dma_start3A_631 = arith.constant 0 : i32
    %dma_start3A_632 = tpu.memref_slice %arg6[%dma_start3A_628, %dma_start3A_629, %dma_start3A_630, %dma_start3A_631] : memref<2x2x25x80xi32, #tpu.memory_space<vmem>> -> memref<1x1x1x80xi32, #tpu.memory_space<vmem>>
    %dma_start3A_633 = tpu.memref_squeeze %dma_start3A_632 : memref<1x1x1x80xi32, #tpu.memory_space<vmem>> -> memref<80xi32, #tpu.memory_space<vmem>>
    %dma_start3A_634 = arith.constant 0 : i32
    %dma_start3A_635 = arith.constant 0 : i32
    %dma_start3A_636 = tpu.memref_slice %arg2[%dma_start3A_634, %dma_start3A_635] : memref<10000x128xf32, #tpu.memory_space<hbm>> -> memref<10000x128xf32, #tpu.memory_space<hbm>>
    tpu.enqueue_indirect_dma source(%dma_start3A_636 : memref<10000x128xf32, #tpu.memory_space<hbm>>) target(%arg8 : memref<80x128xf32, #tpu.memory_space<vmem>>) offsets(%dma_start3A_633 : memref<80xi32, #tpu.memory_space<vmem>>) semaphore(%arg13 : memref<!tpu.dma_semaphore, #tpu.memory_space<semaphore_mem>>)
    %scan3A_637 = arith.constant 0 : i32
    %scan3A_638 = arith.constant 12 : i32
    %scan3A_639 = arith.addi %scan3A_637, %scan3A_638 : i32
    %scan3A_640 = arith.constant 1 : i32
    scf.for %scan3A_662 = %scan3A_637 to %scan3A_639 step %scan3A_640  : i32 {
      %mul3A_663 = arith.constant 2 : i32
      %mul3A_664 = arith.muli %scan3A_662, %mul3A_663 : i32
      %add3A_665 = arith.constant 1 : i32
      %add3A_666 = arith.addi %add3A_665, %mul3A_664 : i32
      %dma_wait3A_667 = arith.constant 0 : i32
      %dma_wait3A_668 = arith.constant 0 : i32
      %dma_wait3A_669 = arith.constant 0 : i32
      %dma_wait3A_670 = arith.constant 0 : i32
      %dma_wait3A_671 = tpu.memref_slice %arg6[%dma_wait3A_667, %dma_wait3A_668, %dma_wait3A_669, %dma_wait3A_670] : memref<2x2x25x80xi32, #tpu.memory_space<vmem>> -> memref<1x1x1x80xi32, #tpu.memory_space<vmem>>
      %dma_wait3A_672 = tpu.memref_squeeze %dma_wait3A_671 : memref<1x1x1x80xi32, #tpu.memory_space<vmem>> -> memref<80xi32, #tpu.memory_space<vmem>>
      %dma_wait3A_673 = arith.constant 0 : i32
      %dma_wait3A_674 = arith.constant 0 : i32
      %dma_wait3A_675 = tpu.memref_slice %arg2[%dma_wait3A_673, %dma_wait3A_674] : memref<10000x128xf32, #tpu.memory_space<hbm>> -> memref<10000x128xf32, #tpu.memory_space<hbm>>
      tpu.wait_indirect_dma semaphore(%arg13 : memref<!tpu.dma_semaphore, #tpu.memory_space<semaphore_mem>>) src(%dma_wait3A_675 : memref<10000x128xf32, #tpu.memory_space<hbm>>) dst(%arg8 : memref<80x128xf32, #tpu.memory_space<vmem>>)
      %dma_start3A_676 = arith.constant 0 : i32
      %dma_start3A_677 = arith.constant 1 : i32
      %dma_start3A_678 = arith.constant 0 : i32
      %dma_start3A_679 = tpu.memref_slice %arg6[%dma_start3A_676, %dma_start3A_677, %add3A_666, %dma_start3A_678] : memref<2x2x25x80xi32, #tpu.memory_space<vmem>> -> memref<1x1x1x80xi32, #tpu.memory_space<vmem>>
      %dma_start3A_680 = tpu.memref_squeeze %dma_start3A_679 : memref<1x1x1x80xi32, #tpu.memory_space<vmem>> -> memref<80xi32, #tpu.memory_space<vmem>>
      %dma_start3A_681 = arith.constant 0 : i32
      %dma_start3A_682 = arith.constant 0 : i32
      %dma_start3A_683 = tpu.memref_slice %arg9[%dma_start3A_681, %dma_start3A_682] : memref<10000x128xf32, #tpu.memory_space<vmem_shared>> -> memref<10000x128xf32, #tpu.memory_space<vmem_shared>>
      tpu.enqueue_indirect_dma source(%arg8 : memref<80x128xf32, #tpu.memory_space<vmem>>) target(%dma_start3A_683 : memref<10000x128xf32, #tpu.memory_space<vmem_shared>>) offsets(%dma_start3A_680 : memref<80xi32, #tpu.memory_space<vmem>>) semaphore(%arg15 : memref<!tpu.dma_semaphore, #tpu.memory_space<semaphore_mem>>) {add = true}
      %dma_wait3A_684 = arith.constant 0 : i32
      %dma_wait3A_685 = arith.constant 1 : i32
      %dma_wait3A_686 = arith.constant 0 : i32
      %dma_wait3A_687 = arith.constant 0 : i32
      %dma_wait3A_688 = tpu.memref_slice %arg6[%dma_wait3A_684, %dma_wait3A_685, %dma_wait3A_686, %dma_wait3A_687] : memref<2x2x25x80xi32, #tpu.memory_space<vmem>> -> memref<1x1x1x80xi32, #tpu.memory_space<vmem>>
      %dma_wait3A_689 = tpu.memref_squeeze %dma_wait3A_688 : memref<1x1x1x80xi32, #tpu.memory_space<vmem>> -> memref<80xi32, #tpu.memory_space<vmem>>
      %dma_wait3A_690 = arith.constant 0 : i32
      %dma_wait3A_691 = arith.constant 0 : i32
      %dma_wait3A_692 = tpu.memref_slice %arg9[%dma_wait3A_690, %dma_wait3A_691] : memref<10000x128xf32, #tpu.memory_space<vmem_shared>> -> memref<10000x128xf32, #tpu.memory_space<vmem_shared>>
      tpu.wait_indirect_dma semaphore(%arg14 : memref<!tpu.dma_semaphore, #tpu.memory_space<semaphore_mem>>) src(%arg7 : memref<80x128xf32, #tpu.memory_space<vmem>>) dst(%dma_wait3A_692 : memref<10000x128xf32, #tpu.memory_space<vmem_shared>>)
      %add3A_693 = arith.constant 1 : i32
      %add3A_694 = arith.addi %add3A_666, %add3A_693 : i32
      %dma_start3A_695 = arith.constant 0 : i32
      %dma_start3A_696 = arith.constant 0 : i32
      %dma_start3A_697 = arith.constant 0 : i32
      %dma_start3A_698 = tpu.memref_slice %arg6[%dma_start3A_695, %dma_start3A_696, %add3A_694, %dma_start3A_697] : memref<2x2x25x80xi32, #tpu.memory_space<vmem>> -> memref<1x1x1x80xi32, #tpu.memory_space<vmem>>
      %dma_start3A_699 = tpu.memref_squeeze %dma_start3A_698 : memref<1x1x1x80xi32, #tpu.memory_space<vmem>> -> memref<80xi32, #tpu.memory_space<vmem>>
      %dma_start3A_700 = arith.constant 0 : i32
      %dma_start3A_701 = arith.constant 0 : i32
      %dma_start3A_702 = tpu.memref_slice %arg2[%dma_start3A_700, %dma_start3A_701] : memref<10000x128xf32, #tpu.memory_space<hbm>> -> memref<10000x128xf32, #tpu.memory_space<hbm>>
      tpu.enqueue_indirect_dma source(%dma_start3A_702 : memref<10000x128xf32, #tpu.memory_space<hbm>>) target(%arg7 : memref<80x128xf32, #tpu.memory_space<vmem>>) offsets(%dma_start3A_699 : memref<80xi32, #tpu.memory_space<vmem>>) semaphore(%arg12 : memref<!tpu.dma_semaphore, #tpu.memory_space<semaphore_mem>>)
      %dma_wait3A_703 = arith.constant 0 : i32
      %dma_wait3A_704 = arith.constant 0 : i32
      %dma_wait3A_705 = arith.constant 0 : i32
      %dma_wait3A_706 = arith.constant 0 : i32
      %dma_wait3A_707 = tpu.memref_slice %arg6[%dma_wait3A_703, %dma_wait3A_704, %dma_wait3A_705, %dma_wait3A_706] : memref<2x2x25x80xi32, #tpu.memory_space<vmem>> -> memref<1x1x1x80xi32, #tpu.memory_space<vmem>>
      %dma_wait3A_708 = tpu.memref_squeeze %dma_wait3A_707 : memref<1x1x1x80xi32, #tpu.memory_space<vmem>> -> memref<80xi32, #tpu.memory_space<vmem>>
      %dma_wait3A_709 = arith.constant 0 : i32
      %dma_wait3A_710 = arith.constant 0 : i32
      %dma_wait3A_711 = tpu.memref_slice %arg2[%dma_wait3A_709, %dma_wait3A_710] : memref<10000x128xf32, #tpu.memory_space<hbm>> -> memref<10000x128xf32, #tpu.memory_space<hbm>>
      tpu.wait_indirect_dma semaphore(%arg12 : memref<!tpu.dma_semaphore, #tpu.memory_space<semaphore_mem>>) src(%dma_wait3A_711 : memref<10000x128xf32, #tpu.memory_space<hbm>>) dst(%arg7 : memref<80x128xf32, #tpu.memory_space<vmem>>)
      %add3A_712 = arith.constant 1 : i32
      %add3A_713 = arith.addi %add3A_666, %add3A_712 : i32
      %dma_start3A_714 = arith.constant 0 : i32
      %dma_start3A_715 = arith.constant 1 : i32
      %dma_start3A_716 = arith.constant 0 : i32
      %dma_start3A_717 = tpu.memref_slice %arg6[%dma_start3A_714, %dma_start3A_715, %add3A_713, %dma_start3A_716] : memref<2x2x25x80xi32, #tpu.memory_space<vmem>> -> memref<1x1x1x80xi32, #tpu.memory_space<vmem>>
      %dma_start3A_718 = tpu.memref_squeeze %dma_start3A_717 : memref<1x1x1x80xi32, #tpu.memory_space<vmem>> -> memref<80xi32, #tpu.memory_space<vmem>>
      %dma_start3A_719 = arith.constant 0 : i32
      %dma_start3A_720 = arith.constant 0 : i32
      %dma_start3A_721 = tpu.memref_slice %arg9[%dma_start3A_719, %dma_start3A_720] : memref<10000x128xf32, #tpu.memory_space<vmem_shared>> -> memref<10000x128xf32, #tpu.memory_space<vmem_shared>>
      tpu.enqueue_indirect_dma source(%arg7 : memref<80x128xf32, #tpu.memory_space<vmem>>) target(%dma_start3A_721 : memref<10000x128xf32, #tpu.memory_space<vmem_shared>>) offsets(%dma_start3A_718 : memref<80xi32, #tpu.memory_space<vmem>>) semaphore(%arg14 : memref<!tpu.dma_semaphore, #tpu.memory_space<semaphore_mem>>) {add = true}
      %dma_wait3A_722 = arith.constant 0 : i32
      %dma_wait3A_723 = arith.constant 1 : i32
      %dma_wait3A_724 = arith.constant 0 : i32
      %dma_wait3A_725 = arith.constant 0 : i32
      %dma_wait3A_726 = tpu.memref_slice %arg6[%dma_wait3A_722, %dma_wait3A_723, %dma_wait3A_724, %dma_wait3A_725] : memref<2x2x25x80xi32, #tpu.memory_space<vmem>> -> memref<1x1x1x80xi32, #tpu.memory_space<vmem>>
      %dma_wait3A_727 = tpu.memref_squeeze %dma_wait3A_726 : memref<1x1x1x80xi32, #tpu.memory_space<vmem>> -> memref<80xi32, #tpu.memory_space<vmem>>
      %dma_wait3A_728 = arith.constant 0 : i32
      %dma_wait3A_729 = arith.constant 0 : i32
      %dma_wait3A_730 = tpu.memref_slice %arg9[%dma_wait3A_728, %dma_wait3A_729] : memref<10000x128xf32, #tpu.memory_space<vmem_shared>> -> memref<10000x128xf32, #tpu.memory_space<vmem_shared>>
      tpu.wait_indirect_dma semaphore(%arg15 : memref<!tpu.dma_semaphore, #tpu.memory_space<semaphore_mem>>) src(%arg8 : memref<80x128xf32, #tpu.memory_space<vmem>>) dst(%dma_wait3A_730 : memref<10000x128xf32, #tpu.memory_space<vmem_shared>>)
      %add3A_731 = arith.constant 2 : i32
      %add3A_732 = arith.addi %add3A_666, %add3A_731 : i32
      %lt3A_733 = arith.constant 25 : i32
      %lt3A_734 = arith.cmpi slt, %add3A_732, %lt3A_733 : i32
      %convert_element_type3A_735 = arith.extui %lt3A_734 : i1 to i32
      %cond3A_736 = arith.constant 0 : i32
      %cond3A_737 = arith.cmpi ne, %convert_element_type3A_735, %cond3A_736 : i32
      scf.if %cond3A_737 {
        %add3A_738 = arith.constant 2 : i32
        %add3A_739 = arith.addi %add3A_666, %add3A_738 : i32
        %dma_start3A_740 = arith.constant 0 : i32
        %dma_start3A_741 = arith.constant 0 : i32
        %dma_start3A_742 = arith.constant 0 : i32
        %dma_start3A_743 = tpu.memref_slice %arg6[%dma_start3A_740, %dma_start3A_741, %add3A_739, %dma_start3A_742] : memref<2x2x25x80xi32, #tpu.memory_space<vmem>> -> memref<1x1x1x80xi32, #tpu.memory_space<vmem>>
        %dma_start3A_744 = tpu.memref_squeeze %dma_start3A_743 : memref<1x1x1x80xi32, #tpu.memory_space<vmem>> -> memref<80xi32, #tpu.memory_space<vmem>>
        %dma_start3A_745 = arith.constant 0 : i32
        %dma_start3A_746 = arith.constant 0 : i32
        %dma_start3A_747 = tpu.memref_slice %arg2[%dma_start3A_745, %dma_start3A_746] : memref<10000x128xf32, #tpu.memory_space<hbm>> -> memref<10000x128xf32, #tpu.memory_space<hbm>>
        tpu.enqueue_indirect_dma source(%dma_start3A_747 : memref<10000x128xf32, #tpu.memory_space<hbm>>) target(%arg8 : memref<80x128xf32, #tpu.memory_space<vmem>>) offsets(%dma_start3A_744 : memref<80xi32, #tpu.memory_space<vmem>>) semaphore(%arg13 : memref<!tpu.dma_semaphore, #tpu.memory_space<semaphore_mem>>)
      } else {
      }
    }
    %scan3A_641 = arith.constant 12 : i32
    %dma_wait3A_642 = arith.constant 0 : i32
    %dma_wait3A_643 = arith.constant 1 : i32
    %dma_wait3A_644 = arith.constant 0 : i32
    %dma_wait3A_645 = arith.constant 0 : i32
    %dma_wait3A_646 = tpu.memref_slice %arg6[%dma_wait3A_642, %dma_wait3A_643, %dma_wait3A_644, %dma_wait3A_645] : memref<2x2x25x80xi32, #tpu.memory_space<vmem>> -> memref<1x1x1x80xi32, #tpu.memory_space<vmem>>
    %dma_wait3A_647 = tpu.memref_squeeze %dma_wait3A_646 : memref<1x1x1x80xi32, #tpu.memory_space<vmem>> -> memref<80xi32, #tpu.memory_space<vmem>>
    %dma_wait3A_648 = arith.constant 0 : i32
    %dma_wait3A_649 = arith.constant 0 : i32
    %dma_wait3A_650 = tpu.memref_slice %arg9[%dma_wait3A_648, %dma_wait3A_649] : memref<10000x128xf32, #tpu.memory_space<vmem_shared>> -> memref<10000x128xf32, #tpu.memory_space<vmem_shared>>
    tpu.wait_indirect_dma semaphore(%arg14 : memref<!tpu.dma_semaphore, #tpu.memory_space<semaphore_mem>>) src(%arg7 : memref<80x128xf32, #tpu.memory_space<vmem>>) dst(%dma_wait3A_650 : memref<10000x128xf32, #tpu.memory_space<vmem_shared>>)
    %barrier3A_651 = arith.constant 0 : index
    tpu.barrier barrier_id(%barrier3A_651)
    %lt3A_652 = arith.constant 15 : i32
    %lt3A_653 = arith.cmpi slt, %arg1, %lt3A_652 : i32
    %convert_element_type3A_654 = arith.extui %lt3A_653 : i1 to i32
    %cond3A_655 = arith.constant 0 : i32
    %cond3A_656 = arith.cmpi ne, %convert_element_type3A_654, %cond3A_655 : i32
    scf.if %cond3A_656 {
      %scan3A_662 = arith.constant 0 : i32
      %scan3A_663 = arith.constant 8 : i32
      %scan3A_664 = arith.addi %scan3A_662, %scan3A_663 : i32
      %scan3A_665 = arith.constant 1 : i32
      scf.for %scan3A_672 = %scan3A_662 to %scan3A_664 step %scan3A_665  : i32 {
        %mul3A_673 = arith.constant 80 : i32
        %mul3A_674 = arith.muli %scan3A_672, %mul3A_673 : i32
        %add3A_675 = arith.constant 0 : i32
        %add3A_676 = arith.addi %add3A_675, %mul3A_674 : i32
        %add3A_677 = arith.addi %mul3A_43, %add3A_676 : i32
        %add3A_678 = arith.addi %mul3A_43, %add3A_676 : i32
        %dma_start3A_679 = arith.constant 0 : i32
        %dma_start3A_680 = tpu.memref_slice %arg5[%arg0, %add3A_678, %dma_start3A_679] : memref<2x10000x128xf32, #tpu.memory_space<hbm>> -> memref<1x80x128xf32, #tpu.memory_space<hbm>>
        %dma_start3A_681 = tpu.memref_squeeze %dma_start3A_680 : memref<1x80x128xf32, #tpu.memory_space<hbm>> -> memref<80x128xf32, #tpu.memory_space<hbm>>
        %dma_start3A_682 = arith.constant 0 : i32
        %dma_start3A_683 = tpu.memref_slice %arg9[%add3A_677, %dma_start3A_682] : memref<10000x128xf32, #tpu.memory_space<vmem_shared>> -> memref<80x128xf32, #tpu.memory_space<vmem_shared>>
        tpu.enqueue_dma source(%dma_start3A_683 : memref<80x128xf32, #tpu.memory_space<vmem_shared>>) target(%dma_start3A_681 : memref<80x128xf32, #tpu.memory_space<hbm>>) target_semaphore(%arg14 : memref<!tpu.dma_semaphore, #tpu.memory_space<semaphore_mem>>)
      }
      %scan3A_666 = arith.constant 8 : i32
      %scan3A_667 = arith.constant 0 : i32
      %scan3A_668 = arith.constant 8 : i32
      %scan3A_669 = arith.addi %scan3A_667, %scan3A_668 : i32
      %scan3A_670 = arith.constant 1 : i32
      scf.for %scan3A_672 = %scan3A_667 to %scan3A_669 step %scan3A_670  : i32 {
        %mul3A_673 = arith.constant 80 : i32
        %mul3A_674 = arith.muli %scan3A_672, %mul3A_673 : i32
        %add3A_675 = arith.constant 0 : i32
        %add3A_676 = arith.addi %add3A_675, %mul3A_674 : i32
        %add3A_677 = arith.addi %mul3A_43, %add3A_676 : i32
        %add3A_678 = arith.addi %mul3A_43, %add3A_676 : i32
        %dma_wait3A_679 = arith.constant 0 : i32
        %dma_wait3A_680 = tpu.memref_slice %arg5[%arg0, %add3A_678, %dma_wait3A_679] : memref<2x10000x128xf32, #tpu.memory_space<hbm>> -> memref<1x80x128xf32, #tpu.memory_space<hbm>>
        %dma_wait3A_681 = tpu.memref_squeeze %dma_wait3A_680 : memref<1x80x128xf32, #tpu.memory_space<hbm>> -> memref<80x128xf32, #tpu.memory_space<hbm>>
        %dma_wait3A_682 = arith.constant 0 : i32
        %dma_wait3A_683 = tpu.memref_slice %arg9[%add3A_677, %dma_wait3A_682] : memref<10000x128xf32, #tpu.memory_space<vmem_shared>> -> memref<80x128xf32, #tpu.memory_space<vmem_shared>>
        tpu.wait_dma2 semaphore(%arg14 : memref<!tpu.dma_semaphore, #tpu.memory_space<semaphore_mem>>) src(%dma_wait3A_683 : memref<80x128xf32, #tpu.memory_space<vmem_shared>>) dst(%dma_wait3A_681 : memref<80x128xf32, #tpu.memory_space<hbm>>)
      }
      %scan3A_671 = arith.constant 8 : i32
    } else {
    }
    %eq3A_657 = arith.constant 15 : i32
    %eq3A_658 = arith.cmpi eq, %arg1, %eq3A_657 : i32
    %convert_element_type3A_659 = arith.extui %eq3A_658 : i1 to i32
    %cond3A_660 = arith.constant 0 : i32
    %cond3A_661 = arith.cmpi ne, %convert_element_type3A_659, %cond3A_660 : i32
    scf.if %cond3A_661 {
      %scan3A_662 = arith.constant 0 : i32
      %scan3A_663 = arith.constant 5 : i32
      %scan3A_664 = arith.addi %scan3A_662, %scan3A_663 : i32
      %scan3A_665 = arith.constant 1 : i32
      scf.for %scan3A_672 = %scan3A_662 to %scan3A_664 step %scan3A_665  : i32 {
        %mul3A_673 = arith.constant 80 : i32
        %mul3A_674 = arith.muli %scan3A_672, %mul3A_673 : i32
        %add3A_675 = arith.constant 0 : i32
        %add3A_676 = arith.addi %add3A_675, %mul3A_674 : i32
        %add3A_677 = arith.addi %mul3A_43, %add3A_676 : i32
        %add3A_678 = arith.addi %mul3A_43, %add3A_676 : i32
        %dma_start3A_679 = arith.constant 0 : i32
        %dma_start3A_680 = tpu.memref_slice %arg5[%arg0, %add3A_678, %dma_start3A_679] : memref<2x10000x128xf32, #tpu.memory_space<hbm>> -> memref<1x80x128xf32, #tpu.memory_space<hbm>>
        %dma_start3A_681 = tpu.memref_squeeze %dma_start3A_680 : memref<1x80x128xf32, #tpu.memory_space<hbm>> -> memref<80x128xf32, #tpu.memory_space<hbm>>
        %dma_start3A_682 = arith.constant 0 : i32
        %dma_start3A_683 = tpu.memref_slice %arg9[%add3A_677, %dma_start3A_682] : memref<10000x128xf32, #tpu.memory_space<vmem_shared>> -> memref<80x128xf32, #tpu.memory_space<vmem_shared>>
        tpu.enqueue_dma source(%dma_start3A_683 : memref<80x128xf32, #tpu.memory_space<vmem_shared>>) target(%dma_start3A_681 : memref<80x128xf32, #tpu.memory_space<hbm>>) target_semaphore(%arg14 : memref<!tpu.dma_semaphore, #tpu.memory_space<semaphore_mem>>)
      }
      %scan3A_666 = arith.constant 5 : i32
      %scan3A_667 = arith.constant 0 : i32
      %scan3A_668 = arith.constant 5 : i32
      %scan3A_669 = arith.addi %scan3A_667, %scan3A_668 : i32
      %scan3A_670 = arith.constant 1 : i32
      scf.for %scan3A_672 = %scan3A_667 to %scan3A_669 step %scan3A_670  : i32 {
        %mul3A_673 = arith.constant 80 : i32
        %mul3A_674 = arith.muli %scan3A_672, %mul3A_673 : i32
        %add3A_675 = arith.constant 0 : i32
        %add3A_676 = arith.addi %add3A_675, %mul3A_674 : i32
        %add3A_677 = arith.addi %mul3A_43, %add3A_676 : i32
        %add3A_678 = arith.addi %mul3A_43, %add3A_676 : i32
        %dma_wait3A_679 = arith.constant 0 : i32
        %dma_wait3A_680 = tpu.memref_slice %arg5[%arg0, %add3A_678, %dma_wait3A_679] : memref<2x10000x128xf32, #tpu.memory_space<hbm>> -> memref<1x80x128xf32, #tpu.memory_space<hbm>>
        %dma_wait3A_681 = tpu.memref_squeeze %dma_wait3A_680 : memref<1x80x128xf32, #tpu.memory_space<hbm>> -> memref<80x128xf32, #tpu.memory_space<hbm>>
        %dma_wait3A_682 = arith.constant 0 : i32
        %dma_wait3A_683 = tpu.memref_slice %arg9[%add3A_677, %dma_wait3A_682] : memref<10000x128xf32, #tpu.memory_space<vmem_shared>> -> memref<80x128xf32, #tpu.memory_space<vmem_shared>>
        tpu.wait_dma2 semaphore(%arg14 : memref<!tpu.dma_semaphore, #tpu.memory_space<semaphore_mem>>) src(%dma_wait3A_683 : memref<80x128xf32, #tpu.memory_space<vmem_shared>>) dst(%dma_wait3A_681 : memref<80x128xf32, #tpu.memory_space<hbm>>)
      }
      %scan3A_671 = arith.constant 5 : i32
    } else {
    }
    return
  }
}

module attributes {stable_mosaic.version = 14 : i64} {
  func.func @_relu_body(%arg0: memref<10000x128xf32, #tpu.memory_space<vmem>>, %arg1: memref<10000x128xf32, #tpu.memory_space<vmem>>) attributes {dimension_semantics = [], scalar_prefetch = 0 : i64, scratch_operands = 0 : i64, tpu.core_type = #tpu.core_type<tc>} {
    %get3A = arith.constant 0 : index
    %get3A_0 = arith.constant 0 : index
    %get3A_1 = vector.load %arg0[%get3A, %get3A_0] : memref<10000x128xf32, #tpu.memory_space<vmem>>, vector<10000x128xf32>
    %max3A = arith.constant 0.000000e+00 : f32
    %max3A_2 = vector.broadcast %max3A : f32 to vector<10000x128xf32>
    %max3A_3 = arith.maximumf %get3A_1, %max3A_2 : vector<10000x128xf32>
    %swap3A = arith.constant 0 : index
    %swap3A_4 = arith.constant 0 : index
    %swap3A_5 = vector.load %arg1[%swap3A, %swap3A_4] : memref<10000x128xf32, #tpu.memory_space<vmem>>, vector<10000x128xf32>
    tpu.vector_store %arg1[%swap3A, %swap3A_4], %max3A_3 {strides = array<i32>} : memref<10000x128xf32, #tpu.memory_space<vmem>>, vector<10000x128xf32>,
    return
  }
}

module attributes {stable_mosaic.version = 14 : i64} {
  func.func @_dense_body(%arg0: memref<1xf32, #tpu.memory_space<smem>>, %arg1: memref<10000x128xf32, #tpu.memory_space<vmem>>, %arg2: memref<2x10000x128xf32, #tpu.memory_space<vmem>>, %arg3: memref<128x128xf32, #tpu.memory_space<vmem>>, %arg4: memref<1x128xf32, #tpu.memory_space<vmem>>, %arg5: memref<1x128xf32, #tpu.memory_space<vmem>>, %arg6: memref<1x128xf32, #tpu.memory_space<vmem>>, %arg7: memref<128x128xf32, #tpu.memory_space<vmem>>, %arg8: memref<1x128xf32, #tpu.memory_space<vmem>>, %arg9: memref<1x128xf32, #tpu.memory_space<vmem>>, %arg10: memref<1x128xf32, #tpu.memory_space<vmem>>, %arg11: memref<10000x128xf32, #tpu.memory_space<vmem>>) attributes {dimension_semantics = [], scalar_prefetch = 0 : i64, scratch_operands = 0 : i64, tpu.core_type = #tpu.core_type<tc>} {
    %get3A = arith.constant 0 : index
    %get3A_0 = memref.load %arg0[%get3A] : memref<1xf32, #tpu.memory_space<smem>>
    %add3A = arith.constant 1.000000e+00 : f32
    %add3A_1 = arith.addf %add3A, %get3A_0 : f32
    %get3A_2 = arith.constant 0 : index
    %get3A_3 = arith.constant 0 : index
    %get3A_4 = vector.load %arg1[%get3A_2, %get3A_3] : memref<10000x128xf32, #tpu.memory_space<vmem>>, vector<10000x128xf32>
    %mul3A = vector.broadcast %add3A_1 : f32 to vector<10000x128xf32>
    %mul3A_5 = arith.mulf %get3A_4, %mul3A : vector<10000x128xf32>
    %get3A_6 = arith.constant 0 : index
    %get3A_7 = arith.constant 0 : index
    %get3A_8 = arith.constant 0 : index
    %get3A_9 = vector.load %arg2[%get3A_6, %get3A_7, %get3A_8] : memref<2x10000x128xf32, #tpu.memory_space<vmem>>, vector<1x10000x128xf32>
    %get3A_10 = vector.shape_cast %get3A_9 : vector<1x10000x128xf32> to vector<10000x128xf32>
    %add3A_11 = arith.addf %mul3A_5, %get3A_10 : vector<10000x128xf32>
    %get3A_12 = arith.constant 1 : index
    %get3A_13 = arith.constant 0 : index
    %get3A_14 = arith.constant 0 : index
    %get3A_15 = vector.load %arg2[%get3A_12, %get3A_13, %get3A_14] : memref<2x10000x128xf32, #tpu.memory_space<vmem>>, vector<1x10000x128xf32>
    %get3A_16 = vector.shape_cast %get3A_15 : vector<1x10000x128xf32> to vector<10000x128xf32>
    %add3A_17 = arith.addf %add3A_11, %get3A_16 : vector<10000x128xf32>
    %get3A_18 = arith.constant 0 : index
    %get3A_19 = arith.constant 0 : index
    %get3A_20 = vector.load %arg3[%get3A_18, %get3A_19] : memref<128x128xf32, #tpu.memory_space<vmem>>, vector<128x128xf32>
    %dot_general3A = arith.constant dense<0.000000e+00> : vector<10000x128xf32>
    %dot_general3A_21 = tpu.matmul %add3A_17, %get3A_20, %dot_general3A {dimension_numbers = #tpu.dot_dimension_numbers<[1], [0], [0], [1], [0, 0, 1, 1], [], []>, transpose_lhs_hint = false} : vector<10000x128xf32>, vector<128x128xf32>, vector<10000x128xf32> -> vector<10000x128xf32>
    %get3A_22 = arith.constant 0 : index
    %get3A_23 = arith.constant 0 : index
    %get3A_24 = vector.load %arg4[%get3A_22, %get3A_23] : memref<1x128xf32, #tpu.memory_space<vmem>>, vector<1x128xf32>
    %add3A_25 = vector.broadcast %get3A_24 : vector<1x128xf32> to vector<10000x128xf32>
    %add3A_26 = arith.addf %dot_general3A_21, %add3A_25 : vector<10000x128xf32>
    %reduce_sum3A = arith.constant dense<0.000000e+00> : vector<128xf32>
    %reduce_sum3A_27 = vector.multi_reduction <add>, %add3A_26, %reduce_sum3A [0] : vector<10000x128xf32> to vector<128xf32>
    %broadcast_in_dim3A = vector.shape_cast %reduce_sum3A_27 : vector<128xf32> to vector<1x128xf32>
    %div3A = arith.constant 1.000000e+04 : f32
    %div3A_28 = vector.broadcast %div3A : f32 to vector<1x128xf32>
    %div3A_29 = arith.divf %broadcast_in_dim3A, %div3A_28 : vector<1x128xf32>
    %mul3A_30 = arith.mulf %add3A_26, %add3A_26 : vector<10000x128xf32>
    %reduce_sum3A_31 = arith.constant dense<0.000000e+00> : vector<128xf32>
    %reduce_sum3A_32 = vector.multi_reduction <add>, %mul3A_30, %reduce_sum3A_31 [0] : vector<10000x128xf32> to vector<128xf32>
    %broadcast_in_dim3A_33 = vector.shape_cast %reduce_sum3A_32 : vector<128xf32> to vector<1x128xf32>
    %div3A_34 = arith.constant 1.000000e+04 : f32
    %div3A_35 = vector.broadcast %div3A_34 : f32 to vector<1x128xf32>
    %div3A_36 = arith.divf %broadcast_in_dim3A_33, %div3A_35 : vector<1x128xf32>
    %mul3A_37 = arith.mulf %div3A_29, %div3A_29 : vector<1x128xf32>
    %sub3A = arith.subf %div3A_36, %mul3A_37 : vector<1x128xf32>
    %sub3A_38 = vector.broadcast %div3A_29 : vector<1x128xf32> to vector<10000x128xf32>
    %sub3A_39 = arith.subf %add3A_26, %sub3A_38 : vector<10000x128xf32>
    %add3A_40 = arith.constant 9.99999974E-6 : f32
    %add3A_41 = vector.broadcast %add3A_40 : f32 to vector<1x128xf32>
    %add3A_42 = arith.addf %sub3A, %add3A_41 : vector<1x128xf32>
    %rsqrt3A = math.rsqrt %add3A_42 : vector<1x128xf32>
    %mul3A_43 = vector.broadcast %rsqrt3A : vector<1x128xf32> to vector<10000x128xf32>
    %mul3A_44 = arith.mulf %sub3A_39, %mul3A_43 : vector<10000x128xf32>
    %get3A_45 = arith.constant 0 : index
    %get3A_46 = arith.constant 0 : index
    %get3A_47 = vector.load %arg5[%get3A_45, %get3A_46] : memref<1x128xf32, #tpu.memory_space<vmem>>, vector<1x128xf32>
    %mul3A_48 = vector.broadcast %get3A_47 : vector<1x128xf32> to vector<10000x128xf32>
    %mul3A_49 = arith.mulf %mul3A_44, %mul3A_48 : vector<10000x128xf32>
    %get3A_50 = arith.constant 0 : index
    %get3A_51 = arith.constant 0 : index
    %get3A_52 = vector.load %arg6[%get3A_50, %get3A_51] : memref<1x128xf32, #tpu.memory_space<vmem>>, vector<1x128xf32>
    %add3A_53 = vector.broadcast %get3A_52 : vector<1x128xf32> to vector<10000x128xf32>
    %add3A_54 = arith.addf %mul3A_49, %add3A_53 : vector<10000x128xf32>
    %max3A = arith.constant 0.000000e+00 : f32
    %max3A_55 = vector.broadcast %max3A : f32 to vector<10000x128xf32>
    %max3A_56 = arith.maximumf %add3A_54, %max3A_55 : vector<10000x128xf32>
    %get3A_57 = arith.constant 0 : index
    %get3A_58 = arith.constant 0 : index
    %get3A_59 = vector.load %arg7[%get3A_57, %get3A_58] : memref<128x128xf32, #tpu.memory_space<vmem>>, vector<128x128xf32>
    %dot_general3A_60 = arith.constant dense<0.000000e+00> : vector<10000x128xf32>
    %dot_general3A_61 = tpu.matmul %max3A_56, %get3A_59, %dot_general3A_60 {dimension_numbers = #tpu.dot_dimension_numbers<[1], [0], [0], [1], [0, 0, 1, 1], [], []>, transpose_lhs_hint = false} : vector<10000x128xf32>, vector<128x128xf32>, vector<10000x128xf32> -> vector<10000x128xf32>
    %get3A_62 = arith.constant 0 : index
    %get3A_63 = arith.constant 0 : index
    %get3A_64 = vector.load %arg8[%get3A_62, %get3A_63] : memref<1x128xf32, #tpu.memory_space<vmem>>, vector<1x128xf32>
    %add3A_65 = vector.broadcast %get3A_64 : vector<1x128xf32> to vector<10000x128xf32>
    %add3A_66 = arith.addf %dot_general3A_61, %add3A_65 : vector<10000x128xf32>
    %reduce_sum3A_67 = arith.constant dense<0.000000e+00> : vector<128xf32>
    %reduce_sum3A_68 = vector.multi_reduction <add>, %add3A_66, %reduce_sum3A_67 [0] : vector<10000x128xf32> to vector<128xf32>
    %broadcast_in_dim3A_69 = vector.shape_cast %reduce_sum3A_68 : vector<128xf32> to vector<1x128xf32>
    %div3A_70 = arith.constant 1.000000e+04 : f32
    %div3A_71 = vector.broadcast %div3A_70 : f32 to vector<1x128xf32>
    %div3A_72 = arith.divf %broadcast_in_dim3A_69, %div3A_71 : vector<1x128xf32>
    %mul3A_73 = arith.mulf %add3A_66, %add3A_66 : vector<10000x128xf32>
    %reduce_sum3A_74 = arith.constant dense<0.000000e+00> : vector<128xf32>
    %reduce_sum3A_75 = vector.multi_reduction <add>, %mul3A_73, %reduce_sum3A_74 [0] : vector<10000x128xf32> to vector<128xf32>
    %broadcast_in_dim3A_76 = vector.shape_cast %reduce_sum3A_75 : vector<128xf32> to vector<1x128xf32>
    %div3A_77 = arith.constant 1.000000e+04 : f32
    %div3A_78 = vector.broadcast %div3A_77 : f32 to vector<1x128xf32>
    %div3A_79 = arith.divf %broadcast_in_dim3A_76, %div3A_78 : vector<1x128xf32>
    %mul3A_80 = arith.mulf %div3A_72, %div3A_72 : vector<1x128xf32>
    %sub3A_81 = arith.subf %div3A_79, %mul3A_80 : vector<1x128xf32>
    %sub3A_82 = vector.broadcast %div3A_72 : vector<1x128xf32> to vector<10000x128xf32>
    %sub3A_83 = arith.subf %add3A_66, %sub3A_82 : vector<10000x128xf32>
    %add3A_84 = arith.constant 9.99999974E-6 : f32
    %add3A_85 = vector.broadcast %add3A_84 : f32 to vector<1x128xf32>
    %add3A_86 = arith.addf %sub3A_81, %add3A_85 : vector<1x128xf32>
    %rsqrt3A_87 = math.rsqrt %add3A_86 : vector<1x128xf32>
    %mul3A_88 = vector.broadcast %rsqrt3A_87 : vector<1x128xf32> to vector<10000x128xf32>
    %mul3A_89 = arith.mulf %sub3A_83, %mul3A_88 : vector<10000x128xf32>
    %get3A_90 = arith.constant 0 : index
    %get3A_91 = arith.constant 0 : index
    %get3A_92 = vector.load %arg9[%get3A_90, %get3A_91] : memref<1x128xf32, #tpu.memory_space<vmem>>, vector<1x128xf32>
    %mul3A_93 = vector.broadcast %get3A_92 : vector<1x128xf32> to vector<10000x128xf32>
    %mul3A_94 = arith.mulf %mul3A_89, %mul3A_93 : vector<10000x128xf32>
    %get3A_95 = arith.constant 0 : index
    %get3A_96 = arith.constant 0 : index
    %get3A_97 = vector.load %arg10[%get3A_95, %get3A_96] : memref<1x128xf32, #tpu.memory_space<vmem>>, vector<1x128xf32>
    %add3A_98 = vector.broadcast %get3A_97 : vector<1x128xf32> to vector<10000x128xf32>
    %add3A_99 = arith.addf %mul3A_94, %add3A_98 : vector<10000x128xf32>
    %max3A_100 = arith.constant 0.000000e+00 : f32
    %max3A_101 = vector.broadcast %max3A_100 : f32 to vector<10000x128xf32>
    %max3A_102 = arith.maximumf %add3A_99, %max3A_101 : vector<10000x128xf32>
    %swap3A = arith.constant 0 : index
    %swap3A_103 = arith.constant 0 : index
    %swap3A_104 = vector.load %arg11[%swap3A, %swap3A_103] : memref<10000x128xf32, #tpu.memory_space<vmem>>, vector<10000x128xf32>
    tpu.vector_store %arg11[%swap3A, %swap3A_103], %max3A_102 {strides = array<i32>} : memref<10000x128xf32, #tpu.memory_space<vmem>>, vector<10000x128xf32>,
    return
  }
}

module attributes {stable_mosaic.version = 14 : i64} {
  func.func @_dense_body(%arg0: memref<1xf32, #tpu.memory_space<smem>>, %arg1: memref<10000x128xf32, #tpu.memory_space<vmem>>, %arg2: memref<2x10000x128xf32, #tpu.memory_space<vmem>>, %arg3: memref<128x128xf32, #tpu.memory_space<vmem>>, %arg4: memref<1x128xf32, #tpu.memory_space<vmem>>, %arg5: memref<1x128xf32, #tpu.memory_space<vmem>>, %arg6: memref<1x128xf32, #tpu.memory_space<vmem>>, %arg7: memref<128x128xf32, #tpu.memory_space<vmem>>, %arg8: memref<1x128xf32, #tpu.memory_space<vmem>>, %arg9: memref<1x128xf32, #tpu.memory_space<vmem>>, %arg10: memref<1x128xf32, #tpu.memory_space<vmem>>, %arg11: memref<10000x128xf32, #tpu.memory_space<vmem>>) attributes {dimension_semantics = [], scalar_prefetch = 0 : i64, scratch_operands = 0 : i64, tpu.core_type = #tpu.core_type<tc>} {
    %get3A = arith.constant 0 : index
    %get3A_0 = memref.load %arg0[%get3A] : memref<1xf32, #tpu.memory_space<smem>>
    %add3A = arith.constant 1.000000e+00 : f32
    %add3A_1 = arith.addf %add3A, %get3A_0 : f32
    %get3A_2 = arith.constant 0 : index
    %get3A_3 = arith.constant 0 : index
    %get3A_4 = vector.load %arg1[%get3A_2, %get3A_3] : memref<10000x128xf32, #tpu.memory_space<vmem>>, vector<10000x128xf32>
    %mul3A = vector.broadcast %add3A_1 : f32 to vector<10000x128xf32>
    %mul3A_5 = arith.mulf %get3A_4, %mul3A : vector<10000x128xf32>
    %get3A_6 = arith.constant 0 : index
    %get3A_7 = arith.constant 0 : index
    %get3A_8 = arith.constant 0 : index
    %get3A_9 = vector.load %arg2[%get3A_6, %get3A_7, %get3A_8] : memref<2x10000x128xf32, #tpu.memory_space<vmem>>, vector<1x10000x128xf32>
    %get3A_10 = vector.shape_cast %get3A_9 : vector<1x10000x128xf32> to vector<10000x128xf32>
    %add3A_11 = arith.addf %mul3A_5, %get3A_10 : vector<10000x128xf32>
    %get3A_12 = arith.constant 1 : index
    %get3A_13 = arith.constant 0 : index
    %get3A_14 = arith.constant 0 : index
    %get3A_15 = vector.load %arg2[%get3A_12, %get3A_13, %get3A_14] : memref<2x10000x128xf32, #tpu.memory_space<vmem>>, vector<1x10000x128xf32>
    %get3A_16 = vector.shape_cast %get3A_15 : vector<1x10000x128xf32> to vector<10000x128xf32>
    %add3A_17 = arith.addf %add3A_11, %get3A_16 : vector<10000x128xf32>
    %get3A_18 = arith.constant 0 : index
    %get3A_19 = arith.constant 0 : index
    %get3A_20 = vector.load %arg3[%get3A_18, %get3A_19] : memref<128x128xf32, #tpu.memory_space<vmem>>, vector<128x128xf32>
    %dot_general3A = arith.constant dense<0.000000e+00> : vector<10000x128xf32>
    %dot_general3A_21 = tpu.matmul %add3A_17, %get3A_20, %dot_general3A {dimension_numbers = #tpu.dot_dimension_numbers<[1], [0], [0], [1], [0, 0, 1, 1], [], []>, transpose_lhs_hint = false} : vector<10000x128xf32>, vector<128x128xf32>, vector<10000x128xf32> -> vector<10000x128xf32>
    %get3A_22 = arith.constant 0 : index
    %get3A_23 = arith.constant 0 : index
    %get3A_24 = vector.load %arg4[%get3A_22, %get3A_23] : memref<1x128xf32, #tpu.memory_space<vmem>>, vector<1x128xf32>
    %add3A_25 = vector.broadcast %get3A_24 : vector<1x128xf32> to vector<10000x128xf32>
    %add3A_26 = arith.addf %dot_general3A_21, %add3A_25 : vector<10000x128xf32>
    %reduce_sum3A = arith.constant dense<0.000000e+00> : vector<128xf32>
    %reduce_sum3A_27 = vector.multi_reduction <add>, %add3A_26, %reduce_sum3A [0] : vector<10000x128xf32> to vector<128xf32>
    %broadcast_in_dim3A = vector.shape_cast %reduce_sum3A_27 : vector<128xf32> to vector<1x128xf32>
    %div3A = arith.constant 1.000000e+04 : f32
    %div3A_28 = vector.broadcast %div3A : f32 to vector<1x128xf32>
    %div3A_29 = arith.divf %broadcast_in_dim3A, %div3A_28 : vector<1x128xf32>
    %mul3A_30 = arith.mulf %add3A_26, %add3A_26 : vector<10000x128xf32>
    %reduce_sum3A_31 = arith.constant dense<0.000000e+00> : vector<128xf32>
    %reduce_sum3A_32 = vector.multi_reduction <add>, %mul3A_30, %reduce_sum3A_31 [0] : vector<10000x128xf32> to vector<128xf32>
    %broadcast_in_dim3A_33 = vector.shape_cast %reduce_sum3A_32 : vector<128xf32> to vector<1x128xf32>
    %div3A_34 = arith.constant 1.000000e+04 : f32
    %div3A_35 = vector.broadcast %div3A_34 : f32 to vector<1x128xf32>
    %div3A_36 = arith.divf %broadcast_in_dim3A_33, %div3A_35 : vector<1x128xf32>
    %mul3A_37 = arith.mulf %div3A_29, %div3A_29 : vector<1x128xf32>
    %sub3A = arith.subf %div3A_36, %mul3A_37 : vector<1x128xf32>
    %sub3A_38 = vector.broadcast %div3A_29 : vector<1x128xf32> to vector<10000x128xf32>
    %sub3A_39 = arith.subf %add3A_26, %sub3A_38 : vector<10000x128xf32>
    %add3A_40 = arith.constant 9.99999974E-6 : f32
    %add3A_41 = vector.broadcast %add3A_40 : f32 to vector<1x128xf32>
    %add3A_42 = arith.addf %sub3A, %add3A_41 : vector<1x128xf32>
    %rsqrt3A = math.rsqrt %add3A_42 : vector<1x128xf32>
    %mul3A_43 = vector.broadcast %rsqrt3A : vector<1x128xf32> to vector<10000x128xf32>
    %mul3A_44 = arith.mulf %sub3A_39, %mul3A_43 : vector<10000x128xf32>
    %get3A_45 = arith.constant 0 : index
    %get3A_46 = arith.constant 0 : index
    %get3A_47 = vector.load %arg5[%get3A_45, %get3A_46] : memref<1x128xf32, #tpu.memory_space<vmem>>, vector<1x128xf32>
    %mul3A_48 = vector.broadcast %get3A_47 : vector<1x128xf32> to vector<10000x128xf32>
    %mul3A_49 = arith.mulf %mul3A_44, %mul3A_48 : vector<10000x128xf32>
    %get3A_50 = arith.constant 0 : index
    %get3A_51 = arith.constant 0 : index
    %get3A_52 = vector.load %arg6[%get3A_50, %get3A_51] : memref<1x128xf32, #tpu.memory_space<vmem>>, vector<1x128xf32>
    %add3A_53 = vector.broadcast %get3A_52 : vector<1x128xf32> to vector<10000x128xf32>
    %add3A_54 = arith.addf %mul3A_49, %add3A_53 : vector<10000x128xf32>
    %max3A = arith.constant 0.000000e+00 : f32
    %max3A_55 = vector.broadcast %max3A : f32 to vector<10000x128xf32>
    %max3A_56 = arith.maximumf %add3A_54, %max3A_55 : vector<10000x128xf32>
    %get3A_57 = arith.constant 0 : index
    %get3A_58 = arith.constant 0 : index
    %get3A_59 = vector.load %arg7[%get3A_57, %get3A_58] : memref<128x128xf32, #tpu.memory_space<vmem>>, vector<128x128xf32>
    %dot_general3A_60 = arith.constant dense<0.000000e+00> : vector<10000x128xf32>
    %dot_general3A_61 = tpu.matmul %max3A_56, %get3A_59, %dot_general3A_60 {dimension_numbers = #tpu.dot_dimension_numbers<[1], [0], [0], [1], [0, 0, 1, 1], [], []>, transpose_lhs_hint = false} : vector<10000x128xf32>, vector<128x128xf32>, vector<10000x128xf32> -> vector<10000x128xf32>
    %get3A_62 = arith.constant 0 : index
    %get3A_63 = arith.constant 0 : index
    %get3A_64 = vector.load %arg8[%get3A_62, %get3A_63] : memref<1x128xf32, #tpu.memory_space<vmem>>, vector<1x128xf32>
    %add3A_65 = vector.broadcast %get3A_64 : vector<1x128xf32> to vector<10000x128xf32>
    %add3A_66 = arith.addf %dot_general3A_61, %add3A_65 : vector<10000x128xf32>
    %reduce_sum3A_67 = arith.constant dense<0.000000e+00> : vector<128xf32>
    %reduce_sum3A_68 = vector.multi_reduction <add>, %add3A_66, %reduce_sum3A_67 [0] : vector<10000x128xf32> to vector<128xf32>
    %broadcast_in_dim3A_69 = vector.shape_cast %reduce_sum3A_68 : vector<128xf32> to vector<1x128xf32>
    %div3A_70 = arith.constant 1.000000e+04 : f32
    %div3A_71 = vector.broadcast %div3A_70 : f32 to vector<1x128xf32>
    %div3A_72 = arith.divf %broadcast_in_dim3A_69, %div3A_71 : vector<1x128xf32>
    %mul3A_73 = arith.mulf %add3A_66, %add3A_66 : vector<10000x128xf32>
    %reduce_sum3A_74 = arith.constant dense<0.000000e+00> : vector<128xf32>
    %reduce_sum3A_75 = vector.multi_reduction <add>, %mul3A_73, %reduce_sum3A_74 [0] : vector<10000x128xf32> to vector<128xf32>
    %broadcast_in_dim3A_76 = vector.shape_cast %reduce_sum3A_75 : vector<128xf32> to vector<1x128xf32>
    %div3A_77 = arith.constant 1.000000e+04 : f32
    %div3A_78 = vector.broadcast %div3A_77 : f32 to vector<1x128xf32>
    %div3A_79 = arith.divf %broadcast_in_dim3A_76, %div3A_78 : vector<1x128xf32>
    %mul3A_80 = arith.mulf %div3A_72, %div3A_72 : vector<1x128xf32>
    %sub3A_81 = arith.subf %div3A_79, %mul3A_80 : vector<1x128xf32>
    %sub3A_82 = vector.broadcast %div3A_72 : vector<1x128xf32> to vector<10000x128xf32>
    %sub3A_83 = arith.subf %add3A_66, %sub3A_82 : vector<10000x128xf32>
    %add3A_84 = arith.constant 9.99999974E-6 : f32
    %add3A_85 = vector.broadcast %add3A_84 : f32 to vector<1x128xf32>
    %add3A_86 = arith.addf %sub3A_81, %add3A_85 : vector<1x128xf32>
    %rsqrt3A_87 = math.rsqrt %add3A_86 : vector<1x128xf32>
    %mul3A_88 = vector.broadcast %rsqrt3A_87 : vector<1x128xf32> to vector<10000x128xf32>
    %mul3A_89 = arith.mulf %sub3A_83, %mul3A_88 : vector<10000x128xf32>
    %get3A_90 = arith.constant 0 : index
    %get3A_91 = arith.constant 0 : index
    %get3A_92 = vector.load %arg9[%get3A_90, %get3A_91] : memref<1x128xf32, #tpu.memory_space<vmem>>, vector<1x128xf32>
    %mul3A_93 = vector.broadcast %get3A_92 : vector<1x128xf32> to vector<10000x128xf32>
    %mul3A_94 = arith.mulf %mul3A_89, %mul3A_93 : vector<10000x128xf32>
    %get3A_95 = arith.constant 0 : index
    %get3A_96 = arith.constant 0 : index
    %get3A_97 = vector.load %arg10[%get3A_95, %get3A_96] : memref<1x128xf32, #tpu.memory_space<vmem>>, vector<1x128xf32>
    %add3A_98 = vector.broadcast %get3A_97 : vector<1x128xf32> to vector<10000x128xf32>
    %add3A_99 = arith.addf %mul3A_94, %add3A_98 : vector<10000x128xf32>
    %swap3A = arith.constant 0 : index
    %swap3A_100 = arith.constant 0 : index
    %swap3A_101 = vector.load %arg11[%swap3A, %swap3A_100] : memref<10000x128xf32, #tpu.memory_space<vmem>>, vector<10000x128xf32>
    tpu.vector_store %arg11[%swap3A, %swap3A_100], %add3A_99 {strides = array<i32>} : memref<10000x128xf32, #tpu.memory_space<vmem>>, vector<10000x128xf32>,
    return
  }
}

</mosaic_0001>

<sc_bundles>
// kernel: kernel.10.cloned.1.call-start
scs
__scs_entry_jumppad:
0x0: {  	(pc) =	sbr.rel $0x88, $3  }
0x1: {  	(tag) =	ssettag $0x0;
	lr =	simm.s32 $0x1  }
0x2: {  	[smem:$0x3F8D] =	sst lr;
	_ =	strace $0xD0000000  }
0x3: {  	_ = 	snop  }
0x4: {  	_ = 	snop  }
0x5: {  	_ = 	snop  }
0x6: {  	_ = 	snop  }
0x7: {  	_ = 	snop  }
__scs_overlays_trampoline_lowered:
0x8: {  	[smem:$0x3F9C] =	sst s0  }
0x9: {  	[smem:$0x3F9D] =	sst s1  }
0xa: {  	[smem:$0x3F9E] =	sst s2  }
0xb: {  	[smem:$0x3F9F] =	sst s3  }
0xc: {  	[smem:$0x3FA0] =	sst s4  }
0xd: {  	[smem:$0x3FA1] =	sst s5  }
0xe: {  	[smem:$0x3FA2] =	sst s6  }
0xf: {  	[smem:$0x3FA3] =	sst s7  }
0x10: {  	[smem:$0x3FA4] =	sst s8  }
0x11: {  	[smem:$0x3FA5] =	sst s9;
	s0 =	simm.s32 @!p0 $0x0  }
0x12: {  	s1 =	sld [smem:$0x3F8B];
	s0 =	simm.s32 @p0 $0x1  }
0x13: {  	[smem:$0x3FA6] =	sst s0;
	s0 =	simm.s32 @!p1 $0x0  }
0x14: {  	s2 =	sld [smem:$0x3F8A];
	s0 =	simm.s32 @p1 $0x1  }
0x15: {  	[smem:$0x3FA7] =	sst s0;
	s0 =	simm.s32 @!p2 $0x0  }
0x16: {  	s3 =	sld [smem:$0x3FDB];
	s0 =	simm.s32 @p2 $0x1  }
0x17: {  	s4 =	simm.s32 $0x1BF5;
	[smem:$0x3FA9] =	sst s0  }
0x18: {  	s0 =	sld [smem:$0x3F8C];
	_ =	swait.ge [sflag:s4], $0x0  }
0x19: {  	s7 =	sld [smem:$0x3F8D]  }
0x1a: {  	s8 =	sadd.s32 $0xFFFFE003, lr  }
0x1b: {  	s9 =	sadd.s32 $0xFFFFFEF7, lr;
	s5 =	simm.s32 $0xFFFFFFFF;
	p2 =	slt.u32 s8, $0xFFFFF086  }
0x1c: {  	p1 =	slt.u32 s9, $0xF7A;
	s5 =	simm.s32 @!p2 $0x0  }
0x1d: {  	s5 =	simm.s32 @p1 $0x1;
	p0 =	seq.s32 s7, s2  }
0x1e: {  	s7 =	smul.u32 @!p0 $0xF7A, s2;
	p2 =	seq.s32 @!p0 s5, $0x0  }
0x1f: {  	s9 =	smul.u32 $0xF7A, s1;
	s8 =	simm.s32 @!p0 $0x1BF5;
	p2 =	por !p2, p0  }
0x20: {  	[sflag:s8] =	ssyncset.s32 @!p0 $0xFFFFF086;
	s6 =	sadd.s32 @!p0 s3, s7;
	s7 =	simm.s32 @!p0 $0x108  }
0x21: {  	s3 =	sadd.s32 s3, s9;
	s6 =	sadd.s32 @!p0 $0x88, s6;
	s7 =	simm.s32 @p2 $0x1082  }
0x22: {  	[simem:s7], [sflag:s8] =	dma.local @!p0 [hbm:s6], $0xF7A  }
0x23: {  	s9 =	sor.u32 $0xD0000000, s2;
	s6 =	simm.s32 $0x108;
	_ =	swait.ge @!p0 [sflag:s8], $0x0  }
0x24: {  	s3 =	sadd.s32 $0x88, s3;
	s6 =	simm.s32 @!p1 $0x1082;
	[sflag:s4] =	ssyncset.s32 $0xFFFFF086  }
0x25: {  	[simem:s6], [sflag:s4] =	dma.local [hbm:s3], $0xF7A  }
0x26: {  	[smem:$0x3F8D] =	sst s1;
	(tag) =	ssettag s2;
	_ =	strace s9  }
0x27: {  	s1 =	sld [smem:$0x3F9D]  }
0x28: {  	s2 =	sld [smem:$0x3F9E]  }
0x29: {  	s4 =	sld [smem:$0x3FA0]  }
0x2a: {  	p0 =	seq.s32 s5, $0x0;
	s5 =	sld [smem:$0x3FA1]  }
0x2b: {  	s6 =	sld [smem:$0x3FA2]  }
0x2c: {  	s7 =	sld [smem:$0x3FA3]  }
0x2d: {  	s3 =	simm.s32 $0x108;
	s8 =	sld [smem:$0x3FA4]  }
0x2e: {  	s3 =	simm.s32 @!p0 $0x1082;
	s9 =	sld [smem:$0x3FA5]  }
0x2f: {  	lr =	sadd.s32 s0, s3;
	s0 =	sld [smem:$0x3F9C]  }
0x30: {  	s3 =	sld [smem:$0x3F9F]  }
0x31: {  	[smem:$0x3FA8] =	sst s10  }
0x32: {  	s10 =	sld [smem:$0x3FA6];
	_ =	sdelay $0x3  }
0x33: {  	p0 =	seq.s32 s10, $0x1;
	s10 =	sld [smem:$0x3FA8];
	_ =	sdelay $0x3  }
0x34: {  	[smem:$0x3FA8] =	sst s10  }
0x35: {  	s10 =	sld [smem:$0x3FA7];
	_ =	sdelay $0x3  }
0x36: {  	p1 =	seq.s32 s10, $0x1;
	s10 =	sld [smem:$0x3FA8];
	_ =	sdelay $0x3  }
0x37: {  	[smem:$0x3FA8] =	sst s10  }
0x38: {  	s10 =	sld [smem:$0x3FA9]  }
0x39: {  	_ = 	snop;
	(pc) =	sbr.ind lr, $3  }
0x3a: {  	_ = 	snop  }
0x3b: {  	_ = 	snop  }
0x3c: {  	p2 =	seq.s32 s10, $0x1;
	s10 =	sld [smem:$0x3FA8]  }
0x3d: {  	_ =	shalt  }
0x3e: {  	_ =	shalt  }
0x3f: {  	_ =	shalt  }
0x40: {  	_ =	shalt  }
0x41: {  	_ =	shalt  }
0x42: {  	_ =	shalt  }
0x43: {  	_ =	shalt  }
0x44: {  	_ =	shalt  }
0x45: {  	_ =	shalt  }
0x46: {  	_ =	shalt  }
0x47: {  	_ =	shalt  }
0x48: {  	_ =	shalt  }
0x49: {  	_ =	shalt  }
0x4a: {  	_ =	shalt  }
0x4b: {  	_ =	shalt  }
0x4c: {  	_ =	shalt  }
0x4d: {  	_ =	shalt  }
0x4e: {  	_ =	shalt  }
0x4f: {  	_ =	shalt  }
0x50: {  	_ =	shalt  }
0x51: {  	_ =	shalt  }
0x52: {  	_ =	shalt  }
0x53: {  	_ =	shalt  }
0x54: {  	_ =	shalt  }
0x55: {  	_ =	shalt  }
0x56: {  	_ =	shalt  }
0x57: {  	_ =	shalt  }
0x58: {  	_ =	shalt  }
0x59: {  	_ =	shalt  }
0x5a: {  	_ =	shalt  }
0x5b: {  	_ =	shalt  }
0x5c: {  	_ =	shalt  }
0x5d: {  	_ =	shalt  }
0x5e: {  	_ =	shalt  }
0x5f: {  	_ =	shalt  }
0x60: {  	_ =	shalt  }
0x61: {  	_ =	shalt  }
0x62: {  	_ =	shalt  }
0x63: {  	_ =	shalt  }
0x64: {  	_ =	shalt  }
0x65: {  	_ =	shalt  }
0x66: {  	_ =	shalt  }
0x67: {  	_ =	shalt  }
0x68: {  	_ =	shalt  }
0x69: {  	_ =	shalt  }
0x6a: {  	_ =	shalt  }
0x6b: {  	_ =	shalt  }
0x6c: {  	_ =	shalt  }
0x6d: {  	_ =	shalt  }
0x6e: {  	_ =	shalt  }
0x6f: {  	_ =	shalt  }
0x70: {  	_ =	shalt  }
0x71: {  	_ =	shalt  }
0x72: {  	_ =	shalt  }
0x73: {  	_ =	shalt  }
0x74: {  	_ =	shalt  }
0x75: {  	_ =	shalt  }
0x76: {  	_ =	shalt  }
0x77: {  	_ =	shalt  }
0x78: {  	_ =	shalt  }
0x79: {  	_ =	shalt  }
0x7a: {  	_ =	shalt  }
0x7b: {  	_ =	shalt  }
0x7c: {  	_ =	shalt  }
0x7d: {  	_ =	shalt  }
0x7e: {  	_ =	shalt  }
0x7f: {  	_ =	shalt  }
0x80: {  	_ =	shalt  }
0x81: {  	_ =	shalt  }
0x82: {  	_ =	shalt  }
0x83: {  	_ =	shalt  }
0x84: {  	_ =	shalt  }
0x85: {  	_ =	shalt  }
0x86: {  	_ =	shalt  }
0x87: {  	_ =	shalt  }
.Lfunc_end0:
.L_simem_size_0:
called_computation.1_lowered:
.L_overlay_start_0:
0x88: {  	s2 =	sld [smem:$0x3FD9]  }
0x89: {  	s3 =	sld [smem:$0x3FFE];
	_ =	sdelay $0x1  }
0x8a: {  	s1 =	srdreg.scid  }
0x8b: {  	s0 =	sand.u32 $0x1, s1  }
0x8c: {  	s17 =	sshll.u32 s0, $0xA;
	s2 =	sadd.s32 s3, s2  }
0x8d: {  	s2 =	sadd.s32 s2, s17  }
0x8e: {  	[smem:$0x3FB4] =	sst s2  }
0x8f: {  	_ = 	snop  }
0x90: {  	s2 =	sld [smem:$0x3FD0];
	(tm) =	ssettm $0x1  }
0x91: {  	s18 =	sld [smem:$0x3FFB];
	_ =	sdelay $0x3  }
0x92: {  	_ =	strace s18  }
0x93: {  	s3 =	sld [smem:$0x3FFC];
	_ =	sdelay $0x3  }
0x94: {  	_ =	strace s3  }
0x95: {  	s3 =	sld [smem:$0x3FFD];
	_ =	sdelay $0x3  }
0x96: {  	_ =	strace s3  }
0x97: {  	_ =	strace $0x8FFFFFFF  }
0x98: {  	s19 =	sld [smem:$0x3FDB];
	_ =	sdelay $0x1  }
0x99: {  	s4 =	simm.s32 $_scs_section_size  }
0x9a: {  	s5 =	simm.s32 $_size__tile_overlayer_lowered;
	s6 =	simm.s32 $_tile_overlayer_lowered  }
0x9b: {  	s22 =	simm.s32 $0x1BFF;
	s21 =	sshll.u32 s6, $0x1;
	s3 =	sadd.s32 s4, s19  }
0x9c: {  	s7 =	simm.s32 $0x0;
	s20 =	sshll.u32 s5, $0x1;
	s5 =	sadd.s32 s21, s3  }
0x9d: {  	[timem:s7], [sflag:s22] =	dma.local [hbm:s5], s20  }
0x9e: {  	_ =	swait.ge [sflag:s22], s20  }
0x9f: {  	s4 =	ssub.s32 $0x0, s20;
	[sflag:s22] =	ssyncset.done $0x0  }
0xa0: {  	[sflag:s22] =	ssyncadd.s32 s4;
	_ =	sdelay $0x1  }
0xa1: {  	s23 =	simm.s32 $0x1B8B  }
0xa2: {  	_ =	swait.ge [sflag:s23], $0x1  }
0xa3: {  	[sflag:s23] =	ssyncset.done $0x0  }
0xa4: {  	s25 =	simm.s32 $0x1B8E;
	s24 =	sld [smem:$0x3FFE];
	[sflag:s23] =	ssyncadd.s32 $0xFFFFFFFF  }
0xa5: {  	s26 =	simm.s32 $execute0_lowered;
	[smem:$0x3FD2] =	sst s25  }
0xa6: {  	s5 =	sshll.u32 s26, $0x1;
	_ =	strace $0x80000049;
	[dreg:$0x1] =	wrdreg $0xFFFFFFFF  }
0xa7: {  	s28 =	simm.s32 $_size_execute0_lowered;
	s3 =	sadd.s32 s3, s5;
	[dreg:$0x0] =	wrdreg $0x0  }
0xa8: {  	s5 =	sshll.u32 s28, $0x1;
	[dreg:$0x2] =	wrdreg s3  }
0xa9: {  	[dreg:$0x3] =	wrdreg s5  }
0xaa: {  	[dreg:$0x4] =	wrdreg $0xC0  }
0xab: {  	_ =	task [dreg:s7], $0x5FFFF  }
0xac: {  	[dreg:$0x1] =	wrdreg $0xFFFFFFFF  }
0xad: {  	[dreg:$0x0] =	wrdreg $0x60  }
0xae: {  	[dreg:$0x2] =	wrdreg s2  }
0xaf: {  	[dreg:$0x3] =	wrdreg s24  }
0xb0: {  	[dreg:$0x4] =	wrdreg $0x90000  }
0xb1: {  	[dreg:$0x5] =	wrdreg $0x9  }
0xb2: {  	_ =	task.clear_ibuf [dreg:s7], $0x6FFFF;
	_ =	strace $0x90000049  }
0xb3: {  	s29 =	simm.s32 $0x9;
	_ =	strace $0x8000004B  }
0xb4: {  	_ =	swait.ge [sflag:s29], $0x1  }
0xb5: {  	[sflag:s29] =	ssyncadd.s32 $0xFFFFFFFF  }
0xb6: {  	_ =	strace $0x9000004B  }
0xb7: {  	_ =	sfence  }
0xb8: {  	s30 =	sld [smem:$0x0];
	_ =	sdelay $0x2  }
0xb9: {  	s31 =	sshll.u32 s1, $0xD;
	s1 =	sshrl.u32 s1, $0x2  }
0xba: {  	s3 =	sand.u32 $0x4000, s31;
	s1 =	sadd.s32 s1, s30  }
0xbb: {  	s0 =	sor.u32 s3, s0;
	s1 =	sshll.u32 s1, $0x11  }
0xbc: {  	s0 =	sor.u32 s1, s0  }
0xbd: {  	s0 =	sadd.s32 $0x8F2B, s0  }
0xbe: {  	[sflag:s0] =	ssyncadd.remote.s32 $0x1  }
0xbf: {  	_ =	sfence.sel $0xFFFF  }
0xc0: {  	[dreg:$0x0] =	wrdreg $0xFFFFFFFF;
	(pc) =	sbr.abs _section_cstart, $3  }
0xc1: {  	[dreg:$0x1] =	wrdreg $0xFFFFFFFF  }
0xc2: {  	_ =	task.clear_ibuf [dreg:s7], $0x2FFFF;
	_ =	strace $0x9FFFFFFF  }
0xc3: {  	(tm) =	ssettm $0x7FFFFFFF  }
tec
execute0_lowered:
.L_overlay_start_1:
0x0: {  	(tag) =	ssettag $0x1  }
0x1: {  	s0 =	srdreg.scid;
	s13 =	stileid.u32  }
0x2: {  	s3 =	rddreg [dreg:$0x1];
	s1 =	simm.s32 $0x0;
	s28 =	simm.s32 $0x3  }
0x3: {  	s29 =	simm.s32 $0x80;
	s30 =	simm.s32 $0x6800;
	s31 =	simm.s32 $0x2000  }
0x4: {  	s0 =	sand.u32 $0x1, s0;
	[smem:$0x7FF] =	sst s1;
	s4 =	sadd.s32 $0x3200, s3  }
0x5: {  	s5 =	sadd.s32 $0x17200, s3;
	s23 =	smul.u32 $0x14000, s13;
	s2 =	sshll.u32 s0, $0x4  }
0x6: {  	s6 =	ssub.s32 $0x2, s0;
	s0 =	smul.u32 $0x138800, s0;
	s2 =	sor.u32 s13, s2  }
0x7: {  	s3 =	sadd.s32 $0x2B200, s3;
	p0 =	seq.s32 s13, $0xF;
	s2 =	smul.u32 $0x5000, s2  }
0x8: {  	s7 =	sshrl.u32 s6, $0x1;
	s14 =	sadd.s32 $0x7800, s23;
	s10 =	sadd.s32 $0xA000, s23  }
0x9: {  	s11 =	sadd.s32 $0xF000, s23;
	s6 =	ssub.s32 s6, s7;
	s2 =	sshrl.u32 s2, $0x3  }
0xa: {  	s24 =	sadd.s32 s0, s23;
	s15 =	sadd.s32 s0, s14;
	s16 =	sadd.s32 s4, s2  }
0xb: {  	s17 =	sadd.s32 $0x200, s2;
	s8 =	sadd.s32 s5, s2;
	[dreg:$0x4] =	wrdreg s16  }
0xc: {  	s25 =	sshrl.u32 s24, $0x3;
	[dreg:$0x5] =	wrdreg s8;
	s18 =	sadd.s32 s4, s17  }
0xd: {  	s19 =	sadd.s32 $0x400, s2;
	s7 =	sadd.s32 s5, s17;
	[dreg:$0x6] =	wrdreg s18  }
0xe: {  	s6 =	smax.u32 s6, $0x1;
	s20 =	sadd.s32 s4, s19;
	[dreg:$0x7] =	wrdreg s7  }
0xf: {  	s22 =	sadd.s32 $0x600, s2;
	s21 =	sadd.s32 s5, s19;
	[dreg:$0x8] =	wrdreg s20  }
0x10: {  	s2 =	sadd.s32 $0x800, s2;
	s9 =	sadd.s32 s4, s22;
	[dreg:$0x9] =	wrdreg s21  }
0x11: {  	s4 =	sadd.s32 s4, s2;
	s2 =	sadd.s32 s5, s2;
	[dreg:$0xa] =	wrdreg s9  }
0x12: {  	s16 =	sshrl.u32 s15, $0x3;
	s17 =	sadd.s32 s0, s10;
	[dreg:$0xc] =	wrdreg s4  }
0x13: {  	s19 =	sadd.s32 $0xC800, s23;
	s7 =	sadd.s32 s5, s22;
	[dreg:$0xd] =	wrdreg s2  }
0x14: {  	s8 =	sadd.s32 $0x11800, s23;
	[dreg:$0xb] =	wrdreg s7;
	s7 =	sor.u32 $0x2800, s23  }
0x15: {  	s2 =	sadd.s32 s3, s25;
	s5 =	sadd.s32 $0x5000, s23;
	s26 =	sadd.s32 s0, s7  }
0x16: {  	s18 =	sshrl.u32 s17, $0x3;
	s20 =	rddreg [dreg:$0x0];
	s4 =	sshrl.u32 s26, $0x3  }
0x17: {  	[dreg:$0xe] =	wrdreg s2;
	s12 =	sadd.s32 s0, s5;
	s2 =	sadd.s32 s3, s4  }
0x18: {  	s22 =	sadd.s32 s0, s19;
	[dreg:$0xf] =	wrdreg s2;
	s2 =	sshrl.u32 s12, $0x3  }
0x19: {  	s24 =	sadd.s32 s0, s8;
	s21 =	rddreg [dreg:$0x2];
	s2 =	sadd.s32 s3, s2  }
0x1a: {  	s9 =	simm.s32 $0x2C00;
	[dreg:$0x10] =	wrdreg s2;
	s2 =	sadd.s32 s3, s16  }
0x1b: {  	s25 =	sshrl.u32 s24, $0x3;
	[dreg:$0x11] =	wrdreg s2;
	s2 =	sadd.s32 s3, s18  }
0x1c: {  	s12 =	sadd.s32 s0, s11;
	[dreg:$0x12] =	wrdreg s2;
	s2 =	sshrl.u32 s22, $0x3  }
0x1d: {  	s8 =	sadd.s32 s8, s21;
	s23 =	sshrl.u32 s12, $0x3;
	s2 =	sadd.s32 s3, s2  }
0x1e: {  	s26 =	smul.u32 $0x50000, s13;
	[dreg:$0x13] =	wrdreg s2;
	s2 =	sadd.s32 s3, s23  }
0x1f: {  	s0 =	sshrl.u32 s0, $0x3;
	[dreg:$0x14] =	wrdreg s2;
	s2 =	sadd.s32 s3, s25  }
0x20: {  	s4 =	sadd.s32 s14, s21;
	s0 =	sadd.s32 s3, s0;
	[dreg:$0x15] =	wrdreg s2  }
0x21: {  	s13 =	sadd.s32 $0x25800, s0;
	_ =	strace $0x8000004A;
	[dreg:$0x16] =	wrdreg s6  }
0x22: {  	s12 =	sshrl.u32 s26, $0x2;
	s14 =	sadd.s32 $0x25D00, s0;
	[dreg:$0x17] =	wrdreg s13  }
0x23: {  	s24 =	sadd.s32 s12, s21;
	s15 =	sadd.s32 $0x26200, s0;
	[dreg:$0x18] =	wrdreg s14  }
0x24: {  	s16 =	sadd.s32 $0x26700, s0;
	s0 =	sadd.s32 $0x26C00, s0;
	[dreg:$0x19] =	wrdreg s15  }
0x25: {  	s17 =	sadd.s32 $0x2800, s24;
	s18 =	sadd.s32 $0x5000, s24;
	[dreg:$0x1a] =	wrdreg s16  }
0x26: {  	s26 =	sadd.s32 $0x11800, s24;
	s22 =	sadd.s32 $0xA000, s24;
	[dreg:$0x1b] =	wrdreg s0  }
0x27: {  	s23 =	sadd.s32 $0xC800, s24;
	s3 =	sadd.s32 s5, s21;
	[smem:$0x7F7] =	sst s17  }
0x28: {  	s5 =	sadd.s32 s10, s21;
	s25 =	sadd.s32 $0xF000, s24;
	[smem:$0x7F8] =	sst s18  }
0x29: {  	s10 =	simm.s32 $0x3C00;
	s2 =	sadd.s32 s7, s21;
	[smem:$0x7FA] =	sst s22  }
0x2a: {  	s7 =	sadd.s32 s11, s21;
	s11 =	simm.s32 $0x0;
	[smem:$0x7FB] =	sst s23  }
0x2b: {  	s6 =	sadd.s32 s19, s21;
	s0 =	sshrl.u32 @!p0 s2, $0x3;
	[smem:$0x7FC] =	sst s25  }
0x2c: {  	s19 =	sadd.s32 $0x7800, s24;
	[smem:$0x7FD] =	sst s26;
	s14 =	sadd.s32 $0x12E800, s21  }
0x2d: {  	s13 =	sadd.s32 $0x12C000, s21;
	s15 =	sadd.s32 $0x131000, s21;
	s16 =	sadd.s32 $0x133800, s21  }
0x2e: {  	s17 =	sadd.s32 $0x136000, s21;
	s18 =	simm.s32 $0x1000;
	s22 =	simm.s32 $0x5  }
0x2f: {  	s23 =	simm.s32 $0x1;
	s25 =	simm.s32 $0x50;
	[dreg:$0x1c] =	wrdreg s0  }
0x30: {  	s26 =	simm.s32 $0x4000;
	s0 =	sshrl.u32 @!p0 s3, $0x3;
	[smem:$0x7F9] =	sst s19  }
0x31: {  	s2 =	simm.s32 $0x6;
	[dreg:$0x1d] =	wrdreg s0;
	s0 =	sshrl.u32 @!p0 s4, $0x3  }
0x32: {  	s19 =	simm.s32 $0x3000;
	[dreg:$0x1e] =	wrdreg s0;
	s0 =	sshrl.u32 @!p0 s5, $0x3  }
0x33: {  	s3 =	simm.s32 $0x1B80;
	[dreg:$0x1f] =	wrdreg s0;
	s0 =	sshrl.u32 @!p0 s6, $0x3  }
0x34: {  	s4 =	simm.s32 $0xC00;
	[smem:$0x7F4] =	sst s0;
	s0 =	sshrl.u32 @!p0 s7, $0x3  }
0x35: {  	s5 =	simm.s32 $0x1C00;
	[smem:$0x7F5] =	sst s0;
	s0 =	sshrl.u32 @!p0 s8, $0x3  }
0x36: {  	v0 =	vimm.f32 $0.0e+00;
	s6 =	simm.s32 $0x2;
	[smem:$0x7F6] =	sst s0;
	s0 =	simm.s32 $0x4  }
.LBB2_1:
0x37: {  	s7 =	rddreg [dreg:$0x4]  }
0x38: {  	[tilespmem:s1], [sflag:$0x1] =	stream.linear.gather [hbm4b:s7+s1], $0xC80, $0x38;
	[tilespmem:$0x1C880] =	vst v63  }
0x39: {  	s12 =	rddreg [dreg:$0x5]  }
0x3a: {  	[tilespmem:s18], [sflag:$0x1] =	stream.linear.gather [hbm4b:s12+s1], $0xC80, $0x38;
	[tilespmem:$0x1C880] =	vst v63  }
0x3b: {  	s7 =	simm.s32 $0x3C0;
	s12 =	simm.s32 $0x70  }
.LBB2_2:
0x3c: {  	p1 =	sne.s32 s7, $0x9FC0;
	[tilespmem:s12+$0x4000] =	vst v0  }
0x3d: {  	[tilespmem:s12+$0x3F90] =	vst v0  }
0x3e: {  	[tilespmem:s12+$0x3FA0] =	vst v0  }
.Ltmp0:
0x3f: {  	[tilespmem:s12+$0x3FB0] =	vst v0;
	(pc) =	sbr.rel @p1 .LBB2_2-.Ltmp0, $4  }
0x40: {  	[tilespmem:s12+$0x3FC0] =	vst v0  }
0x41: {  	[tilespmem:s12+$0x3FD0] =	vst v0  }
0x42: {  	[tilespmem:s12+$0x3FE0] =	vst v0  }
0x43: {  	[tilespmem:s12+$0x3FF0] =	vst v0;
	s12 =	sshra.s32 s7, $0x2;
	s7 =	sadd.s32 $0x200, s7  }
0x44: {  	[tilespmem:s12+$0x4000] =	vst v0  }
0x45: {  	[tilespmem:s12+$0x3F90] =	vst v0  }
0x46: {  	[tilespmem:s12+$0x3FA0] =	vst v0  }
0x47: {  	[tilespmem:s12+$0x3FB0] =	vst v0  }
0x48: {  	[tilespmem:s12+$0x3FC0] =	vst v0  }
0x49: {  	[tilespmem:s12+$0x3FD0] =	vst v0  }
0x4a: {  	[tilespmem:s12+$0x3FE0] =	vst v0  }
0x4b: {  	[tilespmem:s12+$0x3FF0] =	vst v0;
	s7 =	simm.s32 @p0 $0x4000  }
0x4c: {  	[spmem:s13] =	stream.linear.scatter @p0 [tilespmem:s7], [sflag:$0x5], $0x2800, $0x38;
	[tilespmem:$0x1C880] =	vst v63  }
0x4d: {  	_ = 	snop  }
0x4e: {  	[spmem:s14] =	stream.linear.scatter @p0 [tilespmem:s7], [sflag:$0x5], $0x2800, $0x38;
	[tilespmem:$0x1C880] =	vst v63  }
0x4f: {  	_ = 	snop  }
0x50: {  	[spmem:s15] =	stream.linear.scatter @p0 [tilespmem:s7], [sflag:$0x5], $0x2800, $0x38;
	[tilespmem:$0x1C880] =	vst v63  }
0x51: {  	_ = 	snop  }
0x52: {  	[spmem:s16] =	stream.linear.scatter @p0 [tilespmem:s7], [sflag:$0x5], $0x2800, $0x38;
	[tilespmem:$0x1C880] =	vst v63  }
0x53: {  	_ = 	snop  }
0x54: {  	[spmem:s17] =	stream.linear.scatter @p0 [tilespmem:s7], [sflag:$0x5], $0x2800, $0x38;
	[tilespmem:$0x1C880] =	vst v63  }
0x55: {  	s8 =	sld [smem:$0x7F7];
	s7 =	simm.s32 @!p0 $0x4000  }
0x56: {  	[spmem:s24] =	stream.linear.scatter @!p0 [tilespmem:s7], [sflag:$0x5], $0x2800, $0x38;
	[tilespmem:$0x1C880] =	vst v63  }
0x57: {  	_ = 	snop  }
0x58: {  	[spmem:s8] =	stream.linear.scatter @!p0 [tilespmem:s7], [sflag:$0x5], $0x2800, $0x38;
	[tilespmem:$0x1C880] =	vst v63  }
0x59: {  	s8 =	sld [smem:$0x7F8];
	_ =	sdelay $0x2  }
0x5a: {  	[spmem:s8] =	stream.linear.scatter @!p0 [tilespmem:s7], [sflag:$0x5], $0x2800, $0x38;
	[tilespmem:$0x1C880] =	vst v63  }
0x5b: {  	s8 =	sld [smem:$0x7F9];
	_ =	sdelay $0x2  }
0x5c: {  	[spmem:s8] =	stream.linear.scatter @!p0 [tilespmem:s7], [sflag:$0x5], $0x2800, $0x38;
	[tilespmem:$0x1C880] =	vst v63  }
0x5d: {  	s8 =	sld [smem:$0x7FA];
	_ =	sdelay $0x2  }
0x5e: {  	[spmem:s8] =	stream.linear.scatter @!p0 [tilespmem:s7], [sflag:$0x5], $0x2800, $0x38;
	[tilespmem:$0x1C880] =	vst v63  }
0x5f: {  	s8 =	sld [smem:$0x7FB];
	_ =	sdelay $0x2  }
0x60: {  	[spmem:s8] =	stream.linear.scatter @!p0 [tilespmem:s7], [sflag:$0x5], $0x2800, $0x38;
	[tilespmem:$0x1C880] =	vst v63  }
0x61: {  	s8 =	sld [smem:$0x7FC];
	_ =	sdelay $0x2  }
0x62: {  	[spmem:s8] =	stream.linear.scatter @!p0 [tilespmem:s7], [sflag:$0x5], $0x2800, $0x38;
	[tilespmem:$0x1C880] =	vst v63  }
0x63: {  	s8 =	sld [smem:$0x7FD];
	_ =	sdelay $0x2  }
0x64: {  	[spmem:s8] =	stream.linear.scatter @!p0 [tilespmem:s7], [sflag:$0x5], $0x2800, $0x38;
	[tilespmem:$0x1C880] =	vst v63  }
0x65: {  	s7 =	simm.s32 @!p0 $0x5  }
0x66: {  	_ =	swait.ge @!p0 [sflag:s7], $0x2800  }
0x67: {  	[sflag:s7] =	ssyncset.done @!p0 $0x0  }
0x68: {  	[sflag:s7] =	ssyncadd.s32 @!p0 $0xFFFFD800  }
0x69: {  	_ =	swait.ge @!p0 [sflag:s7], $0x2800  }
0x6a: {  	[sflag:s7] =	ssyncset.done @!p0 $0x0  }
0x6b: {  	[sflag:s7] =	ssyncadd.s32 @!p0 $0xFFFFD800  }
0x6c: {  	_ =	swait.ge @!p0 [sflag:s7], $0x2800  }
0x6d: {  	[sflag:s7] =	ssyncset.done @!p0 $0x0  }
0x6e: {  	[sflag:s7] =	ssyncadd.s32 @!p0 $0xFFFFD800  }
0x6f: {  	_ =	swait.ge [sflag:s22], $0x2800  }
0x70: {  	[sflag:s22] =	ssyncset.done $0x0  }
0x71: {  	[sflag:s22] =	ssyncadd.s32 $0xFFFFD800  }
0x72: {  	_ =	swait.ge [sflag:s22], $0x2800  }
0x73: {  	[sflag:s22] =	ssyncset.done $0x0  }
0x74: {  	[sflag:s22] =	ssyncadd.s32 $0xFFFFD800  }
0x75: {  	_ =	swait.ge [sflag:s22], $0x2800  }
0x76: {  	[sflag:s22] =	ssyncset.done $0x0  }
0x77: {  	[sflag:s22] =	ssyncadd.s32 $0xFFFFD800  }
0x78: {  	_ =	swait.ge [sflag:s22], $0x2800  }
0x79: {  	[sflag:s22] =	ssyncset.done $0x0  }
0x7a: {  	[sflag:s22] =	ssyncadd.s32 $0xFFFFD800  }
0x7b: {  	_ =	swait.ge [sflag:s22], $0x2800  }
0x7c: {  	[sflag:s22] =	ssyncset.done $0x0  }
0x7d: {  	[sflag:s22] =	ssyncadd.s32 $0xFFFFD800  }
0x7e: {  	[bflag:$0x0] =	sbarrier.arrive $0xFFFF  }
0x7f: {  	_ =	swait.ge [sflag:s23], $0xC80  }
0x80: {  	[sflag:s23] =	ssyncset.done $0x0  }
0x81: {  	[sflag:s23] =	ssyncadd.s32 $0xFFFFF380  }
0x82: {  	_ =	swait.ge [sflag:s23], $0xC80  }
0x83: {  	[sflag:s23] =	ssyncset.done $0x0  }
0x84: {  	[sflag:s23] =	ssyncadd.s32 $0xFFFFF380  }
0x85: {  	[tilespmem:s26], [sflag:$0x3] =	stream.indirect.gather [hbm4b:s20+s25], $0x80, s1, s25, $0xb8;
	[tilespmem:$0x1C880] =	vst v63  }
0x86: {  	_ =	swait.ge [sflag:s28], $0x2800  }
0x87: {  	[sflag:s28] =	ssyncset.done $0x0  }
0x88: {  	[sflag:s28] =	ssyncadd.s32 $0xFFFFD800  }
0x89: {  	[spmem:s21] =	stream.indirect.scatter.add.f32 [tilespmem:s26], [sflag:$0x5], $0x80, s18, s25, $0xb8;
	[tilespmem:$0x1C880] =	vst v63  }
0x8a: {  	_ = 	snop  }
0x8b: {  	[tilespmem:s30], [sflag:$0x4] =	stream.indirect.gather [hbm4b:s20+s25], $0x80, s29, s25, $0xb8;
	[tilespmem:$0x1C880] =	vst v63  }
0x8c: {  	s12 =	rddreg [dreg:$0x6]  }
0x8d: {  	[tilespmem:s31], [sflag:$0x2] =	stream.linear.gather [hbm4b:s12+s1], $0xC80, $0x38;
	[tilespmem:$0x1C880] =	vst v63  }
0x8e: {  	s8 =	rddreg [dreg:$0x7]  }
0x8f: {  	[tilespmem:s19], [sflag:$0x2] =	stream.linear.gather [hbm4b:s8+s1], $0xC80, $0x38;
	[tilespmem:$0x1C880] =	vst v63  }
0x90: {  	_ =	swait.ge [sflag:s0], $0x2800  }
0x91: {  	[sflag:s0] =	ssyncset.done $0x0  }
0x92: {  	s12 =	simm.s32 $0x1080;
	[sflag:s0] =	ssyncadd.s32 $0xFFFFD800  }
0x93: {  	[spmem:s21] =	stream.indirect.scatter.add.f32 [tilespmem:s30], [sflag:$0x6], $0x80, s12, s25, $0xb8;
	[tilespmem:$0x1C880] =	vst v63  }
0x94: {  	_ =	swait.ge [sflag:s22], $0x2800  }
0x95: {  	[sflag:s22] =	ssyncset.done $0x0  }
0x96: {  	s8 =	simm.s32 $0x100;
	[sflag:s22] =	ssyncadd.s32 $0xFFFFD800  }
0x97: {  	[tilespmem:s26], [sflag:$0x3] =	stream.indirect.gather [hbm4b:s20+s25], $0x80, s8, s25, $0xb8;
	[tilespmem:$0x1C880] =	vst v63  }
0x98: {  	_ =	swait.ge [sflag:s28], $0x2800  }
0x99: {  	[sflag:s28] =	ssyncset.done $0x0  }
0x9a: {  	s12 =	simm.s32 $0x1100;
	[sflag:s28] =	ssyncadd.s32 $0xFFFFD800  }
0x9b: {  	[spmem:s21] =	stream.indirect.scatter.add.f32 [tilespmem:s26], [sflag:$0x5], $0x80, s12, s25, $0xb8;
	[tilespmem:$0x1C880] =	vst v63  }
0x9c: {  	_ =	swait.ge [sflag:s2], $0x2800  }
0x9d: {  	[sflag:s2] =	ssyncset.done $0x0  }
0x9e: {  	s7 =	simm.s32 $0x180;
	s12 =	simm.s32 $0xFFFFD800;
	[sflag:s2] =	ssyncadd.s32 $0xFFFFD800  }
.LBB2_4:
0x9f: {  	[tilespmem:s30], [sflag:$0x4] =	stream.indirect.gather [hbm4b:s20+s25], $0x80, s7, s25, $0xb8;
	[tilespmem:$0x1C880] =	vst v63  }
0xa0: {  	s7 =	smov.u32 s12  }
0xa1: {  	p1 =	sne.s32 s12, $0xFFFFFC00;
	s12 =	sadd.s32 $0x400, s12;
	_ =	swait.ge [sflag:s0], $0x2800  }
0xa2: {  	s7 =	sshra.s32 s7, $0x2;
	[sflag:s0] =	ssyncset.done $0x0  }
0xa3: {  	s8 =	sadd.s32 $0x1B80, s7;
	[sflag:s0] =	ssyncadd.s32 $0xFFFFD800  }
0xa4: {  	[spmem:s21] =	stream.indirect.scatter.add.f32 [tilespmem:s30], [sflag:$0x6], $0x80, s8, s25, $0xb8;
	[tilespmem:$0x1C880] =	vst v63  }
0xa5: {  	_ =	swait.ge [sflag:s22], $0x2800  }
0xa6: {  	[sflag:s22] =	ssyncset.done $0x0  }
0xa7: {  	s8 =	sadd.s32 $0xC00, s7;
	[sflag:s22] =	ssyncadd.s32 $0xFFFFD800  }
0xa8: {  	[tilespmem:s26], [sflag:$0x3] =	stream.indirect.gather [hbm4b:s20+s25], $0x80, s8, s25, $0xb8;
	[tilespmem:$0x1C880] =	vst v63  }
0xa9: {  	_ =	swait.ge [sflag:s28], $0x2800  }
0xaa: {  	[sflag:s28] =	ssyncset.done $0x0  }
.Ltmp1:
0xab: {  	s8 =	sadd.s32 $0x1C00, s7;
	[sflag:s28] =	ssyncadd.s32 $0xFFFFD800;
	(pc) =	sbr.rel @p1 .LBB2_4-.Ltmp1, $4  }
0xac: {  	[spmem:s21] =	stream.indirect.scatter.add.f32 [tilespmem:s26], [sflag:$0x5], $0x80, s8, s25, $0xb8;
	[tilespmem:$0x1C880] =	vst v63  }
0xad: {  	_ =	swait.ge [sflag:s2], $0x2800  }
0xae: {  	[sflag:s2] =	ssyncset.done $0x0  }
0xaf: {  	s7 =	sadd.s32 $0xC80, s7;
	[sflag:s2] =	ssyncadd.s32 $0xFFFFD800  }
0xb0: {  	[tilespmem:s30], [sflag:$0x4] =	stream.indirect.gather [hbm4b:s20+s25], $0x80, s7, s25, $0xb8;
	[tilespmem:$0x1C880] =	vst v63  }
0xb1: {  	_ =	swait.ge [sflag:s0], $0x2800  }
0xb2: {  	[sflag:s0] =	ssyncset.done $0x0  }
0xb3: {  	[sflag:s0] =	ssyncadd.s32 $0xFFFFD800  }
0xb4: {  	[spmem:s21] =	stream.indirect.scatter.add.f32 [tilespmem:s30], [sflag:$0x6], $0x80, s3, s25, $0xb8;
	[tilespmem:$0x1C880] =	vst v63  }
0xb5: {  	_ =	swait.ge [sflag:s22], $0x2800  }
0xb6: {  	[sflag:s22] =	ssyncset.done $0x0  }
0xb7: {  	[sflag:s22] =	ssyncadd.s32 $0xFFFFD800  }
0xb8: {  	[tilespmem:s26], [sflag:$0x3] =	stream.indirect.gather [hbm4b:s20+s25], $0x80, s4, s25, $0xb8;
	[tilespmem:$0x1C880] =	vst v63  }
0xb9: {  	_ =	swait.ge [sflag:s28], $0x2800  }
0xba: {  	[sflag:s28] =	ssyncset.done $0x0  }
0xbb: {  	[sflag:s28] =	ssyncadd.s32 $0xFFFFD800  }
0xbc: {  	[spmem:s21] =	stream.indirect.scatter.add.f32 [tilespmem:s26], [sflag:$0x5], $0x80, s5, s25, $0xb8;
	[tilespmem:$0x1C880] =	vst v63  }
0xbd: {  	_ =	swait.ge [sflag:s2], $0x2800  }
0xbe: {  	[sflag:s2] =	ssyncset.done $0x0  }
0xbf: {  	[sflag:s2] =	ssyncadd.s32 $0xFFFFD800  }
0xc0: {  	_ =	swait.ge [sflag:s6], $0xC80  }
0xc1: {  	[sflag:s6] =	ssyncset.done $0x0  }
0xc2: {  	[sflag:s6] =	ssyncadd.s32 $0xFFFFF380  }
0xc3: {  	_ =	swait.ge [sflag:s6], $0xC80  }
0xc4: {  	[sflag:s6] =	ssyncset.done $0x0  }
0xc5: {  	[sflag:s6] =	ssyncadd.s32 $0xFFFFF380  }
0xc6: {  	[tilespmem:s30], [sflag:$0x4] =	stream.indirect.gather [hbm4b:s20+s25], $0x80, s31, s25, $0xb8;
	[tilespmem:$0x1C880] =	vst v63  }
0xc7: {  	_ =	swait.ge [sflag:s0], $0x2800  }
0xc8: {  	[sflag:s0] =	ssyncset.done $0x0  }
0xc9: {  	[sflag:s0] =	ssyncadd.s32 $0xFFFFD800  }
0xca: {  	[spmem:s21] =	stream.indirect.scatter.add.f32 [tilespmem:s30], [sflag:$0x6], $0x80, s19, s25, $0xb8;
	[tilespmem:$0x1C880] =	vst v63  }
0xcb: {  	_ =	swait.ge [sflag:s22], $0x2800  }
0xcc: {  	[sflag:s22] =	ssyncset.done $0x0  }
0xcd: {  	s8 =	simm.s32 $0x2080;
	[sflag:s22] =	ssyncadd.s32 $0xFFFFD800  }
0xce: {  	[tilespmem:s26], [sflag:$0x3] =	stream.indirect.gather [hbm4b:s20+s25], $0x80, s8, s25, $0xb8;
	[tilespmem:$0x1C880] =	vst v63  }
0xcf: {  	s12 =	rddreg [dreg:$0x8]  }
0xd0: {  	[tilespmem:s1], [sflag:$0x1] =	stream.linear.gather [hbm4b:s12+s1], $0xC80, $0x38;
	[tilespmem:$0x1C880] =	vst v63  }
0xd1: {  	s8 =	rddreg [dreg:$0x9]  }
0xd2: {  	[tilespmem:s18], [sflag:$0x1] =	stream.linear.gather [hbm4b:s8+s1], $0xC80, $0x38;
	[tilespmem:$0x1C880] =	vst v63  }
0xd3: {  	_ =	swait.ge [sflag:s28], $0x2800  }
0xd4: {  	[sflag:s28] =	ssyncset.done $0x0  }
0xd5: {  	s12 =	simm.s32 $0x3080;
	[sflag:s28] =	ssyncadd.s32 $0xFFFFD800  }
0xd6: {  	[spmem:s21] =	stream.indirect.scatter.add.f32 [tilespmem:s26], [sflag:$0x5], $0x80, s12, s25, $0xb8;
	[tilespmem:$0x1C880] =	vst v63  }
0xd7: {  	_ =	swait.ge [sflag:s2], $0x2800  }
0xd8: {  	[sflag:s2] =	ssyncset.done $0x0  }
0xd9: {  	s8 =	simm.s32 $0x2100;
	[sflag:s2] =	ssyncadd.s32 $0xFFFFD800  }
0xda: {  	[tilespmem:s30], [sflag:$0x4] =	stream.indirect.gather [hbm4b:s20+s25], $0x80, s8, s25, $0xb8;
	[tilespmem:$0x1C880] =	vst v63  }
0xdb: {  	_ =	swait.ge [sflag:s0], $0x2800  }
0xdc: {  	[sflag:s0] =	ssyncset.done $0x0  }
0xdd: {  	s12 =	simm.s32 $0x3100;
	[sflag:s0] =	ssyncadd.s32 $0xFFFFD800  }
0xde: {  	[spmem:s21] =	stream.indirect.scatter.add.f32 [tilespmem:s30], [sflag:$0x6], $0x80, s12, s25, $0xb8;
	[tilespmem:$0x1C880] =	vst v63  }
0xdf: {  	_ =	swait.ge [sflag:s22], $0x2800  }
0xe0: {  	[sflag:s22] =	ssyncset.done $0x0  }
0xe1: {  	s7 =	simm.s32 $0x2180;
	s12 =	simm.s32 $0xFFFFD800;
	[sflag:s22] =	ssyncadd.s32 $0xFFFFD800  }
.LBB2_6:
0xe2: {  	[tilespmem:s26], [sflag:$0x3] =	stream.indirect.gather [hbm4b:s20+s25], $0x80, s7, s25, $0xb8;
	[tilespmem:$0x1C880] =	vst v63  }
0xe3: {  	s7 =	smov.u32 s12  }
0xe4: {  	p1 =	sne.s32 s12, $0xFFFFFC00;
	s12 =	sadd.s32 $0x400, s12;
	_ =	swait.ge [sflag:s28], $0x2800  }
0xe5: {  	s7 =	sshra.s32 s7, $0x2;
	[sflag:s28] =	ssyncset.done $0x0  }
0xe6: {  	s8 =	sadd.s32 $0x3B80, s7;
	[sflag:s28] =	ssyncadd.s32 $0xFFFFD800  }
0xe7: {  	[spmem:s21] =	stream.indirect.scatter.add.f32 [tilespmem:s26], [sflag:$0x5], $0x80, s8, s25, $0xb8;
	[tilespmem:$0x1C880] =	vst v63  }
0xe8: {  	_ =	swait.ge [sflag:s2], $0x2800  }
0xe9: {  	[sflag:s2] =	ssyncset.done $0x0  }
0xea: {  	s8 =	sadd.s32 $0x2C00, s7;
	[sflag:s2] =	ssyncadd.s32 $0xFFFFD800  }
0xeb: {  	[tilespmem:s30], [sflag:$0x4] =	stream.indirect.gather [hbm4b:s20+s25], $0x80, s8, s25, $0xb8;
	[tilespmem:$0x1C880] =	vst v63  }
0xec: {  	_ =	swait.ge [sflag:s0], $0x2800  }
0xed: {  	[sflag:s0] =	ssyncset.done $0x0  }
.Ltmp2:
0xee: {  	s8 =	sadd.s32 $0x3C00, s7;
	[sflag:s0] =	ssyncadd.s32 $0xFFFFD800;
	(pc) =	sbr.rel @p1 .LBB2_6-.Ltmp2, $4  }
0xef: {  	[spmem:s21] =	stream.indirect.scatter.add.f32 [tilespmem:s30], [sflag:$0x6], $0x80, s8, s25, $0xb8;
	[tilespmem:$0x1C880] =	vst v63  }
0xf0: {  	_ =	swait.ge [sflag:s22], $0x2800  }
0xf1: {  	[sflag:s22] =	ssyncset.done $0x0  }
0xf2: {  	s7 =	sadd.s32 $0x2C80, s7;
	[sflag:s22] =	ssyncadd.s32 $0xFFFFD800  }
0xf3: {  	[tilespmem:s26], [sflag:$0x3] =	stream.indirect.gather [hbm4b:s20+s25], $0x80, s7, s25, $0xb8;
	[tilespmem:$0x1C880] =	vst v63  }
0xf4: {  	_ =	swait.ge [sflag:s28], $0x2800  }
0xf5: {  	[sflag:s28] =	ssyncset.done $0x0  }
0xf6: {  	s8 =	simm.s32 $0x3B80;
	[sflag:s28] =	ssyncadd.s32 $0xFFFFD800  }
0xf7: {  	[spmem:s21] =	stream.indirect.scatter.add.f32 [tilespmem:s26], [sflag:$0x5], $0x80, s8, s25, $0xb8;
	[tilespmem:$0x1C880] =	vst v63  }
0xf8: {  	_ =	swait.ge [sflag:s2], $0x2800  }
0xf9: {  	[sflag:s2] =	ssyncset.done $0x0  }
0xfa: {  	[sflag:s2] =	ssyncadd.s32 $0xFFFFD800  }
0xfb: {  	[tilespmem:s30], [sflag:$0x4] =	stream.indirect.gather [hbm4b:s20+s25], $0x80, s9, s25, $0xb8;
	[tilespmem:$0x1C880] =	vst v63  }
0xfc: {  	_ =	swait.ge [sflag:s0], $0x2800  }
0xfd: {  	[sflag:s0] =	ssyncset.done $0x0  }
0xfe: {  	[sflag:s0] =	ssyncadd.s32 $0xFFFFD800  }
0xff: {  	[spmem:s21] =	stream.indirect.scatter.add.f32 [tilespmem:s30], [sflag:$0x6], $0x80, s10, s25, $0xb8;
	[tilespmem:$0x1C880] =	vst v63  }
0x100: {  	_ =	swait.ge [sflag:s22], $0x2800  }
0x101: {  	[sflag:s22] =	ssyncset.done $0x0  }
0x102: {  	[sflag:s22] =	ssyncadd.s32 $0xFFFFD800  }
0x103: {  	_ =	swait.ge [sflag:s23], $0xC80  }
0x104: {  	[sflag:s23] =	ssyncset.done $0x0  }
0x105: {  	[sflag:s23] =	ssyncadd.s32 $0xFFFFF380  }
0x106: {  	_ =	swait.ge [sflag:s23], $0xC80  }
0x107: {  	[sflag:s23] =	ssyncset.done $0x0  }
0x108: {  	[sflag:s23] =	ssyncadd.s32 $0xFFFFF380  }
0x109: {  	[tilespmem:s26], [sflag:$0x3] =	stream.indirect.gather [hbm4b:s20+s25], $0x80, s1, s25, $0xb8;
	[tilespmem:$0x1C880] =	vst v63  }
0x10a: {  	_ =	swait.ge [sflag:s28], $0x2800  }
0x10b: {  	[sflag:s28] =	ssyncset.done $0x0  }
0x10c: {  	[sflag:s28] =	ssyncadd.s32 $0xFFFFD800  }
0x10d: {  	[spmem:s21] =	stream.indirect.scatter.add.f32 [tilespmem:s26], [sflag:$0x5], $0x80, s18, s25, $0xb8;
	[tilespmem:$0x1C880] =	vst v63  }
0x10e: {  	_ =	swait.ge [sflag:s2], $0x2800  }
0x10f: {  	[sflag:s2] =	ssyncset.done $0x0  }
0x110: {  	[sflag:s2] =	ssyncadd.s32 $0xFFFFD800  }
0x111: {  	[tilespmem:s30], [sflag:$0x4] =	stream.indirect.gather [hbm4b:s20+s25], $0x80, s29, s25, $0xb8;
	[tilespmem:$0x1C880] =	vst v63  }
0x112: {  	s12 =	rddreg [dreg:$0xa]  }
0x113: {  	[tilespmem:s31], [sflag:$0x2] =	stream.linear.gather [hbm4b:s12+s1], $0xC80, $0x38;
	[tilespmem:$0x1C880] =	vst v63  }
0x114: {  	s8 =	rddreg [dreg:$0xb]  }
0x115: {  	[tilespmem:s19], [sflag:$0x2] =	stream.linear.gather [hbm4b:s8+s1], $0xC80, $0x38;
	[tilespmem:$0x1C880] =	vst v63  }
0x116: {  	_ =	swait.ge [sflag:s0], $0x2800  }
0x117: {  	[sflag:s0] =	ssyncset.done $0x0  }
0x118: {  	s12 =	simm.s32 $0x1080;
	[sflag:s0] =	ssyncadd.s32 $0xFFFFD800  }
0x119: {  	[spmem:s21] =	stream.indirect.scatter.add.f32 [tilespmem:s30], [sflag:$0x6], $0x80, s12, s25, $0xb8;
	[tilespmem:$0x1C880] =	vst v63  }
0x11a: {  	_ =	swait.ge [sflag:s22], $0x2800  }
0x11b: {  	[sflag:s22] =	ssyncset.done $0x0  }
0x11c: {  	s8 =	simm.s32 $0x100;
	[sflag:s22] =	ssyncadd.s32 $0xFFFFD800  }
0x11d: {  	[tilespmem:s26], [sflag:$0x3] =	stream.indirect.gather [hbm4b:s20+s25], $0x80, s8, s25, $0xb8;
	[tilespmem:$0x1C880] =	vst v63  }
0x11e: {  	_ =	swait.ge [sflag:s28], $0x2800  }
0x11f: {  	[sflag:s28] =	ssyncset.done $0x0  }
0x120: {  	s12 =	simm.s32 $0x1100;
	[sflag:s28] =	ssyncadd.s32 $0xFFFFD800  }
0x121: {  	[spmem:s21] =	stream.indirect.scatter.add.f32 [tilespmem:s26], [sflag:$0x5], $0x80, s12, s25, $0xb8;
	[tilespmem:$0x1C880] =	vst v63  }
0x122: {  	_ =	swait.ge [sflag:s2], $0x2800  }
0x123: {  	[sflag:s2] =	ssyncset.done $0x0  }
0x124: {  	s7 =	simm.s32 $0x180;
	s12 =	simm.s32 $0xFFFFD800;
	[sflag:s2] =	ssyncadd.s32 $0xFFFFD800  }
.LBB2_8:
0x125: {  	[tilespmem:s30], [sflag:$0x4] =	stream.indirect.gather [hbm4b:s20+s25], $0x80, s7, s25, $0xb8;
	[tilespmem:$0x1C880] =	vst v63  }
0x126: {  	s7 =	smov.u32 s12  }
0x127: {  	p1 =	sne.s32 s12, $0xFFFFFC00;
	s12 =	sadd.s32 $0x400, s12;
	_ =	swait.ge [sflag:s0], $0x2800  }
0x128: {  	s7 =	sshra.s32 s7, $0x2;
	[sflag:s0] =	ssyncset.done $0x0  }
0x129: {  	s8 =	sadd.s32 $0x1B80, s7;
	[sflag:s0] =	ssyncadd.s32 $0xFFFFD800  }
0x12a: {  	[spmem:s21] =	stream.indirect.scatter.add.f32 [tilespmem:s30], [sflag:$0x6], $0x80, s8, s25, $0xb8;
	[tilespmem:$0x1C880] =	vst v63  }
0x12b: {  	_ =	swait.ge [sflag:s22], $0x2800  }
0x12c: {  	[sflag:s22] =	ssyncset.done $0x0  }
0x12d: {  	s8 =	sadd.s32 $0xC00, s7;
	[sflag:s22] =	ssyncadd.s32 $0xFFFFD800  }
0x12e: {  	[tilespmem:s26], [sflag:$0x3] =	stream.indirect.gather [hbm4b:s20+s25], $0x80, s8, s25, $0xb8;
	[tilespmem:$0x1C880] =	vst v63  }
0x12f: {  	_ =	swait.ge [sflag:s28], $0x2800  }
0x130: {  	[sflag:s28] =	ssyncset.done $0x0  }
.Ltmp3:
0x131: {  	s8 =	sadd.s32 $0x1C00, s7;
	[sflag:s28] =	ssyncadd.s32 $0xFFFFD800;
	(pc) =	sbr.rel @p1 .LBB2_8-.Ltmp3, $4  }
0x132: {  	[spmem:s21] =	stream.indirect.scatter.add.f32 [tilespmem:s26], [sflag:$0x5], $0x80, s8, s25, $0xb8;
	[tilespmem:$0x1C880] =	vst v63  }
0x133: {  	_ =	swait.ge [sflag:s2], $0x2800  }
0x134: {  	[sflag:s2] =	ssyncset.done $0x0  }
0x135: {  	s7 =	sadd.s32 $0xC80, s7;
	[sflag:s2] =	ssyncadd.s32 $0xFFFFD800  }
0x136: {  	[tilespmem:s30], [sflag:$0x4] =	stream.indirect.gather [hbm4b:s20+s25], $0x80, s7, s25, $0xb8;
	[tilespmem:$0x1C880] =	vst v63  }
0x137: {  	_ =	swait.ge [sflag:s0], $0x2800  }
0x138: {  	[sflag:s0] =	ssyncset.done $0x0  }
0x139: {  	[sflag:s0] =	ssyncadd.s32 $0xFFFFD800  }
0x13a: {  	[spmem:s21] =	stream.indirect.scatter.add.f32 [tilespmem:s30], [sflag:$0x6], $0x80, s3, s25, $0xb8;
	[tilespmem:$0x1C880] =	vst v63  }
0x13b: {  	_ =	swait.ge [sflag:s22], $0x2800  }
0x13c: {  	[sflag:s22] =	ssyncset.done $0x0  }
0x13d: {  	[sflag:s22] =	ssyncadd.s32 $0xFFFFD800  }
0x13e: {  	[tilespmem:s26], [sflag:$0x3] =	stream.indirect.gather [hbm4b:s20+s25], $0x80, s4, s25, $0xb8;
	[tilespmem:$0x1C880] =	vst v63  }
0x13f: {  	_ =	swait.ge [sflag:s28], $0x2800  }
0x140: {  	[sflag:s28] =	ssyncset.done $0x0  }
0x141: {  	[sflag:s28] =	ssyncadd.s32 $0xFFFFD800  }
0x142: {  	[spmem:s21] =	stream.indirect.scatter.add.f32 [tilespmem:s26], [sflag:$0x5], $0x80, s5, s25, $0xb8;
	[tilespmem:$0x1C880] =	vst v63  }
0x143: {  	_ =	swait.ge [sflag:s2], $0x2800  }
0x144: {  	[sflag:s2] =	ssyncset.done $0x0  }
0x145: {  	[sflag:s2] =	ssyncadd.s32 $0xFFFFD800  }
0x146: {  	_ =	swait.ge [sflag:s6], $0xC80  }
0x147: {  	[sflag:s6] =	ssyncset.done $0x0  }
0x148: {  	[sflag:s6] =	ssyncadd.s32 $0xFFFFF380  }
0x149: {  	_ =	swait.ge [sflag:s6], $0xC80  }
0x14a: {  	[sflag:s6] =	ssyncset.done $0x0  }
0x14b: {  	[sflag:s6] =	ssyncadd.s32 $0xFFFFF380  }
0x14c: {  	[tilespmem:s30], [sflag:$0x4] =	stream.indirect.gather [hbm4b:s20+s25], $0x80, s31, s25, $0xb8;
	[tilespmem:$0x1C880] =	vst v63  }
0x14d: {  	_ =	swait.ge [sflag:s0], $0x2800  }
0x14e: {  	[sflag:s0] =	ssyncset.done $0x0  }
0x14f: {  	[sflag:s0] =	ssyncadd.s32 $0xFFFFD800  }
0x150: {  	[spmem:s21] =	stream.indirect.scatter.add.f32 [tilespmem:s30], [sflag:$0x6], $0x80, s19, s25, $0xb8;
	[tilespmem:$0x1C880] =	vst v63  }
0x151: {  	_ =	swait.ge [sflag:s22], $0x2800  }
0x152: {  	[sflag:s22] =	ssyncset.done $0x0  }
0x153: {  	s8 =	simm.s32 $0x2080;
	[sflag:s22] =	ssyncadd.s32 $0xFFFFD800  }
0x154: {  	[tilespmem:s26], [sflag:$0x3] =	stream.indirect.gather [hbm4b:s20+s25], $0x80, s8, s25, $0xb8;
	[tilespmem:$0x1C880] =	vst v63  }
0x155: {  	s12 =	rddreg [dreg:$0xc]  }
0x156: {  	[tilespmem:s1], [sflag:$0x1] =	stream.linear.gather [hbm4b:s12+s1], $0xC80, $0x38;
	[tilespmem:$0x1C880] =	vst v63  }
0x157: {  	s8 =	rddreg [dreg:$0xd]  }
0x158: {  	[tilespmem:s18], [sflag:$0x1] =	stream.linear.gather [hbm4b:s8+s1], $0xC80, $0x38;
	[tilespmem:$0x1C880] =	vst v63  }
0x159: {  	_ =	swait.ge [sflag:s28], $0x2800  }
0x15a: {  	[sflag:s28] =	ssyncset.done $0x0  }
0x15b: {  	s12 =	simm.s32 $0x3080;
	[sflag:s28] =	ssyncadd.s32 $0xFFFFD800  }
0x15c: {  	[spmem:s21] =	stream.indirect.scatter.add.f32 [tilespmem:s26], [sflag:$0x5], $0x80, s12, s25, $0xb8;
	[tilespmem:$0x1C880] =	vst v63  }
0x15d: {  	_ =	swait.ge [sflag:s2], $0x2800  }
0x15e: {  	[sflag:s2] =	ssyncset.done $0x0  }
0x15f: {  	s8 =	simm.s32 $0x2100;
	[sflag:s2] =	ssyncadd.s32 $0xFFFFD800  }
0x160: {  	[tilespmem:s30], [sflag:$0x4] =	stream.indirect.gather [hbm4b:s20+s25], $0x80, s8, s25, $0xb8;
	[tilespmem:$0x1C880] =	vst v63  }
0x161: {  	_ =	swait.ge [sflag:s0], $0x2800  }
0x162: {  	[sflag:s0] =	ssyncset.done $0x0  }
0x163: {  	s12 =	simm.s32 $0x3100;
	[sflag:s0] =	ssyncadd.s32 $0xFFFFD800  }
0x164: {  	[spmem:s21] =	stream.indirect.scatter.add.f32 [tilespmem:s30], [sflag:$0x6], $0x80, s12, s25, $0xb8;
	[tilespmem:$0x1C880] =	vst v63  }
0x165: {  	_ =	swait.ge [sflag:s22], $0x2800  }
0x166: {  	[sflag:s22] =	ssyncset.done $0x0  }
0x167: {  	s7 =	simm.s32 $0x2180;
	s12 =	simm.s32 $0xFFFFD800;
	[sflag:s22] =	ssyncadd.s32 $0xFFFFD800  }
.LBB2_10:
0x168: {  	[tilespmem:s26], [sflag:$0x3] =	stream.indirect.gather [hbm4b:s20+s25], $0x80, s7, s25, $0xb8;
	[tilespmem:$0x1C880] =	vst v63  }
0x169: {  	s7 =	smov.u32 s12  }
0x16a: {  	p1 =	sne.s32 s12, $0xFFFFFC00;
	s12 =	sadd.s32 $0x400, s12;
	_ =	swait.ge [sflag:s28], $0x2800  }
0x16b: {  	s7 =	sshra.s32 s7, $0x2;
	[sflag:s28] =	ssyncset.done $0x0  }
0x16c: {  	s8 =	sadd.s32 $0x3B80, s7;
	[sflag:s28] =	ssyncadd.s32 $0xFFFFD800  }
0x16d: {  	[spmem:s21] =	stream.indirect.scatter.add.f32 [tilespmem:s26], [sflag:$0x5], $0x80, s8, s25, $0xb8;
	[tilespmem:$0x1C880] =	vst v63  }
0x16e: {  	_ =	swait.ge [sflag:s2], $0x2800  }
0x16f: {  	[sflag:s2] =	ssyncset.done $0x0  }
0x170: {  	s8 =	sadd.s32 $0x2C00, s7;
	[sflag:s2] =	ssyncadd.s32 $0xFFFFD800  }
0x171: {  	[tilespmem:s30], [sflag:$0x4] =	stream.indirect.gather [hbm4b:s20+s25], $0x80, s8, s25, $0xb8;
	[tilespmem:$0x1C880] =	vst v63  }
0x172: {  	_ =	swait.ge [sflag:s0], $0x2800  }
0x173: {  	[sflag:s0] =	ssyncset.done $0x0  }
.Ltmp4:
0x174: {  	s8 =	sadd.s32 $0x3C00, s7;
	[sflag:s0] =	ssyncadd.s32 $0xFFFFD800;
	(pc) =	sbr.rel @p1 .LBB2_10-.Ltmp4, $4  }
0x175: {  	[spmem:s21] =	stream.indirect.scatter.add.f32 [tilespmem:s30], [sflag:$0x6], $0x80, s8, s25, $0xb8;
	[tilespmem:$0x1C880] =	vst v63  }
0x176: {  	_ =	swait.ge [sflag:s22], $0x2800  }
0x177: {  	[sflag:s22] =	ssyncset.done $0x0  }
0x178: {  	s7 =	sadd.s32 $0x2C80, s7;
	[sflag:s22] =	ssyncadd.s32 $0xFFFFD800  }
0x179: {  	[tilespmem:s26], [sflag:$0x3] =	stream.indirect.gather [hbm4b:s20+s25], $0x80, s7, s25, $0xb8;
	[tilespmem:$0x1C880] =	vst v63  }
0x17a: {  	_ =	swait.ge [sflag:s28], $0x2800  }
0x17b: {  	[sflag:s28] =	ssyncset.done $0x0  }
0x17c: {  	s8 =	simm.s32 $0x3B80;
	[sflag:s28] =	ssyncadd.s32 $0xFFFFD800  }
0x17d: {  	[spmem:s21] =	stream.indirect.scatter.add.f32 [tilespmem:s26], [sflag:$0x5], $0x80, s8, s25, $0xb8;
	[tilespmem:$0x1C880] =	vst v63  }
0x17e: {  	_ =	swait.ge [sflag:s2], $0x2800  }
0x17f: {  	[sflag:s2] =	ssyncset.done $0x0  }
0x180: {  	[sflag:s2] =	ssyncadd.s32 $0xFFFFD800  }
0x181: {  	[tilespmem:s30], [sflag:$0x4] =	stream.indirect.gather [hbm4b:s20+s25], $0x80, s9, s25, $0xb8;
	[tilespmem:$0x1C880] =	vst v63  }
0x182: {  	_ =	swait.ge [sflag:s0], $0x2800  }
0x183: {  	[sflag:s0] =	ssyncset.done $0x0  }
0x184: {  	[sflag:s0] =	ssyncadd.s32 $0xFFFFD800  }
0x185: {  	[spmem:s21] =	stream.indirect.scatter.add.f32 [tilespmem:s30], [sflag:$0x6], $0x80, s10, s25, $0xb8;
	[tilespmem:$0x1C880] =	vst v63  }
0x186: {  	_ =	swait.ge [sflag:s22], $0x2800  }
0x187: {  	[sflag:s22] =	ssyncset.done $0x0  }
0x188: {  	[sflag:s22] =	ssyncadd.s32 $0xFFFFD800  }
0x189: {  	_ =	swait.ge [sflag:s23], $0xC80  }
0x18a: {  	[sflag:s23] =	ssyncset.done $0x0  }
0x18b: {  	[sflag:s23] =	ssyncadd.s32 $0xFFFFF380  }
0x18c: {  	_ =	swait.ge [sflag:s23], $0xC80  }
0x18d: {  	[sflag:s23] =	ssyncset.done $0x0  }
0x18e: {  	[sflag:s23] =	ssyncadd.s32 $0xFFFFF380  }
0x18f: {  	[tilespmem:s26], [sflag:$0x3] =	stream.indirect.gather [hbm4b:s20+s25], $0x80, s1, s25, $0xb8;
	[tilespmem:$0x1C880] =	vst v63  }
0x190: {  	_ =	swait.ge [sflag:s28], $0x2800  }
0x191: {  	[sflag:s28] =	ssyncset.done $0x0  }
0x192: {  	[sflag:s28] =	ssyncadd.s32 $0xFFFFD800  }
0x193: {  	[spmem:s21] =	stream.indirect.scatter.add.f32 [tilespmem:s26], [sflag:$0x5], $0x80, s18, s25, $0xb8;
	[tilespmem:$0x1C880] =	vst v63  }
0x194: {  	_ =	swait.ge [sflag:s2], $0x2800  }
0x195: {  	[sflag:s2] =	ssyncset.done $0x0  }
0x196: {  	[sflag:s2] =	ssyncadd.s32 $0xFFFFD800  }
0x197: {  	[tilespmem:s30], [sflag:$0x4] =	stream.indirect.gather [hbm4b:s20+s25], $0x80, s29, s25, $0xb8;
	[tilespmem:$0x1C880] =	vst v63  }
0x198: {  	_ =	swait.ge [sflag:s0], $0x2800  }
0x199: {  	[sflag:s0] =	ssyncset.done $0x0  }
0x19a: {  	s12 =	simm.s32 $0x1080;
	[sflag:s0] =	ssyncadd.s32 $0xFFFFD800  }
0x19b: {  	[spmem:s21] =	stream.indirect.scatter.add.f32 [tilespmem:s30], [sflag:$0x6], $0x80, s12, s25, $0xb8;
	[tilespmem:$0x1C880] =	vst v63  }
0x19c: {  	_ =	swait.ge [sflag:s22], $0x2800  }
0x19d: {  	[sflag:s22] =	ssyncset.done $0x0  }
0x19e: {  	s8 =	simm.s32 $0x100;
	[sflag:s22] =	ssyncadd.s32 $0xFFFFD800  }
0x19f: {  	[tilespmem:s26], [sflag:$0x3] =	stream.indirect.gather [hbm4b:s20+s25], $0x80, s8, s25, $0xb8;
	[tilespmem:$0x1C880] =	vst v63  }
0x1a0: {  	_ =	swait.ge [sflag:s28], $0x2800  }
0x1a1: {  	[sflag:s28] =	ssyncset.done $0x0  }
0x1a2: {  	s12 =	simm.s32 $0x1100;
	[sflag:s28] =	ssyncadd.s32 $0xFFFFD800  }
0x1a3: {  	[spmem:s21] =	stream.indirect.scatter.add.f32 [tilespmem:s26], [sflag:$0x5], $0x80, s12, s25, $0xb8;
	[tilespmem:$0x1C880] =	vst v63  }
0x1a4: {  	_ =	swait.ge [sflag:s2], $0x2800  }
0x1a5: {  	[sflag:s2] =	ssyncset.done $0x0  }
0x1a6: {  	s7 =	simm.s32 $0x180;
	s12 =	simm.s32 $0xFFFFD800;
	[sflag:s2] =	ssyncadd.s32 $0xFFFFD800  }
.LBB2_12:
0x1a7: {  	[tilespmem:s30], [sflag:$0x4] =	stream.indirect.gather [hbm4b:s20+s25], $0x80, s7, s25, $0xb8;
	[tilespmem:$0x1C880] =	vst v63  }
0x1a8: {  	s7 =	smov.u32 s12  }
0x1a9: {  	p1 =	sne.s32 s12, $0xFFFFFC00;
	s12 =	sadd.s32 $0x400, s12;
	_ =	swait.ge [sflag:s0], $0x2800  }
0x1aa: {  	s7 =	sshra.s32 s7, $0x2;
	[sflag:s0] =	ssyncset.done $0x0  }
0x1ab: {  	s8 =	sadd.s32 $0x1B80, s7;
	[sflag:s0] =	ssyncadd.s32 $0xFFFFD800  }
0x1ac: {  	[spmem:s21] =	stream.indirect.scatter.add.f32 [tilespmem:s30], [sflag:$0x6], $0x80, s8, s25, $0xb8;
	[tilespmem:$0x1C880] =	vst v63  }
0x1ad: {  	_ =	swait.ge [sflag:s22], $0x2800  }
0x1ae: {  	[sflag:s22] =	ssyncset.done $0x0  }
0x1af: {  	s8 =	sadd.s32 $0xC00, s7;
	[sflag:s22] =	ssyncadd.s32 $0xFFFFD800  }
0x1b0: {  	[tilespmem:s26], [sflag:$0x3] =	stream.indirect.gather [hbm4b:s20+s25], $0x80, s8, s25, $0xb8;
	[tilespmem:$0x1C880] =	vst v63  }
0x1b1: {  	_ =	swait.ge [sflag:s28], $0x2800  }
0x1b2: {  	[sflag:s28] =	ssyncset.done $0x0  }
.Ltmp5:
0x1b3: {  	s8 =	sadd.s32 $0x1C00, s7;
	[sflag:s28] =	ssyncadd.s32 $0xFFFFD800;
	(pc) =	sbr.rel @p1 .LBB2_12-.Ltmp5, $4  }
0x1b4: {  	[spmem:s21] =	stream.indirect.scatter.add.f32 [tilespmem:s26], [sflag:$0x5], $0x80, s8, s25, $0xb8;
	[tilespmem:$0x1C880] =	vst v63  }
0x1b5: {  	_ =	swait.ge [sflag:s2], $0x2800  }
0x1b6: {  	[sflag:s2] =	ssyncset.done $0x0  }
0x1b7: {  	s7 =	sadd.s32 $0xC80, s7;
	[sflag:s2] =	ssyncadd.s32 $0xFFFFD800  }
0x1b8: {  	[tilespmem:s30], [sflag:$0x4] =	stream.indirect.gather [hbm4b:s20+s25], $0x80, s7, s25, $0xb8;
	[tilespmem:$0x1C880] =	vst v63  }
0x1b9: {  	_ =	swait.ge [sflag:s0], $0x2800  }
0x1ba: {  	[sflag:s0] =	ssyncset.done $0x0  }
0x1bb: {  	[sflag:s0] =	ssyncadd.s32 $0xFFFFD800  }
0x1bc: {  	[spmem:s21] =	stream.indirect.scatter.add.f32 [tilespmem:s30], [sflag:$0x6], $0x80, s3, s25, $0xb8;
	[tilespmem:$0x1C880] =	vst v63  }
0x1bd: {  	_ =	swait.ge [sflag:s22], $0x2800  }
0x1be: {  	[sflag:s22] =	ssyncset.done $0x0  }
0x1bf: {  	[sflag:s22] =	ssyncadd.s32 $0xFFFFD800  }
0x1c0: {  	[tilespmem:s26], [sflag:$0x3] =	stream.indirect.gather [hbm4b:s20+s25], $0x80, s4, s25, $0xb8;
	[tilespmem:$0x1C880] =	vst v63  }
0x1c1: {  	_ =	swait.ge [sflag:s28], $0x2800  }
0x1c2: {  	[sflag:s28] =	ssyncset.done $0x0  }
0x1c3: {  	[sflag:s28] =	ssyncadd.s32 $0xFFFFD800  }
0x1c4: {  	[spmem:s21] =	stream.indirect.scatter.add.f32 [tilespmem:s26], [sflag:$0x5], $0x80, s5, s25, $0xb8;
	[tilespmem:$0x1C880] =	vst v63  }
0x1c5: {  	_ =	swait.ge [sflag:s2], $0x2800  }
0x1c6: {  	[sflag:s2] =	ssyncset.done $0x0  }
0x1c7: {  	[sflag:s2] =	ssyncadd.s32 $0xFFFFD800  }
0x1c8: {  	_ =	swait.ge [sflag:s22], $0x2800  }
0x1c9: {  	[sflag:s22] =	ssyncset.done $0x0  }
0x1ca: {  	[sflag:s22] =	ssyncadd.s32 $0xFFFFD800  }
0x1cb: {  	[bflag:$0x0] =	sbarrier.arrive $0xFFFF  }
0x1cc: {  	s7 =	sshrl.u32 @p0 s13, $0x3;
	s8 =	simm.s32 @p0 $0x1FC5;
	s12 =	rddreg [dreg:$0x17]  }
0x1cd: {  	[hbm:s12], [sflag:s8] =	dma.local @p0 [spmem:s7], $0x500  }
0x1ce: {  	s7 =	sshrl.u32 @p0 s14, $0x3;
	s12 =	rddreg [dreg:$0x18]  }
0x1cf: {  	[hbm:s12], [sflag:s8] =	dma.local @p0 [spmem:s7], $0x500  }
0x1d0: {  	s7 =	sshrl.u32 @p0 s15, $0x3;
	s12 =	rddreg [dreg:$0x19]  }
0x1d1: {  	[hbm:s12], [sflag:s8] =	dma.local @p0 [spmem:s7], $0x500  }
0x1d2: {  	s7 =	sshrl.u32 @p0 s16, $0x3;
	s12 =	rddreg [dreg:$0x1a]  }
0x1d3: {  	[hbm:s12], [sflag:s8] =	dma.local @p0 [spmem:s7], $0x500  }
0x1d4: {  	s7 =	sshrl.u32 @p0 s17, $0x3;
	s12 =	rddreg [dreg:$0x1b]  }
0x1d5: {  	[hbm:s12], [sflag:s8] =	dma.local @p0 [spmem:s7], $0x500  }
0x1d6: {  	s7 =	stileid.u32  }
0x1d7: {  	s7 =	sshll.u32 @!p0 s7, $0x6  }
0x1d8: {  	s8 =	sshrl.u32 @!p0 s24, $0x3;
	s12 =	rddreg [dreg:$0xe];
	s7 =	sor.u32 @!p0 $0x1C05, s7  }
0x1d9: {  	[hbm:s12], [sflag:s7] =	dma.local @!p0 [spmem:s8], $0x500  }
0x1da: {  	s8 =	rddreg [dreg:$0xf]  }
0x1db: {  	s12 =	rddreg [dreg:$0x1c]  }
0x1dc: {  	[hbm:s8], [sflag:s7] =	dma.local @!p0 [spmem:s12], $0x500  }
0x1dd: {  	s8 =	rddreg [dreg:$0x10]  }
0x1de: {  	s12 =	rddreg [dreg:$0x1d]  }
0x1df: {  	[hbm:s8], [sflag:s7] =	dma.local @!p0 [spmem:s12], $0x500  }
0x1e0: {  	s8 =	rddreg [dreg:$0x11]  }
0x1e1: {  	s12 =	rddreg [dreg:$0x1e]  }
0x1e2: {  	[hbm:s8], [sflag:s7] =	dma.local @!p0 [spmem:s12], $0x500  }
0x1e3: {  	s8 =	rddreg [dreg:$0x12]  }
0x1e4: {  	s12 =	rddreg [dreg:$0x1f]  }
0x1e5: {  	[hbm:s8], [sflag:s7] =	dma.local @!p0 [spmem:s12], $0x500  }
0x1e6: {  	s12 =	sld [smem:$0x7F4];
	_ =	sdelay $0x1  }
0x1e7: {  	s8 =	rddreg [dreg:$0x13]  }
0x1e8: {  	[hbm:s8], [sflag:s7] =	dma.local @!p0 [spmem:s12], $0x500  }
0x1e9: {  	s12 =	sld [smem:$0x7F5];
	_ =	sdelay $0x1  }
0x1ea: {  	s8 =	rddreg [dreg:$0x14]  }
0x1eb: {  	[hbm:s8], [sflag:s7] =	dma.local @!p0 [spmem:s12], $0x500  }
0x1ec: {  	s12 =	sld [smem:$0x7F6];
	_ =	sdelay $0x1  }
0x1ed: {  	s8 =	rddreg [dreg:$0x15]  }
0x1ee: {  	[hbm:s8], [sflag:s7] =	dma.local @!p0 [spmem:s12], $0x500  }
0x1ef: {  	s7 =	simm.s32 @!p0 $0x5  }
0x1f0: {  	_ =	swait.ge @!p0 [sflag:s7], $0x500  }
0x1f1: {  	[sflag:s7] =	ssyncset.done @!p0 $0x0  }
0x1f2: {  	[sflag:s7] =	ssyncadd.s32 @!p0 $0xFFFFFB00  }
0x1f3: {  	_ =	swait.ge @!p0 [sflag:s7], $0x500  }
0x1f4: {  	[sflag:s7] =	ssyncset.done @!p0 $0x0  }
0x1f5: {  	[sflag:s7] =	ssyncadd.s32 @!p0 $0xFFFFFB00  }
0x1f6: {  	_ =	swait.ge @!p0 [sflag:s7], $0x500  }
0x1f7: {  	[sflag:s7] =	ssyncset.done @!p0 $0x0  }
0x1f8: {  	[sflag:s7] =	ssyncadd.s32 @!p0 $0xFFFFFB00  }
0x1f9: {  	_ =	swait.ge [sflag:s22], $0x500  }
0x1fa: {  	[sflag:s22] =	ssyncset.done $0x0  }
0x1fb: {  	[sflag:s22] =	ssyncadd.s32 $0xFFFFFB00  }
0x1fc: {  	_ =	swait.ge [sflag:s22], $0x500  }
0x1fd: {  	[sflag:s22] =	ssyncset.done $0x0  }
0x1fe: {  	[sflag:s22] =	ssyncadd.s32 $0xFFFFFB00  }
0x1ff: {  	_ =	swait.ge [sflag:s22], $0x500  }
0x200: {  	[sflag:s22] =	ssyncset.done $0x0  }
0x201: {  	[sflag:s22] =	ssyncadd.s32 $0xFFFFFB00  }
0x202: {  	_ =	swait.ge [sflag:s22], $0x500  }
0x203: {  	[sflag:s22] =	ssyncset.done $0x0  }
0x204: {  	[sflag:s22] =	ssyncadd.s32 $0xFFFFFB00  }
0x205: {  	_ =	swait.ge [sflag:s22], $0x500  }
0x206: {  	s11 =	sadd.s32 $0x1, s11;
	s12 =	rddreg [dreg:$0x16]  }
0x207: {  	p1 =	sne.s32 s11, s12  }
.Ltmp6:
0x208: {  	_ = 	snop;
	(pc) =	sbr.rel @p1 .LBB2_1-.Ltmp6, $3  }
0x209: {  	_ =	sdelay $0x1  }
0x20a: {  	[sflag:s22] =	ssyncset.done $0x0  }
0x20b: {  	[sflag:s22] =	ssyncadd.s32 $0xFFFFFB00  }
0x20c: {  	_ =	sfence.sel $0x180000  }
0x20d: {  	[bflag:$0x0] =	sbarrier.arrive $0xFFFF  }
0x20e: {  	_ =	strace $0x9000004A  }
0x20f: {  	s0 =	stileid.u32;
	[bflag:$0x2] =	sbarrier.arrive $0xFFFF  }
0x210: {  	p0 =	sne.s32 s0, $0x0;
	s0 =	rddreg [dreg:$0x3]  }
0x211: {  	s0 =	sadd.s32 @!p0 $0x100000, s0  }
0x212: {  	[sflag:s0] =	ssyncadd.tile.s32 @!p0 $0x1;
	_ =	shalt  }
.Lfunc_end2:
_tile_overlayer_lowered:
.L_overlay_start_2:
0x213: {  	(tag) =	ssettag $0x2  }
0x214: {  	s0 =	rddreg [dreg:$0x0];
	s2 =	stileid.u32  }
0x215: {  	s1 =	rddreg [dreg:$0x1];
	p0 =	sne.s32 s2, $0x0  }
0x216: {  	s3 =	rddreg [dreg:$0x2];
	[bflag:$0x3] =	sbarrier.arrive $0xFFFF;
	s2 =	simm.s32 @!p0 $0x1C07  }
0x217: {  	[timem:s3], [sflag:s2] =	dma.local @!p0 [hbm:s0], s1  }
0x218: {  	s0 =	simm.s32 @!p0 $0x7  }
0x219: {  	_ =	swait.ge @!p0 [sflag:s0], s1  }
0x21a: {  	s1 =	ssub.s32 @!p0 $0x0, s1;
	[sflag:s0] =	ssyncset.done @!p0 $0x0  }
0x21b: {  	[sflag:s0] =	ssyncadd.s32 @!p0 s1  }
0x21c: {  	[bflag:$0x3] =	sbarrier.arrive $0xFFFF  }
0x21d: {  	_ =	shalt  }

// kernel: kernel.7.cloned.1.call-start
scs
__scs_entry_jumppad:
0x0: {  	(pc) =	sbr.rel $0x88, $3  }
0x1: {  	(tag) =	ssettag $0x0;
	lr =	simm.s32 $0x1  }
0x2: {  	[smem:$0x3F8D] =	sst lr;
	_ =	strace $0xD0000000  }
0x3: {  	_ = 	snop  }
0x4: {  	_ = 	snop  }
0x5: {  	_ = 	snop  }
0x6: {  	_ = 	snop  }
0x7: {  	_ = 	snop  }
__scs_overlays_trampoline_lowered:
0x8: {  	[smem:$0x3F9C] =	sst s0  }
0x9: {  	[smem:$0x3F9D] =	sst s1  }
0xa: {  	[smem:$0x3F9E] =	sst s2  }
0xb: {  	[smem:$0x3F9F] =	sst s3  }
0xc: {  	[smem:$0x3FA0] =	sst s4  }
0xd: {  	[smem:$0x3FA1] =	sst s5  }
0xe: {  	[smem:$0x3FA2] =	sst s6  }
0xf: {  	[smem:$0x3FA3] =	sst s7  }
0x10: {  	[smem:$0x3FA4] =	sst s8  }
0x11: {  	[smem:$0x3FA5] =	sst s9;
	s0 =	simm.s32 @!p0 $0x0  }
0x12: {  	s1 =	sld [smem:$0x3F8B];
	s0 =	simm.s32 @p0 $0x1  }
0x13: {  	[smem:$0x3FA6] =	sst s0;
	s0 =	simm.s32 @!p1 $0x0  }
0x14: {  	s2 =	sld [smem:$0x3F8A];
	s0 =	simm.s32 @p1 $0x1  }
0x15: {  	[smem:$0x3FA7] =	sst s0;
	s0 =	simm.s32 @!p2 $0x0  }
0x16: {  	s3 =	sld [smem:$0x3FDB];
	s0 =	simm.s32 @p2 $0x1  }
0x17: {  	s4 =	simm.s32 $0x1BF5;
	[smem:$0x3FA9] =	sst s0  }
0x18: {  	s0 =	sld [smem:$0x3F8C];
	_ =	swait.ge [sflag:s4], $0x0  }
0x19: {  	s7 =	sld [smem:$0x3F8D]  }
0x1a: {  	s8 =	sadd.s32 $0xFFFFE003, lr  }
0x1b: {  	s9 =	sadd.s32 $0xFFFFFEF7, lr;
	s5 =	simm.s32 $0xFFFFFFFF;
	p2 =	slt.u32 s8, $0xFFFFF086  }
0x1c: {  	p1 =	slt.u32 s9, $0xF7A;
	s5 =	simm.s32 @!p2 $0x0  }
0x1d: {  	s5 =	simm.s32 @p1 $0x1;
	p0 =	seq.s32 s7, s2  }
0x1e: {  	s7 =	smul.u32 @!p0 $0xF7A, s2;
	p2 =	seq.s32 @!p0 s5, $0x0  }
0x1f: {  	s9 =	smul.u32 $0xF7A, s1;
	s8 =	simm.s32 @!p0 $0x1BF5;
	p2 =	por !p2, p0  }
0x20: {  	[sflag:s8] =	ssyncset.s32 @!p0 $0xFFFFF086;
	s6 =	sadd.s32 @!p0 s3, s7;
	s7 =	simm.s32 @!p0 $0x108  }
0x21: {  	s3 =	sadd.s32 s3, s9;
	s6 =	sadd.s32 @!p0 $0x88, s6;
	s7 =	simm.s32 @p2 $0x1082  }
0x22: {  	[simem:s7], [sflag:s8] =	dma.local @!p0 [hbm:s6], $0xF7A  }
0x23: {  	s9 =	sor.u32 $0xD0000000, s2;
	s6 =	simm.s32 $0x108;
	_ =	swait.ge @!p0 [sflag:s8], $0x0  }
0x24: {  	s3 =	sadd.s32 $0x88, s3;
	s6 =	simm.s32 @!p1 $0x1082;
	[sflag:s4] =	ssyncset.s32 $0xFFFFF086  }
0x25: {  	[simem:s6], [sflag:s4] =	dma.local [hbm:s3], $0xF7A  }
0x26: {  	[smem:$0x3F8D] =	sst s1;
	(tag) =	ssettag s2;
	_ =	strace s9  }
0x27: {  	s1 =	sld [smem:$0x3F9D]  }
0x28: {  	s2 =	sld [smem:$0x3F9E]  }
0x29: {  	s4 =	sld [smem:$0x3FA0]  }
0x2a: {  	p0 =	seq.s32 s5, $0x0;
	s5 =	sld [smem:$0x3FA1]  }
0x2b: {  	s6 =	sld [smem:$0x3FA2]  }
0x2c: {  	s7 =	sld [smem:$0x3FA3]  }
0x2d: {  	s3 =	simm.s32 $0x108;
	s8 =	sld [smem:$0x3FA4]  }
0x2e: {  	s3 =	simm.s32 @!p0 $0x1082;
	s9 =	sld [smem:$0x3FA5]  }
0x2f: {  	lr =	sadd.s32 s0, s3;
	s0 =	sld [smem:$0x3F9C]  }
0x30: {  	s3 =	sld [smem:$0x3F9F]  }
0x31: {  	[smem:$0x3FA8] =	sst s10  }
0x32: {  	s10 =	sld [smem:$0x3FA6];
	_ =	sdelay $0x3  }
0x33: {  	p0 =	seq.s32 s10, $0x1;
	s10 =	sld [smem:$0x3FA8];
	_ =	sdelay $0x3  }
0x34: {  	[smem:$0x3FA8] =	sst s10  }
0x35: {  	s10 =	sld [smem:$0x3FA7];
	_ =	sdelay $0x3  }
0x36: {  	p1 =	seq.s32 s10, $0x1;
	s10 =	sld [smem:$0x3FA8];
	_ =	sdelay $0x3  }
0x37: {  	[smem:$0x3FA8] =	sst s10  }
0x38: {  	s10 =	sld [smem:$0x3FA9]  }
0x39: {  	_ = 	snop;
	(pc) =	sbr.ind lr, $3  }
0x3a: {  	_ = 	snop  }
0x3b: {  	_ = 	snop  }
0x3c: {  	p2 =	seq.s32 s10, $0x1;
	s10 =	sld [smem:$0x3FA8]  }
0x3d: {  	_ =	shalt  }
0x3e: {  	_ =	shalt  }
0x3f: {  	_ =	shalt  }
0x40: {  	_ =	shalt  }
0x41: {  	_ =	shalt  }
0x42: {  	_ =	shalt  }
0x43: {  	_ =	shalt  }
0x44: {  	_ =	shalt  }
0x45: {  	_ =	shalt  }
0x46: {  	_ =	shalt  }
0x47: {  	_ =	shalt  }
0x48: {  	_ =	shalt  }
0x49: {  	_ =	shalt  }
0x4a: {  	_ =	shalt  }
0x4b: {  	_ =	shalt  }
0x4c: {  	_ =	shalt  }
0x4d: {  	_ =	shalt  }
0x4e: {  	_ =	shalt  }
0x4f: {  	_ =	shalt  }
0x50: {  	_ =	shalt  }
0x51: {  	_ =	shalt  }
0x52: {  	_ =	shalt  }
0x53: {  	_ =	shalt  }
0x54: {  	_ =	shalt  }
0x55: {  	_ =	shalt  }
0x56: {  	_ =	shalt  }
0x57: {  	_ =	shalt  }
0x58: {  	_ =	shalt  }
0x59: {  	_ =	shalt  }
0x5a: {  	_ =	shalt  }
0x5b: {  	_ =	shalt  }
0x5c: {  	_ =	shalt  }
0x5d: {  	_ =	shalt  }
0x5e: {  	_ =	shalt  }
0x5f: {  	_ =	shalt  }
0x60: {  	_ =	shalt  }
0x61: {  	_ =	shalt  }
0x62: {  	_ =	shalt  }
0x63: {  	_ =	shalt  }
0x64: {  	_ =	shalt  }
0x65: {  	_ =	shalt  }
0x66: {  	_ =	shalt  }
0x67: {  	_ =	shalt  }
0x68: {  	_ =	shalt  }
0x69: {  	_ =	shalt  }
0x6a: {  	_ =	shalt  }
0x6b: {  	_ =	shalt  }
0x6c: {  	_ =	shalt  }
0x6d: {  	_ =	shalt  }
0x6e: {  	_ =	shalt  }
0x6f: {  	_ =	shalt  }
0x70: {  	_ =	shalt  }
0x71: {  	_ =	shalt  }
0x72: {  	_ =	shalt  }
0x73: {  	_ =	shalt  }
0x74: {  	_ =	shalt  }
0x75: {  	_ =	shalt  }
0x76: {  	_ =	shalt  }
0x77: {  	_ =	shalt  }
0x78: {  	_ =	shalt  }
0x79: {  	_ =	shalt  }
0x7a: {  	_ =	shalt  }
0x7b: {  	_ =	shalt  }
0x7c: {  	_ =	shalt  }
0x7d: {  	_ =	shalt  }
0x7e: {  	_ =	shalt  }
0x7f: {  	_ =	shalt  }
0x80: {  	_ =	shalt  }
0x81: {  	_ =	shalt  }
0x82: {  	_ =	shalt  }
0x83: {  	_ =	shalt  }
0x84: {  	_ =	shalt  }
0x85: {  	_ =	shalt  }
0x86: {  	_ =	shalt  }
0x87: {  	_ =	shalt  }
.Lfunc_end0:
.L_simem_size_0:
called_computation_lowered:
.L_overlay_start_0:
0x88: {  	s2 =	sld [smem:$0x3FD9]  }
0x89: {  	s3 =	sld [smem:$0x3FFE];
	_ =	sdelay $0x1  }
0x8a: {  	s1 =	srdreg.scid  }
0x8b: {  	s0 =	sand.u32 $0x1, s1  }
0x8c: {  	s17 =	sshll.u32 s0, $0xA;
	s2 =	sadd.s32 s3, s2  }
0x8d: {  	s2 =	sadd.s32 s2, s17  }
0x8e: {  	[smem:$0x3FB4] =	sst s2  }
0x8f: {  	_ = 	snop  }
0x90: {  	s2 =	sld [smem:$0x3FD0];
	(tm) =	ssettm $0x1  }
0x91: {  	s18 =	sld [smem:$0x3FFB];
	_ =	sdelay $0x3  }
0x92: {  	_ =	strace s18  }
0x93: {  	s3 =	sld [smem:$0x3FFC];
	_ =	sdelay $0x3  }
0x94: {  	_ =	strace s3  }
0x95: {  	s3 =	sld [smem:$0x3FFD];
	_ =	sdelay $0x3  }
0x96: {  	_ =	strace s3  }
0x97: {  	_ =	strace $0x8FFFFFFF  }
0x98: {  	s19 =	sld [smem:$0x3FDB];
	_ =	sdelay $0x1  }
0x99: {  	s4 =	simm.s32 $_scs_section_size  }
0x9a: {  	s5 =	simm.s32 $_size__tile_overlayer_lowered;
	s6 =	simm.s32 $_tile_overlayer_lowered  }
0x9b: {  	s22 =	simm.s32 $0x1BFF;
	s21 =	sshll.u32 s6, $0x1;
	s3 =	sadd.s32 s4, s19  }
0x9c: {  	s7 =	simm.s32 $0x0;
	s20 =	sshll.u32 s5, $0x1;
	s5 =	sadd.s32 s21, s3  }
0x9d: {  	[timem:s7], [sflag:s22] =	dma.local [hbm:s5], s20  }
0x9e: {  	_ =	swait.ge [sflag:s22], s20  }
0x9f: {  	s4 =	ssub.s32 $0x0, s20;
	[sflag:s22] =	ssyncset.done $0x0  }
0xa0: {  	[sflag:s22] =	ssyncadd.s32 s4;
	_ =	sdelay $0x1  }
0xa1: {  	s23 =	simm.s32 $0x1B8B  }
0xa2: {  	_ =	swait.ge [sflag:s23], $0x1  }
0xa3: {  	[sflag:s23] =	ssyncset.done $0x0  }
0xa4: {  	s25 =	simm.s32 $0x1B8E;
	s24 =	sld [smem:$0x3FFE];
	[sflag:s23] =	ssyncadd.s32 $0xFFFFFFFF  }
0xa5: {  	s26 =	simm.s32 $execute0_lowered;
	[smem:$0x3FD2] =	sst s25  }
0xa6: {  	s5 =	sshll.u32 s26, $0x1;
	_ =	strace $0x80000046;
	[dreg:$0x1] =	wrdreg $0xFFFFFFFF  }
0xa7: {  	s28 =	simm.s32 $_size_execute0_lowered;
	s3 =	sadd.s32 s3, s5;
	[dreg:$0x0] =	wrdreg $0x0  }
0xa8: {  	s5 =	sshll.u32 s28, $0x1;
	[dreg:$0x2] =	wrdreg s3  }
0xa9: {  	[dreg:$0x3] =	wrdreg s5  }
0xaa: {  	[dreg:$0x4] =	wrdreg $0xC0  }
0xab: {  	_ =	task [dreg:s7], $0x5FFFF  }
0xac: {  	[dreg:$0x1] =	wrdreg $0xFFFFFFFF  }
0xad: {  	[dreg:$0x0] =	wrdreg $0x60  }
0xae: {  	[dreg:$0x2] =	wrdreg s2  }
0xaf: {  	[dreg:$0x3] =	wrdreg s24  }
0xb0: {  	[dreg:$0x4] =	wrdreg $0x90000  }
0xb1: {  	[dreg:$0x5] =	wrdreg $0x9  }
0xb2: {  	_ =	task.clear_ibuf [dreg:s7], $0x6FFFF;
	_ =	strace $0x90000046  }
0xb3: {  	s29 =	simm.s32 $0x9;
	_ =	strace $0x80000048  }
0xb4: {  	_ =	swait.ge [sflag:s29], $0x1  }
0xb5: {  	[sflag:s29] =	ssyncadd.s32 $0xFFFFFFFF  }
0xb6: {  	_ =	strace $0x90000048  }
0xb7: {  	_ =	sfence  }
0xb8: {  	s30 =	sld [smem:$0x0];
	_ =	sdelay $0x2  }
0xb9: {  	s31 =	sshll.u32 s1, $0xD;
	s1 =	sshrl.u32 s1, $0x2  }
0xba: {  	s3 =	sand.u32 $0x4000, s31;
	s1 =	sadd.s32 s1, s30  }
0xbb: {  	s0 =	sor.u32 s3, s0;
	s1 =	sshll.u32 s1, $0x11  }
0xbc: {  	s0 =	sor.u32 s1, s0  }
0xbd: {  	s0 =	sadd.s32 $0x8F2B, s0  }
0xbe: {  	[sflag:s0] =	ssyncadd.remote.s32 $0x1  }
0xbf: {  	_ =	sfence.sel $0xFFFF  }
0xc0: {  	[dreg:$0x0] =	wrdreg $0xFFFFFFFF;
	(pc) =	sbr.abs _section_cstart, $3  }
0xc1: {  	[dreg:$0x1] =	wrdreg $0xFFFFFFFF  }
0xc2: {  	_ =	task.clear_ibuf [dreg:s7], $0x2FFFF;
	_ =	strace $0x9FFFFFFF  }
0xc3: {  	(tm) =	ssettm $0x7FFFFFFF  }
tec
execute0_lowered:
.L_overlay_start_1:
0x0: {  	(tag) =	ssettag $0x1  }
0x1: {  	s0 =	srdreg.scid;
	s13 =	stileid.u32  }
0x2: {  	s3 =	rddreg [dreg:$0x1];
	s1 =	simm.s32 $0x0;
	s28 =	simm.s32 $0x3  }
0x3: {  	s29 =	simm.s32 $0x80;
	s30 =	simm.s32 $0x6800;
	s31 =	simm.s32 $0x2000  }
0x4: {  	s0 =	sand.u32 $0x1, s0;
	[smem:$0x7FF] =	sst s1;
	s4 =	sadd.s32 $0x3200, s3  }
0x5: {  	s5 =	sadd.s32 $0x17200, s3;
	s23 =	smul.u32 $0x14000, s13;
	s2 =	sshll.u32 s0, $0x4  }
0x6: {  	s6 =	ssub.s32 $0x2, s0;
	s0 =	smul.u32 $0x138800, s0;
	s2 =	sor.u32 s13, s2  }
0x7: {  	s3 =	sadd.s32 $0x2B200, s3;
	p0 =	seq.s32 s13, $0xF;
	s2 =	smul.u32 $0x5000, s2  }
0x8: {  	s7 =	sshrl.u32 s6, $0x1;
	s14 =	sadd.s32 $0x7800, s23;
	s10 =	sadd.s32 $0xA000, s23  }
0x9: {  	s11 =	sadd.s32 $0xF000, s23;
	s6 =	ssub.s32 s6, s7;
	s2 =	sshrl.u32 s2, $0x3  }
0xa: {  	s24 =	sadd.s32 s0, s23;
	s15 =	sadd.s32 s0, s14;
	s16 =	sadd.s32 s4, s2  }
0xb: {  	s17 =	sadd.s32 $0x200, s2;
	s8 =	sadd.s32 s5, s2;
	[dreg:$0x4] =	wrdreg s16  }
0xc: {  	s25 =	sshrl.u32 s24, $0x3;
	[dreg:$0x5] =	wrdreg s8;
	s18 =	sadd.s32 s4, s17  }
0xd: {  	s19 =	sadd.s32 $0x400, s2;
	s7 =	sadd.s32 s5, s17;
	[dreg:$0x6] =	wrdreg s18  }
0xe: {  	s6 =	smax.u32 s6, $0x1;
	s20 =	sadd.s32 s4, s19;
	[dreg:$0x7] =	wrdreg s7  }
0xf: {  	s22 =	sadd.s32 $0x600, s2;
	s21 =	sadd.s32 s5, s19;
	[dreg:$0x8] =	wrdreg s20  }
0x10: {  	s2 =	sadd.s32 $0x800, s2;
	s9 =	sadd.s32 s4, s22;
	[dreg:$0x9] =	wrdreg s21  }
0x11: {  	s4 =	sadd.s32 s4, s2;
	s2 =	sadd.s32 s5, s2;
	[dreg:$0xa] =	wrdreg s9  }
0x12: {  	s16 =	sshrl.u32 s15, $0x3;
	s17 =	sadd.s32 s0, s10;
	[dreg:$0xc] =	wrdreg s4  }
0x13: {  	s19 =	sadd.s32 $0xC800, s23;
	s7 =	sadd.s32 s5, s22;
	[dreg:$0xd] =	wrdreg s2  }
0x14: {  	s8 =	sadd.s32 $0x11800, s23;
	[dreg:$0xb] =	wrdreg s7;
	s7 =	sor.u32 $0x2800, s23  }
0x15: {  	s2 =	sadd.s32 s3, s25;
	s5 =	sadd.s32 $0x5000, s23;
	s26 =	sadd.s32 s0, s7  }
0x16: {  	s18 =	sshrl.u32 s17, $0x3;
	s20 =	rddreg [dreg:$0x0];
	s4 =	sshrl.u32 s26, $0x3  }
0x17: {  	[dreg:$0xe] =	wrdreg s2;
	s12 =	sadd.s32 s0, s5;
	s2 =	sadd.s32 s3, s4  }
0x18: {  	s22 =	sadd.s32 s0, s19;
	[dreg:$0xf] =	wrdreg s2;
	s2 =	sshrl.u32 s12, $0x3  }
0x19: {  	s24 =	sadd.s32 s0, s8;
	s21 =	rddreg [dreg:$0x2];
	s2 =	sadd.s32 s3, s2  }
0x1a: {  	s9 =	simm.s32 $0x2C00;
	[dreg:$0x10] =	wrdreg s2;
	s2 =	sadd.s32 s3, s16  }
0x1b: {  	s25 =	sshrl.u32 s24, $0x3;
	[dreg:$0x11] =	wrdreg s2;
	s2 =	sadd.s32 s3, s18  }
0x1c: {  	s12 =	sadd.s32 s0, s11;
	[dreg:$0x12] =	wrdreg s2;
	s2 =	sshrl.u32 s22, $0x3  }
0x1d: {  	s8 =	sadd.s32 s8, s21;
	s23 =	sshrl.u32 s12, $0x3;
	s2 =	sadd.s32 s3, s2  }
0x1e: {  	s26 =	smul.u32 $0x50000, s13;
	[dreg:$0x13] =	wrdreg s2;
	s2 =	sadd.s32 s3, s23  }
0x1f: {  	s0 =	sshrl.u32 s0, $0x3;
	[dreg:$0x14] =	wrdreg s2;
	s2 =	sadd.s32 s3, s25  }
0x20: {  	s4 =	sadd.s32 s14, s21;
	s0 =	sadd.s32 s3, s0;
	[dreg:$0x15] =	wrdreg s2  }
0x21: {  	s13 =	sadd.s32 $0x25800, s0;
	_ =	strace $0x80000047;
	[dreg:$0x16] =	wrdreg s6  }
0x22: {  	s12 =	sshrl.u32 s26, $0x2;
	s14 =	sadd.s32 $0x25D00, s0;
	[dreg:$0x17] =	wrdreg s13  }
0x23: {  	s24 =	sadd.s32 s12, s21;
	s15 =	sadd.s32 $0x26200, s0;
	[dreg:$0x18] =	wrdreg s14  }
0x24: {  	s16 =	sadd.s32 $0x26700, s0;
	s0 =	sadd.s32 $0x26C00, s0;
	[dreg:$0x19] =	wrdreg s15  }
0x25: {  	s17 =	sadd.s32 $0x2800, s24;
	s18 =	sadd.s32 $0x5000, s24;
	[dreg:$0x1a] =	wrdreg s16  }
0x26: {  	s26 =	sadd.s32 $0x11800, s24;
	s22 =	sadd.s32 $0xA000, s24;
	[dreg:$0x1b] =	wrdreg s0  }
0x27: {  	s23 =	sadd.s32 $0xC800, s24;
	s3 =	sadd.s32 s5, s21;
	[smem:$0x7F7] =	sst s17  }
0x28: {  	s5 =	sadd.s32 s10, s21;
	s25 =	sadd.s32 $0xF000, s24;
	[smem:$0x7F8] =	sst s18  }
0x29: {  	s10 =	simm.s32 $0x3C00;
	s2 =	sadd.s32 s7, s21;
	[smem:$0x7FA] =	sst s22  }
0x2a: {  	s7 =	sadd.s32 s11, s21;
	s11 =	simm.s32 $0x0;
	[smem:$0x7FB] =	sst s23  }
0x2b: {  	s6 =	sadd.s32 s19, s21;
	s0 =	sshrl.u32 @!p0 s2, $0x3;
	[smem:$0x7FC] =	sst s25  }
0x2c: {  	s19 =	sadd.s32 $0x7800, s24;
	[smem:$0x7FD] =	sst s26;
	s14 =	sadd.s32 $0x12E800, s21  }
0x2d: {  	s13 =	sadd.s32 $0x12C000, s21;
	s15 =	sadd.s32 $0x131000, s21;
	s16 =	sadd.s32 $0x133800, s21  }
0x2e: {  	s17 =	sadd.s32 $0x136000, s21;
	s18 =	simm.s32 $0x1000;
	s22 =	simm.s32 $0x5  }
0x2f: {  	s23 =	simm.s32 $0x1;
	s25 =	simm.s32 $0x50;
	[dreg:$0x1c] =	wrdreg s0  }
0x30: {  	s26 =	simm.s32 $0x4000;
	s0 =	sshrl.u32 @!p0 s3, $0x3;
	[smem:$0x7F9] =	sst s19  }
0x31: {  	s2 =	simm.s32 $0x6;
	[dreg:$0x1d] =	wrdreg s0;
	s0 =	sshrl.u32 @!p0 s4, $0x3  }
0x32: {  	s19 =	simm.s32 $0x3000;
	[dreg:$0x1e] =	wrdreg s0;
	s0 =	sshrl.u32 @!p0 s5, $0x3  }
0x33: {  	s3 =	simm.s32 $0x1B80;
	[dreg:$0x1f] =	wrdreg s0;
	s0 =	sshrl.u32 @!p0 s6, $0x3  }
0x34: {  	s4 =	simm.s32 $0xC00;
	[smem:$0x7F4] =	sst s0;
	s0 =	sshrl.u32 @!p0 s7, $0x3  }
0x35: {  	s5 =	simm.s32 $0x1C00;
	[smem:$0x7F5] =	sst s0;
	s0 =	sshrl.u32 @!p0 s8, $0x3  }
0x36: {  	v0 =	vimm.f32 $0.0e+00;
	s6 =	simm.s32 $0x2;
	[smem:$0x7F6] =	sst s0;
	s0 =	simm.s32 $0x4  }
.LBB2_1:
0x37: {  	s7 =	rddreg [dreg:$0x4]  }
0x38: {  	[tilespmem:s1], [sflag:$0x1] =	stream.linear.gather [hbm4b:s7+s1], $0xC80, $0x38;
	[tilespmem:$0x1C880] =	vst v63  }
0x39: {  	s12 =	rddreg [dreg:$0x5]  }
0x3a: {  	[tilespmem:s18], [sflag:$0x1] =	stream.linear.gather [hbm4b:s12+s1], $0xC80, $0x38;
	[tilespmem:$0x1C880] =	vst v63  }
0x3b: {  	s7 =	simm.s32 $0x3C0;
	s12 =	simm.s32 $0x70  }
.LBB2_2:
0x3c: {  	p1 =	sne.s32 s7, $0x9FC0;
	[tilespmem:s12+$0x4000] =	vst v0  }
0x3d: {  	[tilespmem:s12+$0x3F90] =	vst v0  }
0x3e: {  	[tilespmem:s12+$0x3FA0] =	vst v0  }
.Ltmp0:
0x3f: {  	[tilespmem:s12+$0x3FB0] =	vst v0;
	(pc) =	sbr.rel @p1 .LBB2_2-.Ltmp0, $4  }
0x40: {  	[tilespmem:s12+$0x3FC0] =	vst v0  }
0x41: {  	[tilespmem:s12+$0x3FD0] =	vst v0  }
0x42: {  	[tilespmem:s12+$0x3FE0] =	vst v0  }
0x43: {  	[tilespmem:s12+$0x3FF0] =	vst v0;
	s12 =	sshra.s32 s7, $0x2;
	s7 =	sadd.s32 $0x200, s7  }
0x44: {  	[tilespmem:s12+$0x4000] =	vst v0  }
0x45: {  	[tilespmem:s12+$0x3F90] =	vst v0  }
0x46: {  	[tilespmem:s12+$0x3FA0] =	vst v0  }
0x47: {  	[tilespmem:s12+$0x3FB0] =	vst v0  }
0x48: {  	[tilespmem:s12+$0x3FC0] =	vst v0  }
0x49: {  	[tilespmem:s12+$0x3FD0] =	vst v0  }
0x4a: {  	[tilespmem:s12+$0x3FE0] =	vst v0  }
0x4b: {  	[tilespmem:s12+$0x3FF0] =	vst v0;
	s7 =	simm.s32 @p0 $0x4000  }
0x4c: {  	[spmem:s13] =	stream.linear.scatter @p0 [tilespmem:s7], [sflag:$0x5], $0x2800, $0x38;
	[tilespmem:$0x1C880] =	vst v63  }
0x4d: {  	_ = 	snop  }
0x4e: {  	[spmem:s14] =	stream.linear.scatter @p0 [tilespmem:s7], [sflag:$0x5], $0x2800, $0x38;
	[tilespmem:$0x1C880] =	vst v63  }
0x4f: {  	_ = 	snop  }
0x50: {  	[spmem:s15] =	stream.linear.scatter @p0 [tilespmem:s7], [sflag:$0x5], $0x2800, $0x38;
	[tilespmem:$0x1C880] =	vst v63  }
0x51: {  	_ = 	snop  }
0x52: {  	[spmem:s16] =	stream.linear.scatter @p0 [tilespmem:s7], [sflag:$0x5], $0x2800, $0x38;
	[tilespmem:$0x1C880] =	vst v63  }
0x53: {  	_ = 	snop  }
0x54: {  	[spmem:s17] =	stream.linear.scatter @p0 [tilespmem:s7], [sflag:$0x5], $0x2800, $0x38;
	[tilespmem:$0x1C880] =	vst v63  }
0x55: {  	s8 =	sld [smem:$0x7F7];
	s7 =	simm.s32 @!p0 $0x4000  }
0x56: {  	[spmem:s24] =	stream.linear.scatter @!p0 [tilespmem:s7], [sflag:$0x5], $0x2800, $0x38;
	[tilespmem:$0x1C880] =	vst v63  }
0x57: {  	_ = 	snop  }
0x58: {  	[spmem:s8] =	stream.linear.scatter @!p0 [tilespmem:s7], [sflag:$0x5], $0x2800, $0x38;
	[tilespmem:$0x1C880] =	vst v63  }
0x59: {  	s8 =	sld [smem:$0x7F8];
	_ =	sdelay $0x2  }
0x5a: {  	[spmem:s8] =	stream.linear.scatter @!p0 [tilespmem:s7], [sflag:$0x5], $0x2800, $0x38;
	[tilespmem:$0x1C880] =	vst v63  }
0x5b: {  	s8 =	sld [smem:$0x7F9];
	_ =	sdelay $0x2  }
0x5c: {  	[spmem:s8] =	stream.linear.scatter @!p0 [tilespmem:s7], [sflag:$0x5], $0x2800, $0x38;
	[tilespmem:$0x1C880] =	vst v63  }
0x5d: {  	s8 =	sld [smem:$0x7FA];
	_ =	sdelay $0x2  }
0x5e: {  	[spmem:s8] =	stream.linear.scatter @!p0 [tilespmem:s7], [sflag:$0x5], $0x2800, $0x38;
	[tilespmem:$0x1C880] =	vst v63  }
0x5f: {  	s8 =	sld [smem:$0x7FB];
	_ =	sdelay $0x2  }
0x60: {  	[spmem:s8] =	stream.linear.scatter @!p0 [tilespmem:s7], [sflag:$0x5], $0x2800, $0x38;
	[tilespmem:$0x1C880] =	vst v63  }
0x61: {  	s8 =	sld [smem:$0x7FC];
	_ =	sdelay $0x2  }
0x62: {  	[spmem:s8] =	stream.linear.scatter @!p0 [tilespmem:s7], [sflag:$0x5], $0x2800, $0x38;
	[tilespmem:$0x1C880] =	vst v63  }
0x63: {  	s8 =	sld [smem:$0x7FD];
	_ =	sdelay $0x2  }
0x64: {  	[spmem:s8] =	stream.linear.scatter @!p0 [tilespmem:s7], [sflag:$0x5], $0x2800, $0x38;
	[tilespmem:$0x1C880] =	vst v63  }
0x65: {  	s7 =	simm.s32 @!p0 $0x5  }
0x66: {  	_ =	swait.ge @!p0 [sflag:s7], $0x2800  }
0x67: {  	[sflag:s7] =	ssyncset.done @!p0 $0x0  }
0x68: {  	[sflag:s7] =	ssyncadd.s32 @!p0 $0xFFFFD800  }
0x69: {  	_ =	swait.ge @!p0 [sflag:s7], $0x2800  }
0x6a: {  	[sflag:s7] =	ssyncset.done @!p0 $0x0  }
0x6b: {  	[sflag:s7] =	ssyncadd.s32 @!p0 $0xFFFFD800  }
0x6c: {  	_ =	swait.ge @!p0 [sflag:s7], $0x2800  }
0x6d: {  	[sflag:s7] =	ssyncset.done @!p0 $0x0  }
0x6e: {  	[sflag:s7] =	ssyncadd.s32 @!p0 $0xFFFFD800  }
0x6f: {  	_ =	swait.ge [sflag:s22], $0x2800  }
0x70: {  	[sflag:s22] =	ssyncset.done $0x0  }
0x71: {  	[sflag:s22] =	ssyncadd.s32 $0xFFFFD800  }
0x72: {  	_ =	swait.ge [sflag:s22], $0x2800  }
0x73: {  	[sflag:s22] =	ssyncset.done $0x0  }
0x74: {  	[sflag:s22] =	ssyncadd.s32 $0xFFFFD800  }
0x75: {  	_ =	swait.ge [sflag:s22], $0x2800  }
0x76: {  	[sflag:s22] =	ssyncset.done $0x0  }
0x77: {  	[sflag:s22] =	ssyncadd.s32 $0xFFFFD800  }
0x78: {  	_ =	swait.ge [sflag:s22], $0x2800  }
0x79: {  	[sflag:s22] =	ssyncset.done $0x0  }
0x7a: {  	[sflag:s22] =	ssyncadd.s32 $0xFFFFD800  }
0x7b: {  	_ =	swait.ge [sflag:s22], $0x2800  }
0x7c: {  	[sflag:s22] =	ssyncset.done $0x0  }
0x7d: {  	[sflag:s22] =	ssyncadd.s32 $0xFFFFD800  }
0x7e: {  	[bflag:$0x0] =	sbarrier.arrive $0xFFFF  }
0x7f: {  	_ =	swait.ge [sflag:s23], $0xC80  }
0x80: {  	[sflag:s23] =	ssyncset.done $0x0  }
0x81: {  	[sflag:s23] =	ssyncadd.s32 $0xFFFFF380  }
0x82: {  	_ =	swait.ge [sflag:s23], $0xC80  }
0x83: {  	[sflag:s23] =	ssyncset.done $0x0  }
0x84: {  	[sflag:s23] =	ssyncadd.s32 $0xFFFFF380  }
0x85: {  	[tilespmem:s26], [sflag:$0x3] =	stream.indirect.gather [hbm4b:s20+s25], $0x80, s1, s25, $0xb8;
	[tilespmem:$0x1C880] =	vst v63  }
0x86: {  	_ =	swait.ge [sflag:s28], $0x2800  }
0x87: {  	[sflag:s28] =	ssyncset.done $0x0  }
0x88: {  	[sflag:s28] =	ssyncadd.s32 $0xFFFFD800  }
0x89: {  	[spmem:s21] =	stream.indirect.scatter.add.f32 [tilespmem:s26], [sflag:$0x5], $0x80, s18, s25, $0xb8;
	[tilespmem:$0x1C880] =	vst v63  }
0x8a: {  	_ = 	snop  }
0x8b: {  	[tilespmem:s30], [sflag:$0x4] =	stream.indirect.gather [hbm4b:s20+s25], $0x80, s29, s25, $0xb8;
	[tilespmem:$0x1C880] =	vst v63  }
0x8c: {  	s12 =	rddreg [dreg:$0x6]  }
0x8d: {  	[tilespmem:s31], [sflag:$0x2] =	stream.linear.gather [hbm4b:s12+s1], $0xC80, $0x38;
	[tilespmem:$0x1C880] =	vst v63  }
0x8e: {  	s8 =	rddreg [dreg:$0x7]  }
0x8f: {  	[tilespmem:s19], [sflag:$0x2] =	stream.linear.gather [hbm4b:s8+s1], $0xC80, $0x38;
	[tilespmem:$0x1C880] =	vst v63  }
0x90: {  	_ =	swait.ge [sflag:s0], $0x2800  }
0x91: {  	[sflag:s0] =	ssyncset.done $0x0  }
0x92: {  	s12 =	simm.s32 $0x1080;
	[sflag:s0] =	ssyncadd.s32 $0xFFFFD800  }
0x93: {  	[spmem:s21] =	stream.indirect.scatter.add.f32 [tilespmem:s30], [sflag:$0x6], $0x80, s12, s25, $0xb8;
	[tilespmem:$0x1C880] =	vst v63  }
0x94: {  	_ =	swait.ge [sflag:s22], $0x2800  }
0x95: {  	[sflag:s22] =	ssyncset.done $0x0  }
0x96: {  	s8 =	simm.s32 $0x100;
	[sflag:s22] =	ssyncadd.s32 $0xFFFFD800  }
0x97: {  	[tilespmem:s26], [sflag:$0x3] =	stream.indirect.gather [hbm4b:s20+s25], $0x80, s8, s25, $0xb8;
	[tilespmem:$0x1C880] =	vst v63  }
0x98: {  	_ =	swait.ge [sflag:s28], $0x2800  }
0x99: {  	[sflag:s28] =	ssyncset.done $0x0  }
0x9a: {  	s12 =	simm.s32 $0x1100;
	[sflag:s28] =	ssyncadd.s32 $0xFFFFD800  }
0x9b: {  	[spmem:s21] =	stream.indirect.scatter.add.f32 [tilespmem:s26], [sflag:$0x5], $0x80, s12, s25, $0xb8;
	[tilespmem:$0x1C880] =	vst v63  }
0x9c: {  	_ =	swait.ge [sflag:s2], $0x2800  }
0x9d: {  	[sflag:s2] =	ssyncset.done $0x0  }
0x9e: {  	s7 =	simm.s32 $0x180;
	s12 =	simm.s32 $0xFFFFD800;
	[sflag:s2] =	ssyncadd.s32 $0xFFFFD800  }
.LBB2_4:
0x9f: {  	[tilespmem:s30], [sflag:$0x4] =	stream.indirect.gather [hbm4b:s20+s25], $0x80, s7, s25, $0xb8;
	[tilespmem:$0x1C880] =	vst v63  }
0xa0: {  	s7 =	smov.u32 s12  }
0xa1: {  	p1 =	sne.s32 s12, $0xFFFFFC00;
	s12 =	sadd.s32 $0x400, s12;
	_ =	swait.ge [sflag:s0], $0x2800  }
0xa2: {  	s7 =	sshra.s32 s7, $0x2;
	[sflag:s0] =	ssyncset.done $0x0  }
0xa3: {  	s8 =	sadd.s32 $0x1B80, s7;
	[sflag:s0] =	ssyncadd.s32 $0xFFFFD800  }
0xa4: {  	[spmem:s21] =	stream.indirect.scatter.add.f32 [tilespmem:s30], [sflag:$0x6], $0x80, s8, s25, $0xb8;
	[tilespmem:$0x1C880] =	vst v63  }
0xa5: {  	_ =	swait.ge [sflag:s22], $0x2800  }
0xa6: {  	[sflag:s22] =	ssyncset.done $0x0  }
0xa7: {  	s8 =	sadd.s32 $0xC00, s7;
	[sflag:s22] =	ssyncadd.s32 $0xFFFFD800  }
0xa8: {  	[tilespmem:s26], [sflag:$0x3] =	stream.indirect.gather [hbm4b:s20+s25], $0x80, s8, s25, $0xb8;
	[tilespmem:$0x1C880] =	vst v63  }
0xa9: {  	_ =	swait.ge [sflag:s28], $0x2800  }
0xaa: {  	[sflag:s28] =	ssyncset.done $0x0  }
.Ltmp1:
0xab: {  	s8 =	sadd.s32 $0x1C00, s7;
	[sflag:s28] =	ssyncadd.s32 $0xFFFFD800;
	(pc) =	sbr.rel @p1 .LBB2_4-.Ltmp1, $4  }
0xac: {  	[spmem:s21] =	stream.indirect.scatter.add.f32 [tilespmem:s26], [sflag:$0x5], $0x80, s8, s25, $0xb8;
	[tilespmem:$0x1C880] =	vst v63  }
0xad: {  	_ =	swait.ge [sflag:s2], $0x2800  }
0xae: {  	[sflag:s2] =	ssyncset.done $0x0  }
0xaf: {  	s7 =	sadd.s32 $0xC80, s7;
	[sflag:s2] =	ssyncadd.s32 $0xFFFFD800  }
0xb0: {  	[tilespmem:s30], [sflag:$0x4] =	stream.indirect.gather [hbm4b:s20+s25], $0x80, s7, s25, $0xb8;
	[tilespmem:$0x1C880] =	vst v63  }
0xb1: {  	_ =	swait.ge [sflag:s0], $0x2800  }
0xb2: {  	[sflag:s0] =	ssyncset.done $0x0  }
0xb3: {  	[sflag:s0] =	ssyncadd.s32 $0xFFFFD800  }
0xb4: {  	[spmem:s21] =	stream.indirect.scatter.add.f32 [tilespmem:s30], [sflag:$0x6], $0x80, s3, s25, $0xb8;
	[tilespmem:$0x1C880] =	vst v63  }
0xb5: {  	_ =	swait.ge [sflag:s22], $0x2800  }
0xb6: {  	[sflag:s22] =	ssyncset.done $0x0  }
0xb7: {  	[sflag:s22] =	ssyncadd.s32 $0xFFFFD800  }
0xb8: {  	[tilespmem:s26], [sflag:$0x3] =	stream.indirect.gather [hbm4b:s20+s25], $0x80, s4, s25, $0xb8;
	[tilespmem:$0x1C880] =	vst v63  }
0xb9: {  	_ =	swait.ge [sflag:s28], $0x2800  }
0xba: {  	[sflag:s28] =	ssyncset.done $0x0  }
0xbb: {  	[sflag:s28] =	ssyncadd.s32 $0xFFFFD800  }
0xbc: {  	[spmem:s21] =	stream.indirect.scatter.add.f32 [tilespmem:s26], [sflag:$0x5], $0x80, s5, s25, $0xb8;
	[tilespmem:$0x1C880] =	vst v63  }
0xbd: {  	_ =	swait.ge [sflag:s2], $0x2800  }
0xbe: {  	[sflag:s2] =	ssyncset.done $0x0  }
0xbf: {  	[sflag:s2] =	ssyncadd.s32 $0xFFFFD800  }
0xc0: {  	_ =	swait.ge [sflag:s6], $0xC80  }
0xc1: {  	[sflag:s6] =	ssyncset.done $0x0  }
0xc2: {  	[sflag:s6] =	ssyncadd.s32 $0xFFFFF380  }
0xc3: {  	_ =	swait.ge [sflag:s6], $0xC80  }
0xc4: {  	[sflag:s6] =	ssyncset.done $0x0  }
0xc5: {  	[sflag:s6] =	ssyncadd.s32 $0xFFFFF380  }
0xc6: {  	[tilespmem:s30], [sflag:$0x4] =	stream.indirect.gather [hbm4b:s20+s25], $0x80, s31, s25, $0xb8;
	[tilespmem:$0x1C880] =	vst v63  }
0xc7: {  	_ =	swait.ge [sflag:s0], $0x2800  }
0xc8: {  	[sflag:s0] =	ssyncset.done $0x0  }
0xc9: {  	[sflag:s0] =	ssyncadd.s32 $0xFFFFD800  }
0xca: {  	[spmem:s21] =	stream.indirect.scatter.add.f32 [tilespmem:s30], [sflag:$0x6], $0x80, s19, s25, $0xb8;
	[tilespmem:$0x1C880] =	vst v63  }
0xcb: {  	_ =	swait.ge [sflag:s22], $0x2800  }
0xcc: {  	[sflag:s22] =	ssyncset.done $0x0  }
0xcd: {  	s8 =	simm.s32 $0x2080;
	[sflag:s22] =	ssyncadd.s32 $0xFFFFD800  }
0xce: {  	[tilespmem:s26], [sflag:$0x3] =	stream.indirect.gather [hbm4b:s20+s25], $0x80, s8, s25, $0xb8;
	[tilespmem:$0x1C880] =	vst v63  }
0xcf: {  	s12 =	rddreg [dreg:$0x8]  }
0xd0: {  	[tilespmem:s1], [sflag:$0x1] =	stream.linear.gather [hbm4b:s12+s1], $0xC80, $0x38;
	[tilespmem:$0x1C880] =	vst v63  }
0xd1: {  	s8 =	rddreg [dreg:$0x9]  }
0xd2: {  	[tilespmem:s18], [sflag:$0x1] =	stream.linear.gather [hbm4b:s8+s1], $0xC80, $0x38;
	[tilespmem:$0x1C880] =	vst v63  }
0xd3: {  	_ =	swait.ge [sflag:s28], $0x2800  }
0xd4: {  	[sflag:s28] =	ssyncset.done $0x0  }
0xd5: {  	s12 =	simm.s32 $0x3080;
	[sflag:s28] =	ssyncadd.s32 $0xFFFFD800  }
0xd6: {  	[spmem:s21] =	stream.indirect.scatter.add.f32 [tilespmem:s26], [sflag:$0x5], $0x80, s12, s25, $0xb8;
	[tilespmem:$0x1C880] =	vst v63  }
0xd7: {  	_ =	swait.ge [sflag:s2], $0x2800  }
0xd8: {  	[sflag:s2] =	ssyncset.done $0x0  }
0xd9: {  	s8 =	simm.s32 $0x2100;
	[sflag:s2] =	ssyncadd.s32 $0xFFFFD800  }
0xda: {  	[tilespmem:s30], [sflag:$0x4] =	stream.indirect.gather [hbm4b:s20+s25], $0x80, s8, s25, $0xb8;
	[tilespmem:$0x1C880] =	vst v63  }
0xdb: {  	_ =	swait.ge [sflag:s0], $0x2800  }
0xdc: {  	[sflag:s0] =	ssyncset.done $0x0  }
0xdd: {  	s12 =	simm.s32 $0x3100;
	[sflag:s0] =	ssyncadd.s32 $0xFFFFD800  }
0xde: {  	[spmem:s21] =	stream.indirect.scatter.add.f32 [tilespmem:s30], [sflag:$0x6], $0x80, s12, s25, $0xb8;
	[tilespmem:$0x1C880] =	vst v63  }
0xdf: {  	_ =	swait.ge [sflag:s22], $0x2800  }
0xe0: {  	[sflag:s22] =	ssyncset.done $0x0  }
0xe1: {  	s7 =	simm.s32 $0x2180;
	s12 =	simm.s32 $0xFFFFD800;
	[sflag:s22] =	ssyncadd.s32 $0xFFFFD800  }
.LBB2_6:
0xe2: {  	[tilespmem:s26], [sflag:$0x3] =	stream.indirect.gather [hbm4b:s20+s25], $0x80, s7, s25, $0xb8;
	[tilespmem:$0x1C880] =	vst v63  }
0xe3: {  	s7 =	smov.u32 s12  }
0xe4: {  	p1 =	sne.s32 s12, $0xFFFFFC00;
	s12 =	sadd.s32 $0x400, s12;
	_ =	swait.ge [sflag:s28], $0x2800  }
0xe5: {  	s7 =	sshra.s32 s7, $0x2;
	[sflag:s28] =	ssyncset.done $0x0  }
0xe6: {  	s8 =	sadd.s32 $0x3B80, s7;
	[sflag:s28] =	ssyncadd.s32 $0xFFFFD800  }
0xe7: {  	[spmem:s21] =	stream.indirect.scatter.add.f32 [tilespmem:s26], [sflag:$0x5], $0x80, s8, s25, $0xb8;
	[tilespmem:$0x1C880] =	vst v63  }
0xe8: {  	_ =	swait.ge [sflag:s2], $0x2800  }
0xe9: {  	[sflag:s2] =	ssyncset.done $0x0  }
0xea: {  	s8 =	sadd.s32 $0x2C00, s7;
	[sflag:s2] =	ssyncadd.s32 $0xFFFFD800  }
0xeb: {  	[tilespmem:s30], [sflag:$0x4] =	stream.indirect.gather [hbm4b:s20+s25], $0x80, s8, s25, $0xb8;
	[tilespmem:$0x1C880] =	vst v63  }
0xec: {  	_ =	swait.ge [sflag:s0], $0x2800  }
0xed: {  	[sflag:s0] =	ssyncset.done $0x0  }
.Ltmp2:
0xee: {  	s8 =	sadd.s32 $0x3C00, s7;
	[sflag:s0] =	ssyncadd.s32 $0xFFFFD800;
	(pc) =	sbr.rel @p1 .LBB2_6-.Ltmp2, $4  }
0xef: {  	[spmem:s21] =	stream.indirect.scatter.add.f32 [tilespmem:s30], [sflag:$0x6], $0x80, s8, s25, $0xb8;
	[tilespmem:$0x1C880] =	vst v63  }
0xf0: {  	_ =	swait.ge [sflag:s22], $0x2800  }
0xf1: {  	[sflag:s22] =	ssyncset.done $0x0  }
0xf2: {  	s7 =	sadd.s32 $0x2C80, s7;
	[sflag:s22] =	ssyncadd.s32 $0xFFFFD800  }
0xf3: {  	[tilespmem:s26], [sflag:$0x3] =	stream.indirect.gather [hbm4b:s20+s25], $0x80, s7, s25, $0xb8;
	[tilespmem:$0x1C880] =	vst v63  }
0xf4: {  	_ =	swait.ge [sflag:s28], $0x2800  }
0xf5: {  	[sflag:s28] =	ssyncset.done $0x0  }
0xf6: {  	s8 =	simm.s32 $0x3B80;
	[sflag:s28] =	ssyncadd.s32 $0xFFFFD800  }
0xf7: {  	[spmem:s21] =	stream.indirect.scatter.add.f32 [tilespmem:s26], [sflag:$0x5], $0x80, s8, s25, $0xb8;
	[tilespmem:$0x1C880] =	vst v63  }
0xf8: {  	_ =	swait.ge [sflag:s2], $0x2800  }
0xf9: {  	[sflag:s2] =	ssyncset.done $0x0  }
0xfa: {  	[sflag:s2] =	ssyncadd.s32 $0xFFFFD800  }
0xfb: {  	[tilespmem:s30], [sflag:$0x4] =	stream.indirect.gather [hbm4b:s20+s25], $0x80, s9, s25, $0xb8;
	[tilespmem:$0x1C880] =	vst v63  }
0xfc: {  	_ =	swait.ge [sflag:s0], $0x2800  }
0xfd: {  	[sflag:s0] =	ssyncset.done $0x0  }
0xfe: {  	[sflag:s0] =	ssyncadd.s32 $0xFFFFD800  }
0xff: {  	[spmem:s21] =	stream.indirect.scatter.add.f32 [tilespmem:s30], [sflag:$0x6], $0x80, s10, s25, $0xb8;
	[tilespmem:$0x1C880] =	vst v63  }
0x100: {  	_ =	swait.ge [sflag:s22], $0x2800  }
0x101: {  	[sflag:s22] =	ssyncset.done $0x0  }
0x102: {  	[sflag:s22] =	ssyncadd.s32 $0xFFFFD800  }
0x103: {  	_ =	swait.ge [sflag:s23], $0xC80  }
0x104: {  	[sflag:s23] =	ssyncset.done $0x0  }
0x105: {  	[sflag:s23] =	ssyncadd.s32 $0xFFFFF380  }
0x106: {  	_ =	swait.ge [sflag:s23], $0xC80  }
0x107: {  	[sflag:s23] =	ssyncset.done $0x0  }
0x108: {  	[sflag:s23] =	ssyncadd.s32 $0xFFFFF380  }
0x109: {  	[tilespmem:s26], [sflag:$0x3] =	stream.indirect.gather [hbm4b:s20+s25], $0x80, s1, s25, $0xb8;
	[tilespmem:$0x1C880] =	vst v63  }
0x10a: {  	_ =	swait.ge [sflag:s28], $0x2800  }
0x10b: {  	[sflag:s28] =	ssyncset.done $0x0  }
0x10c: {  	[sflag:s28] =	ssyncadd.s32 $0xFFFFD800  }
0x10d: {  	[spmem:s21] =	stream.indirect.scatter.add.f32 [tilespmem:s26], [sflag:$0x5], $0x80, s18, s25, $0xb8;
	[tilespmem:$0x1C880] =	vst v63  }
0x10e: {  	_ =	swait.ge [sflag:s2], $0x2800  }
0x10f: {  	[sflag:s2] =	ssyncset.done $0x0  }
0x110: {  	[sflag:s2] =	ssyncadd.s32 $0xFFFFD800  }
0x111: {  	[tilespmem:s30], [sflag:$0x4] =	stream.indirect.gather [hbm4b:s20+s25], $0x80, s29, s25, $0xb8;
	[tilespmem:$0x1C880] =	vst v63  }
0x112: {  	s12 =	rddreg [dreg:$0xa]  }
0x113: {  	[tilespmem:s31], [sflag:$0x2] =	stream.linear.gather [hbm4b:s12+s1], $0xC80, $0x38;
	[tilespmem:$0x1C880] =	vst v63  }
0x114: {  	s8 =	rddreg [dreg:$0xb]  }
0x115: {  	[tilespmem:s19], [sflag:$0x2] =	stream.linear.gather [hbm4b:s8+s1], $0xC80, $0x38;
	[tilespmem:$0x1C880] =	vst v63  }
0x116: {  	_ =	swait.ge [sflag:s0], $0x2800  }
0x117: {  	[sflag:s0] =	ssyncset.done $0x0  }
0x118: {  	s12 =	simm.s32 $0x1080;
	[sflag:s0] =	ssyncadd.s32 $0xFFFFD800  }
0x119: {  	[spmem:s21] =	stream.indirect.scatter.add.f32 [tilespmem:s30], [sflag:$0x6], $0x80, s12, s25, $0xb8;
	[tilespmem:$0x1C880] =	vst v63  }
0x11a: {  	_ =	swait.ge [sflag:s22], $0x2800  }
0x11b: {  	[sflag:s22] =	ssyncset.done $0x0  }
0x11c: {  	s8 =	simm.s32 $0x100;
	[sflag:s22] =	ssyncadd.s32 $0xFFFFD800  }
0x11d: {  	[tilespmem:s26], [sflag:$0x3] =	stream.indirect.gather [hbm4b:s20+s25], $0x80, s8, s25, $0xb8;
	[tilespmem:$0x1C880] =	vst v63  }
0x11e: {  	_ =	swait.ge [sflag:s28], $0x2800  }
0x11f: {  	[sflag:s28] =	ssyncset.done $0x0  }
0x120: {  	s12 =	simm.s32 $0x1100;
	[sflag:s28] =	ssyncadd.s32 $0xFFFFD800  }
0x121: {  	[spmem:s21] =	stream.indirect.scatter.add.f32 [tilespmem:s26], [sflag:$0x5], $0x80, s12, s25, $0xb8;
	[tilespmem:$0x1C880] =	vst v63  }
0x122: {  	_ =	swait.ge [sflag:s2], $0x2800  }
0x123: {  	[sflag:s2] =	ssyncset.done $0x0  }
0x124: {  	s7 =	simm.s32 $0x180;
	s12 =	simm.s32 $0xFFFFD800;
	[sflag:s2] =	ssyncadd.s32 $0xFFFFD800  }
.LBB2_8:
0x125: {  	[tilespmem:s30], [sflag:$0x4] =	stream.indirect.gather [hbm4b:s20+s25], $0x80, s7, s25, $0xb8;
	[tilespmem:$0x1C880] =	vst v63  }
0x126: {  	s7 =	smov.u32 s12  }
0x127: {  	p1 =	sne.s32 s12, $0xFFFFFC00;
	s12 =	sadd.s32 $0x400, s12;
	_ =	swait.ge [sflag:s0], $0x2800  }
0x128: {  	s7 =	sshra.s32 s7, $0x2;
	[sflag:s0] =	ssyncset.done $0x0  }
0x129: {  	s8 =	sadd.s32 $0x1B80, s7;
	[sflag:s0] =	ssyncadd.s32 $0xFFFFD800  }
0x12a: {  	[spmem:s21] =	stream.indirect.scatter.add.f32 [tilespmem:s30], [sflag:$0x6], $0x80, s8, s25, $0xb8;
	[tilespmem:$0x1C880] =	vst v63  }
0x12b: {  	_ =	swait.ge [sflag:s22], $0x2800  }
0x12c: {  	[sflag:s22] =	ssyncset.done $0x0  }
0x12d: {  	s8 =	sadd.s32 $0xC00, s7;
	[sflag:s22] =	ssyncadd.s32 $0xFFFFD800  }
0x12e: {  	[tilespmem:s26], [sflag:$0x3] =	stream.indirect.gather [hbm4b:s20+s25], $0x80, s8, s25, $0xb8;
	[tilespmem:$0x1C880] =	vst v63  }
0x12f: {  	_ =	swait.ge [sflag:s28], $0x2800  }
0x130: {  	[sflag:s28] =	ssyncset.done $0x0  }
.Ltmp3:
0x131: {  	s8 =	sadd.s32 $0x1C00, s7;
	[sflag:s28] =	ssyncadd.s32 $0xFFFFD800;
	(pc) =	sbr.rel @p1 .LBB2_8-.Ltmp3, $4  }
0x132: {  	[spmem:s21] =	stream.indirect.scatter.add.f32 [tilespmem:s26], [sflag:$0x5], $0x80, s8, s25, $0xb8;
	[tilespmem:$0x1C880] =	vst v63  }
0x133: {  	_ =	swait.ge [sflag:s2], $0x2800  }
0x134: {  	[sflag:s2] =	ssyncset.done $0x0  }
0x135: {  	s7 =	sadd.s32 $0xC80, s7;
	[sflag:s2] =	ssyncadd.s32 $0xFFFFD800  }
0x136: {  	[tilespmem:s30], [sflag:$0x4] =	stream.indirect.gather [hbm4b:s20+s25], $0x80, s7, s25, $0xb8;
	[tilespmem:$0x1C880] =	vst v63  }
0x137: {  	_ =	swait.ge [sflag:s0], $0x2800  }
0x138: {  	[sflag:s0] =	ssyncset.done $0x0  }
0x139: {  	[sflag:s0] =	ssyncadd.s32 $0xFFFFD800  }
0x13a: {  	[spmem:s21] =	stream.indirect.scatter.add.f32 [tilespmem:s30], [sflag:$0x6], $0x80, s3, s25, $0xb8;
	[tilespmem:$0x1C880] =	vst v63  }
0x13b: {  	_ =	swait.ge [sflag:s22], $0x2800  }
0x13c: {  	[sflag:s22] =	ssyncset.done $0x0  }
0x13d: {  	[sflag:s22] =	ssyncadd.s32 $0xFFFFD800  }
0x13e: {  	[tilespmem:s26], [sflag:$0x3] =	stream.indirect.gather [hbm4b:s20+s25], $0x80, s4, s25, $0xb8;
	[tilespmem:$0x1C880] =	vst v63  }
0x13f: {  	_ =	swait.ge [sflag:s28], $0x2800  }
0x140: {  	[sflag:s28] =	ssyncset.done $0x0  }
0x141: {  	[sflag:s28] =	ssyncadd.s32 $0xFFFFD800  }
0x142: {  	[spmem:s21] =	stream.indirect.scatter.add.f32 [tilespmem:s26], [sflag:$0x5], $0x80, s5, s25, $0xb8;
	[tilespmem:$0x1C880] =	vst v63  }
0x143: {  	_ =	swait.ge [sflag:s2], $0x2800  }
0x144: {  	[sflag:s2] =	ssyncset.done $0x0  }
0x145: {  	[sflag:s2] =	ssyncadd.s32 $0xFFFFD800  }
0x146: {  	_ =	swait.ge [sflag:s6], $0xC80  }
0x147: {  	[sflag:s6] =	ssyncset.done $0x0  }
0x148: {  	[sflag:s6] =	ssyncadd.s32 $0xFFFFF380  }
0x149: {  	_ =	swait.ge [sflag:s6], $0xC80  }
0x14a: {  	[sflag:s6] =	ssyncset.done $0x0  }
0x14b: {  	[sflag:s6] =	ssyncadd.s32 $0xFFFFF380  }
0x14c: {  	[tilespmem:s30], [sflag:$0x4] =	stream.indirect.gather [hbm4b:s20+s25], $0x80, s31, s25, $0xb8;
	[tilespmem:$0x1C880] =	vst v63  }
0x14d: {  	_ =	swait.ge [sflag:s0], $0x2800  }
0x14e: {  	[sflag:s0] =	ssyncset.done $0x0  }
0x14f: {  	[sflag:s0] =	ssyncadd.s32 $0xFFFFD800  }
0x150: {  	[spmem:s21] =	stream.indirect.scatter.add.f32 [tilespmem:s30], [sflag:$0x6], $0x80, s19, s25, $0xb8;
	[tilespmem:$0x1C880] =	vst v63  }
0x151: {  	_ =	swait.ge [sflag:s22], $0x2800  }
0x152: {  	[sflag:s22] =	ssyncset.done $0x0  }
0x153: {  	s8 =	simm.s32 $0x2080;
	[sflag:s22] =	ssyncadd.s32 $0xFFFFD800  }
0x154: {  	[tilespmem:s26], [sflag:$0x3] =	stream.indirect.gather [hbm4b:s20+s25], $0x80, s8, s25, $0xb8;
	[tilespmem:$0x1C880] =	vst v63  }
0x155: {  	s12 =	rddreg [dreg:$0xc]  }
0x156: {  	[tilespmem:s1], [sflag:$0x1] =	stream.linear.gather [hbm4b:s12+s1], $0xC80, $0x38;
	[tilespmem:$0x1C880] =	vst v63  }
0x157: {  	s8 =	rddreg [dreg:$0xd]  }
0x158: {  	[tilespmem:s18], [sflag:$0x1] =	stream.linear.gather [hbm4b:s8+s1], $0xC80, $0x38;
	[tilespmem:$0x1C880] =	vst v63  }
0x159: {  	_ =	swait.ge [sflag:s28], $0x2800  }
0x15a: {  	[sflag:s28] =	ssyncset.done $0x0  }
0x15b: {  	s12 =	simm.s32 $0x3080;
	[sflag:s28] =	ssyncadd.s32 $0xFFFFD800  }
0x15c: {  	[spmem:s21] =	stream.indirect.scatter.add.f32 [tilespmem:s26], [sflag:$0x5], $0x80, s12, s25, $0xb8;
	[tilespmem:$0x1C880] =	vst v63  }
0x15d: {  	_ =	swait.ge [sflag:s2], $0x2800  }
0x15e: {  	[sflag:s2] =	ssyncset.done $0x0  }
0x15f: {  	s8 =	simm.s32 $0x2100;
	[sflag:s2] =	ssyncadd.s32 $0xFFFFD800  }
0x160: {  	[tilespmem:s30], [sflag:$0x4] =	stream.indirect.gather [hbm4b:s20+s25], $0x80, s8, s25, $0xb8;
	[tilespmem:$0x1C880] =	vst v63  }
0x161: {  	_ =	swait.ge [sflag:s0], $0x2800  }
0x162: {  	[sflag:s0] =	ssyncset.done $0x0  }
0x163: {  	s12 =	simm.s32 $0x3100;
	[sflag:s0] =	ssyncadd.s32 $0xFFFFD800  }
0x164: {  	[spmem:s21] =	stream.indirect.scatter.add.f32 [tilespmem:s30], [sflag:$0x6], $0x80, s12, s25, $0xb8;
	[tilespmem:$0x1C880] =	vst v63  }
0x165: {  	_ =	swait.ge [sflag:s22], $0x2800  }
0x166: {  	[sflag:s22] =	ssyncset.done $0x0  }
0x167: {  	s7 =	simm.s32 $0x2180;
	s12 =	simm.s32 $0xFFFFD800;
	[sflag:s22] =	ssyncadd.s32 $0xFFFFD800  }
.LBB2_10:
0x168: {  	[tilespmem:s26], [sflag:$0x3] =	stream.indirect.gather [hbm4b:s20+s25], $0x80, s7, s25, $0xb8;
	[tilespmem:$0x1C880] =	vst v63  }
0x169: {  	s7 =	smov.u32 s12  }
0x16a: {  	p1 =	sne.s32 s12, $0xFFFFFC00;
	s12 =	sadd.s32 $0x400, s12;
	_ =	swait.ge [sflag:s28], $0x2800  }
0x16b: {  	s7 =	sshra.s32 s7, $0x2;
	[sflag:s28] =	ssyncset.done $0x0  }
0x16c: {  	s8 =	sadd.s32 $0x3B80, s7;
	[sflag:s28] =	ssyncadd.s32 $0xFFFFD800  }
0x16d: {  	[spmem:s21] =	stream.indirect.scatter.add.f32 [tilespmem:s26], [sflag:$0x5], $0x80, s8, s25, $0xb8;
	[tilespmem:$0x1C880] =	vst v63  }
0x16e: {  	_ =	swait.ge [sflag:s2], $0x2800  }
0x16f: {  	[sflag:s2] =	ssyncset.done $0x0  }
0x170: {  	s8 =	sadd.s32 $0x2C00, s7;
	[sflag:s2] =	ssyncadd.s32 $0xFFFFD800  }
0x171: {  	[tilespmem:s30], [sflag:$0x4] =	stream.indirect.gather [hbm4b:s20+s25], $0x80, s8, s25, $0xb8;
	[tilespmem:$0x1C880] =	vst v63  }
0x172: {  	_ =	swait.ge [sflag:s0], $0x2800  }
0x173: {  	[sflag:s0] =	ssyncset.done $0x0  }
.Ltmp4:
0x174: {  	s8 =	sadd.s32 $0x3C00, s7;
	[sflag:s0] =	ssyncadd.s32 $0xFFFFD800;
	(pc) =	sbr.rel @p1 .LBB2_10-.Ltmp4, $4  }
0x175: {  	[spmem:s21] =	stream.indirect.scatter.add.f32 [tilespmem:s30], [sflag:$0x6], $0x80, s8, s25, $0xb8;
	[tilespmem:$0x1C880] =	vst v63  }
0x176: {  	_ =	swait.ge [sflag:s22], $0x2800  }
0x177: {  	[sflag:s22] =	ssyncset.done $0x0  }
0x178: {  	s7 =	sadd.s32 $0x2C80, s7;
	[sflag:s22] =	ssyncadd.s32 $0xFFFFD800  }
0x179: {  	[tilespmem:s26], [sflag:$0x3] =	stream.indirect.gather [hbm4b:s20+s25], $0x80, s7, s25, $0xb8;
	[tilespmem:$0x1C880] =	vst v63  }
0x17a: {  	_ =	swait.ge [sflag:s28], $0x2800  }
0x17b: {  	[sflag:s28] =	ssyncset.done $0x0  }
0x17c: {  	s8 =	simm.s32 $0x3B80;
	[sflag:s28] =	ssyncadd.s32 $0xFFFFD800  }
0x17d: {  	[spmem:s21] =	stream.indirect.scatter.add.f32 [tilespmem:s26], [sflag:$0x5], $0x80, s8, s25, $0xb8;
	[tilespmem:$0x1C880] =	vst v63  }
0x17e: {  	_ =	swait.ge [sflag:s2], $0x2800  }
0x17f: {  	[sflag:s2] =	ssyncset.done $0x0  }
0x180: {  	[sflag:s2] =	ssyncadd.s32 $0xFFFFD800  }
0x181: {  	[tilespmem:s30], [sflag:$0x4] =	stream.indirect.gather [hbm4b:s20+s25], $0x80, s9, s25, $0xb8;
	[tilespmem:$0x1C880] =	vst v63  }
0x182: {  	_ =	swait.ge [sflag:s0], $0x2800  }
0x183: {  	[sflag:s0] =	ssyncset.done $0x0  }
0x184: {  	[sflag:s0] =	ssyncadd.s32 $0xFFFFD800  }
0x185: {  	[spmem:s21] =	stream.indirect.scatter.add.f32 [tilespmem:s30], [sflag:$0x6], $0x80, s10, s25, $0xb8;
	[tilespmem:$0x1C880] =	vst v63  }
0x186: {  	_ =	swait.ge [sflag:s22], $0x2800  }
0x187: {  	[sflag:s22] =	ssyncset.done $0x0  }
0x188: {  	[sflag:s22] =	ssyncadd.s32 $0xFFFFD800  }
0x189: {  	_ =	swait.ge [sflag:s23], $0xC80  }
0x18a: {  	[sflag:s23] =	ssyncset.done $0x0  }
0x18b: {  	[sflag:s23] =	ssyncadd.s32 $0xFFFFF380  }
0x18c: {  	_ =	swait.ge [sflag:s23], $0xC80  }
0x18d: {  	[sflag:s23] =	ssyncset.done $0x0  }
0x18e: {  	[sflag:s23] =	ssyncadd.s32 $0xFFFFF380  }
0x18f: {  	[tilespmem:s26], [sflag:$0x3] =	stream.indirect.gather [hbm4b:s20+s25], $0x80, s1, s25, $0xb8;
	[tilespmem:$0x1C880] =	vst v63  }
0x190: {  	_ =	swait.ge [sflag:s28], $0x2800  }
0x191: {  	[sflag:s28] =	ssyncset.done $0x0  }
0x192: {  	[sflag:s28] =	ssyncadd.s32 $0xFFFFD800  }
0x193: {  	[spmem:s21] =	stream.indirect.scatter.add.f32 [tilespmem:s26], [sflag:$0x5], $0x80, s18, s25, $0xb8;
	[tilespmem:$0x1C880] =	vst v63  }
0x194: {  	_ =	swait.ge [sflag:s2], $0x2800  }
0x195: {  	[sflag:s2] =	ssyncset.done $0x0  }
0x196: {  	[sflag:s2] =	ssyncadd.s32 $0xFFFFD800  }
0x197: {  	[tilespmem:s30], [sflag:$0x4] =	stream.indirect.gather [hbm4b:s20+s25], $0x80, s29, s25, $0xb8;
	[tilespmem:$0x1C880] =	vst v63  }
0x198: {  	_ =	swait.ge [sflag:s0], $0x2800  }
0x199: {  	[sflag:s0] =	ssyncset.done $0x0  }
0x19a: {  	s12 =	simm.s32 $0x1080;
	[sflag:s0] =	ssyncadd.s32 $0xFFFFD800  }
0x19b: {  	[spmem:s21] =	stream.indirect.scatter.add.f32 [tilespmem:s30], [sflag:$0x6], $0x80, s12, s25, $0xb8;
	[tilespmem:$0x1C880] =	vst v63  }
0x19c: {  	_ =	swait.ge [sflag:s22], $0x2800  }
0x19d: {  	[sflag:s22] =	ssyncset.done $0x0  }
0x19e: {  	s8 =	simm.s32 $0x100;
	[sflag:s22] =	ssyncadd.s32 $0xFFFFD800  }
0x19f: {  	[tilespmem:s26], [sflag:$0x3] =	stream.indirect.gather [hbm4b:s20+s25], $0x80, s8, s25, $0xb8;
	[tilespmem:$0x1C880] =	vst v63  }
0x1a0: {  	_ =	swait.ge [sflag:s28], $0x2800  }
0x1a1: {  	[sflag:s28] =	ssyncset.done $0x0  }
0x1a2: {  	s12 =	simm.s32 $0x1100;
	[sflag:s28] =	ssyncadd.s32 $0xFFFFD800  }
0x1a3: {  	[spmem:s21] =	stream.indirect.scatter.add.f32 [tilespmem:s26], [sflag:$0x5], $0x80, s12, s25, $0xb8;
	[tilespmem:$0x1C880] =	vst v63  }
0x1a4: {  	_ =	swait.ge [sflag:s2], $0x2800  }
0x1a5: {  	[sflag:s2] =	ssyncset.done $0x0  }
0x1a6: {  	s7 =	simm.s32 $0x180;
	s12 =	simm.s32 $0xFFFFD800;
	[sflag:s2] =	ssyncadd.s32 $0xFFFFD800  }
.LBB2_12:
0x1a7: {  	[tilespmem:s30], [sflag:$0x4] =	stream.indirect.gather [hbm4b:s20+s25], $0x80, s7, s25, $0xb8;
	[tilespmem:$0x1C880] =	vst v63  }
0x1a8: {  	s7 =	smov.u32 s12  }
0x1a9: {  	p1 =	sne.s32 s12, $0xFFFFFC00;
	s12 =	sadd.s32 $0x400, s12;
	_ =	swait.ge [sflag:s0], $0x2800  }
0x1aa: {  	s7 =	sshra.s32 s7, $0x2;
	[sflag:s0] =	ssyncset.done $0x0  }
0x1ab: {  	s8 =	sadd.s32 $0x1B80, s7;
	[sflag:s0] =	ssyncadd.s32 $0xFFFFD800  }
0x1ac: {  	[spmem:s21] =	stream.indirect.scatter.add.f32 [tilespmem:s30], [sflag:$0x6], $0x80, s8, s25, $0xb8;
	[tilespmem:$0x1C880] =	vst v63  }
0x1ad: {  	_ =	swait.ge [sflag:s22], $0x2800  }
0x1ae: {  	[sflag:s22] =	ssyncset.done $0x0  }
0x1af: {  	s8 =	sadd.s32 $0xC00, s7;
	[sflag:s22] =	ssyncadd.s32 $0xFFFFD800  }
0x1b0: {  	[tilespmem:s26], [sflag:$0x3] =	stream.indirect.gather [hbm4b:s20+s25], $0x80, s8, s25, $0xb8;
	[tilespmem:$0x1C880] =	vst v63  }
0x1b1: {  	_ =	swait.ge [sflag:s28], $0x2800  }
0x1b2: {  	[sflag:s28] =	ssyncset.done $0x0  }
.Ltmp5:
0x1b3: {  	s8 =	sadd.s32 $0x1C00, s7;
	[sflag:s28] =	ssyncadd.s32 $0xFFFFD800;
	(pc) =	sbr.rel @p1 .LBB2_12-.Ltmp5, $4  }
0x1b4: {  	[spmem:s21] =	stream.indirect.scatter.add.f32 [tilespmem:s26], [sflag:$0x5], $0x80, s8, s25, $0xb8;
	[tilespmem:$0x1C880] =	vst v63  }
0x1b5: {  	_ =	swait.ge [sflag:s2], $0x2800  }
0x1b6: {  	[sflag:s2] =	ssyncset.done $0x0  }
0x1b7: {  	s7 =	sadd.s32 $0xC80, s7;
	[sflag:s2] =	ssyncadd.s32 $0xFFFFD800  }
0x1b8: {  	[tilespmem:s30], [sflag:$0x4] =	stream.indirect.gather [hbm4b:s20+s25], $0x80, s7, s25, $0xb8;
	[tilespmem:$0x1C880] =	vst v63  }
0x1b9: {  	_ =	swait.ge [sflag:s0], $0x2800  }
0x1ba: {  	[sflag:s0] =	ssyncset.done $0x0  }
0x1bb: {  	[sflag:s0] =	ssyncadd.s32 $0xFFFFD800  }
0x1bc: {  	[spmem:s21] =	stream.indirect.scatter.add.f32 [tilespmem:s30], [sflag:$0x6], $0x80, s3, s25, $0xb8;
	[tilespmem:$0x1C880] =	vst v63  }
0x1bd: {  	_ =	swait.ge [sflag:s22], $0x2800  }
0x1be: {  	[sflag:s22] =	ssyncset.done $0x0  }
0x1bf: {  	[sflag:s22] =	ssyncadd.s32 $0xFFFFD800  }
0x1c0: {  	[tilespmem:s26], [sflag:$0x3] =	stream.indirect.gather [hbm4b:s20+s25], $0x80, s4, s25, $0xb8;
	[tilespmem:$0x1C880] =	vst v63  }
0x1c1: {  	_ =	swait.ge [sflag:s28], $0x2800  }
0x1c2: {  	[sflag:s28] =	ssyncset.done $0x0  }
0x1c3: {  	[sflag:s28] =	ssyncadd.s32 $0xFFFFD800  }
0x1c4: {  	[spmem:s21] =	stream.indirect.scatter.add.f32 [tilespmem:s26], [sflag:$0x5], $0x80, s5, s25, $0xb8;
	[tilespmem:$0x1C880] =	vst v63  }
0x1c5: {  	_ =	swait.ge [sflag:s2], $0x2800  }
0x1c6: {  	[sflag:s2] =	ssyncset.done $0x0  }
0x1c7: {  	[sflag:s2] =	ssyncadd.s32 $0xFFFFD800  }
0x1c8: {  	_ =	swait.ge [sflag:s22], $0x2800  }
0x1c9: {  	[sflag:s22] =	ssyncset.done $0x0  }
0x1ca: {  	[sflag:s22] =	ssyncadd.s32 $0xFFFFD800  }
0x1cb: {  	[bflag:$0x0] =	sbarrier.arrive $0xFFFF  }
0x1cc: {  	s7 =	sshrl.u32 @p0 s13, $0x3;
	s8 =	simm.s32 @p0 $0x1FC5;
	s12 =	rddreg [dreg:$0x17]  }
0x1cd: {  	[hbm:s12], [sflag:s8] =	dma.local @p0 [spmem:s7], $0x500  }
0x1ce: {  	s7 =	sshrl.u32 @p0 s14, $0x3;
	s12 =	rddreg [dreg:$0x18]  }
0x1cf: {  	[hbm:s12], [sflag:s8] =	dma.local @p0 [spmem:s7], $0x500  }
0x1d0: {  	s7 =	sshrl.u32 @p0 s15, $0x3;
	s12 =	rddreg [dreg:$0x19]  }
0x1d1: {  	[hbm:s12], [sflag:s8] =	dma.local @p0 [spmem:s7], $0x500  }
0x1d2: {  	s7 =	sshrl.u32 @p0 s16, $0x3;
	s12 =	rddreg [dreg:$0x1a]  }
0x1d3: {  	[hbm:s12], [sflag:s8] =	dma.local @p0 [spmem:s7], $0x500  }
0x1d4: {  	s7 =	sshrl.u32 @p0 s17, $0x3;
	s12 =	rddreg [dreg:$0x1b]  }
0x1d5: {  	[hbm:s12], [sflag:s8] =	dma.local @p0 [spmem:s7], $0x500  }
0x1d6: {  	s7 =	stileid.u32  }
0x1d7: {  	s7 =	sshll.u32 @!p0 s7, $0x6  }
0x1d8: {  	s8 =	sshrl.u32 @!p0 s24, $0x3;
	s12 =	rddreg [dreg:$0xe];
	s7 =	sor.u32 @!p0 $0x1C05, s7  }
0x1d9: {  	[hbm:s12], [sflag:s7] =	dma.local @!p0 [spmem:s8], $0x500  }
0x1da: {  	s8 =	rddreg [dreg:$0xf]  }
0x1db: {  	s12 =	rddreg [dreg:$0x1c]  }
0x1dc: {  	[hbm:s8], [sflag:s7] =	dma.local @!p0 [spmem:s12], $0x500  }
0x1dd: {  	s8 =	rddreg [dreg:$0x10]  }
0x1de: {  	s12 =	rddreg [dreg:$0x1d]  }
0x1df: {  	[hbm:s8], [sflag:s7] =	dma.local @!p0 [spmem:s12], $0x500  }
0x1e0: {  	s8 =	rddreg [dreg:$0x11]  }
0x1e1: {  	s12 =	rddreg [dreg:$0x1e]  }
0x1e2: {  	[hbm:s8], [sflag:s7] =	dma.local @!p0 [spmem:s12], $0x500  }
0x1e3: {  	s8 =	rddreg [dreg:$0x12]  }
0x1e4: {  	s12 =	rddreg [dreg:$0x1f]  }
0x1e5: {  	[hbm:s8], [sflag:s7] =	dma.local @!p0 [spmem:s12], $0x500  }
0x1e6: {  	s12 =	sld [smem:$0x7F4];
	_ =	sdelay $0x1  }
0x1e7: {  	s8 =	rddreg [dreg:$0x13]  }
0x1e8: {  	[hbm:s8], [sflag:s7] =	dma.local @!p0 [spmem:s12], $0x500  }
0x1e9: {  	s12 =	sld [smem:$0x7F5];
	_ =	sdelay $0x1  }
0x1ea: {  	s8 =	rddreg [dreg:$0x14]  }
0x1eb: {  	[hbm:s8], [sflag:s7] =	dma.local @!p0 [spmem:s12], $0x500  }
0x1ec: {  	s12 =	sld [smem:$0x7F6];
	_ =	sdelay $0x1  }
0x1ed: {  	s8 =	rddreg [dreg:$0x15]  }
0x1ee: {  	[hbm:s8], [sflag:s7] =	dma.local @!p0 [spmem:s12], $0x500  }
0x1ef: {  	s7 =	simm.s32 @!p0 $0x5  }
0x1f0: {  	_ =	swait.ge @!p0 [sflag:s7], $0x500  }
0x1f1: {  	[sflag:s7] =	ssyncset.done @!p0 $0x0  }
0x1f2: {  	[sflag:s7] =	ssyncadd.s32 @!p0 $0xFFFFFB00  }
0x1f3: {  	_ =	swait.ge @!p0 [sflag:s7], $0x500  }
0x1f4: {  	[sflag:s7] =	ssyncset.done @!p0 $0x0  }
0x1f5: {  	[sflag:s7] =	ssyncadd.s32 @!p0 $0xFFFFFB00  }
0x1f6: {  	_ =	swait.ge @!p0 [sflag:s7], $0x500  }
0x1f7: {  	[sflag:s7] =	ssyncset.done @!p0 $0x0  }
0x1f8: {  	[sflag:s7] =	ssyncadd.s32 @!p0 $0xFFFFFB00  }
0x1f9: {  	_ =	swait.ge [sflag:s22], $0x500  }
0x1fa: {  	[sflag:s22] =	ssyncset.done $0x0  }
0x1fb: {  	[sflag:s22] =	ssyncadd.s32 $0xFFFFFB00  }
0x1fc: {  	_ =	swait.ge [sflag:s22], $0x500  }
0x1fd: {  	[sflag:s22] =	ssyncset.done $0x0  }
0x1fe: {  	[sflag:s22] =	ssyncadd.s32 $0xFFFFFB00  }
0x1ff: {  	_ =	swait.ge [sflag:s22], $0x500  }
0x200: {  	[sflag:s22] =	ssyncset.done $0x0  }
0x201: {  	[sflag:s22] =	ssyncadd.s32 $0xFFFFFB00  }
0x202: {  	_ =	swait.ge [sflag:s22], $0x500  }
0x203: {  	[sflag:s22] =	ssyncset.done $0x0  }
0x204: {  	[sflag:s22] =	ssyncadd.s32 $0xFFFFFB00  }
0x205: {  	_ =	swait.ge [sflag:s22], $0x500  }
0x206: {  	s11 =	sadd.s32 $0x1, s11;
	s12 =	rddreg [dreg:$0x16]  }
0x207: {  	p1 =	sne.s32 s11, s12  }
.Ltmp6:
0x208: {  	_ = 	snop;
	(pc) =	sbr.rel @p1 .LBB2_1-.Ltmp6, $3  }
0x209: {  	_ =	sdelay $0x1  }
0x20a: {  	[sflag:s22] =	ssyncset.done $0x0  }
0x20b: {  	[sflag:s22] =	ssyncadd.s32 $0xFFFFFB00  }
0x20c: {  	_ =	sfence.sel $0x180000  }
0x20d: {  	[bflag:$0x0] =	sbarrier.arrive $0xFFFF  }
0x20e: {  	_ =	strace $0x90000047  }
0x20f: {  	s0 =	stileid.u32;
	[bflag:$0x2] =	sbarrier.arrive $0xFFFF  }
0x210: {  	p0 =	sne.s32 s0, $0x0;
	s0 =	rddreg [dreg:$0x3]  }
0x211: {  	s0 =	sadd.s32 @!p0 $0x100000, s0  }
0x212: {  	[sflag:s0] =	ssyncadd.tile.s32 @!p0 $0x1;
	_ =	shalt  }
.Lfunc_end2:
_tile_overlayer_lowered:
.L_overlay_start_2:
0x213: {  	(tag) =	ssettag $0x2  }
0x214: {  	s0 =	rddreg [dreg:$0x0];
	s2 =	stileid.u32  }
0x215: {  	s1 =	rddreg [dreg:$0x1];
	p0 =	sne.s32 s2, $0x0  }
0x216: {  	s3 =	rddreg [dreg:$0x2];
	[bflag:$0x3] =	sbarrier.arrive $0xFFFF;
	s2 =	simm.s32 @!p0 $0x1C07  }
0x217: {  	[timem:s3], [sflag:s2] =	dma.local @!p0 [hbm:s0], s1  }
0x218: {  	s0 =	simm.s32 @!p0 $0x7  }
0x219: {  	_ =	swait.ge @!p0 [sflag:s0], s1  }
0x21a: {  	s1 =	ssub.s32 @!p0 $0x0, s1;
	[sflag:s0] =	ssyncset.done @!p0 $0x0  }
0x21b: {  	[sflag:s0] =	ssyncadd.s32 @!p0 s1  }
0x21c: {  	[bflag:$0x3] =	sbarrier.arrive $0xFFFF  }
0x21d: {  	_ =	shalt  }

</sc_bundles>
